<compile_context>
chip_gen: v7x
topology: tpu7x:2x2x1
jax: 0.10.2.dev20260603
libtpu: 0.0.44.dev20260713+nightly
codegen_flags: <defaults>
</compile_context>

<pallas_src>
import jax
import jax.numpy as jnp
from jax import lax
from jax.experimental import pallas as pl
from jax.experimental.pallas import tpu as pltpu
from jax.experimental.pallas import tpu_sc as plsc

N = 320000
D = 128
S = 3200
C = 8
NC = 2
NS = 16
NW = NC * NS
GROUP = 128
G = N // GROUP
SROWS = 3328
TRASH = S
ZROWS_PER_TILE = SROWS // NS
ROWS_PER_TILE = S // NS


def _sc_body(x_hbm, seg_hbm, y_hbm, psum_hbm, pyc_hbm,
             xbuf, segbuf, ybuf, fybuf, fidxv, aycbuf,
             ssum, syc, lsem, ssem):
  cid = lax.axis_index("c")
  sid = lax.axis_index("s")
  wid = cid * NS + sid

  zeros16 = jnp.zeros((16,), jnp.float32)
  trash16 = jnp.full((16,), TRASH, jnp.int32)
  iota16 = lax.iota(jnp.int32, 16)

  def zrow(r, _):
    for c in range(D // 16):
      xbuf[0, r, pl.ds(c * 16, 16)] = zeros16
      fybuf[r, pl.ds(c * 16, 16)] = zeros16
    return 0
  lax.fori_loop(0, GROUP, zrow, 0)
  for b in range(8):
    fidxv[pl.ds(b * 16, 16)] = trash16

  zbase = sid * ZROWS_PER_TILE
  pltpu.sync_copy(xbuf.at[0, pl.ds(0, 128)], ssum.at[pl.ds(zbase, 128)])
  pltpu.sync_copy(xbuf.at[0, pl.ds(0, 80)], ssum.at[pl.ds(zbase + 128, 80)])
  pltpu.sync_copy(xbuf.at[0, pl.ds(0, 128)], syc.at[pl.ds(zbase, 128)])
  pltpu.sync_copy(xbuf.at[0, pl.ds(0, 80)], syc.at[pl.ds(zbase + 128, 80)])
  plsc.subcore_barrier()

  g_lo = wid * G // NW
  g_hi = (wid + 1) * G // NW

  def start_loads(g, p):
    pltpu.async_copy(x_hbm.at[pl.ds(g * GROUP, GROUP)], xbuf.at[p],
                     lsem.at[p])
    pltpu.async_copy(seg_hbm.at[g], segbuf.at[p], lsem.at[p])
    pltpu.async_copy(y_hbm.at[g], ybuf.at[p], lsem.at[p])

  def wait_loads(g, p):
    pltpu.make_async_copy(x_hbm.at[pl.ds(g * GROUP, GROUP)], xbuf.at[p],
                          lsem.at[p]).wait()
    pltpu.make_async_copy(seg_hbm.at[g], segbuf.at[p], lsem.at[p]).wait()
    pltpu.make_async_copy(y_hbm.at[g], ybuf.at[p], lsem.at[p]).wait()

  def start_xscatter(p):
    pltpu.async_copy(xbuf.at[p], ssum.at[segbuf.at[p]], ssem.at[p],
                     add=True)

  def wait_xscatter(p):
    pltpu.make_async_copy(xbuf.at[p], ssum.at[segbuf.at[p]],
                          ssem.at[p]).wait()

  def scatter_counts():
    pltpu.sync_copy(fybuf, syc.at[fidxv], add=True)
    for b in range(8):
      fidxv[pl.ds(b * 16, 16)] = trash16

  def flush(seg_id, fcount):
    fybuf[fcount, pl.ds(0, 16)] = aycbuf[pl.ds(0, 16)]
    blk = (fcount // 16) * 16
    off = fcount % 16
    v = fidxv[pl.ds(blk, 16)]
    fidxv[pl.ds(blk, 16)] = jnp.where(iota16 == off, seg_id, v)

  start_loads(g_lo, 0)

  def group_body(g, carry):
    cur_seg, fcount, valid = carry
    p = (g - g_lo) % 2

    @pl.when(g > g_lo)
    def _():
      wait_xscatter(1 - p)

    @pl.when(g + 1 < g_hi)
    def _():
      start_loads(g + 1, 1 - p)

    wait_loads(g, p)
    start_xscatter(p)

    def window_body(k, wcarry):
      cur_seg, fcount, valid = wcarry
      segv = segbuf[p, pl.ds(k * 16, 16)]
      yv = ybuf[p, pl.ds(k * 16, 16)]
      seg_first = segv[0]
      seg_last = segv[15]

      spill = fcount > GROUP - 17

      @pl.when(spill)
      def _():
        scatter_counts()
      fcount = jnp.where(spill, 0, fcount)

      new_run = seg_first != cur_seg
      do_flush = jnp.logical_and(new_run, valid == 1)

      @pl.when(do_flush)
      def _(cur_seg=cur_seg, fcount=fcount):
        flush(cur_seg, fcount)

      fcount = jnp.where(do_flush, fcount + 1, fcount)

      def fast(fc):
        ay = aycbuf[pl.ds(0, 16)]
        nay = jnp.where(new_run, 0.0, ay)
        hs = jnp.where(iota16 == yv[0], 1.0, 0.0).astype(jnp.float32)
        for j in range(1, 16):
          hs = hs + jnp.where(iota16 == yv[j], 1.0, 0.0).astype(jnp.float32)
        aycbuf[pl.ds(0, 16)] = nay + hs
        return fc

      def slow(fc):
        cur = seg_first
        for j in range(16):
          seg_r = segv[j]
          y_r = yv[j]
          is_new = seg_r != cur

          @pl.when(is_new)
          def _(cur=cur, fc=fc):
            flush(cur, fc)

          fc = jnp.where(is_new, fc + 1, fc)
          reset = jnp.logical_or(is_new, new_run) if j == 0 else is_new
          oh = jnp.where(iota16 == y_r, 1.0, 0.0).astype(jnp.float32)
          ay = aycbuf[pl.ds(0, 16)]
          aycbuf[pl.ds(0, 16)] = jnp.where(reset, oh, ay + oh)
          cur = seg_r
        return fc

      uniform = seg_first == seg_last
      fcount = lax.cond(uniform, fast, slow, fcount)
      return (seg_last, fcount, jnp.int32(1))

    return lax.fori_loop(0, GROUP // 16, window_body,
                         (cur_seg, fcount, valid))

  init = (jnp.int32(-1), jnp.int32(0), jnp.int32(0))
  cur_seg, fcount, valid = lax.fori_loop(g_lo, g_hi, group_body, init)

  last_p = (g_hi - 1 - g_lo) % 2
  wait_xscatter(last_p)

  @pl.when(valid == 1)
  def _():
    flush(cur_seg, fcount)
  scatter_counts()

  plsc.subcore_barrier()
  base = sid * ROWS_PER_TILE
  pltpu.sync_copy(ssum.at[pl.ds(base, ROWS_PER_TILE)],
                  psum_hbm.at[cid, pl.ds(base, ROWS_PER_TILE)])
  pltpu.sync_copy(syc.at[pl.ds(base, ROWS_PER_TILE)],
                  pyc_hbm.at[cid, pl.ds(base, ROWS_PER_TILE)])


_sc_call = pl.kernel(
    _sc_body,
    out_type=(
        jax.ShapeDtypeStruct((NC, S, D), jnp.float32),
        jax.ShapeDtypeStruct((NC, S, D), jnp.float32),
    ),
    mesh=plsc.VectorSubcoreMesh(core_axis_name="c", subcore_axis_name="s"),
    scratch_types=[
        pltpu.VMEM((2, GROUP, D), jnp.float32),
        pltpu.VMEM((2, GROUP), jnp.int32),
        pltpu.VMEM((2, GROUP), jnp.int32),
        pltpu.VMEM((GROUP, D), jnp.float32),
        pltpu.VMEM((GROUP,), jnp.int32),
        pltpu.VMEM((16,), jnp.float32),
        pltpu.VMEM_SHARED((SROWS, D), jnp.float32),
        pltpu.VMEM_SHARED((SROWS, D), jnp.float32),
        pltpu.SemaphoreType.DMA((2,)),
        pltpu.SemaphoreType.DMA((2,)),
    ],
)


def _fin_body(ps_ref, pyc_ref, xs_ref, ys_ref, m_ref):
  sums = ps_ref[0] + ps_ref[1]
  yc = pyc_ref[0] + pyc_ref[1]
  counts = jnp.sum(yc, axis=1)
  xs_ref[...] = sums / jnp.maximum(counts, 1.0)[:, None]
  mx = jnp.max(yc, axis=1, keepdims=True)
  lane = lax.broadcasted_iota(jnp.int32, (S, D), 1)
  idx = jnp.min(jnp.where(yc >= mx, lane, D), axis=1)
  ys_ref[...] = jnp.where(counts > 0, idx, -1)
  m_ref[...] = (counts > 0).astype(jnp.int32)


_fin_call = pl.pallas_call(
    _fin_body,
    out_shape=(
        jax.ShapeDtypeStruct((S, D), jnp.float32),
        jax.ShapeDtypeStruct((S,), jnp.int32),
        jax.ShapeDtypeStruct((S,), jnp.int32),
    ),
)


def kernel(x, segment_ids, y):
  seg2 = segment_ids.astype(jnp.int32).reshape(G, GROUP)
  y2 = y.astype(jnp.int32).reshape(G, GROUP)
  psum, pyc = _sc_call(x, seg2, y2)
  x_syn, y_syn, m = _fin_call(psum, pyc)
  return (x_syn, y_syn, m != 0)

# --- scband reference (transcript-rebuilt; emitter-appended) ---
"""Pipeline reference for scband-graph-synthesizer-70265664963221 (READ-ONLY COPY).

The authoritative reference and input builder live on the scoring server;
editing this copy changes nothing except your own understanding.
"""

import jax, jax.numpy as jnp
import numpy as np

N = 320000
D = 128
NUM_SEGMENTS = 3200
NUM_CLASSES = 8

def setup_inputs(seed: int = 0) -> dict:
    key = jax.random.key(seed)
    k1, k2, k3 = jax.random.split(key, 3)
    x = jax.random.normal(k1, (N, D), dtype=jnp.float32)
    segment_ids = jnp.sort(jax.random.randint(k2, (N,), 0, NUM_SEGMENTS))
    y = jax.random.randint(k3, (N,), 0, NUM_CLASSES)
    return {"x": x, "segment_ids": segment_ids, "y": y}

def reference(x, segment_ids, y):
    # Core segment-reduce computation of GraphSynthesizer initialization:
    # scatter_mean(x, clusters) for synthetic node features, and
    # scatter_sum(one_hot(y), clusters) for synthetic label assignment.
    sums = jax.ops.segment_sum(x, segment_ids, num_segments=NUM_SEGMENTS)
    counts = jax.ops.segment_sum(jnp.ones((x.shape[0],), dtype=x.dtype), segment_ids, num_segments=NUM_SEGMENTS)
    x_syn = sums / jnp.maximum(counts, 1.0)[:, None]  # scatter_mean
    y_onehot = jax.nn.one_hot(y, NUM_CLASSES, dtype=jnp.float32)
    y_count = jax.ops.segment_sum(y_onehot, segment_ids, num_segments=NUM_SEGMENTS)  # scatter_sum
    y_syn = jnp.argmax(y_count, axis=1)
    mask_syn = jnp.sum(y_count, axis=1) > 0
    y_syn = jnp.where(mask_syn, y_syn, -1)
    return (x_syn, y_syn, mask_syn)

if __name__ == "__main__":
    import jax
    _d = setup_inputs()
    print(jax.jit(kernel)(*tuple(_d.values())))

</pallas_src>

<mosaic_0001>
#map = affine_map<(d0, d1) -> (0, 0)>
#map1 = affine_map<(d0, d1) -> (0, 0, 0)>
module attributes {stable_mosaic.version = 14 : i64} {
  func.func @_sc_body(%arg0: i32, %arg1: i32, %arg2: memref<320000x128xf32, #tpu.memory_space<hbm>>, %arg3: memref<2500x128xi32, #tpu.memory_space<hbm>>, %arg4: memref<2500x128xi32, #tpu.memory_space<hbm>>, %arg5: memref<2x3200x128xf32, #tpu.memory_space<hbm>>, %arg6: memref<2x3200x128xf32, #tpu.memory_space<hbm>>, %arg7: memref<2x128x128xf32, #tpu.memory_space<vmem>>, %arg8: memref<2x128xi32, #tpu.memory_space<vmem>>, %arg9: memref<2x128xi32, #tpu.memory_space<vmem>>, %arg10: memref<128x128xf32, #tpu.memory_space<vmem>>, %arg11: memref<128xi32, #tpu.memory_space<vmem>>, %arg12: memref<16xf32, #tpu.memory_space<vmem>>, %arg13: memref<3328x128xf32, #tpu.memory_space<vmem_shared>>, %arg14: memref<3328x128xf32, #tpu.memory_space<vmem_shared>>, %arg15: memref<2x!tpu.dma_semaphore, #tpu.memory_space<semaphore_mem>>, %arg16: memref<2x!tpu.dma_semaphore, #tpu.memory_space<semaphore_mem>>) attributes {dimension_semantics = [#tpu.dimension_semantics<core_parallel>, #tpu.dimension_semantics<subcore_parallel>], iteration_bounds = array<i64: 2, 16>, scalar_prefetch = 0 : i64, scratch_operands = 10 : i64, tpu.core_type = #tpu.core_type<sc_vector_subcore>, window_params = [{transform_indices = #map}, {transform_indices = #map}, {transform_indices = #map}, {transform_indices = #map1}, {transform_indices = #map1}]} {
    %mul3A = arith.constant 16 : i32
    %mul3A_0 = arith.muli %arg0, %mul3A : i32
    %add3A = arith.addi %mul3A_0, %arg1 : i32
    %broadcast_in_dim3A = arith.constant 0.000000e+00 : f32
    %broadcast_in_dim3A_1 = vector.broadcast %broadcast_in_dim3A : f32 to vector<16xf32>
    %broadcast_in_dim3A_2 = arith.constant 3200 : i32
    %broadcast_in_dim3A_3 = vector.broadcast %broadcast_in_dim3A_2 : i32 to vector<16xi32>
    %iota3A = tpu.iota {dimensions = array<i32: 0>} : vector<16xi32>
    %scan3A = arith.constant 0 : i32
    %scan3A_4 = arith.constant 0 : i32
    %scan3A_5 = arith.constant 128 : i32
    %scan3A_6 = arith.addi %scan3A_4, %scan3A_5 : i32
    %scan3A_7 = arith.constant 1 : i32
    %scan3A_8 = scf.for %scan3A_223 = %scan3A_4 to %scan3A_6 step %scan3A_7 iter_args(%scan3A_224 = %scan3A) -> (i32)  : i32 {
      %swap3A_225 = arith.constant 0 : i32
      %swap3A_226 = arith.index_cast %swap3A_225 : i32 to index
      %swap3A_227 = arith.index_cast %scan3A_223 : i32 to index
      %swap3A_228 = arith.constant 0 : index
      %swap3A_229 = tpu.vector_load %arg7[%swap3A_226, %swap3A_227, %swap3A_228] {strides = array<i32>} : memref<2x128x128xf32, #tpu.memory_space<vmem>>, vector<1x1x16xf32>,
      %swap3A_230 = vector.shape_cast %swap3A_229 : vector<1x1x16xf32> to vector<16xf32>
      %swap3A_231 = vector.shape_cast %broadcast_in_dim3A_1 : vector<16xf32> to vector<1x1x16xf32>
      tpu.vector_store %arg7[%swap3A_226, %swap3A_227, %swap3A_228], %swap3A_231 {strides = array<i32>} : memref<2x128x128xf32, #tpu.memory_space<vmem>>, vector<1x1x16xf32>,
      %swap3A_232 = arith.index_cast %scan3A_223 : i32 to index
      %swap3A_233 = arith.constant 0 : index
      %swap3A_234 = tpu.vector_load %arg10[%swap3A_232, %swap3A_233] {strides = array<i32>} : memref<128x128xf32, #tpu.memory_space<vmem>>, vector<1x16xf32>,
      %swap3A_235 = vector.shape_cast %swap3A_234 : vector<1x16xf32> to vector<16xf32>
      %swap3A_236 = vector.shape_cast %broadcast_in_dim3A_1 : vector<16xf32> to vector<1x16xf32>
      tpu.vector_store %arg10[%swap3A_232, %swap3A_233], %swap3A_236 {strides = array<i32>} : memref<128x128xf32, #tpu.memory_space<vmem>>, vector<1x16xf32>,
      %swap3A_237 = arith.constant 0 : i32
      %swap3A_238 = arith.index_cast %swap3A_237 : i32 to index
      %swap3A_239 = arith.index_cast %scan3A_223 : i32 to index
      %swap3A_240 = arith.constant 16 : index
      %swap3A_241 = tpu.vector_load %arg7[%swap3A_238, %swap3A_239, %swap3A_240] {strides = array<i32>} : memref<2x128x128xf32, #tpu.memory_space<vmem>>, vector<1x1x16xf32>,
      %swap3A_242 = vector.shape_cast %swap3A_241 : vector<1x1x16xf32> to vector<16xf32>
      %swap3A_243 = vector.shape_cast %broadcast_in_dim3A_1 : vector<16xf32> to vector<1x1x16xf32>
      tpu.vector_store %arg7[%swap3A_238, %swap3A_239, %swap3A_240], %swap3A_243 {strides = array<i32>} : memref<2x128x128xf32, #tpu.memory_space<vmem>>, vector<1x1x16xf32>,
      %swap3A_244 = arith.index_cast %scan3A_223 : i32 to index
      %swap3A_245 = arith.constant 16 : index
      %swap3A_246 = tpu.vector_load %arg10[%swap3A_244, %swap3A_245] {strides = array<i32>} : memref<128x128xf32, #tpu.memory_space<vmem>>, vector<1x16xf32>,
      %swap3A_247 = vector.shape_cast %swap3A_246 : vector<1x16xf32> to vector<16xf32>
      %swap3A_248 = vector.shape_cast %broadcast_in_dim3A_1 : vector<16xf32> to vector<1x16xf32>
      tpu.vector_store %arg10[%swap3A_244, %swap3A_245], %swap3A_248 {strides = array<i32>} : memref<128x128xf32, #tpu.memory_space<vmem>>, vector<1x16xf32>,
      %swap3A_249 = arith.constant 0 : i32
      %swap3A_250 = arith.index_cast %swap3A_249 : i32 to index
      %swap3A_251 = arith.index_cast %scan3A_223 : i32 to index
      %swap3A_252 = arith.constant 32 : index
      %swap3A_253 = tpu.vector_load %arg7[%swap3A_250, %swap3A_251, %swap3A_252] {strides = array<i32>} : memref<2x128x128xf32, #tpu.memory_space<vmem>>, vector<1x1x16xf32>,
      %swap3A_254 = vector.shape_cast %swap3A_253 : vector<1x1x16xf32> to vector<16xf32>
      %swap3A_255 = vector.shape_cast %broadcast_in_dim3A_1 : vector<16xf32> to vector<1x1x16xf32>
      tpu.vector_store %arg7[%swap3A_250, %swap3A_251, %swap3A_252], %swap3A_255 {strides = array<i32>} : memref<2x128x128xf32, #tpu.memory_space<vmem>>, vector<1x1x16xf32>,
      %swap3A_256 = arith.index_cast %scan3A_223 : i32 to index
      %swap3A_257 = arith.constant 32 : index
      %swap3A_258 = tpu.vector_load %arg10[%swap3A_256, %swap3A_257] {strides = array<i32>} : memref<128x128xf32, #tpu.memory_space<vmem>>, vector<1x16xf32>,
      %swap3A_259 = vector.shape_cast %swap3A_258 : vector<1x16xf32> to vector<16xf32>
      %swap3A_260 = vector.shape_cast %broadcast_in_dim3A_1 : vector<16xf32> to vector<1x16xf32>
      tpu.vector_store %arg10[%swap3A_256, %swap3A_257], %swap3A_260 {strides = array<i32>} : memref<128x128xf32, #tpu.memory_space<vmem>>, vector<1x16xf32>,
      %swap3A_261 = arith.constant 0 : i32
      %swap3A_262 = arith.index_cast %swap3A_261 : i32 to index
      %swap3A_263 = arith.index_cast %scan3A_223 : i32 to index
      %swap3A_264 = arith.constant 48 : index
      %swap3A_265 = tpu.vector_load %arg7[%swap3A_262, %swap3A_263, %swap3A_264] {strides = array<i32>} : memref<2x128x128xf32, #tpu.memory_space<vmem>>, vector<1x1x16xf32>,
      %swap3A_266 = vector.shape_cast %swap3A_265 : vector<1x1x16xf32> to vector<16xf32>
      %swap3A_267 = vector.shape_cast %broadcast_in_dim3A_1 : vector<16xf32> to vector<1x1x16xf32>
      tpu.vector_store %arg7[%swap3A_262, %swap3A_263, %swap3A_264], %swap3A_267 {strides = array<i32>} : memref<2x128x128xf32, #tpu.memory_space<vmem>>, vector<1x1x16xf32>,
      %swap3A_268 = arith.index_cast %scan3A_223 : i32 to index
      %swap3A_269 = arith.constant 48 : index
      %swap3A_270 = tpu.vector_load %arg10[%swap3A_268, %swap3A_269] {strides = array<i32>} : memref<128x128xf32, #tpu.memory_space<vmem>>, vector<1x16xf32>,
      %swap3A_271 = vector.shape_cast %swap3A_270 : vector<1x16xf32> to vector<16xf32>
      %swap3A_272 = vector.shape_cast %broadcast_in_dim3A_1 : vector<16xf32> to vector<1x16xf32>
      tpu.vector_store %arg10[%swap3A_268, %swap3A_269], %swap3A_272 {strides = array<i32>} : memref<128x128xf32, #tpu.memory_space<vmem>>, vector<1x16xf32>,
      %swap3A_273 = arith.constant 0 : i32
      %swap3A_274 = arith.index_cast %swap3A_273 : i32 to index
      %swap3A_275 = arith.index_cast %scan3A_223 : i32 to index
      %swap3A_276 = arith.constant 64 : index
      %swap3A_277 = tpu.vector_load %arg7[%swap3A_274, %swap3A_275, %swap3A_276] {strides = array<i32>} : memref<2x128x128xf32, #tpu.memory_space<vmem>>, vector<1x1x16xf32>,
      %swap3A_278 = vector.shape_cast %swap3A_277 : vector<1x1x16xf32> to vector<16xf32>
      %swap3A_279 = vector.shape_cast %broadcast_in_dim3A_1 : vector<16xf32> to vector<1x1x16xf32>
      tpu.vector_store %arg7[%swap3A_274, %swap3A_275, %swap3A_276], %swap3A_279 {strides = array<i32>} : memref<2x128x128xf32, #tpu.memory_space<vmem>>, vector<1x1x16xf32>,
      %swap3A_280 = arith.index_cast %scan3A_223 : i32 to index
      %swap3A_281 = arith.constant 64 : index
      %swap3A_282 = tpu.vector_load %arg10[%swap3A_280, %swap3A_281] {strides = array<i32>} : memref<128x128xf32, #tpu.memory_space<vmem>>, vector<1x16xf32>,
      %swap3A_283 = vector.shape_cast %swap3A_282 : vector<1x16xf32> to vector<16xf32>
      %swap3A_284 = vector.shape_cast %broadcast_in_dim3A_1 : vector<16xf32> to vector<1x16xf32>
      tpu.vector_store %arg10[%swap3A_280, %swap3A_281], %swap3A_284 {strides = array<i32>} : memref<128x128xf32, #tpu.memory_space<vmem>>, vector<1x16xf32>,
      %swap3A_285 = arith.constant 0 : i32
      %swap3A_286 = arith.index_cast %swap3A_285 : i32 to index
      %swap3A_287 = arith.index_cast %scan3A_223 : i32 to index
      %swap3A_288 = arith.constant 80 : index
      %swap3A_289 = tpu.vector_load %arg7[%swap3A_286, %swap3A_287, %swap3A_288] {strides = array<i32>} : memref<2x128x128xf32, #tpu.memory_space<vmem>>, vector<1x1x16xf32>,
      %swap3A_290 = vector.shape_cast %swap3A_289 : vector<1x1x16xf32> to vector<16xf32>
      %swap3A_291 = vector.shape_cast %broadcast_in_dim3A_1 : vector<16xf32> to vector<1x1x16xf32>
      tpu.vector_store %arg7[%swap3A_286, %swap3A_287, %swap3A_288], %swap3A_291 {strides = array<i32>} : memref<2x128x128xf32, #tpu.memory_space<vmem>>, vector<1x1x16xf32>,
      %swap3A_292 = arith.index_cast %scan3A_223 : i32 to index
      %swap3A_293 = arith.constant 80 : index
      %swap3A_294 = tpu.vector_load %arg10[%swap3A_292, %swap3A_293] {strides = array<i32>} : memref<128x128xf32, #tpu.memory_space<vmem>>, vector<1x16xf32>,
      %swap3A_295 = vector.shape_cast %swap3A_294 : vector<1x16xf32> to vector<16xf32>
      %swap3A_296 = vector.shape_cast %broadcast_in_dim3A_1 : vector<16xf32> to vector<1x16xf32>
      tpu.vector_store %arg10[%swap3A_292, %swap3A_293], %swap3A_296 {strides = array<i32>} : memref<128x128xf32, #tpu.memory_space<vmem>>, vector<1x16xf32>,
      %swap3A_297 = arith.constant 0 : i32
      %swap3A_298 = arith.index_cast %swap3A_297 : i32 to index
      %swap3A_299 = arith.index_cast %scan3A_223 : i32 to index
      %swap3A_300 = arith.constant 96 : index
      %swap3A_301 = tpu.vector_load %arg7[%swap3A_298, %swap3A_299, %swap3A_300] {strides = array<i32>} : memref<2x128x128xf32, #tpu.memory_space<vmem>>, vector<1x1x16xf32>,
      %swap3A_302 = vector.shape_cast %swap3A_301 : vector<1x1x16xf32> to vector<16xf32>
      %swap3A_303 = vector.shape_cast %broadcast_in_dim3A_1 : vector<16xf32> to vector<1x1x16xf32>
      tpu.vector_store %arg7[%swap3A_298, %swap3A_299, %swap3A_300], %swap3A_303 {strides = array<i32>} : memref<2x128x128xf32, #tpu.memory_space<vmem>>, vector<1x1x16xf32>,
      %swap3A_304 = arith.index_cast %scan3A_223 : i32 to index
      %swap3A_305 = arith.constant 96 : index
      %swap3A_306 = tpu.vector_load %arg10[%swap3A_304, %swap3A_305] {strides = array<i32>} : memref<128x128xf32, #tpu.memory_space<vmem>>, vector<1x16xf32>,
      %swap3A_307 = vector.shape_cast %swap3A_306 : vector<1x16xf32> to vector<16xf32>
      %swap3A_308 = vector.shape_cast %broadcast_in_dim3A_1 : vector<16xf32> to vector<1x16xf32>
      tpu.vector_store %arg10[%swap3A_304, %swap3A_305], %swap3A_308 {strides = array<i32>} : memref<128x128xf32, #tpu.memory_space<vmem>>, vector<1x16xf32>,
      %swap3A_309 = arith.constant 0 : i32
      %swap3A_310 = arith.index_cast %swap3A_309 : i32 to index
      %swap3A_311 = arith.index_cast %scan3A_223 : i32 to index
      %swap3A_312 = arith.constant 112 : index
      %swap3A_313 = tpu.vector_load %arg7[%swap3A_310, %swap3A_311, %swap3A_312] {strides = array<i32>} : memref<2x128x128xf32, #tpu.memory_space<vmem>>, vector<1x1x16xf32>,
      %swap3A_314 = vector.shape_cast %swap3A_313 : vector<1x1x16xf32> to vector<16xf32>
      %swap3A_315 = vector.shape_cast %broadcast_in_dim3A_1 : vector<16xf32> to vector<1x1x16xf32>
      tpu.vector_store %arg7[%swap3A_310, %swap3A_311, %swap3A_312], %swap3A_315 {strides = array<i32>} : memref<2x128x128xf32, #tpu.memory_space<vmem>>, vector<1x1x16xf32>,
      %swap3A_316 = arith.index_cast %scan3A_223 : i32 to index
      %swap3A_317 = arith.constant 112 : index
      %swap3A_318 = tpu.vector_load %arg10[%swap3A_316, %swap3A_317] {strides = array<i32>} : memref<128x128xf32, #tpu.memory_space<vmem>>, vector<1x16xf32>,
      %swap3A_319 = vector.shape_cast %swap3A_318 : vector<1x16xf32> to vector<16xf32>
      %swap3A_320 = vector.shape_cast %broadcast_in_dim3A_1 : vector<16xf32> to vector<1x16xf32>
      tpu.vector_store %arg10[%swap3A_316, %swap3A_317], %swap3A_320 {strides = array<i32>} : memref<128x128xf32, #tpu.memory_space<vmem>>, vector<1x16xf32>,
      %scan3A_321 = arith.constant 0 : i32
      scf.yield %scan3A_321 : i32
    }
    %scan3A_9 = arith.constant 128 : i32
    %swap3A = arith.constant 0 : index
    %swap3A_10 = tpu.vector_load %arg11[%swap3A] {strides = array<i32>} : memref<128xi32, #tpu.memory_space<vmem>>, vector<16xi32>,
    %swap3A_11 = vector.shape_cast %swap3A_10 : vector<16xi32> to vector<16xi32>
    %swap3A_12 = vector.shape_cast %broadcast_in_dim3A_3 : vector<16xi32> to vector<16xi32>
    tpu.vector_store %arg11[%swap3A], %swap3A_12 {strides = array<i32>} : memref<128xi32, #tpu.memory_space<vmem>>, vector<16xi32>,
    %swap3A_13 = arith.constant 16 : index
    %swap3A_14 = tpu.vector_load %arg11[%swap3A_13] {strides = array<i32>} : memref<128xi32, #tpu.memory_space<vmem>>, vector<16xi32>,
    %swap3A_15 = vector.shape_cast %swap3A_14 : vector<16xi32> to vector<16xi32>
    %swap3A_16 = vector.shape_cast %broadcast_in_dim3A_3 : vector<16xi32> to vector<16xi32>
    tpu.vector_store %arg11[%swap3A_13], %swap3A_16 {strides = array<i32>} : memref<128xi32, #tpu.memory_space<vmem>>, vector<16xi32>,
    %swap3A_17 = arith.constant 32 : index
    %swap3A_18 = tpu.vector_load %arg11[%swap3A_17] {strides = array<i32>} : memref<128xi32, #tpu.memory_space<vmem>>, vector<16xi32>,
    %swap3A_19 = vector.shape_cast %swap3A_18 : vector<16xi32> to vector<16xi32>
    %swap3A_20 = vector.shape_cast %broadcast_in_dim3A_3 : vector<16xi32> to vector<16xi32>
    tpu.vector_store %arg11[%swap3A_17], %swap3A_20 {strides = array<i32>} : memref<128xi32, #tpu.memory_space<vmem>>, vector<16xi32>,
    %swap3A_21 = arith.constant 48 : index
    %swap3A_22 = tpu.vector_load %arg11[%swap3A_21] {strides = array<i32>} : memref<128xi32, #tpu.memory_space<vmem>>, vector<16xi32>,
    %swap3A_23 = vector.shape_cast %swap3A_22 : vector<16xi32> to vector<16xi32>
    %swap3A_24 = vector.shape_cast %broadcast_in_dim3A_3 : vector<16xi32> to vector<16xi32>
    tpu.vector_store %arg11[%swap3A_21], %swap3A_24 {strides = array<i32>} : memref<128xi32, #tpu.memory_space<vmem>>, vector<16xi32>,
    %swap3A_25 = arith.constant 64 : index
    %swap3A_26 = tpu.vector_load %arg11[%swap3A_25] {strides = array<i32>} : memref<128xi32, #tpu.memory_space<vmem>>, vector<16xi32>,
    %swap3A_27 = vector.shape_cast %swap3A_26 : vector<16xi32> to vector<16xi32>
    %swap3A_28 = vector.shape_cast %broadcast_in_dim3A_3 : vector<16xi32> to vector<16xi32>
    tpu.vector_store %arg11[%swap3A_25], %swap3A_28 {strides = array<i32>} : memref<128xi32, #tpu.memory_space<vmem>>, vector<16xi32>,
    %swap3A_29 = arith.constant 80 : index
    %swap3A_30 = tpu.vector_load %arg11[%swap3A_29] {strides = array<i32>} : memref<128xi32, #tpu.memory_space<vmem>>, vector<16xi32>,
    %swap3A_31 = vector.shape_cast %swap3A_30 : vector<16xi32> to vector<16xi32>
    %swap3A_32 = vector.shape_cast %broadcast_in_dim3A_3 : vector<16xi32> to vector<16xi32>
    tpu.vector_store %arg11[%swap3A_29], %swap3A_32 {strides = array<i32>} : memref<128xi32, #tpu.memory_space<vmem>>, vector<16xi32>,
    %swap3A_33 = arith.constant 96 : index
    %swap3A_34 = tpu.vector_load %arg11[%swap3A_33] {strides = array<i32>} : memref<128xi32, #tpu.memory_space<vmem>>, vector<16xi32>,
    %swap3A_35 = vector.shape_cast %swap3A_34 : vector<16xi32> to vector<16xi32>
    %swap3A_36 = vector.shape_cast %broadcast_in_dim3A_3 : vector<16xi32> to vector<16xi32>
    tpu.vector_store %arg11[%swap3A_33], %swap3A_36 {strides = array<i32>} : memref<128xi32, #tpu.memory_space<vmem>>, vector<16xi32>,
    %swap3A_37 = arith.constant 112 : index
    %swap3A_38 = tpu.vector_load %arg11[%swap3A_37] {strides = array<i32>} : memref<128xi32, #tpu.memory_space<vmem>>, vector<16xi32>,
    %swap3A_39 = vector.shape_cast %swap3A_38 : vector<16xi32> to vector<16xi32>
    %swap3A_40 = vector.shape_cast %broadcast_in_dim3A_3 : vector<16xi32> to vector<16xi32>
    tpu.vector_store %arg11[%swap3A_37], %swap3A_40 {strides = array<i32>} : memref<128xi32, #tpu.memory_space<vmem>>, vector<16xi32>,
    %mul3A_41 = arith.constant 208 : i32
    %mul3A_42 = arith.muli %arg1, %mul3A_41 : i32
    %run_scoped3A = arith.constant 0 : i32
    "tpu.region"() ({
      %run_scoped3A_223 = tpu.sem_alloc : memref<!tpu.dma_semaphore, #tpu.memory_space<semaphore_mem>>
      %dma_start3A_224 = arith.constant 0 : i32
      %dma_start3A_225 = arith.constant 0 : i32
      %dma_start3A_226 = tpu.memref_slice %arg7[%run_scoped3A, %dma_start3A_224, %dma_start3A_225] : memref<2x128x128xf32, #tpu.memory_space<vmem>> -> memref<1x128x128xf32, #tpu.memory_space<vmem>>
      %dma_start3A_227 = tpu.memref_squeeze %dma_start3A_226 : memref<1x128x128xf32, #tpu.memory_space<vmem>> -> memref<128x128xf32, #tpu.memory_space<vmem>>
      %dma_start3A_228 = arith.constant 0 : i32
      %dma_start3A_229 = tpu.memref_slice %arg13[%mul3A_42, %dma_start3A_228] : memref<3328x128xf32, #tpu.memory_space<vmem_shared>> -> memref<128x128xf32, #tpu.memory_space<vmem_shared>>
      %dma_start3A_230 = arith.constant 0 : i32
      %dma_start3A_231 = tpu.memref_slice %arg13[%mul3A_42, %dma_start3A_230] : memref<3328x128xf32, #tpu.memory_space<vmem_shared>> -> memref<128x128xf32, #tpu.memory_space<vmem_shared>>
      %dma_start3A_232 = arith.constant 0 : i32
      %dma_start3A_233 = arith.constant 0 : i32
      %dma_start3A_234 = tpu.memref_slice %arg7[%run_scoped3A, %dma_start3A_232, %dma_start3A_233] : memref<2x128x128xf32, #tpu.memory_space<vmem>> -> memref<1x128x128xf32, #tpu.memory_space<vmem>>
      %dma_start3A_235 = tpu.memref_squeeze %dma_start3A_234 : memref<1x128x128xf32, #tpu.memory_space<vmem>> -> memref<128x128xf32, #tpu.memory_space<vmem>>
      tpu.enqueue_dma source(%dma_start3A_235 : memref<128x128xf32, #tpu.memory_space<vmem>>) target(%dma_start3A_231 : memref<128x128xf32, #tpu.memory_space<vmem_shared>>) target_semaphore(%run_scoped3A_223 : memref<!tpu.dma_semaphore, #tpu.memory_space<semaphore_mem>>)
      %dma_wait3A_236 = arith.constant 0 : i32
      %dma_wait3A_237 = arith.constant 0 : i32
      %dma_wait3A_238 = tpu.memref_slice %arg7[%run_scoped3A, %dma_wait3A_236, %dma_wait3A_237] : memref<2x128x128xf32, #tpu.memory_space<vmem>> -> memref<1x128x128xf32, #tpu.memory_space<vmem>>
      %dma_wait3A_239 = tpu.memref_squeeze %dma_wait3A_238 : memref<1x128x128xf32, #tpu.memory_space<vmem>> -> memref<128x128xf32, #tpu.memory_space<vmem>>
      %dma_wait3A_240 = arith.constant 0 : i32
      %dma_wait3A_241 = tpu.memref_slice %arg13[%mul3A_42, %dma_wait3A_240] : memref<3328x128xf32, #tpu.memory_space<vmem_shared>> -> memref<128x128xf32, #tpu.memory_space<vmem_shared>>
      %dma_wait3A_242 = arith.constant 0 : i32
      %dma_wait3A_243 = tpu.memref_slice %arg13[%mul3A_42, %dma_wait3A_242] : memref<3328x128xf32, #tpu.memory_space<vmem_shared>> -> memref<128x128xf32, #tpu.memory_space<vmem_shared>>
      %dma_wait3A_244 = arith.constant 0 : i32
      %dma_wait3A_245 = arith.constant 0 : i32
      %dma_wait3A_246 = tpu.memref_slice %arg7[%run_scoped3A, %dma_wait3A_244, %dma_wait3A_245] : memref<2x128x128xf32, #tpu.memory_space<vmem>> -> memref<1x128x128xf32, #tpu.memory_space<vmem>>
      %dma_wait3A_247 = tpu.memref_squeeze %dma_wait3A_246 : memref<1x128x128xf32, #tpu.memory_space<vmem>> -> memref<128x128xf32, #tpu.memory_space<vmem>>
      tpu.wait_dma2 semaphore(%run_scoped3A_223 : memref<!tpu.dma_semaphore, #tpu.memory_space<semaphore_mem>>) src(%dma_wait3A_247 : memref<128x128xf32, #tpu.memory_space<vmem>>) dst(%dma_wait3A_243 : memref<128x128xf32, #tpu.memory_space<vmem_shared>>)
      tpu.yield
    }) : () -> ()
    %add3A_43 = arith.constant 128 : i32
    %add3A_44 = arith.addi %mul3A_42, %add3A_43 : i32
    %run_scoped3A_45 = arith.constant 0 : i32
    "tpu.region"() ({
      %run_scoped3A_223 = tpu.sem_alloc : memref<!tpu.dma_semaphore, #tpu.memory_space<semaphore_mem>>
      %dma_start3A_224 = arith.constant 0 : i32
      %dma_start3A_225 = arith.constant 0 : i32
      %dma_start3A_226 = tpu.memref_slice %arg7[%run_scoped3A_45, %dma_start3A_224, %dma_start3A_225] : memref<2x128x128xf32, #tpu.memory_space<vmem>> -> memref<1x80x128xf32, #tpu.memory_space<vmem>>
      %dma_start3A_227 = tpu.memref_squeeze %dma_start3A_226 : memref<1x80x128xf32, #tpu.memory_space<vmem>> -> memref<80x128xf32, #tpu.memory_space<vmem>>
      %dma_start3A_228 = arith.constant 0 : i32
      %dma_start3A_229 = tpu.memref_slice %arg13[%add3A_44, %dma_start3A_228] : memref<3328x128xf32, #tpu.memory_space<vmem_shared>> -> memref<80x128xf32, #tpu.memory_space<vmem_shared>>
      %dma_start3A_230 = arith.constant 0 : i32
      %dma_start3A_231 = tpu.memref_slice %arg13[%add3A_44, %dma_start3A_230] : memref<3328x128xf32, #tpu.memory_space<vmem_shared>> -> memref<80x128xf32, #tpu.memory_space<vmem_shared>>
      %dma_start3A_232 = arith.constant 0 : i32
      %dma_start3A_233 = arith.constant 0 : i32
      %dma_start3A_234 = tpu.memref_slice %arg7[%run_scoped3A_45, %dma_start3A_232, %dma_start3A_233] : memref<2x128x128xf32, #tpu.memory_space<vmem>> -> memref<1x80x128xf32, #tpu.memory_space<vmem>>
      %dma_start3A_235 = tpu.memref_squeeze %dma_start3A_234 : memref<1x80x128xf32, #tpu.memory_space<vmem>> -> memref<80x128xf32, #tpu.memory_space<vmem>>
      tpu.enqueue_dma source(%dma_start3A_235 : memref<80x128xf32, #tpu.memory_space<vmem>>) target(%dma_start3A_231 : memref<80x128xf32, #tpu.memory_space<vmem_shared>>) target_semaphore(%run_scoped3A_223 : memref<!tpu.dma_semaphore, #tpu.memory_space<semaphore_mem>>)
      %dma_wait3A_236 = arith.constant 0 : i32
      %dma_wait3A_237 = arith.constant 0 : i32
      %dma_wait3A_238 = tpu.memref_slice %arg7[%run_scoped3A_45, %dma_wait3A_236, %dma_wait3A_237] : memref<2x128x128xf32, #tpu.memory_space<vmem>> -> memref<1x80x128xf32, #tpu.memory_space<vmem>>
      %dma_wait3A_239 = tpu.memref_squeeze %dma_wait3A_238 : memref<1x80x128xf32, #tpu.memory_space<vmem>> -> memref<80x128xf32, #tpu.memory_space<vmem>>
      %dma_wait3A_240 = arith.constant 0 : i32
      %dma_wait3A_241 = tpu.memref_slice %arg13[%add3A_44, %dma_wait3A_240] : memref<3328x128xf32, #tpu.memory_space<vmem_shared>> -> memref<80x128xf32, #tpu.memory_space<vmem_shared>>
      %dma_wait3A_242 = arith.constant 0 : i32
      %dma_wait3A_243 = tpu.memref_slice %arg13[%add3A_44, %dma_wait3A_242] : memref<3328x128xf32, #tpu.memory_space<vmem_shared>> -> memref<80x128xf32, #tpu.memory_space<vmem_shared>>
      %dma_wait3A_244 = arith.constant 0 : i32
      %dma_wait3A_245 = arith.constant 0 : i32
      %dma_wait3A_246 = tpu.memref_slice %arg7[%run_scoped3A_45, %dma_wait3A_244, %dma_wait3A_245] : memref<2x128x128xf32, #tpu.memory_space<vmem>> -> memref<1x80x128xf32, #tpu.memory_space<vmem>>
      %dma_wait3A_247 = tpu.memref_squeeze %dma_wait3A_246 : memref<1x80x128xf32, #tpu.memory_space<vmem>> -> memref<80x128xf32, #tpu.memory_space<vmem>>
      tpu.wait_dma2 semaphore(%run_scoped3A_223 : memref<!tpu.dma_semaphore, #tpu.memory_space<semaphore_mem>>) src(%dma_wait3A_247 : memref<80x128xf32, #tpu.memory_space<vmem>>) dst(%dma_wait3A_243 : memref<80x128xf32, #tpu.memory_space<vmem_shared>>)
      tpu.yield
    }) : () -> ()
    %run_scoped3A_46 = arith.constant 0 : i32
    "tpu.region"() ({
      %run_scoped3A_223 = tpu.sem_alloc : memref<!tpu.dma_semaphore, #tpu.memory_space<semaphore_mem>>
      %dma_start3A_224 = arith.constant 0 : i32
      %dma_start3A_225 = arith.constant 0 : i32
      %dma_start3A_226 = tpu.memref_slice %arg7[%run_scoped3A_46, %dma_start3A_224, %dma_start3A_225] : memref<2x128x128xf32, #tpu.memory_space<vmem>> -> memref<1x128x128xf32, #tpu.memory_space<vmem>>
      %dma_start3A_227 = tpu.memref_squeeze %dma_start3A_226 : memref<1x128x128xf32, #tpu.memory_space<vmem>> -> memref<128x128xf32, #tpu.memory_space<vmem>>
      %dma_start3A_228 = arith.constant 0 : i32
      %dma_start3A_229 = tpu.memref_slice %arg14[%mul3A_42, %dma_start3A_228] : memref<3328x128xf32, #tpu.memory_space<vmem_shared>> -> memref<128x128xf32, #tpu.memory_space<vmem_shared>>
      %dma_start3A_230 = arith.constant 0 : i32
      %dma_start3A_231 = tpu.memref_slice %arg14[%mul3A_42, %dma_start3A_230] : memref<3328x128xf32, #tpu.memory_space<vmem_shared>> -> memref<128x128xf32, #tpu.memory_space<vmem_shared>>
      %dma_start3A_232 = arith.constant 0 : i32
      %dma_start3A_233 = arith.constant 0 : i32
      %dma_start3A_234 = tpu.memref_slice %arg7[%run_scoped3A_46, %dma_start3A_232, %dma_start3A_233] : memref<2x128x128xf32, #tpu.memory_space<vmem>> -> memref<1x128x128xf32, #tpu.memory_space<vmem>>
      %dma_start3A_235 = tpu.memref_squeeze %dma_start3A_234 : memref<1x128x128xf32, #tpu.memory_space<vmem>> -> memref<128x128xf32, #tpu.memory_space<vmem>>
      tpu.enqueue_dma source(%dma_start3A_235 : memref<128x128xf32, #tpu.memory_space<vmem>>) target(%dma_start3A_231 : memref<128x128xf32, #tpu.memory_space<vmem_shared>>) target_semaphore(%run_scoped3A_223 : memref<!tpu.dma_semaphore, #tpu.memory_space<semaphore_mem>>)
      %dma_wait3A_236 = arith.constant 0 : i32
      %dma_wait3A_237 = arith.constant 0 : i32
      %dma_wait3A_238 = tpu.memref_slice %arg7[%run_scoped3A_46, %dma_wait3A_236, %dma_wait3A_237] : memref<2x128x128xf32, #tpu.memory_space<vmem>> -> memref<1x128x128xf32, #tpu.memory_space<vmem>>
      %dma_wait3A_239 = tpu.memref_squeeze %dma_wait3A_238 : memref<1x128x128xf32, #tpu.memory_space<vmem>> -> memref<128x128xf32, #tpu.memory_space<vmem>>
      %dma_wait3A_240 = arith.constant 0 : i32
      %dma_wait3A_241 = tpu.memref_slice %arg14[%mul3A_42, %dma_wait3A_240] : memref<3328x128xf32, #tpu.memory_space<vmem_shared>> -> memref<128x128xf32, #tpu.memory_space<vmem_shared>>
      %dma_wait3A_242 = arith.constant 0 : i32
      %dma_wait3A_243 = tpu.memref_slice %arg14[%mul3A_42, %dma_wait3A_242] : memref<3328x128xf32, #tpu.memory_space<vmem_shared>> -> memref<128x128xf32, #tpu.memory_space<vmem_shared>>
      %dma_wait3A_244 = arith.constant 0 : i32
      %dma_wait3A_245 = arith.constant 0 : i32
      %dma_wait3A_246 = tpu.memref_slice %arg7[%run_scoped3A_46, %dma_wait3A_244, %dma_wait3A_245] : memref<2x128x128xf32, #tpu.memory_space<vmem>> -> memref<1x128x128xf32, #tpu.memory_space<vmem>>
      %dma_wait3A_247 = tpu.memref_squeeze %dma_wait3A_246 : memref<1x128x128xf32, #tpu.memory_space<vmem>> -> memref<128x128xf32, #tpu.memory_space<vmem>>
      tpu.wait_dma2 semaphore(%run_scoped3A_223 : memref<!tpu.dma_semaphore, #tpu.memory_space<semaphore_mem>>) src(%dma_wait3A_247 : memref<128x128xf32, #tpu.memory_space<vmem>>) dst(%dma_wait3A_243 : memref<128x128xf32, #tpu.memory_space<vmem_shared>>)
      tpu.yield
    }) : () -> ()
    %add3A_47 = arith.constant 128 : i32
    %add3A_48 = arith.addi %mul3A_42, %add3A_47 : i32
    %run_scoped3A_49 = arith.constant 0 : i32
    "tpu.region"() ({
      %run_scoped3A_223 = tpu.sem_alloc : memref<!tpu.dma_semaphore, #tpu.memory_space<semaphore_mem>>
      %dma_start3A_224 = arith.constant 0 : i32
      %dma_start3A_225 = arith.constant 0 : i32
      %dma_start3A_226 = tpu.memref_slice %arg7[%run_scoped3A_49, %dma_start3A_224, %dma_start3A_225] : memref<2x128x128xf32, #tpu.memory_space<vmem>> -> memref<1x80x128xf32, #tpu.memory_space<vmem>>
      %dma_start3A_227 = tpu.memref_squeeze %dma_start3A_226 : memref<1x80x128xf32, #tpu.memory_space<vmem>> -> memref<80x128xf32, #tpu.memory_space<vmem>>
      %dma_start3A_228 = arith.constant 0 : i32
      %dma_start3A_229 = tpu.memref_slice %arg14[%add3A_48, %dma_start3A_228] : memref<3328x128xf32, #tpu.memory_space<vmem_shared>> -> memref<80x128xf32, #tpu.memory_space<vmem_shared>>
      %dma_start3A_230 = arith.constant 0 : i32
      %dma_start3A_231 = tpu.memref_slice %arg14[%add3A_48, %dma_start3A_230] : memref<3328x128xf32, #tpu.memory_space<vmem_shared>> -> memref<80x128xf32, #tpu.memory_space<vmem_shared>>
      %dma_start3A_232 = arith.constant 0 : i32
      %dma_start3A_233 = arith.constant 0 : i32
      %dma_start3A_234 = tpu.memref_slice %arg7[%run_scoped3A_49, %dma_start3A_232, %dma_start3A_233] : memref<2x128x128xf32, #tpu.memory_space<vmem>> -> memref<1x80x128xf32, #tpu.memory_space<vmem>>
      %dma_start3A_235 = tpu.memref_squeeze %dma_start3A_234 : memref<1x80x128xf32, #tpu.memory_space<vmem>> -> memref<80x128xf32, #tpu.memory_space<vmem>>
      tpu.enqueue_dma source(%dma_start3A_235 : memref<80x128xf32, #tpu.memory_space<vmem>>) target(%dma_start3A_231 : memref<80x128xf32, #tpu.memory_space<vmem_shared>>) target_semaphore(%run_scoped3A_223 : memref<!tpu.dma_semaphore, #tpu.memory_space<semaphore_mem>>)
      %dma_wait3A_236 = arith.constant 0 : i32
      %dma_wait3A_237 = arith.constant 0 : i32
      %dma_wait3A_238 = tpu.memref_slice %arg7[%run_scoped3A_49, %dma_wait3A_236, %dma_wait3A_237] : memref<2x128x128xf32, #tpu.memory_space<vmem>> -> memref<1x80x128xf32, #tpu.memory_space<vmem>>
      %dma_wait3A_239 = tpu.memref_squeeze %dma_wait3A_238 : memref<1x80x128xf32, #tpu.memory_space<vmem>> -> memref<80x128xf32, #tpu.memory_space<vmem>>
      %dma_wait3A_240 = arith.constant 0 : i32
      %dma_wait3A_241 = tpu.memref_slice %arg14[%add3A_48, %dma_wait3A_240] : memref<3328x128xf32, #tpu.memory_space<vmem_shared>> -> memref<80x128xf32, #tpu.memory_space<vmem_shared>>
      %dma_wait3A_242 = arith.constant 0 : i32
      %dma_wait3A_243 = tpu.memref_slice %arg14[%add3A_48, %dma_wait3A_242] : memref<3328x128xf32, #tpu.memory_space<vmem_shared>> -> memref<80x128xf32, #tpu.memory_space<vmem_shared>>
      %dma_wait3A_244 = arith.constant 0 : i32
      %dma_wait3A_245 = arith.constant 0 : i32
      %dma_wait3A_246 = tpu.memref_slice %arg7[%run_scoped3A_49, %dma_wait3A_244, %dma_wait3A_245] : memref<2x128x128xf32, #tpu.memory_space<vmem>> -> memref<1x80x128xf32, #tpu.memory_space<vmem>>
      %dma_wait3A_247 = tpu.memref_squeeze %dma_wait3A_246 : memref<1x80x128xf32, #tpu.memory_space<vmem>> -> memref<80x128xf32, #tpu.memory_space<vmem>>
      tpu.wait_dma2 semaphore(%run_scoped3A_223 : memref<!tpu.dma_semaphore, #tpu.memory_space<semaphore_mem>>) src(%dma_wait3A_247 : memref<80x128xf32, #tpu.memory_space<vmem>>) dst(%dma_wait3A_243 : memref<80x128xf32, #tpu.memory_space<vmem_shared>>)
      tpu.yield
    }) : () -> ()
    %barrier3A = arith.constant 0 : index
    tpu.barrier barrier_id(%barrier3A)
    %mul3A_50 = arith.constant 2500 : i32
    %mul3A_51 = arith.muli %add3A, %mul3A_50 : i32
    %jit3A = arith.constant 32 : i32
    %div3A = arith.divsi %mul3A_51, %jit3A : i32
    %sign3A = arith.constant 0 : i32
    %sign3A_52 = arith.cmpi sgt, %mul3A_51, %sign3A : i32
    %sign3A_53 = arith.extui %sign3A_52 : i1 to i32
    %sign3A_54 = arith.constant 0 : i32
    %sign3A_55 = arith.cmpi slt, %mul3A_51, %sign3A_54 : i32
    %sign3A_56 = arith.extui %sign3A_55 : i1 to i32
    %sign3A_57 = arith.subi %sign3A_53, %sign3A_56 : i32
    %sign3A_58 = arith.constant 0 : i32
    %sign3A_59 = arith.cmpi sgt, %jit3A, %sign3A_58 : i32
    %sign3A_60 = arith.extui %sign3A_59 : i1 to i32
    %sign3A_61 = arith.constant 0 : i32
    %sign3A_62 = arith.cmpi slt, %jit3A, %sign3A_61 : i32
    %sign3A_63 = arith.extui %sign3A_62 : i1 to i32
    %sign3A_64 = arith.subi %sign3A_60, %sign3A_63 : i32
    %ne3A = arith.cmpi ne, %sign3A_57, %sign3A_64 : i32
    %rem3A = arith.remsi %mul3A_51, %jit3A : i32
    %ne3A_65 = arith.constant 0 : i32
    %ne3A_66 = arith.cmpi ne, %rem3A, %ne3A_65 : i32
    %and3A = arith.andi %ne3A, %ne3A_66 : i1
    %sub3A = arith.constant 1 : i32
    %sub3A_67 = arith.subi %div3A, %sub3A : i32
    %select_n3A = arith.select %and3A, %sub3A_67, %div3A : i32
    %add3A_68 = arith.constant 1 : i32
    %add3A_69 = arith.addi %add3A, %add3A_68 : i32
    %mul3A_70 = arith.constant 2500 : i32
    %mul3A_71 = arith.muli %add3A_69, %mul3A_70 : i32
    %jit3A_72 = arith.constant 32 : i32
    %div3A_73 = arith.divsi %mul3A_71, %jit3A_72 : i32
    %sign3A_74 = arith.constant 0 : i32
    %sign3A_75 = arith.cmpi sgt, %mul3A_71, %sign3A_74 : i32
    %sign3A_76 = arith.extui %sign3A_75 : i1 to i32
    %sign3A_77 = arith.constant 0 : i32
    %sign3A_78 = arith.cmpi slt, %mul3A_71, %sign3A_77 : i32
    %sign3A_79 = arith.extui %sign3A_78 : i1 to i32
    %sign3A_80 = arith.subi %sign3A_76, %sign3A_79 : i32
    %sign3A_81 = arith.constant 0 : i32
    %sign3A_82 = arith.cmpi sgt, %jit3A_72, %sign3A_81 : i32
    %sign3A_83 = arith.extui %sign3A_82 : i1 to i32
    %sign3A_84 = arith.constant 0 : i32
    %sign3A_85 = arith.cmpi slt, %jit3A_72, %sign3A_84 : i32
    %sign3A_86 = arith.extui %sign3A_85 : i1 to i32
    %sign3A_87 = arith.subi %sign3A_83, %sign3A_86 : i32
    %ne3A_88 = arith.cmpi ne, %sign3A_80, %sign3A_87 : i32
    %rem3A_89 = arith.remsi %mul3A_71, %jit3A_72 : i32
    %ne3A_90 = arith.constant 0 : i32
    %ne3A_91 = arith.cmpi ne, %rem3A_89, %ne3A_90 : i32
    %and3A_92 = arith.andi %ne3A_88, %ne3A_91 : i1
    %sub3A_93 = arith.constant 1 : i32
    %sub3A_94 = arith.subi %div3A_73, %sub3A_93 : i32
    %select_n3A_95 = arith.select %and3A_92, %sub3A_94, %div3A_73 : i32
    %mul3A_96 = arith.constant 128 : i32
    %mul3A_97 = arith.muli %select_n3A, %mul3A_96 : i32
    %dma_start3A = arith.constant 0 : i32
    %dma_start3A_98 = arith.constant 0 : i32
    %dma_start3A_99 = arith.constant 0 : i32
    %dma_start3A_100 = arith.constant 0 : i32
    %dma_start3A_101 = tpu.memref_slice %arg7[%dma_start3A, %dma_start3A_99, %dma_start3A_100] : memref<2x128x128xf32, #tpu.memory_space<vmem>> -> memref<1x128x128xf32, #tpu.memory_space<vmem>>
    %dma_start3A_102 = tpu.memref_squeeze %dma_start3A_101 : memref<1x128x128xf32, #tpu.memory_space<vmem>> -> memref<128x128xf32, #tpu.memory_space<vmem>>
    %dma_start3A_103 = arith.constant 0 : i32
    %dma_start3A_104 = tpu.memref_slice %arg2[%mul3A_97, %dma_start3A_103] : memref<320000x128xf32, #tpu.memory_space<hbm>> -> memref<128x128xf32, #tpu.memory_space<hbm>>
    %dma_start3A_105 = tpu.memref_slice %arg15[%dma_start3A_98] : memref<2x!tpu.dma_semaphore, #tpu.memory_space<semaphore_mem>> -> memref<1x!tpu.dma_semaphore, #tpu.memory_space<semaphore_mem>>
    %dma_start3A_106 = tpu.memref_squeeze %dma_start3A_105 : memref<1x!tpu.dma_semaphore, #tpu.memory_space<semaphore_mem>> -> memref<!tpu.dma_semaphore, #tpu.memory_space<semaphore_mem>>
    %dma_start3A_107 = arith.constant 0 : i32
    %dma_start3A_108 = arith.constant 0 : i32
    %dma_start3A_109 = tpu.memref_slice %arg7[%dma_start3A, %dma_start3A_107, %dma_start3A_108] : memref<2x128x128xf32, #tpu.memory_space<vmem>> -> memref<1x128x128xf32, #tpu.memory_space<vmem>>
    %dma_start3A_110 = tpu.memref_squeeze %dma_start3A_109 : memref<1x128x128xf32, #tpu.memory_space<vmem>> -> memref<128x128xf32, #tpu.memory_space<vmem>>
    %dma_start3A_111 = arith.constant 0 : i32
    %dma_start3A_112 = tpu.memref_slice %arg2[%mul3A_97, %dma_start3A_111] : memref<320000x128xf32, #tpu.memory_space<hbm>> -> memref<128x128xf32, #tpu.memory_space<hbm>>
    tpu.enqueue_dma source(%dma_start3A_112 : memref<128x128xf32, #tpu.memory_space<hbm>>) target(%dma_start3A_110 : memref<128x128xf32, #tpu.memory_space<vmem>>) target_semaphore(%dma_start3A_106 : memref<!tpu.dma_semaphore, #tpu.memory_space<semaphore_mem>>)
    %dma_start3A_113 = arith.constant 0 : i32
    %dma_start3A_114 = arith.constant 0 : i32
    %dma_start3A_115 = arith.constant 0 : i32
    %dma_start3A_116 = tpu.memref_slice %arg8[%dma_start3A_113, %dma_start3A_115] : memref<2x128xi32, #tpu.memory_space<vmem>> -> memref<1x128xi32, #tpu.memory_space<vmem>>
    %dma_start3A_117 = tpu.memref_squeeze %dma_start3A_116 : memref<1x128xi32, #tpu.memory_space<vmem>> -> memref<128xi32, #tpu.memory_space<vmem>>
    %dma_start3A_118 = arith.constant 0 : i32
    %dma_start3A_119 = tpu.memref_slice %arg3[%select_n3A, %dma_start3A_118] : memref<2500x128xi32, #tpu.memory_space<hbm>> -> memref<1x128xi32, #tpu.memory_space<hbm>>
    %dma_start3A_120 = tpu.memref_squeeze %dma_start3A_119 : memref<1x128xi32, #tpu.memory_space<hbm>> -> memref<128xi32, #tpu.memory_space<hbm>>
    %dma_start3A_121 = tpu.memref_slice %arg15[%dma_start3A_114] : memref<2x!tpu.dma_semaphore, #tpu.memory_space<semaphore_mem>> -> memref<1x!tpu.dma_semaphore, #tpu.memory_space<semaphore_mem>>
    %dma_start3A_122 = tpu.memref_squeeze %dma_start3A_121 : memref<1x!tpu.dma_semaphore, #tpu.memory_space<semaphore_mem>> -> memref<!tpu.dma_semaphore, #tpu.memory_space<semaphore_mem>>
    %dma_start3A_123 = arith.constant 0 : i32
    %dma_start3A_124 = tpu.memref_slice %arg8[%dma_start3A_113, %dma_start3A_123] : memref<2x128xi32, #tpu.memory_space<vmem>> -> memref<1x128xi32, #tpu.memory_space<vmem>>
    %dma_start3A_125 = tpu.memref_squeeze %dma_start3A_124 : memref<1x128xi32, #tpu.memory_space<vmem>> -> memref<128xi32, #tpu.memory_space<vmem>>
    %dma_start3A_126 = arith.constant 0 : i32
    %dma_start3A_127 = tpu.memref_slice %arg3[%select_n3A, %dma_start3A_126] : memref<2500x128xi32, #tpu.memory_space<hbm>> -> memref<1x128xi32, #tpu.memory_space<hbm>>
    %dma_start3A_128 = tpu.memref_squeeze %dma_start3A_127 : memref<1x128xi32, #tpu.memory_space<hbm>> -> memref<128xi32, #tpu.memory_space<hbm>>
    tpu.enqueue_dma source(%dma_start3A_128 : memref<128xi32, #tpu.memory_space<hbm>>) target(%dma_start3A_125 : memref<128xi32, #tpu.memory_space<vmem>>) target_semaphore(%dma_start3A_122 : memref<!tpu.dma_semaphore, #tpu.memory_space<semaphore_mem>>)
    %dma_start3A_129 = arith.constant 0 : i32
    %dma_start3A_130 = arith.constant 0 : i32
    %dma_start3A_131 = arith.constant 0 : i32
    %dma_start3A_132 = tpu.memref_slice %arg9[%dma_start3A_129, %dma_start3A_131] : memref<2x128xi32, #tpu.memory_space<vmem>> -> memref<1x128xi32, #tpu.memory_space<vmem>>
    %dma_start3A_133 = tpu.memref_squeeze %dma_start3A_132 : memref<1x128xi32, #tpu.memory_space<vmem>> -> memref<128xi32, #tpu.memory_space<vmem>>
    %dma_start3A_134 = arith.constant 0 : i32
    %dma_start3A_135 = tpu.memref_slice %arg4[%select_n3A, %dma_start3A_134] : memref<2500x128xi32, #tpu.memory_space<hbm>> -> memref<1x128xi32, #tpu.memory_space<hbm>>
    %dma_start3A_136 = tpu.memref_squeeze %dma_start3A_135 : memref<1x128xi32, #tpu.memory_space<hbm>> -> memref<128xi32, #tpu.memory_space<hbm>>
    %dma_start3A_137 = tpu.memref_slice %arg15[%dma_start3A_130] : memref<2x!tpu.dma_semaphore, #tpu.memory_space<semaphore_mem>> -> memref<1x!tpu.dma_semaphore, #tpu.memory_space<semaphore_mem>>
    %dma_start3A_138 = tpu.memref_squeeze %dma_start3A_137 : memref<1x!tpu.dma_semaphore, #tpu.memory_space<semaphore_mem>> -> memref<!tpu.dma_semaphore, #tpu.memory_space<semaphore_mem>>
    %dma_start3A_139 = arith.constant 0 : i32
    %dma_start3A_140 = tpu.memref_slice %arg9[%dma_start3A_129, %dma_start3A_139] : memref<2x128xi32, #tpu.memory_space<vmem>> -> memref<1x128xi32, #tpu.memory_space<vmem>>
    %dma_start3A_141 = tpu.memref_squeeze %dma_start3A_140 : memref<1x128xi32, #tpu.memory_space<vmem>> -> memref<128xi32, #tpu.memory_space<vmem>>
    %dma_start3A_142 = arith.constant 0 : i32
    %dma_start3A_143 = tpu.memref_slice %arg4[%select_n3A, %dma_start3A_142] : memref<2500x128xi32, #tpu.memory_space<hbm>> -> memref<1x128xi32, #tpu.memory_space<hbm>>
    %dma_start3A_144 = tpu.memref_squeeze %dma_start3A_143 : memref<1x128xi32, #tpu.memory_space<hbm>> -> memref<128xi32, #tpu.memory_space<hbm>>
    tpu.enqueue_dma source(%dma_start3A_144 : memref<128xi32, #tpu.memory_space<hbm>>) target(%dma_start3A_141 : memref<128xi32, #tpu.memory_space<vmem>>) target_semaphore(%dma_start3A_138 : memref<!tpu.dma_semaphore, #tpu.memory_space<semaphore_mem>>)
    %while3A = arith.constant -1 : i32
    %while3A_145 = arith.constant 0 : i32
    %while3A_146 = arith.constant 0 : i32
    %while3A_147 = arith.subi %select_n3A_95, %select_n3A : i32
    %while3A_148 = arith.addi %select_n3A, %while3A_147 : i32
    %while3A_149 = arith.constant 1 : i32
    %while3A_150 = arith.divsi %while3A_147, %while3A_149 : i32
    %while3A_151 = arith.muli %while3A_150, %while3A_149 : i32
    %while3A_152 = arith.addi %select_n3A, %while3A_151 : i32
    %while3A_153 = arith.constant 1 : i32
    %while3A_154:3 = scf.for %while3A_223 = %select_n3A to %while3A_152 step %while3A_153 iter_args(%while3A_224 = %while3A, %while3A_225 = %while3A_145, %while3A_226 = %while3A_146) -> (i32, i32, i32)  : i32 {
      %sub3A_227 = arith.subi %while3A_223, %select_n3A : i32
      %jit3A_228 = arith.constant 2 : i32
      %eq3A_229 = arith.constant 0 : i32
      %eq3A_230 = arith.cmpi eq, %jit3A_228, %eq3A_229 : i32
      %jit3A_231 = arith.constant 1 : i32
      %select_n3A_232 = arith.select %eq3A_230, %jit3A_231, %jit3A_228 : i32
      %rem3A_233 = arith.remsi %sub3A_227, %select_n3A_232 : i32
      %ne3A_234 = arith.constant 0 : i32
      %ne3A_235 = arith.cmpi ne, %rem3A_233, %ne3A_234 : i32
      %lt3A_236 = arith.constant 0 : i32
      %lt3A_237 = arith.cmpi slt, %rem3A_233, %lt3A_236 : i32
      %lt3A_238 = arith.constant 0 : i32
      %lt3A_239 = arith.cmpi slt, %select_n3A_232, %lt3A_238 : i32
      %ne3A_240 = arith.xori %lt3A_237, %lt3A_239 : i1
      %and3A_241 = arith.andi %ne3A_240, %ne3A_235 : i1
      %add3A_242 = arith.addi %rem3A_233, %select_n3A_232 : i32
      %select_n3A_243 = arith.select %and3A_241, %add3A_242, %rem3A_233 : i32
      %gt3A = arith.cmpi sgt, %while3A_223, %select_n3A : i32
      %convert_element_type3A_244 = arith.extui %gt3A : i1 to i32
      %cond3A_245 = arith.constant 0 : i32
      %cond3A_246 = arith.cmpi ne, %convert_element_type3A_244, %cond3A_245 : i32
      scf.if %cond3A_246 {
        %sub3A_315 = arith.constant 1 : i32
        %sub3A_316 = arith.subi %sub3A_315, %select_n3A_243 : i32
        %dma_wait3A_317 = arith.constant 0 : i32
        %dma_wait3A_318 = arith.constant 0 : i32
        %dma_wait3A_319 = tpu.memref_slice %arg7[%sub3A_316, %dma_wait3A_317, %dma_wait3A_318] : memref<2x128x128xf32, #tpu.memory_space<vmem>> -> memref<1x128x128xf32, #tpu.memory_space<vmem>>
        %dma_wait3A_320 = tpu.memref_squeeze %dma_wait3A_319 : memref<1x128x128xf32, #tpu.memory_space<vmem>> -> memref<128x128xf32, #tpu.memory_space<vmem>>
        %dma_wait3A_321 = arith.constant 0 : i32
        %dma_wait3A_322 = tpu.memref_slice %arg8[%sub3A_316, %dma_wait3A_321] : memref<2x128xi32, #tpu.memory_space<vmem>> -> memref<1x128xi32, #tpu.memory_space<vmem>>
        %dma_wait3A_323 = tpu.memref_squeeze %dma_wait3A_322 : memref<1x128xi32, #tpu.memory_space<vmem>> -> memref<128xi32, #tpu.memory_space<vmem>>
        %dma_wait3A_324 = arith.constant 0 : i32
        %dma_wait3A_325 = arith.constant 0 : i32
        %dma_wait3A_326 = tpu.memref_slice %arg13[%dma_wait3A_324, %dma_wait3A_325] : memref<3328x128xf32, #tpu.memory_space<vmem_shared>> -> memref<3328x128xf32, #tpu.memory_space<vmem_shared>>
        %dma_wait3A_327 = tpu.memref_slice %arg16[%sub3A_316] : memref<2x!tpu.dma_semaphore, #tpu.memory_space<semaphore_mem>> -> memref<1x!tpu.dma_semaphore, #tpu.memory_space<semaphore_mem>>
        %dma_wait3A_328 = tpu.memref_squeeze %dma_wait3A_327 : memref<1x!tpu.dma_semaphore, #tpu.memory_space<semaphore_mem>> -> memref<!tpu.dma_semaphore, #tpu.memory_space<semaphore_mem>>
        tpu.wait_indirect_dma semaphore(%dma_wait3A_328 : memref<!tpu.dma_semaphore, #tpu.memory_space<semaphore_mem>>) src(%dma_wait3A_320 : memref<128x128xf32, #tpu.memory_space<vmem>>) dst(%dma_wait3A_326 : memref<3328x128xf32, #tpu.memory_space<vmem_shared>>)
      } else {
      }
      %add3A_247 = arith.constant 1 : i32
      %add3A_248 = arith.addi %while3A_223, %add3A_247 : i32
      %lt3A_249 = arith.cmpi slt, %add3A_248, %select_n3A_95 : i32
      %convert_element_type3A_250 = arith.extui %lt3A_249 : i1 to i32
      %cond3A_251 = arith.constant 0 : i32
      %cond3A_252 = arith.cmpi ne, %convert_element_type3A_250, %cond3A_251 : i32
      scf.if %cond3A_252 {
        %add3A_315 = arith.constant 1 : i32
        %add3A_316 = arith.addi %while3A_223, %add3A_315 : i32
        %sub3A_317 = arith.constant 1 : i32
        %sub3A_318 = arith.subi %sub3A_317, %select_n3A_243 : i32
        %mul3A_319 = arith.constant 128 : i32
        %mul3A_320 = arith.muli %add3A_316, %mul3A_319 : i32
        %dma_start3A_321 = arith.constant 0 : i32
        %dma_start3A_322 = arith.constant 0 : i32
        %dma_start3A_323 = tpu.memref_slice %arg7[%sub3A_318, %dma_start3A_321, %dma_start3A_322] : memref<2x128x128xf32, #tpu.memory_space<vmem>> -> memref<1x128x128xf32, #tpu.memory_space<vmem>>
        %dma_start3A_324 = tpu.memref_squeeze %dma_start3A_323 : memref<1x128x128xf32, #tpu.memory_space<vmem>> -> memref<128x128xf32, #tpu.memory_space<vmem>>
        %dma_start3A_325 = arith.constant 0 : i32
        %dma_start3A_326 = tpu.memref_slice %arg2[%mul3A_320, %dma_start3A_325] : memref<320000x128xf32, #tpu.memory_space<hbm>> -> memref<128x128xf32, #tpu.memory_space<hbm>>
        %dma_start3A_327 = tpu.memref_slice %arg15[%sub3A_318] : memref<2x!tpu.dma_semaphore, #tpu.memory_space<semaphore_mem>> -> memref<1x!tpu.dma_semaphore, #tpu.memory_space<semaphore_mem>>
        %dma_start3A_328 = tpu.memref_squeeze %dma_start3A_327 : memref<1x!tpu.dma_semaphore, #tpu.memory_space<semaphore_mem>> -> memref<!tpu.dma_semaphore, #tpu.memory_space<semaphore_mem>>
        %dma_start3A_329 = arith.constant 0 : i32
        %dma_start3A_330 = arith.constant 0 : i32
        %dma_start3A_331 = tpu.memref_slice %arg7[%sub3A_318, %dma_start3A_329, %dma_start3A_330] : memref<2x128x128xf32, #tpu.memory_space<vmem>> -> memref<1x128x128xf32, #tpu.memory_space<vmem>>
        %dma_start3A_332 = tpu.memref_squeeze %dma_start3A_331 : memref<1x128x128xf32, #tpu.memory_space<vmem>> -> memref<128x128xf32, #tpu.memory_space<vmem>>
        %dma_start3A_333 = arith.constant 0 : i32
        %dma_start3A_334 = tpu.memref_slice %arg2[%mul3A_320, %dma_start3A_333] : memref<320000x128xf32, #tpu.memory_space<hbm>> -> memref<128x128xf32, #tpu.memory_space<hbm>>
        tpu.enqueue_dma source(%dma_start3A_334 : memref<128x128xf32, #tpu.memory_space<hbm>>) target(%dma_start3A_332 : memref<128x128xf32, #tpu.memory_space<vmem>>) target_semaphore(%dma_start3A_328 : memref<!tpu.dma_semaphore, #tpu.memory_space<semaphore_mem>>)
        %dma_start3A_335 = arith.constant 0 : i32
        %dma_start3A_336 = tpu.memref_slice %arg8[%sub3A_318, %dma_start3A_335] : memref<2x128xi32, #tpu.memory_space<vmem>> -> memref<1x128xi32, #tpu.memory_space<vmem>>
        %dma_start3A_337 = tpu.memref_squeeze %dma_start3A_336 : memref<1x128xi32, #tpu.memory_space<vmem>> -> memref<128xi32, #tpu.memory_space<vmem>>
        %dma_start3A_338 = arith.constant 0 : i32
        %dma_start3A_339 = tpu.memref_slice %arg3[%add3A_316, %dma_start3A_338] : memref<2500x128xi32, #tpu.memory_space<hbm>> -> memref<1x128xi32, #tpu.memory_space<hbm>>
        %dma_start3A_340 = tpu.memref_squeeze %dma_start3A_339 : memref<1x128xi32, #tpu.memory_space<hbm>> -> memref<128xi32, #tpu.memory_space<hbm>>
        %dma_start3A_341 = tpu.memref_slice %arg15[%sub3A_318] : memref<2x!tpu.dma_semaphore, #tpu.memory_space<semaphore_mem>> -> memref<1x!tpu.dma_semaphore, #tpu.memory_space<semaphore_mem>>
        %dma_start3A_342 = tpu.memref_squeeze %dma_start3A_341 : memref<1x!tpu.dma_semaphore, #tpu.memory_space<semaphore_mem>> -> memref<!tpu.dma_semaphore, #tpu.memory_space<semaphore_mem>>
        %dma_start3A_343 = arith.constant 0 : i32
        %dma_start3A_344 = tpu.memref_slice %arg8[%sub3A_318, %dma_start3A_343] : memref<2x128xi32, #tpu.memory_space<vmem>> -> memref<1x128xi32, #tpu.memory_space<vmem>>
        %dma_start3A_345 = tpu.memref_squeeze %dma_start3A_344 : memref<1x128xi32, #tpu.memory_space<vmem>> -> memref<128xi32, #tpu.memory_space<vmem>>
        %dma_start3A_346 = arith.constant 0 : i32
        %dma_start3A_347 = tpu.memref_slice %arg3[%add3A_316, %dma_start3A_346] : memref<2500x128xi32, #tpu.memory_space<hbm>> -> memref<1x128xi32, #tpu.memory_space<hbm>>
        %dma_start3A_348 = tpu.memref_squeeze %dma_start3A_347 : memref<1x128xi32, #tpu.memory_space<hbm>> -> memref<128xi32, #tpu.memory_space<hbm>>
        tpu.enqueue_dma source(%dma_start3A_348 : memref<128xi32, #tpu.memory_space<hbm>>) target(%dma_start3A_345 : memref<128xi32, #tpu.memory_space<vmem>>) target_semaphore(%dma_start3A_342 : memref<!tpu.dma_semaphore, #tpu.memory_space<semaphore_mem>>)
        %dma_start3A_349 = arith.constant 0 : i32
        %dma_start3A_350 = tpu.memref_slice %arg9[%sub3A_318, %dma_start3A_349] : memref<2x128xi32, #tpu.memory_space<vmem>> -> memref<1x128xi32, #tpu.memory_space<vmem>>
        %dma_start3A_351 = tpu.memref_squeeze %dma_start3A_350 : memref<1x128xi32, #tpu.memory_space<vmem>> -> memref<128xi32, #tpu.memory_space<vmem>>
        %dma_start3A_352 = arith.constant 0 : i32
        %dma_start3A_353 = tpu.memref_slice %arg4[%add3A_316, %dma_start3A_352] : memref<2500x128xi32, #tpu.memory_space<hbm>> -> memref<1x128xi32, #tpu.memory_space<hbm>>
        %dma_start3A_354 = tpu.memref_squeeze %dma_start3A_353 : memref<1x128xi32, #tpu.memory_space<hbm>> -> memref<128xi32, #tpu.memory_space<hbm>>
        %dma_start3A_355 = tpu.memref_slice %arg15[%sub3A_318] : memref<2x!tpu.dma_semaphore, #tpu.memory_space<semaphore_mem>> -> memref<1x!tpu.dma_semaphore, #tpu.memory_space<semaphore_mem>>
        %dma_start3A_356 = tpu.memref_squeeze %dma_start3A_355 : memref<1x!tpu.dma_semaphore, #tpu.memory_space<semaphore_mem>> -> memref<!tpu.dma_semaphore, #tpu.memory_space<semaphore_mem>>
        %dma_start3A_357 = arith.constant 0 : i32
        %dma_start3A_358 = tpu.memref_slice %arg9[%sub3A_318, %dma_start3A_357] : memref<2x128xi32, #tpu.memory_space<vmem>> -> memref<1x128xi32, #tpu.memory_space<vmem>>
        %dma_start3A_359 = tpu.memref_squeeze %dma_start3A_358 : memref<1x128xi32, #tpu.memory_space<vmem>> -> memref<128xi32, #tpu.memory_space<vmem>>
        %dma_start3A_360 = arith.constant 0 : i32
        %dma_start3A_361 = tpu.memref_slice %arg4[%add3A_316, %dma_start3A_360] : memref<2500x128xi32, #tpu.memory_space<hbm>> -> memref<1x128xi32, #tpu.memory_space<hbm>>
        %dma_start3A_362 = tpu.memref_squeeze %dma_start3A_361 : memref<1x128xi32, #tpu.memory_space<hbm>> -> memref<128xi32, #tpu.memory_space<hbm>>
        tpu.enqueue_dma source(%dma_start3A_362 : memref<128xi32, #tpu.memory_space<hbm>>) target(%dma_start3A_359 : memref<128xi32, #tpu.memory_space<vmem>>) target_semaphore(%dma_start3A_356 : memref<!tpu.dma_semaphore, #tpu.memory_space<semaphore_mem>>)
      } else {
      }
      %mul3A_253 = arith.constant 128 : i32
      %mul3A_254 = arith.muli %while3A_223, %mul3A_253 : i32
      %dma_wait3A_255 = arith.constant 0 : i32
      %dma_wait3A_256 = arith.constant 0 : i32
      %dma_wait3A_257 = tpu.memref_slice %arg7[%select_n3A_243, %dma_wait3A_255, %dma_wait3A_256] : memref<2x128x128xf32, #tpu.memory_space<vmem>> -> memref<1x128x128xf32, #tpu.memory_space<vmem>>
      %dma_wait3A_258 = tpu.memref_squeeze %dma_wait3A_257 : memref<1x128x128xf32, #tpu.memory_space<vmem>> -> memref<128x128xf32, #tpu.memory_space<vmem>>
      %dma_wait3A_259 = arith.constant 0 : i32
      %dma_wait3A_260 = tpu.memref_slice %arg2[%mul3A_254, %dma_wait3A_259] : memref<320000x128xf32, #tpu.memory_space<hbm>> -> memref<128x128xf32, #tpu.memory_space<hbm>>
      %dma_wait3A_261 = tpu.memref_slice %arg15[%select_n3A_243] : memref<2x!tpu.dma_semaphore, #tpu.memory_space<semaphore_mem>> -> memref<1x!tpu.dma_semaphore, #tpu.memory_space<semaphore_mem>>
      %dma_wait3A_262 = tpu.memref_squeeze %dma_wait3A_261 : memref<1x!tpu.dma_semaphore, #tpu.memory_space<semaphore_mem>> -> memref<!tpu.dma_semaphore, #tpu.memory_space<semaphore_mem>>
      %dma_wait3A_263 = arith.constant 0 : i32
      %dma_wait3A_264 = arith.constant 0 : i32
      %dma_wait3A_265 = tpu.memref_slice %arg7[%select_n3A_243, %dma_wait3A_263, %dma_wait3A_264] : memref<2x128x128xf32, #tpu.memory_space<vmem>> -> memref<1x128x128xf32, #tpu.memory_space<vmem>>
      %dma_wait3A_266 = tpu.memref_squeeze %dma_wait3A_265 : memref<1x128x128xf32, #tpu.memory_space<vmem>> -> memref<128x128xf32, #tpu.memory_space<vmem>>
      %dma_wait3A_267 = arith.constant 0 : i32
      %dma_wait3A_268 = tpu.memref_slice %arg2[%mul3A_254, %dma_wait3A_267] : memref<320000x128xf32, #tpu.memory_space<hbm>> -> memref<128x128xf32, #tpu.memory_space<hbm>>
      tpu.wait_dma2 semaphore(%dma_wait3A_262 : memref<!tpu.dma_semaphore, #tpu.memory_space<semaphore_mem>>) src(%dma_wait3A_268 : memref<128x128xf32, #tpu.memory_space<hbm>>) dst(%dma_wait3A_266 : memref<128x128xf32, #tpu.memory_space<vmem>>)
      %dma_wait3A_269 = arith.constant 0 : i32
      %dma_wait3A_270 = tpu.memref_slice %arg8[%select_n3A_243, %dma_wait3A_269] : memref<2x128xi32, #tpu.memory_space<vmem>> -> memref<1x128xi32, #tpu.memory_space<vmem>>
      %dma_wait3A_271 = tpu.memref_squeeze %dma_wait3A_270 : memref<1x128xi32, #tpu.memory_space<vmem>> -> memref<128xi32, #tpu.memory_space<vmem>>
      %dma_wait3A_272 = arith.constant 0 : i32
      %dma_wait3A_273 = tpu.memref_slice %arg3[%while3A_223, %dma_wait3A_272] : memref<2500x128xi32, #tpu.memory_space<hbm>> -> memref<1x128xi32, #tpu.memory_space<hbm>>
      %dma_wait3A_274 = tpu.memref_squeeze %dma_wait3A_273 : memref<1x128xi32, #tpu.memory_space<hbm>> -> memref<128xi32, #tpu.memory_space<hbm>>
      %dma_wait3A_275 = tpu.memref_slice %arg15[%select_n3A_243] : memref<2x!tpu.dma_semaphore, #tpu.memory_space<semaphore_mem>> -> memref<1x!tpu.dma_semaphore, #tpu.memory_space<semaphore_mem>>
      %dma_wait3A_276 = tpu.memref_squeeze %dma_wait3A_275 : memref<1x!tpu.dma_semaphore, #tpu.memory_space<semaphore_mem>> -> memref<!tpu.dma_semaphore, #tpu.memory_space<semaphore_mem>>
      %dma_wait3A_277 = arith.constant 0 : i32
      %dma_wait3A_278 = tpu.memref_slice %arg8[%select_n3A_243, %dma_wait3A_277] : memref<2x128xi32, #tpu.memory_space<vmem>> -> memref<1x128xi32, #tpu.memory_space<vmem>>
      %dma_wait3A_279 = tpu.memref_squeeze %dma_wait3A_278 : memref<1x128xi32, #tpu.memory_space<vmem>> -> memref<128xi32, #tpu.memory_space<vmem>>
      %dma_wait3A_280 = arith.constant 0 : i32
      %dma_wait3A_281 = tpu.memref_slice %arg3[%while3A_223, %dma_wait3A_280] : memref<2500x128xi32, #tpu.memory_space<hbm>> -> memref<1x128xi32, #tpu.memory_space<hbm>>
      %dma_wait3A_282 = tpu.memref_squeeze %dma_wait3A_281 : memref<1x128xi32, #tpu.memory_space<hbm>> -> memref<128xi32, #tpu.memory_space<hbm>>
      tpu.wait_dma2 semaphore(%dma_wait3A_276 : memref<!tpu.dma_semaphore, #tpu.memory_space<semaphore_mem>>) src(%dma_wait3A_282 : memref<128xi32, #tpu.memory_space<hbm>>) dst(%dma_wait3A_279 : memref<128xi32, #tpu.memory_space<vmem>>)
      %dma_wait3A_283 = arith.constant 0 : i32
      %dma_wait3A_284 = tpu.memref_slice %arg9[%select_n3A_243, %dma_wait3A_283] : memref<2x128xi32, #tpu.memory_space<vmem>> -> memref<1x128xi32, #tpu.memory_space<vmem>>
      %dma_wait3A_285 = tpu.memref_squeeze %dma_wait3A_284 : memref<1x128xi32, #tpu.memory_space<vmem>> -> memref<128xi32, #tpu.memory_space<vmem>>
      %dma_wait3A_286 = arith.constant 0 : i32
      %dma_wait3A_287 = tpu.memref_slice %arg4[%while3A_223, %dma_wait3A_286] : memref<2500x128xi32, #tpu.memory_space<hbm>> -> memref<1x128xi32, #tpu.memory_space<hbm>>
      %dma_wait3A_288 = tpu.memref_squeeze %dma_wait3A_287 : memref<1x128xi32, #tpu.memory_space<hbm>> -> memref<128xi32, #tpu.memory_space<hbm>>
      %dma_wait3A_289 = tpu.memref_slice %arg15[%select_n3A_243] : memref<2x!tpu.dma_semaphore, #tpu.memory_space<semaphore_mem>> -> memref<1x!tpu.dma_semaphore, #tpu.memory_space<semaphore_mem>>
      %dma_wait3A_290 = tpu.memref_squeeze %dma_wait3A_289 : memref<1x!tpu.dma_semaphore, #tpu.memory_space<semaphore_mem>> -> memref<!tpu.dma_semaphore, #tpu.memory_space<semaphore_mem>>
      %dma_wait3A_291 = arith.constant 0 : i32
      %dma_wait3A_292 = tpu.memref_slice %arg9[%select_n3A_243, %dma_wait3A_291] : memref<2x128xi32, #tpu.memory_space<vmem>> -> memref<1x128xi32, #tpu.memory_space<vmem>>
      %dma_wait3A_293 = tpu.memref_squeeze %dma_wait3A_292 : memref<1x128xi32, #tpu.memory_space<vmem>> -> memref<128xi32, #tpu.memory_space<vmem>>
      %dma_wait3A_294 = arith.constant 0 : i32
      %dma_wait3A_295 = tpu.memref_slice %arg4[%while3A_223, %dma_wait3A_294] : memref<2500x128xi32, #tpu.memory_space<hbm>> -> memref<1x128xi32, #tpu.memory_space<hbm>>
      %dma_wait3A_296 = tpu.memref_squeeze %dma_wait3A_295 : memref<1x128xi32, #tpu.memory_space<hbm>> -> memref<128xi32, #tpu.memory_space<hbm>>
      tpu.wait_dma2 semaphore(%dma_wait3A_290 : memref<!tpu.dma_semaphore, #tpu.memory_space<semaphore_mem>>) src(%dma_wait3A_296 : memref<128xi32, #tpu.memory_space<hbm>>) dst(%dma_wait3A_293 : memref<128xi32, #tpu.memory_space<vmem>>)
      %dma_start3A_297 = arith.constant 0 : i32
      %dma_start3A_298 = arith.constant 0 : i32
      %dma_start3A_299 = tpu.memref_slice %arg7[%select_n3A_243, %dma_start3A_297, %dma_start3A_298] : memref<2x128x128xf32, #tpu.memory_space<vmem>> -> memref<1x128x128xf32, #tpu.memory_space<vmem>>
      %dma_start3A_300 = tpu.memref_squeeze %dma_start3A_299 : memref<1x128x128xf32, #tpu.memory_space<vmem>> -> memref<128x128xf32, #tpu.memory_space<vmem>>
      %dma_start3A_301 = arith.constant 0 : i32
      %dma_start3A_302 = tpu.memref_slice %arg8[%select_n3A_243, %dma_start3A_301] : memref<2x128xi32, #tpu.memory_space<vmem>> -> memref<1x128xi32, #tpu.memory_space<vmem>>
      %dma_start3A_303 = tpu.memref_squeeze %dma_start3A_302 : memref<1x128xi32, #tpu.memory_space<vmem>> -> memref<128xi32, #tpu.memory_space<vmem>>
      %dma_start3A_304 = arith.constant 0 : i32
      %dma_start3A_305 = arith.constant 0 : i32
      %dma_start3A_306 = tpu.memref_slice %arg13[%dma_start3A_304, %dma_start3A_305] : memref<3328x128xf32, #tpu.memory_space<vmem_shared>> -> memref<3328x128xf32, #tpu.memory_space<vmem_shared>>
      %dma_start3A_307 = tpu.memref_slice %arg16[%select_n3A_243] : memref<2x!tpu.dma_semaphore, #tpu.memory_space<semaphore_mem>> -> memref<1x!tpu.dma_semaphore, #tpu.memory_space<semaphore_mem>>
      %dma_start3A_308 = tpu.memref_squeeze %dma_start3A_307 : memref<1x!tpu.dma_semaphore, #tpu.memory_space<semaphore_mem>> -> memref<!tpu.dma_semaphore, #tpu.memory_space<semaphore_mem>>
      tpu.enqueue_indirect_dma source(%dma_start3A_300 : memref<128x128xf32, #tpu.memory_space<vmem>>) target(%dma_start3A_306 : memref<3328x128xf32, #tpu.memory_space<vmem_shared>>) offsets(%dma_start3A_303 : memref<128xi32, #tpu.memory_space<vmem>>) semaphore(%dma_start3A_308 : memref<!tpu.dma_semaphore, #tpu.memory_space<semaphore_mem>>) {add = true}
      %scan3A_309 = arith.constant 0 : i32
      %scan3A_310 = arith.constant 8 : i32
      %scan3A_311 = arith.addi %scan3A_309, %scan3A_310 : i32
      %scan3A_312 = arith.constant 1 : i32
      %scan3A_313:3 = scf.for %scan3A_315 = %scan3A_309 to %scan3A_311 step %scan3A_312 iter_args(%scan3A_316 = %while3A_224, %scan3A_317 = %while3A_225, %scan3A_318 = %while3A_226) -> (i32, i32, i32)  : i32 {
        %mul3A_319 = arith.constant 16 : i32
        %mul3A_320 = arith.muli %scan3A_315, %mul3A_319 : i32
        %get3A = arith.index_cast %select_n3A_243 : i32 to index
        %get3A_321 = arith.index_cast %mul3A_320 : i32 to index
        %get3A_322 = tpu.vector_load %arg8[%get3A, %get3A_321] {strides = array<i32>} : memref<2x128xi32, #tpu.memory_space<vmem>>, vector<1x16xi32>,
        %get3A_323 = vector.shape_cast %get3A_322 : vector<1x16xi32> to vector<16xi32>
        %mul3A_324 = arith.constant 16 : i32
        %mul3A_325 = arith.muli %scan3A_315, %mul3A_324 : i32
        %get3A_326 = arith.index_cast %select_n3A_243 : i32 to index
        %get3A_327 = arith.index_cast %mul3A_325 : i32 to index
        %get3A_328 = tpu.vector_load %arg9[%get3A_326, %get3A_327] {strides = array<i32>} : memref<2x128xi32, #tpu.memory_space<vmem>>, vector<1x16xi32>,
        %get3A_329 = vector.shape_cast %get3A_328 : vector<1x16xi32> to vector<16xi32>
        %slice3A = vector.extract_strided_slice %get3A_323 {offsets = [0], sizes = [1], strides = [1]} : vector<16xi32> to vector<1xi32>
        %squeeze3A = vector.extract %slice3A[0] : i32 from vector<1xi32>
        %slice3A_330 = vector.extract_strided_slice %get3A_323 {offsets = [15], sizes = [1], strides = [1]} : vector<16xi32> to vector<1xi32>
        %squeeze3A_331 = vector.extract %slice3A_330[0] : i32 from vector<1xi32>
        %gt3A_332 = arith.constant 111 : i32
        %gt3A_333 = arith.cmpi sgt, %scan3A_317, %gt3A_332 : i32
        %convert_element_type3A_334 = arith.extui %gt3A_333 : i1 to i32
        %cond3A_335 = arith.constant 0 : i32
        %cond3A_336 = arith.cmpi ne, %convert_element_type3A_334, %cond3A_335 : i32
        scf.if %cond3A_336 {
          "tpu.region"() ({
            %run_scoped3A_387 = tpu.sem_alloc : memref<!tpu.dma_semaphore, #tpu.memory_space<semaphore_mem>>
            %dma_start3A_388 = arith.constant 0 : i32
            %dma_start3A_389 = arith.constant 0 : i32
            %dma_start3A_390 = tpu.memref_slice %arg14[%dma_start3A_388, %dma_start3A_389] : memref<3328x128xf32, #tpu.memory_space<vmem_shared>> -> memref<3328x128xf32, #tpu.memory_space<vmem_shared>>
            tpu.enqueue_indirect_dma source(%arg10 : memref<128x128xf32, #tpu.memory_space<vmem>>) target(%dma_start3A_390 : memref<3328x128xf32, #tpu.memory_space<vmem_shared>>) offsets(%arg11 : memref<128xi32, #tpu.memory_space<vmem>>) semaphore(%run_scoped3A_387 : memref<!tpu.dma_semaphore, #tpu.memory_space<semaphore_mem>>) {add = true}
            %dma_wait3A_391 = arith.constant 0 : i32
            %dma_wait3A_392 = arith.constant 0 : i32
            %dma_wait3A_393 = tpu.memref_slice %arg14[%dma_wait3A_391, %dma_wait3A_392] : memref<3328x128xf32, #tpu.memory_space<vmem_shared>> -> memref<3328x128xf32, #tpu.memory_space<vmem_shared>>
            tpu.wait_indirect_dma semaphore(%run_scoped3A_387 : memref<!tpu.dma_semaphore, #tpu.memory_space<semaphore_mem>>) src(%arg10 : memref<128x128xf32, #tpu.memory_space<vmem>>) dst(%dma_wait3A_393 : memref<3328x128xf32, #tpu.memory_space<vmem_shared>>)
            tpu.yield
          }) : () -> ()
          %swap3A_355 = arith.constant 0 : index
          %swap3A_356 = tpu.vector_load %arg11[%swap3A_355] {strides = array<i32>} : memref<128xi32, #tpu.memory_space<vmem>>, vector<16xi32>,
          %swap3A_357 = vector.shape_cast %swap3A_356 : vector<16xi32> to vector<16xi32>
          %swap3A_358 = vector.shape_cast %broadcast_in_dim3A_3 : vector<16xi32> to vector<16xi32>
          tpu.vector_store %arg11[%swap3A_355], %swap3A_358 {strides = array<i32>} : memref<128xi32, #tpu.memory_space<vmem>>, vector<16xi32>,
          %swap3A_359 = arith.constant 16 : index
          %swap3A_360 = tpu.vector_load %arg11[%swap3A_359] {strides = array<i32>} : memref<128xi32, #tpu.memory_space<vmem>>, vector<16xi32>,
          %swap3A_361 = vector.shape_cast %swap3A_360 : vector<16xi32> to vector<16xi32>
          %swap3A_362 = vector.shape_cast %broadcast_in_dim3A_3 : vector<16xi32> to vector<16xi32>
          tpu.vector_store %arg11[%swap3A_359], %swap3A_362 {strides = array<i32>} : memref<128xi32, #tpu.memory_space<vmem>>, vector<16xi32>,
          %swap3A_363 = arith.constant 32 : index
          %swap3A_364 = tpu.vector_load %arg11[%swap3A_363] {strides = array<i32>} : memref<128xi32, #tpu.memory_space<vmem>>, vector<16xi32>,
          %swap3A_365 = vector.shape_cast %swap3A_364 : vector<16xi32> to vector<16xi32>
          %swap3A_366 = vector.shape_cast %broadcast_in_dim3A_3 : vector<16xi32> to vector<16xi32>
          tpu.vector_store %arg11[%swap3A_363], %swap3A_366 {strides = array<i32>} : memref<128xi32, #tpu.memory_space<vmem>>, vector<16xi32>,
          %swap3A_367 = arith.constant 48 : index
          %swap3A_368 = tpu.vector_load %arg11[%swap3A_367] {strides = array<i32>} : memref<128xi32, #tpu.memory_space<vmem>>, vector<16xi32>,
          %swap3A_369 = vector.shape_cast %swap3A_368 : vector<16xi32> to vector<16xi32>
          %swap3A_370 = vector.shape_cast %broadcast_in_dim3A_3 : vector<16xi32> to vector<16xi32>
          tpu.vector_store %arg11[%swap3A_367], %swap3A_370 {strides = array<i32>} : memref<128xi32, #tpu.memory_space<vmem>>, vector<16xi32>,
          %swap3A_371 = arith.constant 64 : index
          %swap3A_372 = tpu.vector_load %arg11[%swap3A_371] {strides = array<i32>} : memref<128xi32, #tpu.memory_space<vmem>>, vector<16xi32>,
          %swap3A_373 = vector.shape_cast %swap3A_372 : vector<16xi32> to vector<16xi32>
          %swap3A_374 = vector.shape_cast %broadcast_in_dim3A_3 : vector<16xi32> to vector<16xi32>
          tpu.vector_store %arg11[%swap3A_371], %swap3A_374 {strides = array<i32>} : memref<128xi32, #tpu.memory_space<vmem>>, vector<16xi32>,
          %swap3A_375 = arith.constant 80 : index
          %swap3A_376 = tpu.vector_load %arg11[%swap3A_375] {strides = array<i32>} : memref<128xi32, #tpu.memory_space<vmem>>, vector<16xi32>,
          %swap3A_377 = vector.shape_cast %swap3A_376 : vector<16xi32> to vector<16xi32>
          %swap3A_378 = vector.shape_cast %broadcast_in_dim3A_3 : vector<16xi32> to vector<16xi32>
          tpu.vector_store %arg11[%swap3A_375], %swap3A_378 {strides = array<i32>} : memref<128xi32, #tpu.memory_space<vmem>>, vector<16xi32>,
          %swap3A_379 = arith.constant 96 : index
          %swap3A_380 = tpu.vector_load %arg11[%swap3A_379] {strides = array<i32>} : memref<128xi32, #tpu.memory_space<vmem>>, vector<16xi32>,
          %swap3A_381 = vector.shape_cast %swap3A_380 : vector<16xi32> to vector<16xi32>
          %swap3A_382 = vector.shape_cast %broadcast_in_dim3A_3 : vector<16xi32> to vector<16xi32>
          tpu.vector_store %arg11[%swap3A_379], %swap3A_382 {strides = array<i32>} : memref<128xi32, #tpu.memory_space<vmem>>, vector<16xi32>,
          %swap3A_383 = arith.constant 112 : index
          %swap3A_384 = tpu.vector_load %arg11[%swap3A_383] {strides = array<i32>} : memref<128xi32, #tpu.memory_space<vmem>>, vector<16xi32>,
          %swap3A_385 = vector.shape_cast %swap3A_384 : vector<16xi32> to vector<16xi32>
          %swap3A_386 = vector.shape_cast %broadcast_in_dim3A_3 : vector<16xi32> to vector<16xi32>
          tpu.vector_store %arg11[%swap3A_383], %swap3A_386 {strides = array<i32>} : memref<128xi32, #tpu.memory_space<vmem>>, vector<16xi32>,
        } else {
        }
        %jit3A_337 = arith.constant 0 : i32
        %select_n3A_338 = arith.select %gt3A_333, %jit3A_337, %scan3A_317 : i32
        %ne3A_339 = arith.cmpi ne, %squeeze3A, %scan3A_316 : i32
        %eq3A_340 = arith.constant 1 : i32
        %eq3A_341 = arith.cmpi eq, %scan3A_318, %eq3A_340 : i32
        %and3A_342 = arith.andi %ne3A_339, %eq3A_341 : i1
        %convert_element_type3A_343 = arith.extui %and3A_342 : i1 to i32
        %cond3A_344 = arith.constant 0 : i32
        %cond3A_345 = arith.cmpi ne, %convert_element_type3A_343, %cond3A_344 : i32
        scf.if %cond3A_345 {
          %get3A_355 = arith.constant 0 : index
          %get3A_356 = tpu.vector_load %arg12[%get3A_355] {strides = array<i32>} : memref<16xf32, #tpu.memory_space<vmem>>, vector<16xf32>,
          %get3A_357 = vector.shape_cast %get3A_356 : vector<16xf32> to vector<16xf32>
          %swap3A_358 = arith.index_cast %select_n3A_338 : i32 to index
          %swap3A_359 = arith.constant 0 : index
          %swap3A_360 = tpu.vector_load %arg10[%swap3A_358, %swap3A_359] {strides = array<i32>} : memref<128x128xf32, #tpu.memory_space<vmem>>, vector<1x16xf32>,
          %swap3A_361 = vector.shape_cast %swap3A_360 : vector<1x16xf32> to vector<16xf32>
          %swap3A_362 = vector.shape_cast %get3A_357 : vector<16xf32> to vector<1x16xf32>
          tpu.vector_store %arg10[%swap3A_358, %swap3A_359], %swap3A_362 {strides = array<i32>} : memref<128x128xf32, #tpu.memory_space<vmem>>, vector<1x16xf32>,
          %jit3A_363 = arith.constant 16 : i32
          %div3A_364 = arith.divsi %select_n3A_338, %jit3A_363 : i32
          %sign3A_365 = arith.constant 0 : i32
          %sign3A_366 = arith.cmpi sgt, %select_n3A_338, %sign3A_365 : i32
          %sign3A_367 = arith.extui %sign3A_366 : i1 to i32
          %sign3A_368 = arith.constant 0 : i32
          %sign3A_369 = arith.cmpi slt, %select_n3A_338, %sign3A_368 : i32
          %sign3A_370 = arith.extui %sign3A_369 : i1 to i32
          %sign3A_371 = arith.subi %sign3A_367, %sign3A_370 : i32
          %sign3A_372 = arith.constant 0 : i32
          %sign3A_373 = arith.cmpi sgt, %jit3A_363, %sign3A_372 : i32
          %sign3A_374 = arith.extui %sign3A_373 : i1 to i32
          %sign3A_375 = arith.constant 0 : i32
          %sign3A_376 = arith.cmpi slt, %jit3A_363, %sign3A_375 : i32
          %sign3A_377 = arith.extui %sign3A_376 : i1 to i32
          %sign3A_378 = arith.subi %sign3A_374, %sign3A_377 : i32
          %ne3A_379 = arith.cmpi ne, %sign3A_371, %sign3A_378 : i32
          %rem3A_380 = arith.remsi %select_n3A_338, %jit3A_363 : i32
          %ne3A_381 = arith.constant 0 : i32
          %ne3A_382 = arith.cmpi ne, %rem3A_380, %ne3A_381 : i32
          %and3A_383 = arith.andi %ne3A_379, %ne3A_382 : i1
          %sub3A_384 = arith.constant 1 : i32
          %sub3A_385 = arith.subi %div3A_364, %sub3A_384 : i32
          %select_n3A_386 = arith.select %and3A_383, %sub3A_385, %div3A_364 : i32
          %mul3A_387 = arith.constant 16 : i32
          %mul3A_388 = arith.muli %select_n3A_386, %mul3A_387 : i32
          %jit3A_389 = arith.constant 16 : i32
          %eq3A_390 = arith.constant 0 : i32
          %eq3A_391 = arith.cmpi eq, %jit3A_389, %eq3A_390 : i32
          %jit3A_392 = arith.constant 1 : i32
          %select_n3A_393 = arith.select %eq3A_391, %jit3A_392, %jit3A_389 : i32
          %rem3A_394 = arith.remsi %select_n3A_338, %select_n3A_393 : i32
          %ne3A_395 = arith.constant 0 : i32
          %ne3A_396 = arith.cmpi ne, %rem3A_394, %ne3A_395 : i32
          %lt3A_397 = arith.constant 0 : i32
          %lt3A_398 = arith.cmpi slt, %rem3A_394, %lt3A_397 : i32
          %lt3A_399 = arith.constant 0 : i32
          %lt3A_400 = arith.cmpi slt, %select_n3A_393, %lt3A_399 : i32
          %ne3A_401 = arith.xori %lt3A_398, %lt3A_400 : i1
          %and3A_402 = arith.andi %ne3A_401, %ne3A_396 : i1
          %add3A_403 = arith.addi %rem3A_394, %select_n3A_393 : i32
          %select_n3A_404 = arith.select %and3A_402, %add3A_403, %rem3A_394 : i32
          %get3A_405 = arith.index_cast %mul3A_388 : i32 to index
          %get3A_406 = tpu.vector_load %arg11[%get3A_405] {strides = array<i32>} : memref<128xi32, #tpu.memory_space<vmem>>, vector<16xi32>,
          %get3A_407 = vector.shape_cast %get3A_406 : vector<16xi32> to vector<16xi32>
          %eq3A_408 = vector.broadcast %select_n3A_404 : i32 to vector<16xi32>
          %eq3A_409 = arith.cmpi eq, %iota3A, %eq3A_408 : vector<16xi32>
          %broadcast_in_dim3A_410 = vector.broadcast %scan3A_316 : i32 to vector<16xi32>
          %select_n3A_411 = arith.select %eq3A_409, %broadcast_in_dim3A_410, %get3A_407 : vector<16xi1>, vector<16xi32>
          %swap3A_412 = arith.index_cast %mul3A_388 : i32 to index
          %swap3A_413 = tpu.vector_load %arg11[%swap3A_412] {strides = array<i32>} : memref<128xi32, #tpu.memory_space<vmem>>, vector<16xi32>,
          %swap3A_414 = vector.shape_cast %swap3A_413 : vector<16xi32> to vector<16xi32>
          %swap3A_415 = vector.shape_cast %select_n3A_411 : vector<16xi32> to vector<16xi32>
          tpu.vector_store %arg11[%swap3A_412], %swap3A_415 {strides = array<i32>} : memref<128xi32, #tpu.memory_space<vmem>>, vector<16xi32>,
        } else {
        }
        %add3A_346 = arith.constant 1 : i32
        %add3A_347 = arith.addi %select_n3A_338, %add3A_346 : i32
        %select_n3A_348 = arith.select %and3A_342, %add3A_347, %select_n3A_338 : i32
        %eq3A_349 = arith.cmpi eq, %squeeze3A, %squeeze3A_331 : i32
        %convert_element_type3A_350 = arith.extui %eq3A_349 : i1 to i32
        %cond3A_351 = arith.constant 0 : i32
        %cond3A_352 = arith.cmpi ne, %convert_element_type3A_350, %cond3A_351 : i32
        %cond3A_353 = scf.if %cond3A_352 -> (i32) {
          %get3A_355 = arith.constant 0 : index
          %get3A_356 = tpu.vector_load %arg12[%get3A_355] {strides = array<i32>} : memref<16xf32, #tpu.memory_space<vmem>>, vector<16xf32>,
          %get3A_357 = vector.shape_cast %get3A_356 : vector<16xf32> to vector<16xf32>
          %jit3A_358 = arith.constant 0.000000e+00 : f32
          %broadcast_in_dim3A_359 = vector.broadcast %jit3A_358 : f32 to vector<16xf32>
          %select_n3A_360 = arith.select %ne3A_339, %broadcast_in_dim3A_359, %get3A_357 : vector<16xf32>
          %slice3A_361 = vector.extract_strided_slice %get3A_329 {offsets = [0], sizes = [1], strides = [1]} : vector<16xi32> to vector<1xi32>
          %squeeze3A_362 = vector.extract %slice3A_361[0] : i32 from vector<1xi32>
          %eq3A_363 = vector.broadcast %squeeze3A_362 : i32 to vector<16xi32>
          %eq3A_364 = arith.cmpi eq, %iota3A, %eq3A_363 : vector<16xi32>
          %jit3A_365 = arith.constant 1.000000e+00 : f32
          %jit3A_366 = arith.constant 0.000000e+00 : f32
          %broadcast_in_dim3A_367 = vector.broadcast %jit3A_365 : f32 to vector<16xf32>
          %broadcast_in_dim3A_368 = vector.broadcast %jit3A_366 : f32 to vector<16xf32>
          %select_n3A_369 = arith.select %eq3A_364, %broadcast_in_dim3A_367, %broadcast_in_dim3A_368 : vector<16xi1>, vector<16xf32>
          %slice3A_370 = vector.extract_strided_slice %get3A_329 {offsets = [1], sizes = [1], strides = [1]} : vector<16xi32> to vector<1xi32>
          %squeeze3A_371 = vector.extract %slice3A_370[0] : i32 from vector<1xi32>
          %eq3A_372 = vector.broadcast %squeeze3A_371 : i32 to vector<16xi32>
          %eq3A_373 = arith.cmpi eq, %iota3A, %eq3A_372 : vector<16xi32>
          %jit3A_374 = arith.constant 1.000000e+00 : f32
          %jit3A_375 = arith.constant 0.000000e+00 : f32
          %broadcast_in_dim3A_376 = vector.broadcast %jit3A_374 : f32 to vector<16xf32>
          %broadcast_in_dim3A_377 = vector.broadcast %jit3A_375 : f32 to vector<16xf32>
          %select_n3A_378 = arith.select %eq3A_373, %broadcast_in_dim3A_376, %broadcast_in_dim3A_377 : vector<16xi1>, vector<16xf32>
          %add3A_379 = arith.addf %select_n3A_369, %select_n3A_378 : vector<16xf32>
          %slice3A_380 = vector.extract_strided_slice %get3A_329 {offsets = [2], sizes = [1], strides = [1]} : vector<16xi32> to vector<1xi32>
          %squeeze3A_381 = vector.extract %slice3A_380[0] : i32 from vector<1xi32>
          %eq3A_382 = vector.broadcast %squeeze3A_381 : i32 to vector<16xi32>
          %eq3A_383 = arith.cmpi eq, %iota3A, %eq3A_382 : vector<16xi32>
          %jit3A_384 = arith.constant 1.000000e+00 : f32
          %jit3A_385 = arith.constant 0.000000e+00 : f32
          %broadcast_in_dim3A_386 = vector.broadcast %jit3A_384 : f32 to vector<16xf32>
          %broadcast_in_dim3A_387 = vector.broadcast %jit3A_385 : f32 to vector<16xf32>
          %select_n3A_388 = arith.select %eq3A_383, %broadcast_in_dim3A_386, %broadcast_in_dim3A_387 : vector<16xi1>, vector<16xf32>
          %add3A_389 = arith.addf %add3A_379, %select_n3A_388 : vector<16xf32>
          %slice3A_390 = vector.extract_strided_slice %get3A_329 {offsets = [3], sizes = [1], strides = [1]} : vector<16xi32> to vector<1xi32>
          %squeeze3A_391 = vector.extract %slice3A_390[0] : i32 from vector<1xi32>
          %eq3A_392 = vector.broadcast %squeeze3A_391 : i32 to vector<16xi32>
          %eq3A_393 = arith.cmpi eq, %iota3A, %eq3A_392 : vector<16xi32>
          %jit3A_394 = arith.constant 1.000000e+00 : f32
          %jit3A_395 = arith.constant 0.000000e+00 : f32
          %broadcast_in_dim3A_396 = vector.broadcast %jit3A_394 : f32 to vector<16xf32>
          %broadcast_in_dim3A_397 = vector.broadcast %jit3A_395 : f32 to vector<16xf32>
          %select_n3A_398 = arith.select %eq3A_393, %broadcast_in_dim3A_396, %broadcast_in_dim3A_397 : vector<16xi1>, vector<16xf32>
          %add3A_399 = arith.addf %add3A_389, %select_n3A_398 : vector<16xf32>
          %slice3A_400 = vector.extract_strided_slice %get3A_329 {offsets = [4], sizes = [1], strides = [1]} : vector<16xi32> to vector<1xi32>
          %squeeze3A_401 = vector.extract %slice3A_400[0] : i32 from vector<1xi32>
          %eq3A_402 = vector.broadcast %squeeze3A_401 : i32 to vector<16xi32>
          %eq3A_403 = arith.cmpi eq, %iota3A, %eq3A_402 : vector<16xi32>
          %jit3A_404 = arith.constant 1.000000e+00 : f32
          %jit3A_405 = arith.constant 0.000000e+00 : f32
          %broadcast_in_dim3A_406 = vector.broadcast %jit3A_404 : f32 to vector<16xf32>
          %broadcast_in_dim3A_407 = vector.broadcast %jit3A_405 : f32 to vector<16xf32>
          %select_n3A_408 = arith.select %eq3A_403, %broadcast_in_dim3A_406, %broadcast_in_dim3A_407 : vector<16xi1>, vector<16xf32>
          %add3A_409 = arith.addf %add3A_399, %select_n3A_408 : vector<16xf32>
          %slice3A_410 = vector.extract_strided_slice %get3A_329 {offsets = [5], sizes = [1], strides = [1]} : vector<16xi32> to vector<1xi32>
          %squeeze3A_411 = vector.extract %slice3A_410[0] : i32 from vector<1xi32>
          %eq3A_412 = vector.broadcast %squeeze3A_411 : i32 to vector<16xi32>
          %eq3A_413 = arith.cmpi eq, %iota3A, %eq3A_412 : vector<16xi32>
          %jit3A_414 = arith.constant 1.000000e+00 : f32
          %jit3A_415 = arith.constant 0.000000e+00 : f32
          %broadcast_in_dim3A_416 = vector.broadcast %jit3A_414 : f32 to vector<16xf32>
          %broadcast_in_dim3A_417 = vector.broadcast %jit3A_415 : f32 to vector<16xf32>
          %select_n3A_418 = arith.select %eq3A_413, %broadcast_in_dim3A_416, %broadcast_in_dim3A_417 : vector<16xi1>, vector<16xf32>
          %add3A_419 = arith.addf %add3A_409, %select_n3A_418 : vector<16xf32>
          %slice3A_420 = vector.extract_strided_slice %get3A_329 {offsets = [6], sizes = [1], strides = [1]} : vector<16xi32> to vector<1xi32>
          %squeeze3A_421 = vector.extract %slice3A_420[0] : i32 from vector<1xi32>
          %eq3A_422 = vector.broadcast %squeeze3A_421 : i32 to vector<16xi32>
          %eq3A_423 = arith.cmpi eq, %iota3A, %eq3A_422 : vector<16xi32>
          %jit3A_424 = arith.constant 1.000000e+00 : f32
          %jit3A_425 = arith.constant 0.000000e+00 : f32
          %broadcast_in_dim3A_426 = vector.broadcast %jit3A_424 : f32 to vector<16xf32>
          %broadcast_in_dim3A_427 = vector.broadcast %jit3A_425 : f32 to vector<16xf32>
          %select_n3A_428 = arith.select %eq3A_423, %broadcast_in_dim3A_426, %broadcast_in_dim3A_427 : vector<16xi1>, vector<16xf32>
          %add3A_429 = arith.addf %add3A_419, %select_n3A_428 : vector<16xf32>
          %slice3A_430 = vector.extract_strided_slice %get3A_329 {offsets = [7], sizes = [1], strides = [1]} : vector<16xi32> to vector<1xi32>
          %squeeze3A_431 = vector.extract %slice3A_430[0] : i32 from vector<1xi32>
          %eq3A_432 = vector.broadcast %squeeze3A_431 : i32 to vector<16xi32>
          %eq3A_433 = arith.cmpi eq, %iota3A, %eq3A_432 : vector<16xi32>
          %jit3A_434 = arith.constant 1.000000e+00 : f32
          %jit3A_435 = arith.constant 0.000000e+00 : f32
          %broadcast_in_dim3A_436 = vector.broadcast %jit3A_434 : f32 to vector<16xf32>
          %broadcast_in_dim3A_437 = vector.broadcast %jit3A_435 : f32 to vector<16xf32>
          %select_n3A_438 = arith.select %eq3A_433, %broadcast_in_dim3A_436, %broadcast_in_dim3A_437 : vector<16xi1>, vector<16xf32>
          %add3A_439 = arith.addf %add3A_429, %select_n3A_438 : vector<16xf32>
          %slice3A_440 = vector.extract_strided_slice %get3A_329 {offsets = [8], sizes = [1], strides = [1]} : vector<16xi32> to vector<1xi32>
          %squeeze3A_441 = vector.extract %slice3A_440[0] : i32 from vector<1xi32>
          %eq3A_442 = vector.broadcast %squeeze3A_441 : i32 to vector<16xi32>
          %eq3A_443 = arith.cmpi eq, %iota3A, %eq3A_442 : vector<16xi32>
          %jit3A_444 = arith.constant 1.000000e+00 : f32
          %jit3A_445 = arith.constant 0.000000e+00 : f32
          %broadcast_in_dim3A_446 = vector.broadcast %jit3A_444 : f32 to vector<16xf32>
          %broadcast_in_dim3A_447 = vector.broadcast %jit3A_445 : f32 to vector<16xf32>
          %select_n3A_448 = arith.select %eq3A_443, %broadcast_in_dim3A_446, %broadcast_in_dim3A_447 : vector<16xi1>, vector<16xf32>
          %add3A_449 = arith.addf %add3A_439, %select_n3A_448 : vector<16xf32>
          %slice3A_450 = vector.extract_strided_slice %get3A_329 {offsets = [9], sizes = [1], strides = [1]} : vector<16xi32> to vector<1xi32>
          %squeeze3A_451 = vector.extract %slice3A_450[0] : i32 from vector<1xi32>
          %eq3A_452 = vector.broadcast %squeeze3A_451 : i32 to vector<16xi32>
          %eq3A_453 = arith.cmpi eq, %iota3A, %eq3A_452 : vector<16xi32>
          %jit3A_454 = arith.constant 1.000000e+00 : f32
          %jit3A_455 = arith.constant 0.000000e+00 : f32
          %broadcast_in_dim3A_456 = vector.broadcast %jit3A_454 : f32 to vector<16xf32>
          %broadcast_in_dim3A_457 = vector.broadcast %jit3A_455 : f32 to vector<16xf32>
          %select_n3A_458 = arith.select %eq3A_453, %broadcast_in_dim3A_456, %broadcast_in_dim3A_457 : vector<16xi1>, vector<16xf32>
          %add3A_459 = arith.addf %add3A_449, %select_n3A_458 : vector<16xf32>
          %slice3A_460 = vector.extract_strided_slice %get3A_329 {offsets = [10], sizes = [1], strides = [1]} : vector<16xi32> to vector<1xi32>
          %squeeze3A_461 = vector.extract %slice3A_460[0] : i32 from vector<1xi32>
          %eq3A_462 = vector.broadcast %squeeze3A_461 : i32 to vector<16xi32>
          %eq3A_463 = arith.cmpi eq, %iota3A, %eq3A_462 : vector<16xi32>
          %jit3A_464 = arith.constant 1.000000e+00 : f32
          %jit3A_465 = arith.constant 0.000000e+00 : f32
          %broadcast_in_dim3A_466 = vector.broadcast %jit3A_464 : f32 to vector<16xf32>
          %broadcast_in_dim3A_467 = vector.broadcast %jit3A_465 : f32 to vector<16xf32>
          %select_n3A_468 = arith.select %eq3A_463, %broadcast_in_dim3A_466, %broadcast_in_dim3A_467 : vector<16xi1>, vector<16xf32>
          %add3A_469 = arith.addf %add3A_459, %select_n3A_468 : vector<16xf32>
          %slice3A_470 = vector.extract_strided_slice %get3A_329 {offsets = [11], sizes = [1], strides = [1]} : vector<16xi32> to vector<1xi32>
          %squeeze3A_471 = vector.extract %slice3A_470[0] : i32 from vector<1xi32>
          %eq3A_472 = vector.broadcast %squeeze3A_471 : i32 to vector<16xi32>
          %eq3A_473 = arith.cmpi eq, %iota3A, %eq3A_472 : vector<16xi32>
          %jit3A_474 = arith.constant 1.000000e+00 : f32
          %jit3A_475 = arith.constant 0.000000e+00 : f32
          %broadcast_in_dim3A_476 = vector.broadcast %jit3A_474 : f32 to vector<16xf32>
          %broadcast_in_dim3A_477 = vector.broadcast %jit3A_475 : f32 to vector<16xf32>
          %select_n3A_478 = arith.select %eq3A_473, %broadcast_in_dim3A_476, %broadcast_in_dim3A_477 : vector<16xi1>, vector<16xf32>
          %add3A_479 = arith.addf %add3A_469, %select_n3A_478 : vector<16xf32>
          %slice3A_480 = vector.extract_strided_slice %get3A_329 {offsets = [12], sizes = [1], strides = [1]} : vector<16xi32> to vector<1xi32>
          %squeeze3A_481 = vector.extract %slice3A_480[0] : i32 from vector<1xi32>
          %eq3A_482 = vector.broadcast %squeeze3A_481 : i32 to vector<16xi32>
          %eq3A_483 = arith.cmpi eq, %iota3A, %eq3A_482 : vector<16xi32>
          %jit3A_484 = arith.constant 1.000000e+00 : f32
          %jit3A_485 = arith.constant 0.000000e+00 : f32
          %broadcast_in_dim3A_486 = vector.broadcast %jit3A_484 : f32 to vector<16xf32>
          %broadcast_in_dim3A_487 = vector.broadcast %jit3A_485 : f32 to vector<16xf32>
          %select_n3A_488 = arith.select %eq3A_483, %broadcast_in_dim3A_486, %broadcast_in_dim3A_487 : vector<16xi1>, vector<16xf32>
          %add3A_489 = arith.addf %add3A_479, %select_n3A_488 : vector<16xf32>
          %slice3A_490 = vector.extract_strided_slice %get3A_329 {offsets = [13], sizes = [1], strides = [1]} : vector<16xi32> to vector<1xi32>
          %squeeze3A_491 = vector.extract %slice3A_490[0] : i32 from vector<1xi32>
          %eq3A_492 = vector.broadcast %squeeze3A_491 : i32 to vector<16xi32>
          %eq3A_493 = arith.cmpi eq, %iota3A, %eq3A_492 : vector<16xi32>
          %jit3A_494 = arith.constant 1.000000e+00 : f32
          %jit3A_495 = arith.constant 0.000000e+00 : f32
          %broadcast_in_dim3A_496 = vector.broadcast %jit3A_494 : f32 to vector<16xf32>
          %broadcast_in_dim3A_497 = vector.broadcast %jit3A_495 : f32 to vector<16xf32>
          %select_n3A_498 = arith.select %eq3A_493, %broadcast_in_dim3A_496, %broadcast_in_dim3A_497 : vector<16xi1>, vector<16xf32>
          %add3A_499 = arith.addf %add3A_489, %select_n3A_498 : vector<16xf32>
          %slice3A_500 = vector.extract_strided_slice %get3A_329 {offsets = [14], sizes = [1], strides = [1]} : vector<16xi32> to vector<1xi32>
          %squeeze3A_501 = vector.extract %slice3A_500[0] : i32 from vector<1xi32>
          %eq3A_502 = vector.broadcast %squeeze3A_501 : i32 to vector<16xi32>
          %eq3A_503 = arith.cmpi eq, %iota3A, %eq3A_502 : vector<16xi32>
          %jit3A_504 = arith.constant 1.000000e+00 : f32
          %jit3A_505 = arith.constant 0.000000e+00 : f32
          %broadcast_in_dim3A_506 = vector.broadcast %jit3A_504 : f32 to vector<16xf32>
          %broadcast_in_dim3A_507 = vector.broadcast %jit3A_505 : f32 to vector<16xf32>
          %select_n3A_508 = arith.select %eq3A_503, %broadcast_in_dim3A_506, %broadcast_in_dim3A_507 : vector<16xi1>, vector<16xf32>
          %add3A_509 = arith.addf %add3A_499, %select_n3A_508 : vector<16xf32>
          %slice3A_510 = vector.extract_strided_slice %get3A_329 {offsets = [15], sizes = [1], strides = [1]} : vector<16xi32> to vector<1xi32>
          %squeeze3A_511 = vector.extract %slice3A_510[0] : i32 from vector<1xi32>
          %eq3A_512 = vector.broadcast %squeeze3A_511 : i32 to vector<16xi32>
          %eq3A_513 = arith.cmpi eq, %iota3A, %eq3A_512 : vector<16xi32>
          %jit3A_514 = arith.constant 1.000000e+00 : f32
          %jit3A_515 = arith.constant 0.000000e+00 : f32
          %broadcast_in_dim3A_516 = vector.broadcast %jit3A_514 : f32 to vector<16xf32>
          %broadcast_in_dim3A_517 = vector.broadcast %jit3A_515 : f32 to vector<16xf32>
          %select_n3A_518 = arith.select %eq3A_513, %broadcast_in_dim3A_516, %broadcast_in_dim3A_517 : vector<16xi1>, vector<16xf32>
          %add3A_519 = arith.addf %add3A_509, %select_n3A_518 : vector<16xf32>
          %add3A_520 = arith.addf %select_n3A_360, %add3A_519 : vector<16xf32>
          %swap3A_521 = arith.constant 0 : index
          %swap3A_522 = tpu.vector_load %arg12[%swap3A_521] {strides = array<i32>} : memref<16xf32, #tpu.memory_space<vmem>>, vector<16xf32>,
          %swap3A_523 = vector.shape_cast %swap3A_522 : vector<16xf32> to vector<16xf32>
          %swap3A_524 = vector.shape_cast %add3A_520 : vector<16xf32> to vector<16xf32>
          tpu.vector_store %arg12[%swap3A_521], %swap3A_524 {strides = array<i32>} : memref<16xf32, #tpu.memory_space<vmem>>, vector<16xf32>,
          scf.yield %select_n3A_348 : i32
        } else {
          %slice3A_355 = vector.extract_strided_slice %get3A_323 {offsets = [0], sizes = [1], strides = [1]} : vector<16xi32> to vector<1xi32>
          %squeeze3A_356 = vector.extract %slice3A_355[0] : i32 from vector<1xi32>
          %slice3A_357 = vector.extract_strided_slice %get3A_329 {offsets = [0], sizes = [1], strides = [1]} : vector<16xi32> to vector<1xi32>
          %squeeze3A_358 = vector.extract %slice3A_357[0] : i32 from vector<1xi32>
          %ne3A_359 = arith.cmpi ne, %squeeze3A_356, %squeeze3A : i32
          %convert_element_type3A_360 = arith.extui %ne3A_359 : i1 to i32
          %cond3A_361 = arith.constant 0 : i32
          %cond3A_362 = arith.cmpi ne, %convert_element_type3A_360, %cond3A_361 : i32
          scf.if %cond3A_362 {
            %get3A_787 = arith.constant 0 : index
            %get3A_788 = tpu.vector_load %arg12[%get3A_787] {strides = array<i32>} : memref<16xf32, #tpu.memory_space<vmem>>, vector<16xf32>,
            %get3A_789 = vector.shape_cast %get3A_788 : vector<16xf32> to vector<16xf32>
            %swap3A_790 = arith.index_cast %select_n3A_348 : i32 to index
            %swap3A_791 = arith.constant 0 : index
            %swap3A_792 = tpu.vector_load %arg10[%swap3A_790, %swap3A_791] {strides = array<i32>} : memref<128x128xf32, #tpu.memory_space<vmem>>, vector<1x16xf32>,
            %swap3A_793 = vector.shape_cast %swap3A_792 : vector<1x16xf32> to vector<16xf32>
            %swap3A_794 = vector.shape_cast %get3A_789 : vector<16xf32> to vector<1x16xf32>
            tpu.vector_store %arg10[%swap3A_790, %swap3A_791], %swap3A_794 {strides = array<i32>} : memref<128x128xf32, #tpu.memory_space<vmem>>, vector<1x16xf32>,
            %jit3A_795 = arith.constant 16 : i32
            %div3A_796 = arith.divsi %select_n3A_348, %jit3A_795 : i32
            %sign3A_797 = arith.constant 0 : i32
            %sign3A_798 = arith.cmpi sgt, %select_n3A_348, %sign3A_797 : i32
            %sign3A_799 = arith.extui %sign3A_798 : i1 to i32
            %sign3A_800 = arith.constant 0 : i32
            %sign3A_801 = arith.cmpi slt, %select_n3A_348, %sign3A_800 : i32
            %sign3A_802 = arith.extui %sign3A_801 : i1 to i32
            %sign3A_803 = arith.subi %sign3A_799, %sign3A_802 : i32
            %sign3A_804 = arith.constant 0 : i32
            %sign3A_805 = arith.cmpi sgt, %jit3A_795, %sign3A_804 : i32
            %sign3A_806 = arith.extui %sign3A_805 : i1 to i32
            %sign3A_807 = arith.constant 0 : i32
            %sign3A_808 = arith.cmpi slt, %jit3A_795, %sign3A_807 : i32
            %sign3A_809 = arith.extui %sign3A_808 : i1 to i32
            %sign3A_810 = arith.subi %sign3A_806, %sign3A_809 : i32
            %ne3A_811 = arith.cmpi ne, %sign3A_803, %sign3A_810 : i32
            %rem3A_812 = arith.remsi %select_n3A_348, %jit3A_795 : i32
            %ne3A_813 = arith.constant 0 : i32
            %ne3A_814 = arith.cmpi ne, %rem3A_812, %ne3A_813 : i32
            %and3A_815 = arith.andi %ne3A_811, %ne3A_814 : i1
            %sub3A_816 = arith.constant 1 : i32
            %sub3A_817 = arith.subi %div3A_796, %sub3A_816 : i32
            %select_n3A_818 = arith.select %and3A_815, %sub3A_817, %div3A_796 : i32
            %mul3A_819 = arith.constant 16 : i32
            %mul3A_820 = arith.muli %select_n3A_818, %mul3A_819 : i32
            %jit3A_821 = arith.constant 16 : i32
            %eq3A_822 = arith.constant 0 : i32
            %eq3A_823 = arith.cmpi eq, %jit3A_821, %eq3A_822 : i32
            %jit3A_824 = arith.constant 1 : i32
            %select_n3A_825 = arith.select %eq3A_823, %jit3A_824, %jit3A_821 : i32
            %rem3A_826 = arith.remsi %select_n3A_348, %select_n3A_825 : i32
            %ne3A_827 = arith.constant 0 : i32
            %ne3A_828 = arith.cmpi ne, %rem3A_826, %ne3A_827 : i32
            %lt3A_829 = arith.constant 0 : i32
            %lt3A_830 = arith.cmpi slt, %rem3A_826, %lt3A_829 : i32
            %lt3A_831 = arith.constant 0 : i32
            %lt3A_832 = arith.cmpi slt, %select_n3A_825, %lt3A_831 : i32
            %ne3A_833 = arith.xori %lt3A_830, %lt3A_832 : i1
            %and3A_834 = arith.andi %ne3A_833, %ne3A_828 : i1
            %add3A_835 = arith.addi %rem3A_826, %select_n3A_825 : i32
            %select_n3A_836 = arith.select %and3A_834, %add3A_835, %rem3A_826 : i32
            %get3A_837 = arith.index_cast %mul3A_820 : i32 to index
            %get3A_838 = tpu.vector_load %arg11[%get3A_837] {strides = array<i32>} : memref<128xi32, #tpu.memory_space<vmem>>, vector<16xi32>,
            %get3A_839 = vector.shape_cast %get3A_838 : vector<16xi32> to vector<16xi32>
            %eq3A_840 = vector.broadcast %select_n3A_836 : i32 to vector<16xi32>
            %eq3A_841 = arith.cmpi eq, %iota3A, %eq3A_840 : vector<16xi32>
            %broadcast_in_dim3A_842 = vector.broadcast %squeeze3A : i32 to vector<16xi32>
            %select_n3A_843 = arith.select %eq3A_841, %broadcast_in_dim3A_842, %get3A_839 : vector<16xi1>, vector<16xi32>
            %swap3A_844 = arith.index_cast %mul3A_820 : i32 to index
            %swap3A_845 = tpu.vector_load %arg11[%swap3A_844] {strides = array<i32>} : memref<128xi32, #tpu.memory_space<vmem>>, vector<16xi32>,
            %swap3A_846 = vector.shape_cast %swap3A_845 : vector<16xi32> to vector<16xi32>
            %swap3A_847 = vector.shape_cast %select_n3A_843 : vector<16xi32> to vector<16xi32>
            tpu.vector_store %arg11[%swap3A_844], %swap3A_847 {strides = array<i32>} : memref<128xi32, #tpu.memory_space<vmem>>, vector<16xi32>,
          } else {
          }
          %add3A_363 = arith.constant 1 : i32
          %add3A_364 = arith.addi %select_n3A_348, %add3A_363 : i32
          %select_n3A_365 = arith.select %ne3A_359, %add3A_364, %select_n3A_348 : i32
          %or3A = arith.ori %ne3A_359, %ne3A_339 : i1
          %eq3A_366 = vector.broadcast %squeeze3A_358 : i32 to vector<16xi32>
          %eq3A_367 = arith.cmpi eq, %iota3A, %eq3A_366 : vector<16xi32>
          %jit3A_368 = arith.constant 1.000000e+00 : f32
          %jit3A_369 = arith.constant 0.000000e+00 : f32
          %broadcast_in_dim3A_370 = vector.broadcast %jit3A_368 : f32 to vector<16xf32>
          %broadcast_in_dim3A_371 = vector.broadcast %jit3A_369 : f32 to vector<16xf32>
          %select_n3A_372 = arith.select %eq3A_367, %broadcast_in_dim3A_370, %broadcast_in_dim3A_371 : vector<16xi1>, vector<16xf32>
          %get3A_373 = arith.constant 0 : index
          %get3A_374 = tpu.vector_load %arg12[%get3A_373] {strides = array<i32>} : memref<16xf32, #tpu.memory_space<vmem>>, vector<16xf32>,
          %get3A_375 = vector.shape_cast %get3A_374 : vector<16xf32> to vector<16xf32>
          %add3A_376 = arith.addf %get3A_375, %select_n3A_372 : vector<16xf32>
          %select_n3A_377 = arith.select %or3A, %select_n3A_372, %add3A_376 : vector<16xf32>
          %swap3A_378 = arith.constant 0 : index
          %swap3A_379 = tpu.vector_load %arg12[%swap3A_378] {strides = array<i32>} : memref<16xf32, #tpu.memory_space<vmem>>, vector<16xf32>,
          %swap3A_380 = vector.shape_cast %swap3A_379 : vector<16xf32> to vector<16xf32>
          %swap3A_381 = vector.shape_cast %select_n3A_377 : vector<16xf32> to vector<16xf32>
          tpu.vector_store %arg12[%swap3A_378], %swap3A_381 {strides = array<i32>} : memref<16xf32, #tpu.memory_space<vmem>>, vector<16xf32>,
          %slice3A_382 = vector.extract_strided_slice %get3A_323 {offsets = [1], sizes = [1], strides = [1]} : vector<16xi32> to vector<1xi32>
          %squeeze3A_383 = vector.extract %slice3A_382[0] : i32 from vector<1xi32>
          %slice3A_384 = vector.extract_strided_slice %get3A_329 {offsets = [1], sizes = [1], strides = [1]} : vector<16xi32> to vector<1xi32>
          %squeeze3A_385 = vector.extract %slice3A_384[0] : i32 from vector<1xi32>
          %ne3A_386 = arith.cmpi ne, %squeeze3A_383, %squeeze3A_356 : i32
          %convert_element_type3A_387 = arith.extui %ne3A_386 : i1 to i32
          %cond3A_388 = arith.constant 0 : i32
          %cond3A_389 = arith.cmpi ne, %convert_element_type3A_387, %cond3A_388 : i32
          scf.if %cond3A_389 {
            %get3A_787 = arith.constant 0 : index
            %get3A_788 = tpu.vector_load %arg12[%get3A_787] {strides = array<i32>} : memref<16xf32, #tpu.memory_space<vmem>>, vector<16xf32>,
            %get3A_789 = vector.shape_cast %get3A_788 : vector<16xf32> to vector<16xf32>
            %swap3A_790 = arith.index_cast %select_n3A_365 : i32 to index
            %swap3A_791 = arith.constant 0 : index
            %swap3A_792 = tpu.vector_load %arg10[%swap3A_790, %swap3A_791] {strides = array<i32>} : memref<128x128xf32, #tpu.memory_space<vmem>>, vector<1x16xf32>,
            %swap3A_793 = vector.shape_cast %swap3A_792 : vector<1x16xf32> to vector<16xf32>
            %swap3A_794 = vector.shape_cast %get3A_789 : vector<16xf32> to vector<1x16xf32>
            tpu.vector_store %arg10[%swap3A_790, %swap3A_791], %swap3A_794 {strides = array<i32>} : memref<128x128xf32, #tpu.memory_space<vmem>>, vector<1x16xf32>,
            %jit3A_795 = arith.constant 16 : i32
            %div3A_796 = arith.divsi %select_n3A_365, %jit3A_795 : i32
            %sign3A_797 = arith.constant 0 : i32
            %sign3A_798 = arith.cmpi sgt, %select_n3A_365, %sign3A_797 : i32
            %sign3A_799 = arith.extui %sign3A_798 : i1 to i32
            %sign3A_800 = arith.constant 0 : i32
            %sign3A_801 = arith.cmpi slt, %select_n3A_365, %sign3A_800 : i32
            %sign3A_802 = arith.extui %sign3A_801 : i1 to i32
            %sign3A_803 = arith.subi %sign3A_799, %sign3A_802 : i32
            %sign3A_804 = arith.constant 0 : i32
            %sign3A_805 = arith.cmpi sgt, %jit3A_795, %sign3A_804 : i32
            %sign3A_806 = arith.extui %sign3A_805 : i1 to i32
            %sign3A_807 = arith.constant 0 : i32
            %sign3A_808 = arith.cmpi slt, %jit3A_795, %sign3A_807 : i32
            %sign3A_809 = arith.extui %sign3A_808 : i1 to i32
            %sign3A_810 = arith.subi %sign3A_806, %sign3A_809 : i32
            %ne3A_811 = arith.cmpi ne, %sign3A_803, %sign3A_810 : i32
            %rem3A_812 = arith.remsi %select_n3A_365, %jit3A_795 : i32
            %ne3A_813 = arith.constant 0 : i32
            %ne3A_814 = arith.cmpi ne, %rem3A_812, %ne3A_813 : i32
            %and3A_815 = arith.andi %ne3A_811, %ne3A_814 : i1
            %sub3A_816 = arith.constant 1 : i32
            %sub3A_817 = arith.subi %div3A_796, %sub3A_816 : i32
            %select_n3A_818 = arith.select %and3A_815, %sub3A_817, %div3A_796 : i32
            %mul3A_819 = arith.constant 16 : i32
            %mul3A_820 = arith.muli %select_n3A_818, %mul3A_819 : i32
            %jit3A_821 = arith.constant 16 : i32
            %eq3A_822 = arith.constant 0 : i32
            %eq3A_823 = arith.cmpi eq, %jit3A_821, %eq3A_822 : i32
            %jit3A_824 = arith.constant 1 : i32
            %select_n3A_825 = arith.select %eq3A_823, %jit3A_824, %jit3A_821 : i32
            %rem3A_826 = arith.remsi %select_n3A_365, %select_n3A_825 : i32
            %ne3A_827 = arith.constant 0 : i32
            %ne3A_828 = arith.cmpi ne, %rem3A_826, %ne3A_827 : i32
            %lt3A_829 = arith.constant 0 : i32
            %lt3A_830 = arith.cmpi slt, %rem3A_826, %lt3A_829 : i32
            %lt3A_831 = arith.constant 0 : i32
            %lt3A_832 = arith.cmpi slt, %select_n3A_825, %lt3A_831 : i32
            %ne3A_833 = arith.xori %lt3A_830, %lt3A_832 : i1
            %and3A_834 = arith.andi %ne3A_833, %ne3A_828 : i1
            %add3A_835 = arith.addi %rem3A_826, %select_n3A_825 : i32
            %select_n3A_836 = arith.select %and3A_834, %add3A_835, %rem3A_826 : i32
            %get3A_837 = arith.index_cast %mul3A_820 : i32 to index
            %get3A_838 = tpu.vector_load %arg11[%get3A_837] {strides = array<i32>} : memref<128xi32, #tpu.memory_space<vmem>>, vector<16xi32>,
            %get3A_839 = vector.shape_cast %get3A_838 : vector<16xi32> to vector<16xi32>
            %eq3A_840 = vector.broadcast %select_n3A_836 : i32 to vector<16xi32>
            %eq3A_841 = arith.cmpi eq, %iota3A, %eq3A_840 : vector<16xi32>
            %broadcast_in_dim3A_842 = vector.broadcast %squeeze3A_356 : i32 to vector<16xi32>
            %select_n3A_843 = arith.select %eq3A_841, %broadcast_in_dim3A_842, %get3A_839 : vector<16xi1>, vector<16xi32>
            %swap3A_844 = arith.index_cast %mul3A_820 : i32 to index
            %swap3A_845 = tpu.vector_load %arg11[%swap3A_844] {strides = array<i32>} : memref<128xi32, #tpu.memory_space<vmem>>, vector<16xi32>,
            %swap3A_846 = vector.shape_cast %swap3A_845 : vector<16xi32> to vector<16xi32>
            %swap3A_847 = vector.shape_cast %select_n3A_843 : vector<16xi32> to vector<16xi32>
            tpu.vector_store %arg11[%swap3A_844], %swap3A_847 {strides = array<i32>} : memref<128xi32, #tpu.memory_space<vmem>>, vector<16xi32>,
          } else {
          }
          %add3A_390 = arith.constant 1 : i32
          %add3A_391 = arith.addi %select_n3A_365, %add3A_390 : i32
          %select_n3A_392 = arith.select %ne3A_386, %add3A_391, %select_n3A_365 : i32
          %eq3A_393 = vector.broadcast %squeeze3A_385 : i32 to vector<16xi32>
          %eq3A_394 = arith.cmpi eq, %iota3A, %eq3A_393 : vector<16xi32>
          %jit3A_395 = arith.constant 1.000000e+00 : f32
          %jit3A_396 = arith.constant 0.000000e+00 : f32
          %broadcast_in_dim3A_397 = vector.broadcast %jit3A_395 : f32 to vector<16xf32>
          %broadcast_in_dim3A_398 = vector.broadcast %jit3A_396 : f32 to vector<16xf32>
          %select_n3A_399 = arith.select %eq3A_394, %broadcast_in_dim3A_397, %broadcast_in_dim3A_398 : vector<16xi1>, vector<16xf32>
          %get3A_400 = arith.constant 0 : index
          %get3A_401 = tpu.vector_load %arg12[%get3A_400] {strides = array<i32>} : memref<16xf32, #tpu.memory_space<vmem>>, vector<16xf32>,
          %get3A_402 = vector.shape_cast %get3A_401 : vector<16xf32> to vector<16xf32>
          %add3A_403 = arith.addf %get3A_402, %select_n3A_399 : vector<16xf32>
          %select_n3A_404 = arith.select %ne3A_386, %select_n3A_399, %add3A_403 : vector<16xf32>
          %swap3A_405 = arith.constant 0 : index
          %swap3A_406 = tpu.vector_load %arg12[%swap3A_405] {strides = array<i32>} : memref<16xf32, #tpu.memory_space<vmem>>, vector<16xf32>,
          %swap3A_407 = vector.shape_cast %swap3A_406 : vector<16xf32> to vector<16xf32>
          %swap3A_408 = vector.shape_cast %select_n3A_404 : vector<16xf32> to vector<16xf32>
          tpu.vector_store %arg12[%swap3A_405], %swap3A_408 {strides = array<i32>} : memref<16xf32, #tpu.memory_space<vmem>>, vector<16xf32>,
          %slice3A_409 = vector.extract_strided_slice %get3A_323 {offsets = [2], sizes = [1], strides = [1]} : vector<16xi32> to vector<1xi32>
          %squeeze3A_410 = vector.extract %slice3A_409[0] : i32 from vector<1xi32>
          %slice3A_411 = vector.extract_strided_slice %get3A_329 {offsets = [2], sizes = [1], strides = [1]} : vector<16xi32> to vector<1xi32>
          %squeeze3A_412 = vector.extract %slice3A_411[0] : i32 from vector<1xi32>
          %ne3A_413 = arith.cmpi ne, %squeeze3A_410, %squeeze3A_383 : i32
          %convert_element_type3A_414 = arith.extui %ne3A_413 : i1 to i32
          %cond3A_415 = arith.constant 0 : i32
          %cond3A_416 = arith.cmpi ne, %convert_element_type3A_414, %cond3A_415 : i32
          scf.if %cond3A_416 {
            %get3A_787 = arith.constant 0 : index
            %get3A_788 = tpu.vector_load %arg12[%get3A_787] {strides = array<i32>} : memref<16xf32, #tpu.memory_space<vmem>>, vector<16xf32>,
            %get3A_789 = vector.shape_cast %get3A_788 : vector<16xf32> to vector<16xf32>
            %swap3A_790 = arith.index_cast %select_n3A_392 : i32 to index
            %swap3A_791 = arith.constant 0 : index
            %swap3A_792 = tpu.vector_load %arg10[%swap3A_790, %swap3A_791] {strides = array<i32>} : memref<128x128xf32, #tpu.memory_space<vmem>>, vector<1x16xf32>,
            %swap3A_793 = vector.shape_cast %swap3A_792 : vector<1x16xf32> to vector<16xf32>
            %swap3A_794 = vector.shape_cast %get3A_789 : vector<16xf32> to vector<1x16xf32>
            tpu.vector_store %arg10[%swap3A_790, %swap3A_791], %swap3A_794 {strides = array<i32>} : memref<128x128xf32, #tpu.memory_space<vmem>>, vector<1x16xf32>,
            %jit3A_795 = arith.constant 16 : i32
            %div3A_796 = arith.divsi %select_n3A_392, %jit3A_795 : i32
            %sign3A_797 = arith.constant 0 : i32
            %sign3A_798 = arith.cmpi sgt, %select_n3A_392, %sign3A_797 : i32
            %sign3A_799 = arith.extui %sign3A_798 : i1 to i32
            %sign3A_800 = arith.constant 0 : i32
            %sign3A_801 = arith.cmpi slt, %select_n3A_392, %sign3A_800 : i32
            %sign3A_802 = arith.extui %sign3A_801 : i1 to i32
            %sign3A_803 = arith.subi %sign3A_799, %sign3A_802 : i32
            %sign3A_804 = arith.constant 0 : i32
            %sign3A_805 = arith.cmpi sgt, %jit3A_795, %sign3A_804 : i32
            %sign3A_806 = arith.extui %sign3A_805 : i1 to i32
            %sign3A_807 = arith.constant 0 : i32
            %sign3A_808 = arith.cmpi slt, %jit3A_795, %sign3A_807 : i32
            %sign3A_809 = arith.extui %sign3A_808 : i1 to i32
            %sign3A_810 = arith.subi %sign3A_806, %sign3A_809 : i32
            %ne3A_811 = arith.cmpi ne, %sign3A_803, %sign3A_810 : i32
            %rem3A_812 = arith.remsi %select_n3A_392, %jit3A_795 : i32
            %ne3A_813 = arith.constant 0 : i32
            %ne3A_814 = arith.cmpi ne, %rem3A_812, %ne3A_813 : i32
            %and3A_815 = arith.andi %ne3A_811, %ne3A_814 : i1
            %sub3A_816 = arith.constant 1 : i32
            %sub3A_817 = arith.subi %div3A_796, %sub3A_816 : i32
            %select_n3A_818 = arith.select %and3A_815, %sub3A_817, %div3A_796 : i32
            %mul3A_819 = arith.constant 16 : i32
            %mul3A_820 = arith.muli %select_n3A_818, %mul3A_819 : i32
            %jit3A_821 = arith.constant 16 : i32
            %eq3A_822 = arith.constant 0 : i32
            %eq3A_823 = arith.cmpi eq, %jit3A_821, %eq3A_822 : i32
            %jit3A_824 = arith.constant 1 : i32
            %select_n3A_825 = arith.select %eq3A_823, %jit3A_824, %jit3A_821 : i32
            %rem3A_826 = arith.remsi %select_n3A_392, %select_n3A_825 : i32
            %ne3A_827 = arith.constant 0 : i32
            %ne3A_828 = arith.cmpi ne, %rem3A_826, %ne3A_827 : i32
            %lt3A_829 = arith.constant 0 : i32
            %lt3A_830 = arith.cmpi slt, %rem3A_826, %lt3A_829 : i32
            %lt3A_831 = arith.constant 0 : i32
            %lt3A_832 = arith.cmpi slt, %select_n3A_825, %lt3A_831 : i32
            %ne3A_833 = arith.xori %lt3A_830, %lt3A_832 : i1
            %and3A_834 = arith.andi %ne3A_833, %ne3A_828 : i1
            %add3A_835 = arith.addi %rem3A_826, %select_n3A_825 : i32
            %select_n3A_836 = arith.select %and3A_834, %add3A_835, %rem3A_826 : i32
            %get3A_837 = arith.index_cast %mul3A_820 : i32 to index
            %get3A_838 = tpu.vector_load %arg11[%get3A_837] {strides = array<i32>} : memref<128xi32, #tpu.memory_space<vmem>>, vector<16xi32>,
            %get3A_839 = vector.shape_cast %get3A_838 : vector<16xi32> to vector<16xi32>
            %eq3A_840 = vector.broadcast %select_n3A_836 : i32 to vector<16xi32>
            %eq3A_841 = arith.cmpi eq, %iota3A, %eq3A_840 : vector<16xi32>
            %broadcast_in_dim3A_842 = vector.broadcast %squeeze3A_383 : i32 to vector<16xi32>
            %select_n3A_843 = arith.select %eq3A_841, %broadcast_in_dim3A_842, %get3A_839 : vector<16xi1>, vector<16xi32>
            %swap3A_844 = arith.index_cast %mul3A_820 : i32 to index
            %swap3A_845 = tpu.vector_load %arg11[%swap3A_844] {strides = array<i32>} : memref<128xi32, #tpu.memory_space<vmem>>, vector<16xi32>,
            %swap3A_846 = vector.shape_cast %swap3A_845 : vector<16xi32> to vector<16xi32>
            %swap3A_847 = vector.shape_cast %select_n3A_843 : vector<16xi32> to vector<16xi32>
            tpu.vector_store %arg11[%swap3A_844], %swap3A_847 {strides = array<i32>} : memref<128xi32, #tpu.memory_space<vmem>>, vector<16xi32>,
          } else {
          }
          %add3A_417 = arith.constant 1 : i32
          %add3A_418 = arith.addi %select_n3A_392, %add3A_417 : i32
          %select_n3A_419 = arith.select %ne3A_413, %add3A_418, %select_n3A_392 : i32
          %eq3A_420 = vector.broadcast %squeeze3A_412 : i32 to vector<16xi32>
          %eq3A_421 = arith.cmpi eq, %iota3A, %eq3A_420 : vector<16xi32>
          %jit3A_422 = arith.constant 1.000000e+00 : f32
          %jit3A_423 = arith.constant 0.000000e+00 : f32
          %broadcast_in_dim3A_424 = vector.broadcast %jit3A_422 : f32 to vector<16xf32>
          %broadcast_in_dim3A_425 = vector.broadcast %jit3A_423 : f32 to vector<16xf32>
          %select_n3A_426 = arith.select %eq3A_421, %broadcast_in_dim3A_424, %broadcast_in_dim3A_425 : vector<16xi1>, vector<16xf32>
          %get3A_427 = arith.constant 0 : index
          %get3A_428 = tpu.vector_load %arg12[%get3A_427] {strides = array<i32>} : memref<16xf32, #tpu.memory_space<vmem>>, vector<16xf32>,
          %get3A_429 = vector.shape_cast %get3A_428 : vector<16xf32> to vector<16xf32>
          %add3A_430 = arith.addf %get3A_429, %select_n3A_426 : vector<16xf32>
          %select_n3A_431 = arith.select %ne3A_413, %select_n3A_426, %add3A_430 : vector<16xf32>
          %swap3A_432 = arith.constant 0 : index
          %swap3A_433 = tpu.vector_load %arg12[%swap3A_432] {strides = array<i32>} : memref<16xf32, #tpu.memory_space<vmem>>, vector<16xf32>,
          %swap3A_434 = vector.shape_cast %swap3A_433 : vector<16xf32> to vector<16xf32>
          %swap3A_435 = vector.shape_cast %select_n3A_431 : vector<16xf32> to vector<16xf32>
          tpu.vector_store %arg12[%swap3A_432], %swap3A_435 {strides = array<i32>} : memref<16xf32, #tpu.memory_space<vmem>>, vector<16xf32>,
          %slice3A_436 = vector.extract_strided_slice %get3A_323 {offsets = [3], sizes = [1], strides = [1]} : vector<16xi32> to vector<1xi32>
          %squeeze3A_437 = vector.extract %slice3A_436[0] : i32 from vector<1xi32>
          %slice3A_438 = vector.extract_strided_slice %get3A_329 {offsets = [3], sizes = [1], strides = [1]} : vector<16xi32> to vector<1xi32>
          %squeeze3A_439 = vector.extract %slice3A_438[0] : i32 from vector<1xi32>
          %ne3A_440 = arith.cmpi ne, %squeeze3A_437, %squeeze3A_410 : i32
          %convert_element_type3A_441 = arith.extui %ne3A_440 : i1 to i32
          %cond3A_442 = arith.constant 0 : i32
          %cond3A_443 = arith.cmpi ne, %convert_element_type3A_441, %cond3A_442 : i32
          scf.if %cond3A_443 {
            %get3A_787 = arith.constant 0 : index
            %get3A_788 = tpu.vector_load %arg12[%get3A_787] {strides = array<i32>} : memref<16xf32, #tpu.memory_space<vmem>>, vector<16xf32>,
            %get3A_789 = vector.shape_cast %get3A_788 : vector<16xf32> to vector<16xf32>
            %swap3A_790 = arith.index_cast %select_n3A_419 : i32 to index
            %swap3A_791 = arith.constant 0 : index
            %swap3A_792 = tpu.vector_load %arg10[%swap3A_790, %swap3A_791] {strides = array<i32>} : memref<128x128xf32, #tpu.memory_space<vmem>>, vector<1x16xf32>,
            %swap3A_793 = vector.shape_cast %swap3A_792 : vector<1x16xf32> to vector<16xf32>
            %swap3A_794 = vector.shape_cast %get3A_789 : vector<16xf32> to vector<1x16xf32>
            tpu.vector_store %arg10[%swap3A_790, %swap3A_791], %swap3A_794 {strides = array<i32>} : memref<128x128xf32, #tpu.memory_space<vmem>>, vector<1x16xf32>,
            %jit3A_795 = arith.constant 16 : i32
            %div3A_796 = arith.divsi %select_n3A_419, %jit3A_795 : i32
            %sign3A_797 = arith.constant 0 : i32
            %sign3A_798 = arith.cmpi sgt, %select_n3A_419, %sign3A_797 : i32
            %sign3A_799 = arith.extui %sign3A_798 : i1 to i32
            %sign3A_800 = arith.constant 0 : i32
            %sign3A_801 = arith.cmpi slt, %select_n3A_419, %sign3A_800 : i32
            %sign3A_802 = arith.extui %sign3A_801 : i1 to i32
            %sign3A_803 = arith.subi %sign3A_799, %sign3A_802 : i32
            %sign3A_804 = arith.constant 0 : i32
            %sign3A_805 = arith.cmpi sgt, %jit3A_795, %sign3A_804 : i32
            %sign3A_806 = arith.extui %sign3A_805 : i1 to i32
            %sign3A_807 = arith.constant 0 : i32
            %sign3A_808 = arith.cmpi slt, %jit3A_795, %sign3A_807 : i32
            %sign3A_809 = arith.extui %sign3A_808 : i1 to i32
            %sign3A_810 = arith.subi %sign3A_806, %sign3A_809 : i32
            %ne3A_811 = arith.cmpi ne, %sign3A_803, %sign3A_810 : i32
            %rem3A_812 = arith.remsi %select_n3A_419, %jit3A_795 : i32
            %ne3A_813 = arith.constant 0 : i32
            %ne3A_814 = arith.cmpi ne, %rem3A_812, %ne3A_813 : i32
            %and3A_815 = arith.andi %ne3A_811, %ne3A_814 : i1
            %sub3A_816 = arith.constant 1 : i32
            %sub3A_817 = arith.subi %div3A_796, %sub3A_816 : i32
            %select_n3A_818 = arith.select %and3A_815, %sub3A_817, %div3A_796 : i32
            %mul3A_819 = arith.constant 16 : i32
            %mul3A_820 = arith.muli %select_n3A_818, %mul3A_819 : i32
            %jit3A_821 = arith.constant 16 : i32
            %eq3A_822 = arith.constant 0 : i32
            %eq3A_823 = arith.cmpi eq, %jit3A_821, %eq3A_822 : i32
            %jit3A_824 = arith.constant 1 : i32
            %select_n3A_825 = arith.select %eq3A_823, %jit3A_824, %jit3A_821 : i32
            %rem3A_826 = arith.remsi %select_n3A_419, %select_n3A_825 : i32
            %ne3A_827 = arith.constant 0 : i32
            %ne3A_828 = arith.cmpi ne, %rem3A_826, %ne3A_827 : i32
            %lt3A_829 = arith.constant 0 : i32
            %lt3A_830 = arith.cmpi slt, %rem3A_826, %lt3A_829 : i32
            %lt3A_831 = arith.constant 0 : i32
            %lt3A_832 = arith.cmpi slt, %select_n3A_825, %lt3A_831 : i32
            %ne3A_833 = arith.xori %lt3A_830, %lt3A_832 : i1
            %and3A_834 = arith.andi %ne3A_833, %ne3A_828 : i1
            %add3A_835 = arith.addi %rem3A_826, %select_n3A_825 : i32
            %select_n3A_836 = arith.select %and3A_834, %add3A_835, %rem3A_826 : i32
            %get3A_837 = arith.index_cast %mul3A_820 : i32 to index
            %get3A_838 = tpu.vector_load %arg11[%get3A_837] {strides = array<i32>} : memref<128xi32, #tpu.memory_space<vmem>>, vector<16xi32>,
            %get3A_839 = vector.shape_cast %get3A_838 : vector<16xi32> to vector<16xi32>
            %eq3A_840 = vector.broadcast %select_n3A_836 : i32 to vector<16xi32>
            %eq3A_841 = arith.cmpi eq, %iota3A, %eq3A_840 : vector<16xi32>
            %broadcast_in_dim3A_842 = vector.broadcast %squeeze3A_410 : i32 to vector<16xi32>
            %select_n3A_843 = arith.select %eq3A_841, %broadcast_in_dim3A_842, %get3A_839 : vector<16xi1>, vector<16xi32>
            %swap3A_844 = arith.index_cast %mul3A_820 : i32 to index
            %swap3A_845 = tpu.vector_load %arg11[%swap3A_844] {strides = array<i32>} : memref<128xi32, #tpu.memory_space<vmem>>, vector<16xi32>,
            %swap3A_846 = vector.shape_cast %swap3A_845 : vector<16xi32> to vector<16xi32>
            %swap3A_847 = vector.shape_cast %select_n3A_843 : vector<16xi32> to vector<16xi32>
            tpu.vector_store %arg11[%swap3A_844], %swap3A_847 {strides = array<i32>} : memref<128xi32, #tpu.memory_space<vmem>>, vector<16xi32>,
          } else {
          }
          %add3A_444 = arith.constant 1 : i32
          %add3A_445 = arith.addi %select_n3A_419, %add3A_444 : i32
          %select_n3A_446 = arith.select %ne3A_440, %add3A_445, %select_n3A_419 : i32
          %eq3A_447 = vector.broadcast %squeeze3A_439 : i32 to vector<16xi32>
          %eq3A_448 = arith.cmpi eq, %iota3A, %eq3A_447 : vector<16xi32>
          %jit3A_449 = arith.constant 1.000000e+00 : f32
          %jit3A_450 = arith.constant 0.000000e+00 : f32
          %broadcast_in_dim3A_451 = vector.broadcast %jit3A_449 : f32 to vector<16xf32>
          %broadcast_in_dim3A_452 = vector.broadcast %jit3A_450 : f32 to vector<16xf32>
          %select_n3A_453 = arith.select %eq3A_448, %broadcast_in_dim3A_451, %broadcast_in_dim3A_452 : vector<16xi1>, vector<16xf32>
          %get3A_454 = arith.constant 0 : index
          %get3A_455 = tpu.vector_load %arg12[%get3A_454] {strides = array<i32>} : memref<16xf32, #tpu.memory_space<vmem>>, vector<16xf32>,
          %get3A_456 = vector.shape_cast %get3A_455 : vector<16xf32> to vector<16xf32>
          %add3A_457 = arith.addf %get3A_456, %select_n3A_453 : vector<16xf32>
          %select_n3A_458 = arith.select %ne3A_440, %select_n3A_453, %add3A_457 : vector<16xf32>
          %swap3A_459 = arith.constant 0 : index
          %swap3A_460 = tpu.vector_load %arg12[%swap3A_459] {strides = array<i32>} : memref<16xf32, #tpu.memory_space<vmem>>, vector<16xf32>,
          %swap3A_461 = vector.shape_cast %swap3A_460 : vector<16xf32> to vector<16xf32>
          %swap3A_462 = vector.shape_cast %select_n3A_458 : vector<16xf32> to vector<16xf32>
          tpu.vector_store %arg12[%swap3A_459], %swap3A_462 {strides = array<i32>} : memref<16xf32, #tpu.memory_space<vmem>>, vector<16xf32>,
          %slice3A_463 = vector.extract_strided_slice %get3A_323 {offsets = [4], sizes = [1], strides = [1]} : vector<16xi32> to vector<1xi32>
          %squeeze3A_464 = vector.extract %slice3A_463[0] : i32 from vector<1xi32>
          %slice3A_465 = vector.extract_strided_slice %get3A_329 {offsets = [4], sizes = [1], strides = [1]} : vector<16xi32> to vector<1xi32>
          %squeeze3A_466 = vector.extract %slice3A_465[0] : i32 from vector<1xi32>
          %ne3A_467 = arith.cmpi ne, %squeeze3A_464, %squeeze3A_437 : i32
          %convert_element_type3A_468 = arith.extui %ne3A_467 : i1 to i32
          %cond3A_469 = arith.constant 0 : i32
          %cond3A_470 = arith.cmpi ne, %convert_element_type3A_468, %cond3A_469 : i32
          scf.if %cond3A_470 {
            %get3A_787 = arith.constant 0 : index
            %get3A_788 = tpu.vector_load %arg12[%get3A_787] {strides = array<i32>} : memref<16xf32, #tpu.memory_space<vmem>>, vector<16xf32>,
            %get3A_789 = vector.shape_cast %get3A_788 : vector<16xf32> to vector<16xf32>
            %swap3A_790 = arith.index_cast %select_n3A_446 : i32 to index
            %swap3A_791 = arith.constant 0 : index
            %swap3A_792 = tpu.vector_load %arg10[%swap3A_790, %swap3A_791] {strides = array<i32>} : memref<128x128xf32, #tpu.memory_space<vmem>>, vector<1x16xf32>,
            %swap3A_793 = vector.shape_cast %swap3A_792 : vector<1x16xf32> to vector<16xf32>
            %swap3A_794 = vector.shape_cast %get3A_789 : vector<16xf32> to vector<1x16xf32>
            tpu.vector_store %arg10[%swap3A_790, %swap3A_791], %swap3A_794 {strides = array<i32>} : memref<128x128xf32, #tpu.memory_space<vmem>>, vector<1x16xf32>,
            %jit3A_795 = arith.constant 16 : i32
            %div3A_796 = arith.divsi %select_n3A_446, %jit3A_795 : i32
            %sign3A_797 = arith.constant 0 : i32
            %sign3A_798 = arith.cmpi sgt, %select_n3A_446, %sign3A_797 : i32
            %sign3A_799 = arith.extui %sign3A_798 : i1 to i32
            %sign3A_800 = arith.constant 0 : i32
            %sign3A_801 = arith.cmpi slt, %select_n3A_446, %sign3A_800 : i32
            %sign3A_802 = arith.extui %sign3A_801 : i1 to i32
            %sign3A_803 = arith.subi %sign3A_799, %sign3A_802 : i32
            %sign3A_804 = arith.constant 0 : i32
            %sign3A_805 = arith.cmpi sgt, %jit3A_795, %sign3A_804 : i32
            %sign3A_806 = arith.extui %sign3A_805 : i1 to i32
            %sign3A_807 = arith.constant 0 : i32
            %sign3A_808 = arith.cmpi slt, %jit3A_795, %sign3A_807 : i32
            %sign3A_809 = arith.extui %sign3A_808 : i1 to i32
            %sign3A_810 = arith.subi %sign3A_806, %sign3A_809 : i32
            %ne3A_811 = arith.cmpi ne, %sign3A_803, %sign3A_810 : i32
            %rem3A_812 = arith.remsi %select_n3A_446, %jit3A_795 : i32
            %ne3A_813 = arith.constant 0 : i32
            %ne3A_814 = arith.cmpi ne, %rem3A_812, %ne3A_813 : i32
            %and3A_815 = arith.andi %ne3A_811, %ne3A_814 : i1
            %sub3A_816 = arith.constant 1 : i32
            %sub3A_817 = arith.subi %div3A_796, %sub3A_816 : i32
            %select_n3A_818 = arith.select %and3A_815, %sub3A_817, %div3A_796 : i32
            %mul3A_819 = arith.constant 16 : i32
            %mul3A_820 = arith.muli %select_n3A_818, %mul3A_819 : i32
            %jit3A_821 = arith.constant 16 : i32
            %eq3A_822 = arith.constant 0 : i32
            %eq3A_823 = arith.cmpi eq, %jit3A_821, %eq3A_822 : i32
            %jit3A_824 = arith.constant 1 : i32
            %select_n3A_825 = arith.select %eq3A_823, %jit3A_824, %jit3A_821 : i32
            %rem3A_826 = arith.remsi %select_n3A_446, %select_n3A_825 : i32
            %ne3A_827 = arith.constant 0 : i32
            %ne3A_828 = arith.cmpi ne, %rem3A_826, %ne3A_827 : i32
            %lt3A_829 = arith.constant 0 : i32
            %lt3A_830 = arith.cmpi slt, %rem3A_826, %lt3A_829 : i32
            %lt3A_831 = arith.constant 0 : i32
            %lt3A_832 = arith.cmpi slt, %select_n3A_825, %lt3A_831 : i32
            %ne3A_833 = arith.xori %lt3A_830, %lt3A_832 : i1
            %and3A_834 = arith.andi %ne3A_833, %ne3A_828 : i1
            %add3A_835 = arith.addi %rem3A_826, %select_n3A_825 : i32
            %select_n3A_836 = arith.select %and3A_834, %add3A_835, %rem3A_826 : i32
            %get3A_837 = arith.index_cast %mul3A_820 : i32 to index
            %get3A_838 = tpu.vector_load %arg11[%get3A_837] {strides = array<i32>} : memref<128xi32, #tpu.memory_space<vmem>>, vector<16xi32>,
            %get3A_839 = vector.shape_cast %get3A_838 : vector<16xi32> to vector<16xi32>
            %eq3A_840 = vector.broadcast %select_n3A_836 : i32 to vector<16xi32>
            %eq3A_841 = arith.cmpi eq, %iota3A, %eq3A_840 : vector<16xi32>
            %broadcast_in_dim3A_842 = vector.broadcast %squeeze3A_437 : i32 to vector<16xi32>
            %select_n3A_843 = arith.select %eq3A_841, %broadcast_in_dim3A_842, %get3A_839 : vector<16xi1>, vector<16xi32>
            %swap3A_844 = arith.index_cast %mul3A_820 : i32 to index
            %swap3A_845 = tpu.vector_load %arg11[%swap3A_844] {strides = array<i32>} : memref<128xi32, #tpu.memory_space<vmem>>, vector<16xi32>,
            %swap3A_846 = vector.shape_cast %swap3A_845 : vector<16xi32> to vector<16xi32>
            %swap3A_847 = vector.shape_cast %select_n3A_843 : vector<16xi32> to vector<16xi32>
            tpu.vector_store %arg11[%swap3A_844], %swap3A_847 {strides = array<i32>} : memref<128xi32, #tpu.memory_space<vmem>>, vector<16xi32>,
          } else {
          }
          %add3A_471 = arith.constant 1 : i32
          %add3A_472 = arith.addi %select_n3A_446, %add3A_471 : i32
          %select_n3A_473 = arith.select %ne3A_467, %add3A_472, %select_n3A_446 : i32
          %eq3A_474 = vector.broadcast %squeeze3A_466 : i32 to vector<16xi32>
          %eq3A_475 = arith.cmpi eq, %iota3A, %eq3A_474 : vector<16xi32>
          %jit3A_476 = arith.constant 1.000000e+00 : f32
          %jit3A_477 = arith.constant 0.000000e+00 : f32
          %broadcast_in_dim3A_478 = vector.broadcast %jit3A_476 : f32 to vector<16xf32>
          %broadcast_in_dim3A_479 = vector.broadcast %jit3A_477 : f32 to vector<16xf32>
          %select_n3A_480 = arith.select %eq3A_475, %broadcast_in_dim3A_478, %broadcast_in_dim3A_479 : vector<16xi1>, vector<16xf32>
          %get3A_481 = arith.constant 0 : index
          %get3A_482 = tpu.vector_load %arg12[%get3A_481] {strides = array<i32>} : memref<16xf32, #tpu.memory_space<vmem>>, vector<16xf32>,
          %get3A_483 = vector.shape_cast %get3A_482 : vector<16xf32> to vector<16xf32>
          %add3A_484 = arith.addf %get3A_483, %select_n3A_480 : vector<16xf32>
          %select_n3A_485 = arith.select %ne3A_467, %select_n3A_480, %add3A_484 : vector<16xf32>
          %swap3A_486 = arith.constant 0 : index
          %swap3A_487 = tpu.vector_load %arg12[%swap3A_486] {strides = array<i32>} : memref<16xf32, #tpu.memory_space<vmem>>, vector<16xf32>,
          %swap3A_488 = vector.shape_cast %swap3A_487 : vector<16xf32> to vector<16xf32>
          %swap3A_489 = vector.shape_cast %select_n3A_485 : vector<16xf32> to vector<16xf32>
          tpu.vector_store %arg12[%swap3A_486], %swap3A_489 {strides = array<i32>} : memref<16xf32, #tpu.memory_space<vmem>>, vector<16xf32>,
          %slice3A_490 = vector.extract_strided_slice %get3A_323 {offsets = [5], sizes = [1], strides = [1]} : vector<16xi32> to vector<1xi32>
          %squeeze3A_491 = vector.extract %slice3A_490[0] : i32 from vector<1xi32>
          %slice3A_492 = vector.extract_strided_slice %get3A_329 {offsets = [5], sizes = [1], strides = [1]} : vector<16xi32> to vector<1xi32>
          %squeeze3A_493 = vector.extract %slice3A_492[0] : i32 from vector<1xi32>
          %ne3A_494 = arith.cmpi ne, %squeeze3A_491, %squeeze3A_464 : i32
          %convert_element_type3A_495 = arith.extui %ne3A_494 : i1 to i32
          %cond3A_496 = arith.constant 0 : i32
          %cond3A_497 = arith.cmpi ne, %convert_element_type3A_495, %cond3A_496 : i32
          scf.if %cond3A_497 {
            %get3A_787 = arith.constant 0 : index
            %get3A_788 = tpu.vector_load %arg12[%get3A_787] {strides = array<i32>} : memref<16xf32, #tpu.memory_space<vmem>>, vector<16xf32>,
            %get3A_789 = vector.shape_cast %get3A_788 : vector<16xf32> to vector<16xf32>
            %swap3A_790 = arith.index_cast %select_n3A_473 : i32 to index
            %swap3A_791 = arith.constant 0 : index
            %swap3A_792 = tpu.vector_load %arg10[%swap3A_790, %swap3A_791] {strides = array<i32>} : memref<128x128xf32, #tpu.memory_space<vmem>>, vector<1x16xf32>,
            %swap3A_793 = vector.shape_cast %swap3A_792 : vector<1x16xf32> to vector<16xf32>
            %swap3A_794 = vector.shape_cast %get3A_789 : vector<16xf32> to vector<1x16xf32>
            tpu.vector_store %arg10[%swap3A_790, %swap3A_791], %swap3A_794 {strides = array<i32>} : memref<128x128xf32, #tpu.memory_space<vmem>>, vector<1x16xf32>,
            %jit3A_795 = arith.constant 16 : i32
            %div3A_796 = arith.divsi %select_n3A_473, %jit3A_795 : i32
            %sign3A_797 = arith.constant 0 : i32
            %sign3A_798 = arith.cmpi sgt, %select_n3A_473, %sign3A_797 : i32
            %sign3A_799 = arith.extui %sign3A_798 : i1 to i32
            %sign3A_800 = arith.constant 0 : i32
            %sign3A_801 = arith.cmpi slt, %select_n3A_473, %sign3A_800 : i32
            %sign3A_802 = arith.extui %sign3A_801 : i1 to i32
            %sign3A_803 = arith.subi %sign3A_799, %sign3A_802 : i32
            %sign3A_804 = arith.constant 0 : i32
            %sign3A_805 = arith.cmpi sgt, %jit3A_795, %sign3A_804 : i32
            %sign3A_806 = arith.extui %sign3A_805 : i1 to i32
            %sign3A_807 = arith.constant 0 : i32
            %sign3A_808 = arith.cmpi slt, %jit3A_795, %sign3A_807 : i32
            %sign3A_809 = arith.extui %sign3A_808 : i1 to i32
            %sign3A_810 = arith.subi %sign3A_806, %sign3A_809 : i32
            %ne3A_811 = arith.cmpi ne, %sign3A_803, %sign3A_810 : i32
            %rem3A_812 = arith.remsi %select_n3A_473, %jit3A_795 : i32
            %ne3A_813 = arith.constant 0 : i32
            %ne3A_814 = arith.cmpi ne, %rem3A_812, %ne3A_813 : i32
            %and3A_815 = arith.andi %ne3A_811, %ne3A_814 : i1
            %sub3A_816 = arith.constant 1 : i32
            %sub3A_817 = arith.subi %div3A_796, %sub3A_816 : i32
            %select_n3A_818 = arith.select %and3A_815, %sub3A_817, %div3A_796 : i32
            %mul3A_819 = arith.constant 16 : i32
            %mul3A_820 = arith.muli %select_n3A_818, %mul3A_819 : i32
            %jit3A_821 = arith.constant 16 : i32
            %eq3A_822 = arith.constant 0 : i32
            %eq3A_823 = arith.cmpi eq, %jit3A_821, %eq3A_822 : i32
            %jit3A_824 = arith.constant 1 : i32
            %select_n3A_825 = arith.select %eq3A_823, %jit3A_824, %jit3A_821 : i32
            %rem3A_826 = arith.remsi %select_n3A_473, %select_n3A_825 : i32
            %ne3A_827 = arith.constant 0 : i32
            %ne3A_828 = arith.cmpi ne, %rem3A_826, %ne3A_827 : i32
            %lt3A_829 = arith.constant 0 : i32
            %lt3A_830 = arith.cmpi slt, %rem3A_826, %lt3A_829 : i32
            %lt3A_831 = arith.constant 0 : i32
            %lt3A_832 = arith.cmpi slt, %select_n3A_825, %lt3A_831 : i32
            %ne3A_833 = arith.xori %lt3A_830, %lt3A_832 : i1
            %and3A_834 = arith.andi %ne3A_833, %ne3A_828 : i1
            %add3A_835 = arith.addi %rem3A_826, %select_n3A_825 : i32
            %select_n3A_836 = arith.select %and3A_834, %add3A_835, %rem3A_826 : i32
            %get3A_837 = arith.index_cast %mul3A_820 : i32 to index
            %get3A_838 = tpu.vector_load %arg11[%get3A_837] {strides = array<i32>} : memref<128xi32, #tpu.memory_space<vmem>>, vector<16xi32>,
            %get3A_839 = vector.shape_cast %get3A_838 : vector<16xi32> to vector<16xi32>
            %eq3A_840 = vector.broadcast %select_n3A_836 : i32 to vector<16xi32>
            %eq3A_841 = arith.cmpi eq, %iota3A, %eq3A_840 : vector<16xi32>
            %broadcast_in_dim3A_842 = vector.broadcast %squeeze3A_464 : i32 to vector<16xi32>
            %select_n3A_843 = arith.select %eq3A_841, %broadcast_in_dim3A_842, %get3A_839 : vector<16xi1>, vector<16xi32>
            %swap3A_844 = arith.index_cast %mul3A_820 : i32 to index
            %swap3A_845 = tpu.vector_load %arg11[%swap3A_844] {strides = array<i32>} : memref<128xi32, #tpu.memory_space<vmem>>, vector<16xi32>,
            %swap3A_846 = vector.shape_cast %swap3A_845 : vector<16xi32> to vector<16xi32>
            %swap3A_847 = vector.shape_cast %select_n3A_843 : vector<16xi32> to vector<16xi32>
            tpu.vector_store %arg11[%swap3A_844], %swap3A_847 {strides = array<i32>} : memref<128xi32, #tpu.memory_space<vmem>>, vector<16xi32>,
          } else {
          }
          %add3A_498 = arith.constant 1 : i32
          %add3A_499 = arith.addi %select_n3A_473, %add3A_498 : i32
          %select_n3A_500 = arith.select %ne3A_494, %add3A_499, %select_n3A_473 : i32
          %eq3A_501 = vector.broadcast %squeeze3A_493 : i32 to vector<16xi32>
          %eq3A_502 = arith.cmpi eq, %iota3A, %eq3A_501 : vector<16xi32>
          %jit3A_503 = arith.constant 1.000000e+00 : f32
          %jit3A_504 = arith.constant 0.000000e+00 : f32
          %broadcast_in_dim3A_505 = vector.broadcast %jit3A_503 : f32 to vector<16xf32>
          %broadcast_in_dim3A_506 = vector.broadcast %jit3A_504 : f32 to vector<16xf32>
          %select_n3A_507 = arith.select %eq3A_502, %broadcast_in_dim3A_505, %broadcast_in_dim3A_506 : vector<16xi1>, vector<16xf32>
          %get3A_508 = arith.constant 0 : index
          %get3A_509 = tpu.vector_load %arg12[%get3A_508] {strides = array<i32>} : memref<16xf32, #tpu.memory_space<vmem>>, vector<16xf32>,
          %get3A_510 = vector.shape_cast %get3A_509 : vector<16xf32> to vector<16xf32>
          %add3A_511 = arith.addf %get3A_510, %select_n3A_507 : vector<16xf32>
          %select_n3A_512 = arith.select %ne3A_494, %select_n3A_507, %add3A_511 : vector<16xf32>
          %swap3A_513 = arith.constant 0 : index
          %swap3A_514 = tpu.vector_load %arg12[%swap3A_513] {strides = array<i32>} : memref<16xf32, #tpu.memory_space<vmem>>, vector<16xf32>,
          %swap3A_515 = vector.shape_cast %swap3A_514 : vector<16xf32> to vector<16xf32>
          %swap3A_516 = vector.shape_cast %select_n3A_512 : vector<16xf32> to vector<16xf32>
          tpu.vector_store %arg12[%swap3A_513], %swap3A_516 {strides = array<i32>} : memref<16xf32, #tpu.memory_space<vmem>>, vector<16xf32>,
          %slice3A_517 = vector.extract_strided_slice %get3A_323 {offsets = [6], sizes = [1], strides = [1]} : vector<16xi32> to vector<1xi32>
          %squeeze3A_518 = vector.extract %slice3A_517[0] : i32 from vector<1xi32>
          %slice3A_519 = vector.extract_strided_slice %get3A_329 {offsets = [6], sizes = [1], strides = [1]} : vector<16xi32> to vector<1xi32>
          %squeeze3A_520 = vector.extract %slice3A_519[0] : i32 from vector<1xi32>
          %ne3A_521 = arith.cmpi ne, %squeeze3A_518, %squeeze3A_491 : i32
          %convert_element_type3A_522 = arith.extui %ne3A_521 : i1 to i32
          %cond3A_523 = arith.constant 0 : i32
          %cond3A_524 = arith.cmpi ne, %convert_element_type3A_522, %cond3A_523 : i32
          scf.if %cond3A_524 {
            %get3A_787 = arith.constant 0 : index
            %get3A_788 = tpu.vector_load %arg12[%get3A_787] {strides = array<i32>} : memref<16xf32, #tpu.memory_space<vmem>>, vector<16xf32>,
            %get3A_789 = vector.shape_cast %get3A_788 : vector<16xf32> to vector<16xf32>
            %swap3A_790 = arith.index_cast %select_n3A_500 : i32 to index
            %swap3A_791 = arith.constant 0 : index
            %swap3A_792 = tpu.vector_load %arg10[%swap3A_790, %swap3A_791] {strides = array<i32>} : memref<128x128xf32, #tpu.memory_space<vmem>>, vector<1x16xf32>,
            %swap3A_793 = vector.shape_cast %swap3A_792 : vector<1x16xf32> to vector<16xf32>
            %swap3A_794 = vector.shape_cast %get3A_789 : vector<16xf32> to vector<1x16xf32>
            tpu.vector_store %arg10[%swap3A_790, %swap3A_791], %swap3A_794 {strides = array<i32>} : memref<128x128xf32, #tpu.memory_space<vmem>>, vector<1x16xf32>,
            %jit3A_795 = arith.constant 16 : i32
            %div3A_796 = arith.divsi %select_n3A_500, %jit3A_795 : i32
            %sign3A_797 = arith.constant 0 : i32
            %sign3A_798 = arith.cmpi sgt, %select_n3A_500, %sign3A_797 : i32
            %sign3A_799 = arith.extui %sign3A_798 : i1 to i32
            %sign3A_800 = arith.constant 0 : i32
            %sign3A_801 = arith.cmpi slt, %select_n3A_500, %sign3A_800 : i32
            %sign3A_802 = arith.extui %sign3A_801 : i1 to i32
            %sign3A_803 = arith.subi %sign3A_799, %sign3A_802 : i32
            %sign3A_804 = arith.constant 0 : i32
            %sign3A_805 = arith.cmpi sgt, %jit3A_795, %sign3A_804 : i32
            %sign3A_806 = arith.extui %sign3A_805 : i1 to i32
            %sign3A_807 = arith.constant 0 : i32
            %sign3A_808 = arith.cmpi slt, %jit3A_795, %sign3A_807 : i32
            %sign3A_809 = arith.extui %sign3A_808 : i1 to i32
            %sign3A_810 = arith.subi %sign3A_806, %sign3A_809 : i32
            %ne3A_811 = arith.cmpi ne, %sign3A_803, %sign3A_810 : i32
            %rem3A_812 = arith.remsi %select_n3A_500, %jit3A_795 : i32
            %ne3A_813 = arith.constant 0 : i32
            %ne3A_814 = arith.cmpi ne, %rem3A_812, %ne3A_813 : i32
            %and3A_815 = arith.andi %ne3A_811, %ne3A_814 : i1
            %sub3A_816 = arith.constant 1 : i32
            %sub3A_817 = arith.subi %div3A_796, %sub3A_816 : i32
            %select_n3A_818 = arith.select %and3A_815, %sub3A_817, %div3A_796 : i32
            %mul3A_819 = arith.constant 16 : i32
            %mul3A_820 = arith.muli %select_n3A_818, %mul3A_819 : i32
            %jit3A_821 = arith.constant 16 : i32
            %eq3A_822 = arith.constant 0 : i32
            %eq3A_823 = arith.cmpi eq, %jit3A_821, %eq3A_822 : i32
            %jit3A_824 = arith.constant 1 : i32
            %select_n3A_825 = arith.select %eq3A_823, %jit3A_824, %jit3A_821 : i32
            %rem3A_826 = arith.remsi %select_n3A_500, %select_n3A_825 : i32
            %ne3A_827 = arith.constant 0 : i32
            %ne3A_828 = arith.cmpi ne, %rem3A_826, %ne3A_827 : i32
            %lt3A_829 = arith.constant 0 : i32
            %lt3A_830 = arith.cmpi slt, %rem3A_826, %lt3A_829 : i32
            %lt3A_831 = arith.constant 0 : i32
            %lt3A_832 = arith.cmpi slt, %select_n3A_825, %lt3A_831 : i32
            %ne3A_833 = arith.xori %lt3A_830, %lt3A_832 : i1
            %and3A_834 = arith.andi %ne3A_833, %ne3A_828 : i1
            %add3A_835 = arith.addi %rem3A_826, %select_n3A_825 : i32
            %select_n3A_836 = arith.select %and3A_834, %add3A_835, %rem3A_826 : i32
            %get3A_837 = arith.index_cast %mul3A_820 : i32 to index
            %get3A_838 = tpu.vector_load %arg11[%get3A_837] {strides = array<i32>} : memref<128xi32, #tpu.memory_space<vmem>>, vector<16xi32>,
            %get3A_839 = vector.shape_cast %get3A_838 : vector<16xi32> to vector<16xi32>
            %eq3A_840 = vector.broadcast %select_n3A_836 : i32 to vector<16xi32>
            %eq3A_841 = arith.cmpi eq, %iota3A, %eq3A_840 : vector<16xi32>
            %broadcast_in_dim3A_842 = vector.broadcast %squeeze3A_491 : i32 to vector<16xi32>
            %select_n3A_843 = arith.select %eq3A_841, %broadcast_in_dim3A_842, %get3A_839 : vector<16xi1>, vector<16xi32>
            %swap3A_844 = arith.index_cast %mul3A_820 : i32 to index
            %swap3A_845 = tpu.vector_load %arg11[%swap3A_844] {strides = array<i32>} : memref<128xi32, #tpu.memory_space<vmem>>, vector<16xi32>,
            %swap3A_846 = vector.shape_cast %swap3A_845 : vector<16xi32> to vector<16xi32>
            %swap3A_847 = vector.shape_cast %select_n3A_843 : vector<16xi32> to vector<16xi32>
            tpu.vector_store %arg11[%swap3A_844], %swap3A_847 {strides = array<i32>} : memref<128xi32, #tpu.memory_space<vmem>>, vector<16xi32>,
          } else {
          }
          %add3A_525 = arith.constant 1 : i32
          %add3A_526 = arith.addi %select_n3A_500, %add3A_525 : i32
          %select_n3A_527 = arith.select %ne3A_521, %add3A_526, %select_n3A_500 : i32
          %eq3A_528 = vector.broadcast %squeeze3A_520 : i32 to vector<16xi32>
          %eq3A_529 = arith.cmpi eq, %iota3A, %eq3A_528 : vector<16xi32>
          %jit3A_530 = arith.constant 1.000000e+00 : f32
          %jit3A_531 = arith.constant 0.000000e+00 : f32
          %broadcast_in_dim3A_532 = vector.broadcast %jit3A_530 : f32 to vector<16xf32>
          %broadcast_in_dim3A_533 = vector.broadcast %jit3A_531 : f32 to vector<16xf32>
          %select_n3A_534 = arith.select %eq3A_529, %broadcast_in_dim3A_532, %broadcast_in_dim3A_533 : vector<16xi1>, vector<16xf32>
          %get3A_535 = arith.constant 0 : index
          %get3A_536 = tpu.vector_load %arg12[%get3A_535] {strides = array<i32>} : memref<16xf32, #tpu.memory_space<vmem>>, vector<16xf32>,
          %get3A_537 = vector.shape_cast %get3A_536 : vector<16xf32> to vector<16xf32>
          %add3A_538 = arith.addf %get3A_537, %select_n3A_534 : vector<16xf32>
          %select_n3A_539 = arith.select %ne3A_521, %select_n3A_534, %add3A_538 : vector<16xf32>
          %swap3A_540 = arith.constant 0 : index
          %swap3A_541 = tpu.vector_load %arg12[%swap3A_540] {strides = array<i32>} : memref<16xf32, #tpu.memory_space<vmem>>, vector<16xf32>,
          %swap3A_542 = vector.shape_cast %swap3A_541 : vector<16xf32> to vector<16xf32>
          %swap3A_543 = vector.shape_cast %select_n3A_539 : vector<16xf32> to vector<16xf32>
          tpu.vector_store %arg12[%swap3A_540], %swap3A_543 {strides = array<i32>} : memref<16xf32, #tpu.memory_space<vmem>>, vector<16xf32>,
          %slice3A_544 = vector.extract_strided_slice %get3A_323 {offsets = [7], sizes = [1], strides = [1]} : vector<16xi32> to vector<1xi32>
          %squeeze3A_545 = vector.extract %slice3A_544[0] : i32 from vector<1xi32>
          %slice3A_546 = vector.extract_strided_slice %get3A_329 {offsets = [7], sizes = [1], strides = [1]} : vector<16xi32> to vector<1xi32>
          %squeeze3A_547 = vector.extract %slice3A_546[0] : i32 from vector<1xi32>
          %ne3A_548 = arith.cmpi ne, %squeeze3A_545, %squeeze3A_518 : i32
          %convert_element_type3A_549 = arith.extui %ne3A_548 : i1 to i32
          %cond3A_550 = arith.constant 0 : i32
          %cond3A_551 = arith.cmpi ne, %convert_element_type3A_549, %cond3A_550 : i32
          scf.if %cond3A_551 {
            %get3A_787 = arith.constant 0 : index
            %get3A_788 = tpu.vector_load %arg12[%get3A_787] {strides = array<i32>} : memref<16xf32, #tpu.memory_space<vmem>>, vector<16xf32>,
            %get3A_789 = vector.shape_cast %get3A_788 : vector<16xf32> to vector<16xf32>
            %swap3A_790 = arith.index_cast %select_n3A_527 : i32 to index
            %swap3A_791 = arith.constant 0 : index
            %swap3A_792 = tpu.vector_load %arg10[%swap3A_790, %swap3A_791] {strides = array<i32>} : memref<128x128xf32, #tpu.memory_space<vmem>>, vector<1x16xf32>,
            %swap3A_793 = vector.shape_cast %swap3A_792 : vector<1x16xf32> to vector<16xf32>
            %swap3A_794 = vector.shape_cast %get3A_789 : vector<16xf32> to vector<1x16xf32>
            tpu.vector_store %arg10[%swap3A_790, %swap3A_791], %swap3A_794 {strides = array<i32>} : memref<128x128xf32, #tpu.memory_space<vmem>>, vector<1x16xf32>,
            %jit3A_795 = arith.constant 16 : i32
            %div3A_796 = arith.divsi %select_n3A_527, %jit3A_795 : i32
            %sign3A_797 = arith.constant 0 : i32
            %sign3A_798 = arith.cmpi sgt, %select_n3A_527, %sign3A_797 : i32
            %sign3A_799 = arith.extui %sign3A_798 : i1 to i32
            %sign3A_800 = arith.constant 0 : i32
            %sign3A_801 = arith.cmpi slt, %select_n3A_527, %sign3A_800 : i32
            %sign3A_802 = arith.extui %sign3A_801 : i1 to i32
            %sign3A_803 = arith.subi %sign3A_799, %sign3A_802 : i32
            %sign3A_804 = arith.constant 0 : i32
            %sign3A_805 = arith.cmpi sgt, %jit3A_795, %sign3A_804 : i32
            %sign3A_806 = arith.extui %sign3A_805 : i1 to i32
            %sign3A_807 = arith.constant 0 : i32
            %sign3A_808 = arith.cmpi slt, %jit3A_795, %sign3A_807 : i32
            %sign3A_809 = arith.extui %sign3A_808 : i1 to i32
            %sign3A_810 = arith.subi %sign3A_806, %sign3A_809 : i32
            %ne3A_811 = arith.cmpi ne, %sign3A_803, %sign3A_810 : i32
            %rem3A_812 = arith.remsi %select_n3A_527, %jit3A_795 : i32
            %ne3A_813 = arith.constant 0 : i32
            %ne3A_814 = arith.cmpi ne, %rem3A_812, %ne3A_813 : i32
            %and3A_815 = arith.andi %ne3A_811, %ne3A_814 : i1
            %sub3A_816 = arith.constant 1 : i32
            %sub3A_817 = arith.subi %div3A_796, %sub3A_816 : i32
            %select_n3A_818 = arith.select %and3A_815, %sub3A_817, %div3A_796 : i32
            %mul3A_819 = arith.constant 16 : i32
            %mul3A_820 = arith.muli %select_n3A_818, %mul3A_819 : i32
            %jit3A_821 = arith.constant 16 : i32
            %eq3A_822 = arith.constant 0 : i32
            %eq3A_823 = arith.cmpi eq, %jit3A_821, %eq3A_822 : i32
            %jit3A_824 = arith.constant 1 : i32
            %select_n3A_825 = arith.select %eq3A_823, %jit3A_824, %jit3A_821 : i32
            %rem3A_826 = arith.remsi %select_n3A_527, %select_n3A_825 : i32
            %ne3A_827 = arith.constant 0 : i32
            %ne3A_828 = arith.cmpi ne, %rem3A_826, %ne3A_827 : i32
            %lt3A_829 = arith.constant 0 : i32
            %lt3A_830 = arith.cmpi slt, %rem3A_826, %lt3A_829 : i32
            %lt3A_831 = arith.constant 0 : i32
            %lt3A_832 = arith.cmpi slt, %select_n3A_825, %lt3A_831 : i32
            %ne3A_833 = arith.xori %lt3A_830, %lt3A_832 : i1
            %and3A_834 = arith.andi %ne3A_833, %ne3A_828 : i1
            %add3A_835 = arith.addi %rem3A_826, %select_n3A_825 : i32
            %select_n3A_836 = arith.select %and3A_834, %add3A_835, %rem3A_826 : i32
            %get3A_837 = arith.index_cast %mul3A_820 : i32 to index
            %get3A_838 = tpu.vector_load %arg11[%get3A_837] {strides = array<i32>} : memref<128xi32, #tpu.memory_space<vmem>>, vector<16xi32>,
            %get3A_839 = vector.shape_cast %get3A_838 : vector<16xi32> to vector<16xi32>
            %eq3A_840 = vector.broadcast %select_n3A_836 : i32 to vector<16xi32>
            %eq3A_841 = arith.cmpi eq, %iota3A, %eq3A_840 : vector<16xi32>
            %broadcast_in_dim3A_842 = vector.broadcast %squeeze3A_518 : i32 to vector<16xi32>
            %select_n3A_843 = arith.select %eq3A_841, %broadcast_in_dim3A_842, %get3A_839 : vector<16xi1>, vector<16xi32>
            %swap3A_844 = arith.index_cast %mul3A_820 : i32 to index
            %swap3A_845 = tpu.vector_load %arg11[%swap3A_844] {strides = array<i32>} : memref<128xi32, #tpu.memory_space<vmem>>, vector<16xi32>,
            %swap3A_846 = vector.shape_cast %swap3A_845 : vector<16xi32> to vector<16xi32>
            %swap3A_847 = vector.shape_cast %select_n3A_843 : vector<16xi32> to vector<16xi32>
            tpu.vector_store %arg11[%swap3A_844], %swap3A_847 {strides = array<i32>} : memref<128xi32, #tpu.memory_space<vmem>>, vector<16xi32>,
          } else {
          }
          %add3A_552 = arith.constant 1 : i32
          %add3A_553 = arith.addi %select_n3A_527, %add3A_552 : i32
          %select_n3A_554 = arith.select %ne3A_548, %add3A_553, %select_n3A_527 : i32
          %eq3A_555 = vector.broadcast %squeeze3A_547 : i32 to vector<16xi32>
          %eq3A_556 = arith.cmpi eq, %iota3A, %eq3A_555 : vector<16xi32>
          %jit3A_557 = arith.constant 1.000000e+00 : f32
          %jit3A_558 = arith.constant 0.000000e+00 : f32
          %broadcast_in_dim3A_559 = vector.broadcast %jit3A_557 : f32 to vector<16xf32>
          %broadcast_in_dim3A_560 = vector.broadcast %jit3A_558 : f32 to vector<16xf32>
          %select_n3A_561 = arith.select %eq3A_556, %broadcast_in_dim3A_559, %broadcast_in_dim3A_560 : vector<16xi1>, vector<16xf32>
          %get3A_562 = arith.constant 0 : index
          %get3A_563 = tpu.vector_load %arg12[%get3A_562] {strides = array<i32>} : memref<16xf32, #tpu.memory_space<vmem>>, vector<16xf32>,
          %get3A_564 = vector.shape_cast %get3A_563 : vector<16xf32> to vector<16xf32>
          %add3A_565 = arith.addf %get3A_564, %select_n3A_561 : vector<16xf32>
          %select_n3A_566 = arith.select %ne3A_548, %select_n3A_561, %add3A_565 : vector<16xf32>
          %swap3A_567 = arith.constant 0 : index
          %swap3A_568 = tpu.vector_load %arg12[%swap3A_567] {strides = array<i32>} : memref<16xf32, #tpu.memory_space<vmem>>, vector<16xf32>,
          %swap3A_569 = vector.shape_cast %swap3A_568 : vector<16xf32> to vector<16xf32>
          %swap3A_570 = vector.shape_cast %select_n3A_566 : vector<16xf32> to vector<16xf32>
          tpu.vector_store %arg12[%swap3A_567], %swap3A_570 {strides = array<i32>} : memref<16xf32, #tpu.memory_space<vmem>>, vector<16xf32>,
          %slice3A_571 = vector.extract_strided_slice %get3A_323 {offsets = [8], sizes = [1], strides = [1]} : vector<16xi32> to vector<1xi32>
          %squeeze3A_572 = vector.extract %slice3A_571[0] : i32 from vector<1xi32>
          %slice3A_573 = vector.extract_strided_slice %get3A_329 {offsets = [8], sizes = [1], strides = [1]} : vector<16xi32> to vector<1xi32>
          %squeeze3A_574 = vector.extract %slice3A_573[0] : i32 from vector<1xi32>
          %ne3A_575 = arith.cmpi ne, %squeeze3A_572, %squeeze3A_545 : i32
          %convert_element_type3A_576 = arith.extui %ne3A_575 : i1 to i32
          %cond3A_577 = arith.constant 0 : i32
          %cond3A_578 = arith.cmpi ne, %convert_element_type3A_576, %cond3A_577 : i32
          scf.if %cond3A_578 {
            %get3A_787 = arith.constant 0 : index
            %get3A_788 = tpu.vector_load %arg12[%get3A_787] {strides = array<i32>} : memref<16xf32, #tpu.memory_space<vmem>>, vector<16xf32>,
            %get3A_789 = vector.shape_cast %get3A_788 : vector<16xf32> to vector<16xf32>
            %swap3A_790 = arith.index_cast %select_n3A_554 : i32 to index
            %swap3A_791 = arith.constant 0 : index
            %swap3A_792 = tpu.vector_load %arg10[%swap3A_790, %swap3A_791] {strides = array<i32>} : memref<128x128xf32, #tpu.memory_space<vmem>>, vector<1x16xf32>,
            %swap3A_793 = vector.shape_cast %swap3A_792 : vector<1x16xf32> to vector<16xf32>
            %swap3A_794 = vector.shape_cast %get3A_789 : vector<16xf32> to vector<1x16xf32>
            tpu.vector_store %arg10[%swap3A_790, %swap3A_791], %swap3A_794 {strides = array<i32>} : memref<128x128xf32, #tpu.memory_space<vmem>>, vector<1x16xf32>,
            %jit3A_795 = arith.constant 16 : i32
            %div3A_796 = arith.divsi %select_n3A_554, %jit3A_795 : i32
            %sign3A_797 = arith.constant 0 : i32
            %sign3A_798 = arith.cmpi sgt, %select_n3A_554, %sign3A_797 : i32
            %sign3A_799 = arith.extui %sign3A_798 : i1 to i32
            %sign3A_800 = arith.constant 0 : i32
            %sign3A_801 = arith.cmpi slt, %select_n3A_554, %sign3A_800 : i32
            %sign3A_802 = arith.extui %sign3A_801 : i1 to i32
            %sign3A_803 = arith.subi %sign3A_799, %sign3A_802 : i32
            %sign3A_804 = arith.constant 0 : i32
            %sign3A_805 = arith.cmpi sgt, %jit3A_795, %sign3A_804 : i32
            %sign3A_806 = arith.extui %sign3A_805 : i1 to i32
            %sign3A_807 = arith.constant 0 : i32
            %sign3A_808 = arith.cmpi slt, %jit3A_795, %sign3A_807 : i32
            %sign3A_809 = arith.extui %sign3A_808 : i1 to i32
            %sign3A_810 = arith.subi %sign3A_806, %sign3A_809 : i32
            %ne3A_811 = arith.cmpi ne, %sign3A_803, %sign3A_810 : i32
            %rem3A_812 = arith.remsi %select_n3A_554, %jit3A_795 : i32
            %ne3A_813 = arith.constant 0 : i32
            %ne3A_814 = arith.cmpi ne, %rem3A_812, %ne3A_813 : i32
            %and3A_815 = arith.andi %ne3A_811, %ne3A_814 : i1
            %sub3A_816 = arith.constant 1 : i32
            %sub3A_817 = arith.subi %div3A_796, %sub3A_816 : i32
            %select_n3A_818 = arith.select %and3A_815, %sub3A_817, %div3A_796 : i32
            %mul3A_819 = arith.constant 16 : i32
            %mul3A_820 = arith.muli %select_n3A_818, %mul3A_819 : i32
            %jit3A_821 = arith.constant 16 : i32
            %eq3A_822 = arith.constant 0 : i32
            %eq3A_823 = arith.cmpi eq, %jit3A_821, %eq3A_822 : i32
            %jit3A_824 = arith.constant 1 : i32
            %select_n3A_825 = arith.select %eq3A_823, %jit3A_824, %jit3A_821 : i32
            %rem3A_826 = arith.remsi %select_n3A_554, %select_n3A_825 : i32
            %ne3A_827 = arith.constant 0 : i32
            %ne3A_828 = arith.cmpi ne, %rem3A_826, %ne3A_827 : i32
            %lt3A_829 = arith.constant 0 : i32
            %lt3A_830 = arith.cmpi slt, %rem3A_826, %lt3A_829 : i32
            %lt3A_831 = arith.constant 0 : i32
            %lt3A_832 = arith.cmpi slt, %select_n3A_825, %lt3A_831 : i32
            %ne3A_833 = arith.xori %lt3A_830, %lt3A_832 : i1
            %and3A_834 = arith.andi %ne3A_833, %ne3A_828 : i1
            %add3A_835 = arith.addi %rem3A_826, %select_n3A_825 : i32
            %select_n3A_836 = arith.select %and3A_834, %add3A_835, %rem3A_826 : i32
            %get3A_837 = arith.index_cast %mul3A_820 : i32 to index
            %get3A_838 = tpu.vector_load %arg11[%get3A_837] {strides = array<i32>} : memref<128xi32, #tpu.memory_space<vmem>>, vector<16xi32>,
            %get3A_839 = vector.shape_cast %get3A_838 : vector<16xi32> to vector<16xi32>
            %eq3A_840 = vector.broadcast %select_n3A_836 : i32 to vector<16xi32>
            %eq3A_841 = arith.cmpi eq, %iota3A, %eq3A_840 : vector<16xi32>
            %broadcast_in_dim3A_842 = vector.broadcast %squeeze3A_545 : i32 to vector<16xi32>
            %select_n3A_843 = arith.select %eq3A_841, %broadcast_in_dim3A_842, %get3A_839 : vector<16xi1>, vector<16xi32>
            %swap3A_844 = arith.index_cast %mul3A_820 : i32 to index
            %swap3A_845 = tpu.vector_load %arg11[%swap3A_844] {strides = array<i32>} : memref<128xi32, #tpu.memory_space<vmem>>, vector<16xi32>,
            %swap3A_846 = vector.shape_cast %swap3A_845 : vector<16xi32> to vector<16xi32>
            %swap3A_847 = vector.shape_cast %select_n3A_843 : vector<16xi32> to vector<16xi32>
            tpu.vector_store %arg11[%swap3A_844], %swap3A_847 {strides = array<i32>} : memref<128xi32, #tpu.memory_space<vmem>>, vector<16xi32>,
          } else {
          }
          %add3A_579 = arith.constant 1 : i32
          %add3A_580 = arith.addi %select_n3A_554, %add3A_579 : i32
          %select_n3A_581 = arith.select %ne3A_575, %add3A_580, %select_n3A_554 : i32
          %eq3A_582 = vector.broadcast %squeeze3A_574 : i32 to vector<16xi32>
          %eq3A_583 = arith.cmpi eq, %iota3A, %eq3A_582 : vector<16xi32>
          %jit3A_584 = arith.constant 1.000000e+00 : f32
          %jit3A_585 = arith.constant 0.000000e+00 : f32
          %broadcast_in_dim3A_586 = vector.broadcast %jit3A_584 : f32 to vector<16xf32>
          %broadcast_in_dim3A_587 = vector.broadcast %jit3A_585 : f32 to vector<16xf32>
          %select_n3A_588 = arith.select %eq3A_583, %broadcast_in_dim3A_586, %broadcast_in_dim3A_587 : vector<16xi1>, vector<16xf32>
          %get3A_589 = arith.constant 0 : index
          %get3A_590 = tpu.vector_load %arg12[%get3A_589] {strides = array<i32>} : memref<16xf32, #tpu.memory_space<vmem>>, vector<16xf32>,
          %get3A_591 = vector.shape_cast %get3A_590 : vector<16xf32> to vector<16xf32>
          %add3A_592 = arith.addf %get3A_591, %select_n3A_588 : vector<16xf32>
          %select_n3A_593 = arith.select %ne3A_575, %select_n3A_588, %add3A_592 : vector<16xf32>
          %swap3A_594 = arith.constant 0 : index
          %swap3A_595 = tpu.vector_load %arg12[%swap3A_594] {strides = array<i32>} : memref<16xf32, #tpu.memory_space<vmem>>, vector<16xf32>,
          %swap3A_596 = vector.shape_cast %swap3A_595 : vector<16xf32> to vector<16xf32>
          %swap3A_597 = vector.shape_cast %select_n3A_593 : vector<16xf32> to vector<16xf32>
          tpu.vector_store %arg12[%swap3A_594], %swap3A_597 {strides = array<i32>} : memref<16xf32, #tpu.memory_space<vmem>>, vector<16xf32>,
          %slice3A_598 = vector.extract_strided_slice %get3A_323 {offsets = [9], sizes = [1], strides = [1]} : vector<16xi32> to vector<1xi32>
          %squeeze3A_599 = vector.extract %slice3A_598[0] : i32 from vector<1xi32>
          %slice3A_600 = vector.extract_strided_slice %get3A_329 {offsets = [9], sizes = [1], strides = [1]} : vector<16xi32> to vector<1xi32>
          %squeeze3A_601 = vector.extract %slice3A_600[0] : i32 from vector<1xi32>
          %ne3A_602 = arith.cmpi ne, %squeeze3A_599, %squeeze3A_572 : i32
          %convert_element_type3A_603 = arith.extui %ne3A_602 : i1 to i32
          %cond3A_604 = arith.constant 0 : i32
          %cond3A_605 = arith.cmpi ne, %convert_element_type3A_603, %cond3A_604 : i32
          scf.if %cond3A_605 {
            %get3A_787 = arith.constant 0 : index
            %get3A_788 = tpu.vector_load %arg12[%get3A_787] {strides = array<i32>} : memref<16xf32, #tpu.memory_space<vmem>>, vector<16xf32>,
            %get3A_789 = vector.shape_cast %get3A_788 : vector<16xf32> to vector<16xf32>
            %swap3A_790 = arith.index_cast %select_n3A_581 : i32 to index
            %swap3A_791 = arith.constant 0 : index
            %swap3A_792 = tpu.vector_load %arg10[%swap3A_790, %swap3A_791] {strides = array<i32>} : memref<128x128xf32, #tpu.memory_space<vmem>>, vector<1x16xf32>,
            %swap3A_793 = vector.shape_cast %swap3A_792 : vector<1x16xf32> to vector<16xf32>
            %swap3A_794 = vector.shape_cast %get3A_789 : vector<16xf32> to vector<1x16xf32>
            tpu.vector_store %arg10[%swap3A_790, %swap3A_791], %swap3A_794 {strides = array<i32>} : memref<128x128xf32, #tpu.memory_space<vmem>>, vector<1x16xf32>,
            %jit3A_795 = arith.constant 16 : i32
            %div3A_796 = arith.divsi %select_n3A_581, %jit3A_795 : i32
            %sign3A_797 = arith.constant 0 : i32
            %sign3A_798 = arith.cmpi sgt, %select_n3A_581, %sign3A_797 : i32
            %sign3A_799 = arith.extui %sign3A_798 : i1 to i32
            %sign3A_800 = arith.constant 0 : i32
            %sign3A_801 = arith.cmpi slt, %select_n3A_581, %sign3A_800 : i32
            %sign3A_802 = arith.extui %sign3A_801 : i1 to i32
            %sign3A_803 = arith.subi %sign3A_799, %sign3A_802 : i32
            %sign3A_804 = arith.constant 0 : i32
            %sign3A_805 = arith.cmpi sgt, %jit3A_795, %sign3A_804 : i32
            %sign3A_806 = arith.extui %sign3A_805 : i1 to i32
            %sign3A_807 = arith.constant 0 : i32
            %sign3A_808 = arith.cmpi slt, %jit3A_795, %sign3A_807 : i32
            %sign3A_809 = arith.extui %sign3A_808 : i1 to i32
            %sign3A_810 = arith.subi %sign3A_806, %sign3A_809 : i32
            %ne3A_811 = arith.cmpi ne, %sign3A_803, %sign3A_810 : i32
            %rem3A_812 = arith.remsi %select_n3A_581, %jit3A_795 : i32
            %ne3A_813 = arith.constant 0 : i32
            %ne3A_814 = arith.cmpi ne, %rem3A_812, %ne3A_813 : i32
            %and3A_815 = arith.andi %ne3A_811, %ne3A_814 : i1
            %sub3A_816 = arith.constant 1 : i32
            %sub3A_817 = arith.subi %div3A_796, %sub3A_816 : i32
            %select_n3A_818 = arith.select %and3A_815, %sub3A_817, %div3A_796 : i32
            %mul3A_819 = arith.constant 16 : i32
            %mul3A_820 = arith.muli %select_n3A_818, %mul3A_819 : i32
            %jit3A_821 = arith.constant 16 : i32
            %eq3A_822 = arith.constant 0 : i32
            %eq3A_823 = arith.cmpi eq, %jit3A_821, %eq3A_822 : i32
            %jit3A_824 = arith.constant 1 : i32
            %select_n3A_825 = arith.select %eq3A_823, %jit3A_824, %jit3A_821 : i32
            %rem3A_826 = arith.remsi %select_n3A_581, %select_n3A_825 : i32
            %ne3A_827 = arith.constant 0 : i32
            %ne3A_828 = arith.cmpi ne, %rem3A_826, %ne3A_827 : i32
            %lt3A_829 = arith.constant 0 : i32
            %lt3A_830 = arith.cmpi slt, %rem3A_826, %lt3A_829 : i32
            %lt3A_831 = arith.constant 0 : i32
            %lt3A_832 = arith.cmpi slt, %select_n3A_825, %lt3A_831 : i32
            %ne3A_833 = arith.xori %lt3A_830, %lt3A_832 : i1
            %and3A_834 = arith.andi %ne3A_833, %ne3A_828 : i1
            %add3A_835 = arith.addi %rem3A_826, %select_n3A_825 : i32
            %select_n3A_836 = arith.select %and3A_834, %add3A_835, %rem3A_826 : i32
            %get3A_837 = arith.index_cast %mul3A_820 : i32 to index
            %get3A_838 = tpu.vector_load %arg11[%get3A_837] {strides = array<i32>} : memref<128xi32, #tpu.memory_space<vmem>>, vector<16xi32>,
            %get3A_839 = vector.shape_cast %get3A_838 : vector<16xi32> to vector<16xi32>
            %eq3A_840 = vector.broadcast %select_n3A_836 : i32 to vector<16xi32>
            %eq3A_841 = arith.cmpi eq, %iota3A, %eq3A_840 : vector<16xi32>
            %broadcast_in_dim3A_842 = vector.broadcast %squeeze3A_572 : i32 to vector<16xi32>
            %select_n3A_843 = arith.select %eq3A_841, %broadcast_in_dim3A_842, %get3A_839 : vector<16xi1>, vector<16xi32>
            %swap3A_844 = arith.index_cast %mul3A_820 : i32 to index
            %swap3A_845 = tpu.vector_load %arg11[%swap3A_844] {strides = array<i32>} : memref<128xi32, #tpu.memory_space<vmem>>, vector<16xi32>,
            %swap3A_846 = vector.shape_cast %swap3A_845 : vector<16xi32> to vector<16xi32>
            %swap3A_847 = vector.shape_cast %select_n3A_843 : vector<16xi32> to vector<16xi32>
            tpu.vector_store %arg11[%swap3A_844], %swap3A_847 {strides = array<i32>} : memref<128xi32, #tpu.memory_space<vmem>>, vector<16xi32>,
          } else {
          }
          %add3A_606 = arith.constant 1 : i32
          %add3A_607 = arith.addi %select_n3A_581, %add3A_606 : i32
          %select_n3A_608 = arith.select %ne3A_602, %add3A_607, %select_n3A_581 : i32
          %eq3A_609 = vector.broadcast %squeeze3A_601 : i32 to vector<16xi32>
          %eq3A_610 = arith.cmpi eq, %iota3A, %eq3A_609 : vector<16xi32>
          %jit3A_611 = arith.constant 1.000000e+00 : f32
          %jit3A_612 = arith.constant 0.000000e+00 : f32
          %broadcast_in_dim3A_613 = vector.broadcast %jit3A_611 : f32 to vector<16xf32>
          %broadcast_in_dim3A_614 = vector.broadcast %jit3A_612 : f32 to vector<16xf32>
          %select_n3A_615 = arith.select %eq3A_610, %broadcast_in_dim3A_613, %broadcast_in_dim3A_614 : vector<16xi1>, vector<16xf32>
          %get3A_616 = arith.constant 0 : index
          %get3A_617 = tpu.vector_load %arg12[%get3A_616] {strides = array<i32>} : memref<16xf32, #tpu.memory_space<vmem>>, vector<16xf32>,
          %get3A_618 = vector.shape_cast %get3A_617 : vector<16xf32> to vector<16xf32>
          %add3A_619 = arith.addf %get3A_618, %select_n3A_615 : vector<16xf32>
          %select_n3A_620 = arith.select %ne3A_602, %select_n3A_615, %add3A_619 : vector<16xf32>
          %swap3A_621 = arith.constant 0 : index
          %swap3A_622 = tpu.vector_load %arg12[%swap3A_621] {strides = array<i32>} : memref<16xf32, #tpu.memory_space<vmem>>, vector<16xf32>,
          %swap3A_623 = vector.shape_cast %swap3A_622 : vector<16xf32> to vector<16xf32>
          %swap3A_624 = vector.shape_cast %select_n3A_620 : vector<16xf32> to vector<16xf32>
          tpu.vector_store %arg12[%swap3A_621], %swap3A_624 {strides = array<i32>} : memref<16xf32, #tpu.memory_space<vmem>>, vector<16xf32>,
          %slice3A_625 = vector.extract_strided_slice %get3A_323 {offsets = [10], sizes = [1], strides = [1]} : vector<16xi32> to vector<1xi32>
          %squeeze3A_626 = vector.extract %slice3A_625[0] : i32 from vector<1xi32>
          %slice3A_627 = vector.extract_strided_slice %get3A_329 {offsets = [10], sizes = [1], strides = [1]} : vector<16xi32> to vector<1xi32>
          %squeeze3A_628 = vector.extract %slice3A_627[0] : i32 from vector<1xi32>
          %ne3A_629 = arith.cmpi ne, %squeeze3A_626, %squeeze3A_599 : i32
          %convert_element_type3A_630 = arith.extui %ne3A_629 : i1 to i32
          %cond3A_631 = arith.constant 0 : i32
          %cond3A_632 = arith.cmpi ne, %convert_element_type3A_630, %cond3A_631 : i32
          scf.if %cond3A_632 {
            %get3A_787 = arith.constant 0 : index
            %get3A_788 = tpu.vector_load %arg12[%get3A_787] {strides = array<i32>} : memref<16xf32, #tpu.memory_space<vmem>>, vector<16xf32>,
            %get3A_789 = vector.shape_cast %get3A_788 : vector<16xf32> to vector<16xf32>
            %swap3A_790 = arith.index_cast %select_n3A_608 : i32 to index
            %swap3A_791 = arith.constant 0 : index
            %swap3A_792 = tpu.vector_load %arg10[%swap3A_790, %swap3A_791] {strides = array<i32>} : memref<128x128xf32, #tpu.memory_space<vmem>>, vector<1x16xf32>,
            %swap3A_793 = vector.shape_cast %swap3A_792 : vector<1x16xf32> to vector<16xf32>
            %swap3A_794 = vector.shape_cast %get3A_789 : vector<16xf32> to vector<1x16xf32>
            tpu.vector_store %arg10[%swap3A_790, %swap3A_791], %swap3A_794 {strides = array<i32>} : memref<128x128xf32, #tpu.memory_space<vmem>>, vector<1x16xf32>,
            %jit3A_795 = arith.constant 16 : i32
            %div3A_796 = arith.divsi %select_n3A_608, %jit3A_795 : i32
            %sign3A_797 = arith.constant 0 : i32
            %sign3A_798 = arith.cmpi sgt, %select_n3A_608, %sign3A_797 : i32
            %sign3A_799 = arith.extui %sign3A_798 : i1 to i32
            %sign3A_800 = arith.constant 0 : i32
            %sign3A_801 = arith.cmpi slt, %select_n3A_608, %sign3A_800 : i32
            %sign3A_802 = arith.extui %sign3A_801 : i1 to i32
            %sign3A_803 = arith.subi %sign3A_799, %sign3A_802 : i32
            %sign3A_804 = arith.constant 0 : i32
            %sign3A_805 = arith.cmpi sgt, %jit3A_795, %sign3A_804 : i32
            %sign3A_806 = arith.extui %sign3A_805 : i1 to i32
            %sign3A_807 = arith.constant 0 : i32
            %sign3A_808 = arith.cmpi slt, %jit3A_795, %sign3A_807 : i32
            %sign3A_809 = arith.extui %sign3A_808 : i1 to i32
            %sign3A_810 = arith.subi %sign3A_806, %sign3A_809 : i32
            %ne3A_811 = arith.cmpi ne, %sign3A_803, %sign3A_810 : i32
            %rem3A_812 = arith.remsi %select_n3A_608, %jit3A_795 : i32
            %ne3A_813 = arith.constant 0 : i32
            %ne3A_814 = arith.cmpi ne, %rem3A_812, %ne3A_813 : i32
            %and3A_815 = arith.andi %ne3A_811, %ne3A_814 : i1
            %sub3A_816 = arith.constant 1 : i32
            %sub3A_817 = arith.subi %div3A_796, %sub3A_816 : i32
            %select_n3A_818 = arith.select %and3A_815, %sub3A_817, %div3A_796 : i32
            %mul3A_819 = arith.constant 16 : i32
            %mul3A_820 = arith.muli %select_n3A_818, %mul3A_819 : i32
            %jit3A_821 = arith.constant 16 : i32
            %eq3A_822 = arith.constant 0 : i32
            %eq3A_823 = arith.cmpi eq, %jit3A_821, %eq3A_822 : i32
            %jit3A_824 = arith.constant 1 : i32
            %select_n3A_825 = arith.select %eq3A_823, %jit3A_824, %jit3A_821 : i32
            %rem3A_826 = arith.remsi %select_n3A_608, %select_n3A_825 : i32
            %ne3A_827 = arith.constant 0 : i32
            %ne3A_828 = arith.cmpi ne, %rem3A_826, %ne3A_827 : i32
            %lt3A_829 = arith.constant 0 : i32
            %lt3A_830 = arith.cmpi slt, %rem3A_826, %lt3A_829 : i32
            %lt3A_831 = arith.constant 0 : i32
            %lt3A_832 = arith.cmpi slt, %select_n3A_825, %lt3A_831 : i32
            %ne3A_833 = arith.xori %lt3A_830, %lt3A_832 : i1
            %and3A_834 = arith.andi %ne3A_833, %ne3A_828 : i1
            %add3A_835 = arith.addi %rem3A_826, %select_n3A_825 : i32
            %select_n3A_836 = arith.select %and3A_834, %add3A_835, %rem3A_826 : i32
            %get3A_837 = arith.index_cast %mul3A_820 : i32 to index
            %get3A_838 = tpu.vector_load %arg11[%get3A_837] {strides = array<i32>} : memref<128xi32, #tpu.memory_space<vmem>>, vector<16xi32>,
            %get3A_839 = vector.shape_cast %get3A_838 : vector<16xi32> to vector<16xi32>
            %eq3A_840 = vector.broadcast %select_n3A_836 : i32 to vector<16xi32>
            %eq3A_841 = arith.cmpi eq, %iota3A, %eq3A_840 : vector<16xi32>
            %broadcast_in_dim3A_842 = vector.broadcast %squeeze3A_599 : i32 to vector<16xi32>
            %select_n3A_843 = arith.select %eq3A_841, %broadcast_in_dim3A_842, %get3A_839 : vector<16xi1>, vector<16xi32>
            %swap3A_844 = arith.index_cast %mul3A_820 : i32 to index
            %swap3A_845 = tpu.vector_load %arg11[%swap3A_844] {strides = array<i32>} : memref<128xi32, #tpu.memory_space<vmem>>, vector<16xi32>,
            %swap3A_846 = vector.shape_cast %swap3A_845 : vector<16xi32> to vector<16xi32>
            %swap3A_847 = vector.shape_cast %select_n3A_843 : vector<16xi32> to vector<16xi32>
            tpu.vector_store %arg11[%swap3A_844], %swap3A_847 {strides = array<i32>} : memref<128xi32, #tpu.memory_space<vmem>>, vector<16xi32>,
          } else {
          }
          %add3A_633 = arith.constant 1 : i32
          %add3A_634 = arith.addi %select_n3A_608, %add3A_633 : i32
          %select_n3A_635 = arith.select %ne3A_629, %add3A_634, %select_n3A_608 : i32
          %eq3A_636 = vector.broadcast %squeeze3A_628 : i32 to vector<16xi32>
          %eq3A_637 = arith.cmpi eq, %iota3A, %eq3A_636 : vector<16xi32>
          %jit3A_638 = arith.constant 1.000000e+00 : f32
          %jit3A_639 = arith.constant 0.000000e+00 : f32
          %broadcast_in_dim3A_640 = vector.broadcast %jit3A_638 : f32 to vector<16xf32>
          %broadcast_in_dim3A_641 = vector.broadcast %jit3A_639 : f32 to vector<16xf32>
          %select_n3A_642 = arith.select %eq3A_637, %broadcast_in_dim3A_640, %broadcast_in_dim3A_641 : vector<16xi1>, vector<16xf32>
          %get3A_643 = arith.constant 0 : index
          %get3A_644 = tpu.vector_load %arg12[%get3A_643] {strides = array<i32>} : memref<16xf32, #tpu.memory_space<vmem>>, vector<16xf32>,
          %get3A_645 = vector.shape_cast %get3A_644 : vector<16xf32> to vector<16xf32>
          %add3A_646 = arith.addf %get3A_645, %select_n3A_642 : vector<16xf32>
          %select_n3A_647 = arith.select %ne3A_629, %select_n3A_642, %add3A_646 : vector<16xf32>
          %swap3A_648 = arith.constant 0 : index
          %swap3A_649 = tpu.vector_load %arg12[%swap3A_648] {strides = array<i32>} : memref<16xf32, #tpu.memory_space<vmem>>, vector<16xf32>,
          %swap3A_650 = vector.shape_cast %swap3A_649 : vector<16xf32> to vector<16xf32>
          %swap3A_651 = vector.shape_cast %select_n3A_647 : vector<16xf32> to vector<16xf32>
          tpu.vector_store %arg12[%swap3A_648], %swap3A_651 {strides = array<i32>} : memref<16xf32, #tpu.memory_space<vmem>>, vector<16xf32>,
          %slice3A_652 = vector.extract_strided_slice %get3A_323 {offsets = [11], sizes = [1], strides = [1]} : vector<16xi32> to vector<1xi32>
          %squeeze3A_653 = vector.extract %slice3A_652[0] : i32 from vector<1xi32>
          %slice3A_654 = vector.extract_strided_slice %get3A_329 {offsets = [11], sizes = [1], strides = [1]} : vector<16xi32> to vector<1xi32>
          %squeeze3A_655 = vector.extract %slice3A_654[0] : i32 from vector<1xi32>
          %ne3A_656 = arith.cmpi ne, %squeeze3A_653, %squeeze3A_626 : i32
          %convert_element_type3A_657 = arith.extui %ne3A_656 : i1 to i32
          %cond3A_658 = arith.constant 0 : i32
          %cond3A_659 = arith.cmpi ne, %convert_element_type3A_657, %cond3A_658 : i32
          scf.if %cond3A_659 {
            %get3A_787 = arith.constant 0 : index
            %get3A_788 = tpu.vector_load %arg12[%get3A_787] {strides = array<i32>} : memref<16xf32, #tpu.memory_space<vmem>>, vector<16xf32>,
            %get3A_789 = vector.shape_cast %get3A_788 : vector<16xf32> to vector<16xf32>
            %swap3A_790 = arith.index_cast %select_n3A_635 : i32 to index
            %swap3A_791 = arith.constant 0 : index
            %swap3A_792 = tpu.vector_load %arg10[%swap3A_790, %swap3A_791] {strides = array<i32>} : memref<128x128xf32, #tpu.memory_space<vmem>>, vector<1x16xf32>,
            %swap3A_793 = vector.shape_cast %swap3A_792 : vector<1x16xf32> to vector<16xf32>
            %swap3A_794 = vector.shape_cast %get3A_789 : vector<16xf32> to vector<1x16xf32>
            tpu.vector_store %arg10[%swap3A_790, %swap3A_791], %swap3A_794 {strides = array<i32>} : memref<128x128xf32, #tpu.memory_space<vmem>>, vector<1x16xf32>,
            %jit3A_795 = arith.constant 16 : i32
            %div3A_796 = arith.divsi %select_n3A_635, %jit3A_795 : i32
            %sign3A_797 = arith.constant 0 : i32
            %sign3A_798 = arith.cmpi sgt, %select_n3A_635, %sign3A_797 : i32
            %sign3A_799 = arith.extui %sign3A_798 : i1 to i32
            %sign3A_800 = arith.constant 0 : i32
            %sign3A_801 = arith.cmpi slt, %select_n3A_635, %sign3A_800 : i32
            %sign3A_802 = arith.extui %sign3A_801 : i1 to i32
            %sign3A_803 = arith.subi %sign3A_799, %sign3A_802 : i32
            %sign3A_804 = arith.constant 0 : i32
            %sign3A_805 = arith.cmpi sgt, %jit3A_795, %sign3A_804 : i32
            %sign3A_806 = arith.extui %sign3A_805 : i1 to i32
            %sign3A_807 = arith.constant 0 : i32
            %sign3A_808 = arith.cmpi slt, %jit3A_795, %sign3A_807 : i32
            %sign3A_809 = arith.extui %sign3A_808 : i1 to i32
            %sign3A_810 = arith.subi %sign3A_806, %sign3A_809 : i32
            %ne3A_811 = arith.cmpi ne, %sign3A_803, %sign3A_810 : i32
            %rem3A_812 = arith.remsi %select_n3A_635, %jit3A_795 : i32
            %ne3A_813 = arith.constant 0 : i32
            %ne3A_814 = arith.cmpi ne, %rem3A_812, %ne3A_813 : i32
            %and3A_815 = arith.andi %ne3A_811, %ne3A_814 : i1
            %sub3A_816 = arith.constant 1 : i32
            %sub3A_817 = arith.subi %div3A_796, %sub3A_816 : i32
            %select_n3A_818 = arith.select %and3A_815, %sub3A_817, %div3A_796 : i32
            %mul3A_819 = arith.constant 16 : i32
            %mul3A_820 = arith.muli %select_n3A_818, %mul3A_819 : i32
            %jit3A_821 = arith.constant 16 : i32
            %eq3A_822 = arith.constant 0 : i32
            %eq3A_823 = arith.cmpi eq, %jit3A_821, %eq3A_822 : i32
            %jit3A_824 = arith.constant 1 : i32
            %select_n3A_825 = arith.select %eq3A_823, %jit3A_824, %jit3A_821 : i32
            %rem3A_826 = arith.remsi %select_n3A_635, %select_n3A_825 : i32
            %ne3A_827 = arith.constant 0 : i32
            %ne3A_828 = arith.cmpi ne, %rem3A_826, %ne3A_827 : i32
            %lt3A_829 = arith.constant 0 : i32
            %lt3A_830 = arith.cmpi slt, %rem3A_826, %lt3A_829 : i32
            %lt3A_831 = arith.constant 0 : i32
            %lt3A_832 = arith.cmpi slt, %select_n3A_825, %lt3A_831 : i32
            %ne3A_833 = arith.xori %lt3A_830, %lt3A_832 : i1
            %and3A_834 = arith.andi %ne3A_833, %ne3A_828 : i1
            %add3A_835 = arith.addi %rem3A_826, %select_n3A_825 : i32
            %select_n3A_836 = arith.select %and3A_834, %add3A_835, %rem3A_826 : i32
            %get3A_837 = arith.index_cast %mul3A_820 : i32 to index
            %get3A_838 = tpu.vector_load %arg11[%get3A_837] {strides = array<i32>} : memref<128xi32, #tpu.memory_space<vmem>>, vector<16xi32>,
            %get3A_839 = vector.shape_cast %get3A_838 : vector<16xi32> to vector<16xi32>
            %eq3A_840 = vector.broadcast %select_n3A_836 : i32 to vector<16xi32>
            %eq3A_841 = arith.cmpi eq, %iota3A, %eq3A_840 : vector<16xi32>
            %broadcast_in_dim3A_842 = vector.broadcast %squeeze3A_626 : i32 to vector<16xi32>
            %select_n3A_843 = arith.select %eq3A_841, %broadcast_in_dim3A_842, %get3A_839 : vector<16xi1>, vector<16xi32>
            %swap3A_844 = arith.index_cast %mul3A_820 : i32 to index
            %swap3A_845 = tpu.vector_load %arg11[%swap3A_844] {strides = array<i32>} : memref<128xi32, #tpu.memory_space<vmem>>, vector<16xi32>,
            %swap3A_846 = vector.shape_cast %swap3A_845 : vector<16xi32> to vector<16xi32>
            %swap3A_847 = vector.shape_cast %select_n3A_843 : vector<16xi32> to vector<16xi32>
            tpu.vector_store %arg11[%swap3A_844], %swap3A_847 {strides = array<i32>} : memref<128xi32, #tpu.memory_space<vmem>>, vector<16xi32>,
          } else {
          }
          %add3A_660 = arith.constant 1 : i32
          %add3A_661 = arith.addi %select_n3A_635, %add3A_660 : i32
          %select_n3A_662 = arith.select %ne3A_656, %add3A_661, %select_n3A_635 : i32
          %eq3A_663 = vector.broadcast %squeeze3A_655 : i32 to vector<16xi32>
          %eq3A_664 = arith.cmpi eq, %iota3A, %eq3A_663 : vector<16xi32>
          %jit3A_665 = arith.constant 1.000000e+00 : f32
          %jit3A_666 = arith.constant 0.000000e+00 : f32
          %broadcast_in_dim3A_667 = vector.broadcast %jit3A_665 : f32 to vector<16xf32>
          %broadcast_in_dim3A_668 = vector.broadcast %jit3A_666 : f32 to vector<16xf32>
          %select_n3A_669 = arith.select %eq3A_664, %broadcast_in_dim3A_667, %broadcast_in_dim3A_668 : vector<16xi1>, vector<16xf32>
          %get3A_670 = arith.constant 0 : index
          %get3A_671 = tpu.vector_load %arg12[%get3A_670] {strides = array<i32>} : memref<16xf32, #tpu.memory_space<vmem>>, vector<16xf32>,
          %get3A_672 = vector.shape_cast %get3A_671 : vector<16xf32> to vector<16xf32>
          %add3A_673 = arith.addf %get3A_672, %select_n3A_669 : vector<16xf32>
          %select_n3A_674 = arith.select %ne3A_656, %select_n3A_669, %add3A_673 : vector<16xf32>
          %swap3A_675 = arith.constant 0 : index
          %swap3A_676 = tpu.vector_load %arg12[%swap3A_675] {strides = array<i32>} : memref<16xf32, #tpu.memory_space<vmem>>, vector<16xf32>,
          %swap3A_677 = vector.shape_cast %swap3A_676 : vector<16xf32> to vector<16xf32>
          %swap3A_678 = vector.shape_cast %select_n3A_674 : vector<16xf32> to vector<16xf32>
          tpu.vector_store %arg12[%swap3A_675], %swap3A_678 {strides = array<i32>} : memref<16xf32, #tpu.memory_space<vmem>>, vector<16xf32>,
          %slice3A_679 = vector.extract_strided_slice %get3A_323 {offsets = [12], sizes = [1], strides = [1]} : vector<16xi32> to vector<1xi32>
          %squeeze3A_680 = vector.extract %slice3A_679[0] : i32 from vector<1xi32>
          %slice3A_681 = vector.extract_strided_slice %get3A_329 {offsets = [12], sizes = [1], strides = [1]} : vector<16xi32> to vector<1xi32>
          %squeeze3A_682 = vector.extract %slice3A_681[0] : i32 from vector<1xi32>
          %ne3A_683 = arith.cmpi ne, %squeeze3A_680, %squeeze3A_653 : i32
          %convert_element_type3A_684 = arith.extui %ne3A_683 : i1 to i32
          %cond3A_685 = arith.constant 0 : i32
          %cond3A_686 = arith.cmpi ne, %convert_element_type3A_684, %cond3A_685 : i32
          scf.if %cond3A_686 {
            %get3A_787 = arith.constant 0 : index
            %get3A_788 = tpu.vector_load %arg12[%get3A_787] {strides = array<i32>} : memref<16xf32, #tpu.memory_space<vmem>>, vector<16xf32>,
            %get3A_789 = vector.shape_cast %get3A_788 : vector<16xf32> to vector<16xf32>
            %swap3A_790 = arith.index_cast %select_n3A_662 : i32 to index
            %swap3A_791 = arith.constant 0 : index
            %swap3A_792 = tpu.vector_load %arg10[%swap3A_790, %swap3A_791] {strides = array<i32>} : memref<128x128xf32, #tpu.memory_space<vmem>>, vector<1x16xf32>,
            %swap3A_793 = vector.shape_cast %swap3A_792 : vector<1x16xf32> to vector<16xf32>
            %swap3A_794 = vector.shape_cast %get3A_789 : vector<16xf32> to vector<1x16xf32>
            tpu.vector_store %arg10[%swap3A_790, %swap3A_791], %swap3A_794 {strides = array<i32>} : memref<128x128xf32, #tpu.memory_space<vmem>>, vector<1x16xf32>,
            %jit3A_795 = arith.constant 16 : i32
            %div3A_796 = arith.divsi %select_n3A_662, %jit3A_795 : i32
            %sign3A_797 = arith.constant 0 : i32
            %sign3A_798 = arith.cmpi sgt, %select_n3A_662, %sign3A_797 : i32
            %sign3A_799 = arith.extui %sign3A_798 : i1 to i32
            %sign3A_800 = arith.constant 0 : i32
            %sign3A_801 = arith.cmpi slt, %select_n3A_662, %sign3A_800 : i32
            %sign3A_802 = arith.extui %sign3A_801 : i1 to i32
            %sign3A_803 = arith.subi %sign3A_799, %sign3A_802 : i32
            %sign3A_804 = arith.constant 0 : i32
            %sign3A_805 = arith.cmpi sgt, %jit3A_795, %sign3A_804 : i32
            %sign3A_806 = arith.extui %sign3A_805 : i1 to i32
            %sign3A_807 = arith.constant 0 : i32
            %sign3A_808 = arith.cmpi slt, %jit3A_795, %sign3A_807 : i32
            %sign3A_809 = arith.extui %sign3A_808 : i1 to i32
            %sign3A_810 = arith.subi %sign3A_806, %sign3A_809 : i32
            %ne3A_811 = arith.cmpi ne, %sign3A_803, %sign3A_810 : i32
            %rem3A_812 = arith.remsi %select_n3A_662, %jit3A_795 : i32
            %ne3A_813 = arith.constant 0 : i32
            %ne3A_814 = arith.cmpi ne, %rem3A_812, %ne3A_813 : i32
            %and3A_815 = arith.andi %ne3A_811, %ne3A_814 : i1
            %sub3A_816 = arith.constant 1 : i32
            %sub3A_817 = arith.subi %div3A_796, %sub3A_816 : i32
            %select_n3A_818 = arith.select %and3A_815, %sub3A_817, %div3A_796 : i32
            %mul3A_819 = arith.constant 16 : i32
            %mul3A_820 = arith.muli %select_n3A_818, %mul3A_819 : i32
            %jit3A_821 = arith.constant 16 : i32
            %eq3A_822 = arith.constant 0 : i32
            %eq3A_823 = arith.cmpi eq, %jit3A_821, %eq3A_822 : i32
            %jit3A_824 = arith.constant 1 : i32
            %select_n3A_825 = arith.select %eq3A_823, %jit3A_824, %jit3A_821 : i32
            %rem3A_826 = arith.remsi %select_n3A_662, %select_n3A_825 : i32
            %ne3A_827 = arith.constant 0 : i32
            %ne3A_828 = arith.cmpi ne, %rem3A_826, %ne3A_827 : i32
            %lt3A_829 = arith.constant 0 : i32
            %lt3A_830 = arith.cmpi slt, %rem3A_826, %lt3A_829 : i32
            %lt3A_831 = arith.constant 0 : i32
            %lt3A_832 = arith.cmpi slt, %select_n3A_825, %lt3A_831 : i32
            %ne3A_833 = arith.xori %lt3A_830, %lt3A_832 : i1
            %and3A_834 = arith.andi %ne3A_833, %ne3A_828 : i1
            %add3A_835 = arith.addi %rem3A_826, %select_n3A_825 : i32
            %select_n3A_836 = arith.select %and3A_834, %add3A_835, %rem3A_826 : i32
            %get3A_837 = arith.index_cast %mul3A_820 : i32 to index
            %get3A_838 = tpu.vector_load %arg11[%get3A_837] {strides = array<i32>} : memref<128xi32, #tpu.memory_space<vmem>>, vector<16xi32>,
            %get3A_839 = vector.shape_cast %get3A_838 : vector<16xi32> to vector<16xi32>
            %eq3A_840 = vector.broadcast %select_n3A_836 : i32 to vector<16xi32>
            %eq3A_841 = arith.cmpi eq, %iota3A, %eq3A_840 : vector<16xi32>
            %broadcast_in_dim3A_842 = vector.broadcast %squeeze3A_653 : i32 to vector<16xi32>
            %select_n3A_843 = arith.select %eq3A_841, %broadcast_in_dim3A_842, %get3A_839 : vector<16xi1>, vector<16xi32>
            %swap3A_844 = arith.index_cast %mul3A_820 : i32 to index
            %swap3A_845 = tpu.vector_load %arg11[%swap3A_844] {strides = array<i32>} : memref<128xi32, #tpu.memory_space<vmem>>, vector<16xi32>,
            %swap3A_846 = vector.shape_cast %swap3A_845 : vector<16xi32> to vector<16xi32>
            %swap3A_847 = vector.shape_cast %select_n3A_843 : vector<16xi32> to vector<16xi32>
            tpu.vector_store %arg11[%swap3A_844], %swap3A_847 {strides = array<i32>} : memref<128xi32, #tpu.memory_space<vmem>>, vector<16xi32>,
          } else {
          }
          %add3A_687 = arith.constant 1 : i32
          %add3A_688 = arith.addi %select_n3A_662, %add3A_687 : i32
          %select_n3A_689 = arith.select %ne3A_683, %add3A_688, %select_n3A_662 : i32
          %eq3A_690 = vector.broadcast %squeeze3A_682 : i32 to vector<16xi32>
          %eq3A_691 = arith.cmpi eq, %iota3A, %eq3A_690 : vector<16xi32>
          %jit3A_692 = arith.constant 1.000000e+00 : f32
          %jit3A_693 = arith.constant 0.000000e+00 : f32
          %broadcast_in_dim3A_694 = vector.broadcast %jit3A_692 : f32 to vector<16xf32>
          %broadcast_in_dim3A_695 = vector.broadcast %jit3A_693 : f32 to vector<16xf32>
          %select_n3A_696 = arith.select %eq3A_691, %broadcast_in_dim3A_694, %broadcast_in_dim3A_695 : vector<16xi1>, vector<16xf32>
          %get3A_697 = arith.constant 0 : index
          %get3A_698 = tpu.vector_load %arg12[%get3A_697] {strides = array<i32>} : memref<16xf32, #tpu.memory_space<vmem>>, vector<16xf32>,
          %get3A_699 = vector.shape_cast %get3A_698 : vector<16xf32> to vector<16xf32>
          %add3A_700 = arith.addf %get3A_699, %select_n3A_696 : vector<16xf32>
          %select_n3A_701 = arith.select %ne3A_683, %select_n3A_696, %add3A_700 : vector<16xf32>
          %swap3A_702 = arith.constant 0 : index
          %swap3A_703 = tpu.vector_load %arg12[%swap3A_702] {strides = array<i32>} : memref<16xf32, #tpu.memory_space<vmem>>, vector<16xf32>,
          %swap3A_704 = vector.shape_cast %swap3A_703 : vector<16xf32> to vector<16xf32>
          %swap3A_705 = vector.shape_cast %select_n3A_701 : vector<16xf32> to vector<16xf32>
          tpu.vector_store %arg12[%swap3A_702], %swap3A_705 {strides = array<i32>} : memref<16xf32, #tpu.memory_space<vmem>>, vector<16xf32>,
          %slice3A_706 = vector.extract_strided_slice %get3A_323 {offsets = [13], sizes = [1], strides = [1]} : vector<16xi32> to vector<1xi32>
          %squeeze3A_707 = vector.extract %slice3A_706[0] : i32 from vector<1xi32>
          %slice3A_708 = vector.extract_strided_slice %get3A_329 {offsets = [13], sizes = [1], strides = [1]} : vector<16xi32> to vector<1xi32>
          %squeeze3A_709 = vector.extract %slice3A_708[0] : i32 from vector<1xi32>
          %ne3A_710 = arith.cmpi ne, %squeeze3A_707, %squeeze3A_680 : i32
          %convert_element_type3A_711 = arith.extui %ne3A_710 : i1 to i32
          %cond3A_712 = arith.constant 0 : i32
          %cond3A_713 = arith.cmpi ne, %convert_element_type3A_711, %cond3A_712 : i32
          scf.if %cond3A_713 {
            %get3A_787 = arith.constant 0 : index
            %get3A_788 = tpu.vector_load %arg12[%get3A_787] {strides = array<i32>} : memref<16xf32, #tpu.memory_space<vmem>>, vector<16xf32>,
            %get3A_789 = vector.shape_cast %get3A_788 : vector<16xf32> to vector<16xf32>
            %swap3A_790 = arith.index_cast %select_n3A_689 : i32 to index
            %swap3A_791 = arith.constant 0 : index
            %swap3A_792 = tpu.vector_load %arg10[%swap3A_790, %swap3A_791] {strides = array<i32>} : memref<128x128xf32, #tpu.memory_space<vmem>>, vector<1x16xf32>,
            %swap3A_793 = vector.shape_cast %swap3A_792 : vector<1x16xf32> to vector<16xf32>
            %swap3A_794 = vector.shape_cast %get3A_789 : vector<16xf32> to vector<1x16xf32>
            tpu.vector_store %arg10[%swap3A_790, %swap3A_791], %swap3A_794 {strides = array<i32>} : memref<128x128xf32, #tpu.memory_space<vmem>>, vector<1x16xf32>,
            %jit3A_795 = arith.constant 16 : i32
            %div3A_796 = arith.divsi %select_n3A_689, %jit3A_795 : i32
            %sign3A_797 = arith.constant 0 : i32
            %sign3A_798 = arith.cmpi sgt, %select_n3A_689, %sign3A_797 : i32
            %sign3A_799 = arith.extui %sign3A_798 : i1 to i32
            %sign3A_800 = arith.constant 0 : i32
            %sign3A_801 = arith.cmpi slt, %select_n3A_689, %sign3A_800 : i32
            %sign3A_802 = arith.extui %sign3A_801 : i1 to i32
            %sign3A_803 = arith.subi %sign3A_799, %sign3A_802 : i32
            %sign3A_804 = arith.constant 0 : i32
            %sign3A_805 = arith.cmpi sgt, %jit3A_795, %sign3A_804 : i32
            %sign3A_806 = arith.extui %sign3A_805 : i1 to i32
            %sign3A_807 = arith.constant 0 : i32
            %sign3A_808 = arith.cmpi slt, %jit3A_795, %sign3A_807 : i32
            %sign3A_809 = arith.extui %sign3A_808 : i1 to i32
            %sign3A_810 = arith.subi %sign3A_806, %sign3A_809 : i32
            %ne3A_811 = arith.cmpi ne, %sign3A_803, %sign3A_810 : i32
            %rem3A_812 = arith.remsi %select_n3A_689, %jit3A_795 : i32
            %ne3A_813 = arith.constant 0 : i32
            %ne3A_814 = arith.cmpi ne, %rem3A_812, %ne3A_813 : i32
            %and3A_815 = arith.andi %ne3A_811, %ne3A_814 : i1
            %sub3A_816 = arith.constant 1 : i32
            %sub3A_817 = arith.subi %div3A_796, %sub3A_816 : i32
            %select_n3A_818 = arith.select %and3A_815, %sub3A_817, %div3A_796 : i32
            %mul3A_819 = arith.constant 16 : i32
            %mul3A_820 = arith.muli %select_n3A_818, %mul3A_819 : i32
            %jit3A_821 = arith.constant 16 : i32
            %eq3A_822 = arith.constant 0 : i32
            %eq3A_823 = arith.cmpi eq, %jit3A_821, %eq3A_822 : i32
            %jit3A_824 = arith.constant 1 : i32
            %select_n3A_825 = arith.select %eq3A_823, %jit3A_824, %jit3A_821 : i32
            %rem3A_826 = arith.remsi %select_n3A_689, %select_n3A_825 : i32
            %ne3A_827 = arith.constant 0 : i32
            %ne3A_828 = arith.cmpi ne, %rem3A_826, %ne3A_827 : i32
            %lt3A_829 = arith.constant 0 : i32
            %lt3A_830 = arith.cmpi slt, %rem3A_826, %lt3A_829 : i32
            %lt3A_831 = arith.constant 0 : i32
            %lt3A_832 = arith.cmpi slt, %select_n3A_825, %lt3A_831 : i32
            %ne3A_833 = arith.xori %lt3A_830, %lt3A_832 : i1
            %and3A_834 = arith.andi %ne3A_833, %ne3A_828 : i1
            %add3A_835 = arith.addi %rem3A_826, %select_n3A_825 : i32
            %select_n3A_836 = arith.select %and3A_834, %add3A_835, %rem3A_826 : i32
            %get3A_837 = arith.index_cast %mul3A_820 : i32 to index
            %get3A_838 = tpu.vector_load %arg11[%get3A_837] {strides = array<i32>} : memref<128xi32, #tpu.memory_space<vmem>>, vector<16xi32>,
            %get3A_839 = vector.shape_cast %get3A_838 : vector<16xi32> to vector<16xi32>
            %eq3A_840 = vector.broadcast %select_n3A_836 : i32 to vector<16xi32>
            %eq3A_841 = arith.cmpi eq, %iota3A, %eq3A_840 : vector<16xi32>
            %broadcast_in_dim3A_842 = vector.broadcast %squeeze3A_680 : i32 to vector<16xi32>
            %select_n3A_843 = arith.select %eq3A_841, %broadcast_in_dim3A_842, %get3A_839 : vector<16xi1>, vector<16xi32>
            %swap3A_844 = arith.index_cast %mul3A_820 : i32 to index
            %swap3A_845 = tpu.vector_load %arg11[%swap3A_844] {strides = array<i32>} : memref<128xi32, #tpu.memory_space<vmem>>, vector<16xi32>,
            %swap3A_846 = vector.shape_cast %swap3A_845 : vector<16xi32> to vector<16xi32>
            %swap3A_847 = vector.shape_cast %select_n3A_843 : vector<16xi32> to vector<16xi32>
            tpu.vector_store %arg11[%swap3A_844], %swap3A_847 {strides = array<i32>} : memref<128xi32, #tpu.memory_space<vmem>>, vector<16xi32>,
          } else {
          }
          %add3A_714 = arith.constant 1 : i32
          %add3A_715 = arith.addi %select_n3A_689, %add3A_714 : i32
          %select_n3A_716 = arith.select %ne3A_710, %add3A_715, %select_n3A_689 : i32
          %eq3A_717 = vector.broadcast %squeeze3A_709 : i32 to vector<16xi32>
          %eq3A_718 = arith.cmpi eq, %iota3A, %eq3A_717 : vector<16xi32>
          %jit3A_719 = arith.constant 1.000000e+00 : f32
          %jit3A_720 = arith.constant 0.000000e+00 : f32
          %broadcast_in_dim3A_721 = vector.broadcast %jit3A_719 : f32 to vector<16xf32>
          %broadcast_in_dim3A_722 = vector.broadcast %jit3A_720 : f32 to vector<16xf32>
          %select_n3A_723 = arith.select %eq3A_718, %broadcast_in_dim3A_721, %broadcast_in_dim3A_722 : vector<16xi1>, vector<16xf32>
          %get3A_724 = arith.constant 0 : index
          %get3A_725 = tpu.vector_load %arg12[%get3A_724] {strides = array<i32>} : memref<16xf32, #tpu.memory_space<vmem>>, vector<16xf32>,
          %get3A_726 = vector.shape_cast %get3A_725 : vector<16xf32> to vector<16xf32>
          %add3A_727 = arith.addf %get3A_726, %select_n3A_723 : vector<16xf32>
          %select_n3A_728 = arith.select %ne3A_710, %select_n3A_723, %add3A_727 : vector<16xf32>
          %swap3A_729 = arith.constant 0 : index
          %swap3A_730 = tpu.vector_load %arg12[%swap3A_729] {strides = array<i32>} : memref<16xf32, #tpu.memory_space<vmem>>, vector<16xf32>,
          %swap3A_731 = vector.shape_cast %swap3A_730 : vector<16xf32> to vector<16xf32>
          %swap3A_732 = vector.shape_cast %select_n3A_728 : vector<16xf32> to vector<16xf32>
          tpu.vector_store %arg12[%swap3A_729], %swap3A_732 {strides = array<i32>} : memref<16xf32, #tpu.memory_space<vmem>>, vector<16xf32>,
          %slice3A_733 = vector.extract_strided_slice %get3A_323 {offsets = [14], sizes = [1], strides = [1]} : vector<16xi32> to vector<1xi32>
          %squeeze3A_734 = vector.extract %slice3A_733[0] : i32 from vector<1xi32>
          %slice3A_735 = vector.extract_strided_slice %get3A_329 {offsets = [14], sizes = [1], strides = [1]} : vector<16xi32> to vector<1xi32>
          %squeeze3A_736 = vector.extract %slice3A_735[0] : i32 from vector<1xi32>
          %ne3A_737 = arith.cmpi ne, %squeeze3A_734, %squeeze3A_707 : i32
          %convert_element_type3A_738 = arith.extui %ne3A_737 : i1 to i32
          %cond3A_739 = arith.constant 0 : i32
          %cond3A_740 = arith.cmpi ne, %convert_element_type3A_738, %cond3A_739 : i32
          scf.if %cond3A_740 {
            %get3A_787 = arith.constant 0 : index
            %get3A_788 = tpu.vector_load %arg12[%get3A_787] {strides = array<i32>} : memref<16xf32, #tpu.memory_space<vmem>>, vector<16xf32>,
            %get3A_789 = vector.shape_cast %get3A_788 : vector<16xf32> to vector<16xf32>
            %swap3A_790 = arith.index_cast %select_n3A_716 : i32 to index
            %swap3A_791 = arith.constant 0 : index
            %swap3A_792 = tpu.vector_load %arg10[%swap3A_790, %swap3A_791] {strides = array<i32>} : memref<128x128xf32, #tpu.memory_space<vmem>>, vector<1x16xf32>,
            %swap3A_793 = vector.shape_cast %swap3A_792 : vector<1x16xf32> to vector<16xf32>
            %swap3A_794 = vector.shape_cast %get3A_789 : vector<16xf32> to vector<1x16xf32>
            tpu.vector_store %arg10[%swap3A_790, %swap3A_791], %swap3A_794 {strides = array<i32>} : memref<128x128xf32, #tpu.memory_space<vmem>>, vector<1x16xf32>,
            %jit3A_795 = arith.constant 16 : i32
            %div3A_796 = arith.divsi %select_n3A_716, %jit3A_795 : i32
            %sign3A_797 = arith.constant 0 : i32
            %sign3A_798 = arith.cmpi sgt, %select_n3A_716, %sign3A_797 : i32
            %sign3A_799 = arith.extui %sign3A_798 : i1 to i32
            %sign3A_800 = arith.constant 0 : i32
            %sign3A_801 = arith.cmpi slt, %select_n3A_716, %sign3A_800 : i32
            %sign3A_802 = arith.extui %sign3A_801 : i1 to i32
            %sign3A_803 = arith.subi %sign3A_799, %sign3A_802 : i32
            %sign3A_804 = arith.constant 0 : i32
            %sign3A_805 = arith.cmpi sgt, %jit3A_795, %sign3A_804 : i32
            %sign3A_806 = arith.extui %sign3A_805 : i1 to i32
            %sign3A_807 = arith.constant 0 : i32
            %sign3A_808 = arith.cmpi slt, %jit3A_795, %sign3A_807 : i32
            %sign3A_809 = arith.extui %sign3A_808 : i1 to i32
            %sign3A_810 = arith.subi %sign3A_806, %sign3A_809 : i32
            %ne3A_811 = arith.cmpi ne, %sign3A_803, %sign3A_810 : i32
            %rem3A_812 = arith.remsi %select_n3A_716, %jit3A_795 : i32
            %ne3A_813 = arith.constant 0 : i32
            %ne3A_814 = arith.cmpi ne, %rem3A_812, %ne3A_813 : i32
            %and3A_815 = arith.andi %ne3A_811, %ne3A_814 : i1
            %sub3A_816 = arith.constant 1 : i32
            %sub3A_817 = arith.subi %div3A_796, %sub3A_816 : i32
            %select_n3A_818 = arith.select %and3A_815, %sub3A_817, %div3A_796 : i32
            %mul3A_819 = arith.constant 16 : i32
            %mul3A_820 = arith.muli %select_n3A_818, %mul3A_819 : i32
            %jit3A_821 = arith.constant 16 : i32
            %eq3A_822 = arith.constant 0 : i32
            %eq3A_823 = arith.cmpi eq, %jit3A_821, %eq3A_822 : i32
            %jit3A_824 = arith.constant 1 : i32
            %select_n3A_825 = arith.select %eq3A_823, %jit3A_824, %jit3A_821 : i32
            %rem3A_826 = arith.remsi %select_n3A_716, %select_n3A_825 : i32
            %ne3A_827 = arith.constant 0 : i32
            %ne3A_828 = arith.cmpi ne, %rem3A_826, %ne3A_827 : i32
            %lt3A_829 = arith.constant 0 : i32
            %lt3A_830 = arith.cmpi slt, %rem3A_826, %lt3A_829 : i32
            %lt3A_831 = arith.constant 0 : i32
            %lt3A_832 = arith.cmpi slt, %select_n3A_825, %lt3A_831 : i32
            %ne3A_833 = arith.xori %lt3A_830, %lt3A_832 : i1
            %and3A_834 = arith.andi %ne3A_833, %ne3A_828 : i1
            %add3A_835 = arith.addi %rem3A_826, %select_n3A_825 : i32
            %select_n3A_836 = arith.select %and3A_834, %add3A_835, %rem3A_826 : i32
            %get3A_837 = arith.index_cast %mul3A_820 : i32 to index
            %get3A_838 = tpu.vector_load %arg11[%get3A_837] {strides = array<i32>} : memref<128xi32, #tpu.memory_space<vmem>>, vector<16xi32>,
            %get3A_839 = vector.shape_cast %get3A_838 : vector<16xi32> to vector<16xi32>
            %eq3A_840 = vector.broadcast %select_n3A_836 : i32 to vector<16xi32>
            %eq3A_841 = arith.cmpi eq, %iota3A, %eq3A_840 : vector<16xi32>
            %broadcast_in_dim3A_842 = vector.broadcast %squeeze3A_707 : i32 to vector<16xi32>
            %select_n3A_843 = arith.select %eq3A_841, %broadcast_in_dim3A_842, %get3A_839 : vector<16xi1>, vector<16xi32>
            %swap3A_844 = arith.index_cast %mul3A_820 : i32 to index
            %swap3A_845 = tpu.vector_load %arg11[%swap3A_844] {strides = array<i32>} : memref<128xi32, #tpu.memory_space<vmem>>, vector<16xi32>,
            %swap3A_846 = vector.shape_cast %swap3A_845 : vector<16xi32> to vector<16xi32>
            %swap3A_847 = vector.shape_cast %select_n3A_843 : vector<16xi32> to vector<16xi32>
            tpu.vector_store %arg11[%swap3A_844], %swap3A_847 {strides = array<i32>} : memref<128xi32, #tpu.memory_space<vmem>>, vector<16xi32>,
          } else {
          }
          %add3A_741 = arith.constant 1 : i32
          %add3A_742 = arith.addi %select_n3A_716, %add3A_741 : i32
          %select_n3A_743 = arith.select %ne3A_737, %add3A_742, %select_n3A_716 : i32
          %eq3A_744 = vector.broadcast %squeeze3A_736 : i32 to vector<16xi32>
          %eq3A_745 = arith.cmpi eq, %iota3A, %eq3A_744 : vector<16xi32>
          %jit3A_746 = arith.constant 1.000000e+00 : f32
          %jit3A_747 = arith.constant 0.000000e+00 : f32
          %broadcast_in_dim3A_748 = vector.broadcast %jit3A_746 : f32 to vector<16xf32>
          %broadcast_in_dim3A_749 = vector.broadcast %jit3A_747 : f32 to vector<16xf32>
          %select_n3A_750 = arith.select %eq3A_745, %broadcast_in_dim3A_748, %broadcast_in_dim3A_749 : vector<16xi1>, vector<16xf32>
          %get3A_751 = arith.constant 0 : index
          %get3A_752 = tpu.vector_load %arg12[%get3A_751] {strides = array<i32>} : memref<16xf32, #tpu.memory_space<vmem>>, vector<16xf32>,
          %get3A_753 = vector.shape_cast %get3A_752 : vector<16xf32> to vector<16xf32>
          %add3A_754 = arith.addf %get3A_753, %select_n3A_750 : vector<16xf32>
          %select_n3A_755 = arith.select %ne3A_737, %select_n3A_750, %add3A_754 : vector<16xf32>
          %swap3A_756 = arith.constant 0 : index
          %swap3A_757 = tpu.vector_load %arg12[%swap3A_756] {strides = array<i32>} : memref<16xf32, #tpu.memory_space<vmem>>, vector<16xf32>,
          %swap3A_758 = vector.shape_cast %swap3A_757 : vector<16xf32> to vector<16xf32>
          %swap3A_759 = vector.shape_cast %select_n3A_755 : vector<16xf32> to vector<16xf32>
          tpu.vector_store %arg12[%swap3A_756], %swap3A_759 {strides = array<i32>} : memref<16xf32, #tpu.memory_space<vmem>>, vector<16xf32>,
          %slice3A_760 = vector.extract_strided_slice %get3A_323 {offsets = [15], sizes = [1], strides = [1]} : vector<16xi32> to vector<1xi32>
          %squeeze3A_761 = vector.extract %slice3A_760[0] : i32 from vector<1xi32>
          %slice3A_762 = vector.extract_strided_slice %get3A_329 {offsets = [15], sizes = [1], strides = [1]} : vector<16xi32> to vector<1xi32>
          %squeeze3A_763 = vector.extract %slice3A_762[0] : i32 from vector<1xi32>
          %ne3A_764 = arith.cmpi ne, %squeeze3A_761, %squeeze3A_734 : i32
          %convert_element_type3A_765 = arith.extui %ne3A_764 : i1 to i32
          %cond3A_766 = arith.constant 0 : i32
          %cond3A_767 = arith.cmpi ne, %convert_element_type3A_765, %cond3A_766 : i32
          scf.if %cond3A_767 {
            %get3A_787 = arith.constant 0 : index
            %get3A_788 = tpu.vector_load %arg12[%get3A_787] {strides = array<i32>} : memref<16xf32, #tpu.memory_space<vmem>>, vector<16xf32>,
            %get3A_789 = vector.shape_cast %get3A_788 : vector<16xf32> to vector<16xf32>
            %swap3A_790 = arith.index_cast %select_n3A_743 : i32 to index
            %swap3A_791 = arith.constant 0 : index
            %swap3A_792 = tpu.vector_load %arg10[%swap3A_790, %swap3A_791] {strides = array<i32>} : memref<128x128xf32, #tpu.memory_space<vmem>>, vector<1x16xf32>,
            %swap3A_793 = vector.shape_cast %swap3A_792 : vector<1x16xf32> to vector<16xf32>
            %swap3A_794 = vector.shape_cast %get3A_789 : vector<16xf32> to vector<1x16xf32>
            tpu.vector_store %arg10[%swap3A_790, %swap3A_791], %swap3A_794 {strides = array<i32>} : memref<128x128xf32, #tpu.memory_space<vmem>>, vector<1x16xf32>,
            %jit3A_795 = arith.constant 16 : i32
            %div3A_796 = arith.divsi %select_n3A_743, %jit3A_795 : i32
            %sign3A_797 = arith.constant 0 : i32
            %sign3A_798 = arith.cmpi sgt, %select_n3A_743, %sign3A_797 : i32
            %sign3A_799 = arith.extui %sign3A_798 : i1 to i32
            %sign3A_800 = arith.constant 0 : i32
            %sign3A_801 = arith.cmpi slt, %select_n3A_743, %sign3A_800 : i32
            %sign3A_802 = arith.extui %sign3A_801 : i1 to i32
            %sign3A_803 = arith.subi %sign3A_799, %sign3A_802 : i32
            %sign3A_804 = arith.constant 0 : i32
            %sign3A_805 = arith.cmpi sgt, %jit3A_795, %sign3A_804 : i32
            %sign3A_806 = arith.extui %sign3A_805 : i1 to i32
            %sign3A_807 = arith.constant 0 : i32
            %sign3A_808 = arith.cmpi slt, %jit3A_795, %sign3A_807 : i32
            %sign3A_809 = arith.extui %sign3A_808 : i1 to i32
            %sign3A_810 = arith.subi %sign3A_806, %sign3A_809 : i32
            %ne3A_811 = arith.cmpi ne, %sign3A_803, %sign3A_810 : i32
            %rem3A_812 = arith.remsi %select_n3A_743, %jit3A_795 : i32
            %ne3A_813 = arith.constant 0 : i32
            %ne3A_814 = arith.cmpi ne, %rem3A_812, %ne3A_813 : i32
            %and3A_815 = arith.andi %ne3A_811, %ne3A_814 : i1
            %sub3A_816 = arith.constant 1 : i32
            %sub3A_817 = arith.subi %div3A_796, %sub3A_816 : i32
            %select_n3A_818 = arith.select %and3A_815, %sub3A_817, %div3A_796 : i32
            %mul3A_819 = arith.constant 16 : i32
            %mul3A_820 = arith.muli %select_n3A_818, %mul3A_819 : i32
            %jit3A_821 = arith.constant 16 : i32
            %eq3A_822 = arith.constant 0 : i32
            %eq3A_823 = arith.cmpi eq, %jit3A_821, %eq3A_822 : i32
            %jit3A_824 = arith.constant 1 : i32
            %select_n3A_825 = arith.select %eq3A_823, %jit3A_824, %jit3A_821 : i32
            %rem3A_826 = arith.remsi %select_n3A_743, %select_n3A_825 : i32
            %ne3A_827 = arith.constant 0 : i32
            %ne3A_828 = arith.cmpi ne, %rem3A_826, %ne3A_827 : i32
            %lt3A_829 = arith.constant 0 : i32
            %lt3A_830 = arith.cmpi slt, %rem3A_826, %lt3A_829 : i32
            %lt3A_831 = arith.constant 0 : i32
            %lt3A_832 = arith.cmpi slt, %select_n3A_825, %lt3A_831 : i32
            %ne3A_833 = arith.xori %lt3A_830, %lt3A_832 : i1
            %and3A_834 = arith.andi %ne3A_833, %ne3A_828 : i1
            %add3A_835 = arith.addi %rem3A_826, %select_n3A_825 : i32
            %select_n3A_836 = arith.select %and3A_834, %add3A_835, %rem3A_826 : i32
            %get3A_837 = arith.index_cast %mul3A_820 : i32 to index
            %get3A_838 = tpu.vector_load %arg11[%get3A_837] {strides = array<i32>} : memref<128xi32, #tpu.memory_space<vmem>>, vector<16xi32>,
            %get3A_839 = vector.shape_cast %get3A_838 : vector<16xi32> to vector<16xi32>
            %eq3A_840 = vector.broadcast %select_n3A_836 : i32 to vector<16xi32>
            %eq3A_841 = arith.cmpi eq, %iota3A, %eq3A_840 : vector<16xi32>
            %broadcast_in_dim3A_842 = vector.broadcast %squeeze3A_734 : i32 to vector<16xi32>
            %select_n3A_843 = arith.select %eq3A_841, %broadcast_in_dim3A_842, %get3A_839 : vector<16xi1>, vector<16xi32>
            %swap3A_844 = arith.index_cast %mul3A_820 : i32 to index
            %swap3A_845 = tpu.vector_load %arg11[%swap3A_844] {strides = array<i32>} : memref<128xi32, #tpu.memory_space<vmem>>, vector<16xi32>,
            %swap3A_846 = vector.shape_cast %swap3A_845 : vector<16xi32> to vector<16xi32>
            %swap3A_847 = vector.shape_cast %select_n3A_843 : vector<16xi32> to vector<16xi32>
            tpu.vector_store %arg11[%swap3A_844], %swap3A_847 {strides = array<i32>} : memref<128xi32, #tpu.memory_space<vmem>>, vector<16xi32>,
          } else {
          }
          %add3A_768 = arith.constant 1 : i32
          %add3A_769 = arith.addi %select_n3A_743, %add3A_768 : i32
          %select_n3A_770 = arith.select %ne3A_764, %add3A_769, %select_n3A_743 : i32
          %eq3A_771 = vector.broadcast %squeeze3A_763 : i32 to vector<16xi32>
          %eq3A_772 = arith.cmpi eq, %iota3A, %eq3A_771 : vector<16xi32>
          %jit3A_773 = arith.constant 1.000000e+00 : f32
          %jit3A_774 = arith.constant 0.000000e+00 : f32
          %broadcast_in_dim3A_775 = vector.broadcast %jit3A_773 : f32 to vector<16xf32>
          %broadcast_in_dim3A_776 = vector.broadcast %jit3A_774 : f32 to vector<16xf32>
          %select_n3A_777 = arith.select %eq3A_772, %broadcast_in_dim3A_775, %broadcast_in_dim3A_776 : vector<16xi1>, vector<16xf32>
          %get3A_778 = arith.constant 0 : index
          %get3A_779 = tpu.vector_load %arg12[%get3A_778] {strides = array<i32>} : memref<16xf32, #tpu.memory_space<vmem>>, vector<16xf32>,
          %get3A_780 = vector.shape_cast %get3A_779 : vector<16xf32> to vector<16xf32>
          %add3A_781 = arith.addf %get3A_780, %select_n3A_777 : vector<16xf32>
          %select_n3A_782 = arith.select %ne3A_764, %select_n3A_777, %add3A_781 : vector<16xf32>
          %swap3A_783 = arith.constant 0 : index
          %swap3A_784 = tpu.vector_load %arg12[%swap3A_783] {strides = array<i32>} : memref<16xf32, #tpu.memory_space<vmem>>, vector<16xf32>,
          %swap3A_785 = vector.shape_cast %swap3A_784 : vector<16xf32> to vector<16xf32>
          %swap3A_786 = vector.shape_cast %select_n3A_782 : vector<16xf32> to vector<16xf32>
          tpu.vector_store %arg12[%swap3A_783], %swap3A_786 {strides = array<i32>} : memref<16xf32, #tpu.memory_space<vmem>>, vector<16xf32>,
          scf.yield %select_n3A_770 : i32
        }
        %scan3A_354 = arith.constant 1 : i32
        scf.yield %squeeze3A_331, %cond3A_353, %scan3A_354 : i32, i32, i32
      }
      %scan3A_314 = arith.constant 8 : i32
      scf.yield %scan3A_313#0, %scan3A_313#1, %scan3A_313#2 : i32, i32, i32
    }
    %while3A_155 = arith.constant 1 : i32
    %while3A_156:3 = scf.for %while3A_223 = %while3A_152 to %while3A_148 step %while3A_155 iter_args(%while3A_224 = %while3A_154#0, %while3A_225 = %while3A_154#1, %while3A_226 = %while3A_154#2) -> (i32, i32, i32)  : i32 {
      %sub3A_227 = arith.subi %while3A_223, %select_n3A : i32
      %jit3A_228 = arith.constant 2 : i32
      %eq3A_229 = arith.constant 0 : i32
      %eq3A_230 = arith.cmpi eq, %jit3A_228, %eq3A_229 : i32
      %jit3A_231 = arith.constant 1 : i32
      %select_n3A_232 = arith.select %eq3A_230, %jit3A_231, %jit3A_228 : i32
      %rem3A_233 = arith.remsi %sub3A_227, %select_n3A_232 : i32
      %ne3A_234 = arith.constant 0 : i32
      %ne3A_235 = arith.cmpi ne, %rem3A_233, %ne3A_234 : i32
      %lt3A_236 = arith.constant 0 : i32
      %lt3A_237 = arith.cmpi slt, %rem3A_233, %lt3A_236 : i32
      %lt3A_238 = arith.constant 0 : i32
      %lt3A_239 = arith.cmpi slt, %select_n3A_232, %lt3A_238 : i32
      %ne3A_240 = arith.xori %lt3A_237, %lt3A_239 : i1
      %and3A_241 = arith.andi %ne3A_240, %ne3A_235 : i1
      %add3A_242 = arith.addi %rem3A_233, %select_n3A_232 : i32
      %select_n3A_243 = arith.select %and3A_241, %add3A_242, %rem3A_233 : i32
      %gt3A = arith.cmpi sgt, %while3A_223, %select_n3A : i32
      %convert_element_type3A_244 = arith.extui %gt3A : i1 to i32
      %cond3A_245 = arith.constant 0 : i32
      %cond3A_246 = arith.cmpi ne, %convert_element_type3A_244, %cond3A_245 : i32
      scf.if %cond3A_246 {
        %sub3A_315 = arith.constant 1 : i32
        %sub3A_316 = arith.subi %sub3A_315, %select_n3A_243 : i32
        %dma_wait3A_317 = arith.constant 0 : i32
        %dma_wait3A_318 = arith.constant 0 : i32
        %dma_wait3A_319 = tpu.memref_slice %arg7[%sub3A_316, %dma_wait3A_317, %dma_wait3A_318] : memref<2x128x128xf32, #tpu.memory_space<vmem>> -> memref<1x128x128xf32, #tpu.memory_space<vmem>>
        %dma_wait3A_320 = tpu.memref_squeeze %dma_wait3A_319 : memref<1x128x128xf32, #tpu.memory_space<vmem>> -> memref<128x128xf32, #tpu.memory_space<vmem>>
        %dma_wait3A_321 = arith.constant 0 : i32
        %dma_wait3A_322 = tpu.memref_slice %arg8[%sub3A_316, %dma_wait3A_321] : memref<2x128xi32, #tpu.memory_space<vmem>> -> memref<1x128xi32, #tpu.memory_space<vmem>>
        %dma_wait3A_323 = tpu.memref_squeeze %dma_wait3A_322 : memref<1x128xi32, #tpu.memory_space<vmem>> -> memref<128xi32, #tpu.memory_space<vmem>>
        %dma_wait3A_324 = arith.constant 0 : i32
        %dma_wait3A_325 = arith.constant 0 : i32
        %dma_wait3A_326 = tpu.memref_slice %arg13[%dma_wait3A_324, %dma_wait3A_325] : memref<3328x128xf32, #tpu.memory_space<vmem_shared>> -> memref<3328x128xf32, #tpu.memory_space<vmem_shared>>
        %dma_wait3A_327 = tpu.memref_slice %arg16[%sub3A_316] : memref<2x!tpu.dma_semaphore, #tpu.memory_space<semaphore_mem>> -> memref<1x!tpu.dma_semaphore, #tpu.memory_space<semaphore_mem>>
        %dma_wait3A_328 = tpu.memref_squeeze %dma_wait3A_327 : memref<1x!tpu.dma_semaphore, #tpu.memory_space<semaphore_mem>> -> memref<!tpu.dma_semaphore, #tpu.memory_space<semaphore_mem>>
        tpu.wait_indirect_dma semaphore(%dma_wait3A_328 : memref<!tpu.dma_semaphore, #tpu.memory_space<semaphore_mem>>) src(%dma_wait3A_320 : memref<128x128xf32, #tpu.memory_space<vmem>>) dst(%dma_wait3A_326 : memref<3328x128xf32, #tpu.memory_space<vmem_shared>>)
      } else {
      }
      %add3A_247 = arith.constant 1 : i32
      %add3A_248 = arith.addi %while3A_223, %add3A_247 : i32
      %lt3A_249 = arith.cmpi slt, %add3A_248, %select_n3A_95 : i32
      %convert_element_type3A_250 = arith.extui %lt3A_249 : i1 to i32
      %cond3A_251 = arith.constant 0 : i32
      %cond3A_252 = arith.cmpi ne, %convert_element_type3A_250, %cond3A_251 : i32
      scf.if %cond3A_252 {
        %add3A_315 = arith.constant 1 : i32
        %add3A_316 = arith.addi %while3A_223, %add3A_315 : i32
        %sub3A_317 = arith.constant 1 : i32
        %sub3A_318 = arith.subi %sub3A_317, %select_n3A_243 : i32
        %mul3A_319 = arith.constant 128 : i32
        %mul3A_320 = arith.muli %add3A_316, %mul3A_319 : i32
        %dma_start3A_321 = arith.constant 0 : i32
        %dma_start3A_322 = arith.constant 0 : i32
        %dma_start3A_323 = tpu.memref_slice %arg7[%sub3A_318, %dma_start3A_321, %dma_start3A_322] : memref<2x128x128xf32, #tpu.memory_space<vmem>> -> memref<1x128x128xf32, #tpu.memory_space<vmem>>
        %dma_start3A_324 = tpu.memref_squeeze %dma_start3A_323 : memref<1x128x128xf32, #tpu.memory_space<vmem>> -> memref<128x128xf32, #tpu.memory_space<vmem>>
        %dma_start3A_325 = arith.constant 0 : i32
        %dma_start3A_326 = tpu.memref_slice %arg2[%mul3A_320, %dma_start3A_325] : memref<320000x128xf32, #tpu.memory_space<hbm>> -> memref<128x128xf32, #tpu.memory_space<hbm>>
        %dma_start3A_327 = tpu.memref_slice %arg15[%sub3A_318] : memref<2x!tpu.dma_semaphore, #tpu.memory_space<semaphore_mem>> -> memref<1x!tpu.dma_semaphore, #tpu.memory_space<semaphore_mem>>
        %dma_start3A_328 = tpu.memref_squeeze %dma_start3A_327 : memref<1x!tpu.dma_semaphore, #tpu.memory_space<semaphore_mem>> -> memref<!tpu.dma_semaphore, #tpu.memory_space<semaphore_mem>>
        %dma_start3A_329 = arith.constant 0 : i32
        %dma_start3A_330 = arith.constant 0 : i32
        %dma_start3A_331 = tpu.memref_slice %arg7[%sub3A_318, %dma_start3A_329, %dma_start3A_330] : memref<2x128x128xf32, #tpu.memory_space<vmem>> -> memref<1x128x128xf32, #tpu.memory_space<vmem>>
        %dma_start3A_332 = tpu.memref_squeeze %dma_start3A_331 : memref<1x128x128xf32, #tpu.memory_space<vmem>> -> memref<128x128xf32, #tpu.memory_space<vmem>>
        %dma_start3A_333 = arith.constant 0 : i32
        %dma_start3A_334 = tpu.memref_slice %arg2[%mul3A_320, %dma_start3A_333] : memref<320000x128xf32, #tpu.memory_space<hbm>> -> memref<128x128xf32, #tpu.memory_space<hbm>>
        tpu.enqueue_dma source(%dma_start3A_334 : memref<128x128xf32, #tpu.memory_space<hbm>>) target(%dma_start3A_332 : memref<128x128xf32, #tpu.memory_space<vmem>>) target_semaphore(%dma_start3A_328 : memref<!tpu.dma_semaphore, #tpu.memory_space<semaphore_mem>>)
        %dma_start3A_335 = arith.constant 0 : i32
        %dma_start3A_336 = tpu.memref_slice %arg8[%sub3A_318, %dma_start3A_335] : memref<2x128xi32, #tpu.memory_space<vmem>> -> memref<1x128xi32, #tpu.memory_space<vmem>>
        %dma_start3A_337 = tpu.memref_squeeze %dma_start3A_336 : memref<1x128xi32, #tpu.memory_space<vmem>> -> memref<128xi32, #tpu.memory_space<vmem>>
        %dma_start3A_338 = arith.constant 0 : i32
        %dma_start3A_339 = tpu.memref_slice %arg3[%add3A_316, %dma_start3A_338] : memref<2500x128xi32, #tpu.memory_space<hbm>> -> memref<1x128xi32, #tpu.memory_space<hbm>>
        %dma_start3A_340 = tpu.memref_squeeze %dma_start3A_339 : memref<1x128xi32, #tpu.memory_space<hbm>> -> memref<128xi32, #tpu.memory_space<hbm>>
        %dma_start3A_341 = tpu.memref_slice %arg15[%sub3A_318] : memref<2x!tpu.dma_semaphore, #tpu.memory_space<semaphore_mem>> -> memref<1x!tpu.dma_semaphore, #tpu.memory_space<semaphore_mem>>
        %dma_start3A_342 = tpu.memref_squeeze %dma_start3A_341 : memref<1x!tpu.dma_semaphore, #tpu.memory_space<semaphore_mem>> -> memref<!tpu.dma_semaphore, #tpu.memory_space<semaphore_mem>>
        %dma_start3A_343 = arith.constant 0 : i32
        %dma_start3A_344 = tpu.memref_slice %arg8[%sub3A_318, %dma_start3A_343] : memref<2x128xi32, #tpu.memory_space<vmem>> -> memref<1x128xi32, #tpu.memory_space<vmem>>
        %dma_start3A_345 = tpu.memref_squeeze %dma_start3A_344 : memref<1x128xi32, #tpu.memory_space<vmem>> -> memref<128xi32, #tpu.memory_space<vmem>>
        %dma_start3A_346 = arith.constant 0 : i32
        %dma_start3A_347 = tpu.memref_slice %arg3[%add3A_316, %dma_start3A_346] : memref<2500x128xi32, #tpu.memory_space<hbm>> -> memref<1x128xi32, #tpu.memory_space<hbm>>
        %dma_start3A_348 = tpu.memref_squeeze %dma_start3A_347 : memref<1x128xi32, #tpu.memory_space<hbm>> -> memref<128xi32, #tpu.memory_space<hbm>>
        tpu.enqueue_dma source(%dma_start3A_348 : memref<128xi32, #tpu.memory_space<hbm>>) target(%dma_start3A_345 : memref<128xi32, #tpu.memory_space<vmem>>) target_semaphore(%dma_start3A_342 : memref<!tpu.dma_semaphore, #tpu.memory_space<semaphore_mem>>)
        %dma_start3A_349 = arith.constant 0 : i32
        %dma_start3A_350 = tpu.memref_slice %arg9[%sub3A_318, %dma_start3A_349] : memref<2x128xi32, #tpu.memory_space<vmem>> -> memref<1x128xi32, #tpu.memory_space<vmem>>
        %dma_start3A_351 = tpu.memref_squeeze %dma_start3A_350 : memref<1x128xi32, #tpu.memory_space<vmem>> -> memref<128xi32, #tpu.memory_space<vmem>>
        %dma_start3A_352 = arith.constant 0 : i32
        %dma_start3A_353 = tpu.memref_slice %arg4[%add3A_316, %dma_start3A_352] : memref<2500x128xi32, #tpu.memory_space<hbm>> -> memref<1x128xi32, #tpu.memory_space<hbm>>
        %dma_start3A_354 = tpu.memref_squeeze %dma_start3A_353 : memref<1x128xi32, #tpu.memory_space<hbm>> -> memref<128xi32, #tpu.memory_space<hbm>>
        %dma_start3A_355 = tpu.memref_slice %arg15[%sub3A_318] : memref<2x!tpu.dma_semaphore, #tpu.memory_space<semaphore_mem>> -> memref<1x!tpu.dma_semaphore, #tpu.memory_space<semaphore_mem>>
        %dma_start3A_356 = tpu.memref_squeeze %dma_start3A_355 : memref<1x!tpu.dma_semaphore, #tpu.memory_space<semaphore_mem>> -> memref<!tpu.dma_semaphore, #tpu.memory_space<semaphore_mem>>
        %dma_start3A_357 = arith.constant 0 : i32
        %dma_start3A_358 = tpu.memref_slice %arg9[%sub3A_318, %dma_start3A_357] : memref<2x128xi32, #tpu.memory_space<vmem>> -> memref<1x128xi32, #tpu.memory_space<vmem>>
        %dma_start3A_359 = tpu.memref_squeeze %dma_start3A_358 : memref<1x128xi32, #tpu.memory_space<vmem>> -> memref<128xi32, #tpu.memory_space<vmem>>
        %dma_start3A_360 = arith.constant 0 : i32
        %dma_start3A_361 = tpu.memref_slice %arg4[%add3A_316, %dma_start3A_360] : memref<2500x128xi32, #tpu.memory_space<hbm>> -> memref<1x128xi32, #tpu.memory_space<hbm>>
        %dma_start3A_362 = tpu.memref_squeeze %dma_start3A_361 : memref<1x128xi32, #tpu.memory_space<hbm>> -> memref<128xi32, #tpu.memory_space<hbm>>
        tpu.enqueue_dma source(%dma_start3A_362 : memref<128xi32, #tpu.memory_space<hbm>>) target(%dma_start3A_359 : memref<128xi32, #tpu.memory_space<vmem>>) target_semaphore(%dma_start3A_356 : memref<!tpu.dma_semaphore, #tpu.memory_space<semaphore_mem>>)
      } else {
      }
      %mul3A_253 = arith.constant 128 : i32
      %mul3A_254 = arith.muli %while3A_223, %mul3A_253 : i32
      %dma_wait3A_255 = arith.constant 0 : i32
      %dma_wait3A_256 = arith.constant 0 : i32
      %dma_wait3A_257 = tpu.memref_slice %arg7[%select_n3A_243, %dma_wait3A_255, %dma_wait3A_256] : memref<2x128x128xf32, #tpu.memory_space<vmem>> -> memref<1x128x128xf32, #tpu.memory_space<vmem>>
      %dma_wait3A_258 = tpu.memref_squeeze %dma_wait3A_257 : memref<1x128x128xf32, #tpu.memory_space<vmem>> -> memref<128x128xf32, #tpu.memory_space<vmem>>
      %dma_wait3A_259 = arith.constant 0 : i32
      %dma_wait3A_260 = tpu.memref_slice %arg2[%mul3A_254, %dma_wait3A_259] : memref<320000x128xf32, #tpu.memory_space<hbm>> -> memref<128x128xf32, #tpu.memory_space<hbm>>
      %dma_wait3A_261 = tpu.memref_slice %arg15[%select_n3A_243] : memref<2x!tpu.dma_semaphore, #tpu.memory_space<semaphore_mem>> -> memref<1x!tpu.dma_semaphore, #tpu.memory_space<semaphore_mem>>
      %dma_wait3A_262 = tpu.memref_squeeze %dma_wait3A_261 : memref<1x!tpu.dma_semaphore, #tpu.memory_space<semaphore_mem>> -> memref<!tpu.dma_semaphore, #tpu.memory_space<semaphore_mem>>
      %dma_wait3A_263 = arith.constant 0 : i32
      %dma_wait3A_264 = arith.constant 0 : i32
      %dma_wait3A_265 = tpu.memref_slice %arg7[%select_n3A_243, %dma_wait3A_263, %dma_wait3A_264] : memref<2x128x128xf32, #tpu.memory_space<vmem>> -> memref<1x128x128xf32, #tpu.memory_space<vmem>>
      %dma_wait3A_266 = tpu.memref_squeeze %dma_wait3A_265 : memref<1x128x128xf32, #tpu.memory_space<vmem>> -> memref<128x128xf32, #tpu.memory_space<vmem>>
      %dma_wait3A_267 = arith.constant 0 : i32
      %dma_wait3A_268 = tpu.memref_slice %arg2[%mul3A_254, %dma_wait3A_267] : memref<320000x128xf32, #tpu.memory_space<hbm>> -> memref<128x128xf32, #tpu.memory_space<hbm>>
      tpu.wait_dma2 semaphore(%dma_wait3A_262 : memref<!tpu.dma_semaphore, #tpu.memory_space<semaphore_mem>>) src(%dma_wait3A_268 : memref<128x128xf32, #tpu.memory_space<hbm>>) dst(%dma_wait3A_266 : memref<128x128xf32, #tpu.memory_space<vmem>>)
      %dma_wait3A_269 = arith.constant 0 : i32
      %dma_wait3A_270 = tpu.memref_slice %arg8[%select_n3A_243, %dma_wait3A_269] : memref<2x128xi32, #tpu.memory_space<vmem>> -> memref<1x128xi32, #tpu.memory_space<vmem>>
      %dma_wait3A_271 = tpu.memref_squeeze %dma_wait3A_270 : memref<1x128xi32, #tpu.memory_space<vmem>> -> memref<128xi32, #tpu.memory_space<vmem>>
      %dma_wait3A_272 = arith.constant 0 : i32
      %dma_wait3A_273 = tpu.memref_slice %arg3[%while3A_223, %dma_wait3A_272] : memref<2500x128xi32, #tpu.memory_space<hbm>> -> memref<1x128xi32, #tpu.memory_space<hbm>>
      %dma_wait3A_274 = tpu.memref_squeeze %dma_wait3A_273 : memref<1x128xi32, #tpu.memory_space<hbm>> -> memref<128xi32, #tpu.memory_space<hbm>>
      %dma_wait3A_275 = tpu.memref_slice %arg15[%select_n3A_243] : memref<2x!tpu.dma_semaphore, #tpu.memory_space<semaphore_mem>> -> memref<1x!tpu.dma_semaphore, #tpu.memory_space<semaphore_mem>>
      %dma_wait3A_276 = tpu.memref_squeeze %dma_wait3A_275 : memref<1x!tpu.dma_semaphore, #tpu.memory_space<semaphore_mem>> -> memref<!tpu.dma_semaphore, #tpu.memory_space<semaphore_mem>>
      %dma_wait3A_277 = arith.constant 0 : i32
      %dma_wait3A_278 = tpu.memref_slice %arg8[%select_n3A_243, %dma_wait3A_277] : memref<2x128xi32, #tpu.memory_space<vmem>> -> memref<1x128xi32, #tpu.memory_space<vmem>>
      %dma_wait3A_279 = tpu.memref_squeeze %dma_wait3A_278 : memref<1x128xi32, #tpu.memory_space<vmem>> -> memref<128xi32, #tpu.memory_space<vmem>>
      %dma_wait3A_280 = arith.constant 0 : i32
      %dma_wait3A_281 = tpu.memref_slice %arg3[%while3A_223, %dma_wait3A_280] : memref<2500x128xi32, #tpu.memory_space<hbm>> -> memref<1x128xi32, #tpu.memory_space<hbm>>
      %dma_wait3A_282 = tpu.memref_squeeze %dma_wait3A_281 : memref<1x128xi32, #tpu.memory_space<hbm>> -> memref<128xi32, #tpu.memory_space<hbm>>
      tpu.wait_dma2 semaphore(%dma_wait3A_276 : memref<!tpu.dma_semaphore, #tpu.memory_space<semaphore_mem>>) src(%dma_wait3A_282 : memref<128xi32, #tpu.memory_space<hbm>>) dst(%dma_wait3A_279 : memref<128xi32, #tpu.memory_space<vmem>>)
      %dma_wait3A_283 = arith.constant 0 : i32
      %dma_wait3A_284 = tpu.memref_slice %arg9[%select_n3A_243, %dma_wait3A_283] : memref<2x128xi32, #tpu.memory_space<vmem>> -> memref<1x128xi32, #tpu.memory_space<vmem>>
      %dma_wait3A_285 = tpu.memref_squeeze %dma_wait3A_284 : memref<1x128xi32, #tpu.memory_space<vmem>> -> memref<128xi32, #tpu.memory_space<vmem>>
      %dma_wait3A_286 = arith.constant 0 : i32
      %dma_wait3A_287 = tpu.memref_slice %arg4[%while3A_223, %dma_wait3A_286] : memref<2500x128xi32, #tpu.memory_space<hbm>> -> memref<1x128xi32, #tpu.memory_space<hbm>>
      %dma_wait3A_288 = tpu.memref_squeeze %dma_wait3A_287 : memref<1x128xi32, #tpu.memory_space<hbm>> -> memref<128xi32, #tpu.memory_space<hbm>>
      %dma_wait3A_289 = tpu.memref_slice %arg15[%select_n3A_243] : memref<2x!tpu.dma_semaphore, #tpu.memory_space<semaphore_mem>> -> memref<1x!tpu.dma_semaphore, #tpu.memory_space<semaphore_mem>>
      %dma_wait3A_290 = tpu.memref_squeeze %dma_wait3A_289 : memref<1x!tpu.dma_semaphore, #tpu.memory_space<semaphore_mem>> -> memref<!tpu.dma_semaphore, #tpu.memory_space<semaphore_mem>>
      %dma_wait3A_291 = arith.constant 0 : i32
      %dma_wait3A_292 = tpu.memref_slice %arg9[%select_n3A_243, %dma_wait3A_291] : memref<2x128xi32, #tpu.memory_space<vmem>> -> memref<1x128xi32, #tpu.memory_space<vmem>>
      %dma_wait3A_293 = tpu.memref_squeeze %dma_wait3A_292 : memref<1x128xi32, #tpu.memory_space<vmem>> -> memref<128xi32, #tpu.memory_space<vmem>>
      %dma_wait3A_294 = arith.constant 0 : i32
      %dma_wait3A_295 = tpu.memref_slice %arg4[%while3A_223, %dma_wait3A_294] : memref<2500x128xi32, #tpu.memory_space<hbm>> -> memref<1x128xi32, #tpu.memory_space<hbm>>
      %dma_wait3A_296 = tpu.memref_squeeze %dma_wait3A_295 : memref<1x128xi32, #tpu.memory_space<hbm>> -> memref<128xi32, #tpu.memory_space<hbm>>
      tpu.wait_dma2 semaphore(%dma_wait3A_290 : memref<!tpu.dma_semaphore, #tpu.memory_space<semaphore_mem>>) src(%dma_wait3A_296 : memref<128xi32, #tpu.memory_space<hbm>>) dst(%dma_wait3A_293 : memref<128xi32, #tpu.memory_space<vmem>>)
      %dma_start3A_297 = arith.constant 0 : i32
      %dma_start3A_298 = arith.constant 0 : i32
      %dma_start3A_299 = tpu.memref_slice %arg7[%select_n3A_243, %dma_start3A_297, %dma_start3A_298] : memref<2x128x128xf32, #tpu.memory_space<vmem>> -> memref<1x128x128xf32, #tpu.memory_space<vmem>>
      %dma_start3A_300 = tpu.memref_squeeze %dma_start3A_299 : memref<1x128x128xf32, #tpu.memory_space<vmem>> -> memref<128x128xf32, #tpu.memory_space<vmem>>
      %dma_start3A_301 = arith.constant 0 : i32
      %dma_start3A_302 = tpu.memref_slice %arg8[%select_n3A_243, %dma_start3A_301] : memref<2x128xi32, #tpu.memory_space<vmem>> -> memref<1x128xi32, #tpu.memory_space<vmem>>
      %dma_start3A_303 = tpu.memref_squeeze %dma_start3A_302 : memref<1x128xi32, #tpu.memory_space<vmem>> -> memref<128xi32, #tpu.memory_space<vmem>>
      %dma_start3A_304 = arith.constant 0 : i32
      %dma_start3A_305 = arith.constant 0 : i32
      %dma_start3A_306 = tpu.memref_slice %arg13[%dma_start3A_304, %dma_start3A_305] : memref<3328x128xf32, #tpu.memory_space<vmem_shared>> -> memref<3328x128xf32, #tpu.memory_space<vmem_shared>>
      %dma_start3A_307 = tpu.memref_slice %arg16[%select_n3A_243] : memref<2x!tpu.dma_semaphore, #tpu.memory_space<semaphore_mem>> -> memref<1x!tpu.dma_semaphore, #tpu.memory_space<semaphore_mem>>
      %dma_start3A_308 = tpu.memref_squeeze %dma_start3A_307 : memref<1x!tpu.dma_semaphore, #tpu.memory_space<semaphore_mem>> -> memref<!tpu.dma_semaphore, #tpu.memory_space<semaphore_mem>>
      tpu.enqueue_indirect_dma source(%dma_start3A_300 : memref<128x128xf32, #tpu.memory_space<vmem>>) target(%dma_start3A_306 : memref<3328x128xf32, #tpu.memory_space<vmem_shared>>) offsets(%dma_start3A_303 : memref<128xi32, #tpu.memory_space<vmem>>) semaphore(%dma_start3A_308 : memref<!tpu.dma_semaphore, #tpu.memory_space<semaphore_mem>>) {add = true}
      %scan3A_309 = arith.constant 0 : i32
      %scan3A_310 = arith.constant 8 : i32
      %scan3A_311 = arith.addi %scan3A_309, %scan3A_310 : i32
      %scan3A_312 = arith.constant 1 : i32
      %scan3A_313:3 = scf.for %scan3A_315 = %scan3A_309 to %scan3A_311 step %scan3A_312 iter_args(%scan3A_316 = %while3A_224, %scan3A_317 = %while3A_225, %scan3A_318 = %while3A_226) -> (i32, i32, i32)  : i32 {
        %mul3A_319 = arith.constant 16 : i32
        %mul3A_320 = arith.muli %scan3A_315, %mul3A_319 : i32
        %get3A = arith.index_cast %select_n3A_243 : i32 to index
        %get3A_321 = arith.index_cast %mul3A_320 : i32 to index
        %get3A_322 = tpu.vector_load %arg8[%get3A, %get3A_321] {strides = array<i32>} : memref<2x128xi32, #tpu.memory_space<vmem>>, vector<1x16xi32>,
        %get3A_323 = vector.shape_cast %get3A_322 : vector<1x16xi32> to vector<16xi32>
        %mul3A_324 = arith.constant 16 : i32
        %mul3A_325 = arith.muli %scan3A_315, %mul3A_324 : i32
        %get3A_326 = arith.index_cast %select_n3A_243 : i32 to index
        %get3A_327 = arith.index_cast %mul3A_325 : i32 to index
        %get3A_328 = tpu.vector_load %arg9[%get3A_326, %get3A_327] {strides = array<i32>} : memref<2x128xi32, #tpu.memory_space<vmem>>, vector<1x16xi32>,
        %get3A_329 = vector.shape_cast %get3A_328 : vector<1x16xi32> to vector<16xi32>
        %slice3A = vector.extract_strided_slice %get3A_323 {offsets = [0], sizes = [1], strides = [1]} : vector<16xi32> to vector<1xi32>
        %squeeze3A = vector.extract %slice3A[0] : i32 from vector<1xi32>
        %slice3A_330 = vector.extract_strided_slice %get3A_323 {offsets = [15], sizes = [1], strides = [1]} : vector<16xi32> to vector<1xi32>
        %squeeze3A_331 = vector.extract %slice3A_330[0] : i32 from vector<1xi32>
        %gt3A_332 = arith.constant 111 : i32
        %gt3A_333 = arith.cmpi sgt, %scan3A_317, %gt3A_332 : i32
        %convert_element_type3A_334 = arith.extui %gt3A_333 : i1 to i32
        %cond3A_335 = arith.constant 0 : i32
        %cond3A_336 = arith.cmpi ne, %convert_element_type3A_334, %cond3A_335 : i32
        scf.if %cond3A_336 {
          "tpu.region"() ({
            %run_scoped3A_387 = tpu.sem_alloc : memref<!tpu.dma_semaphore, #tpu.memory_space<semaphore_mem>>
            %dma_start3A_388 = arith.constant 0 : i32
            %dma_start3A_389 = arith.constant 0 : i32
            %dma_start3A_390 = tpu.memref_slice %arg14[%dma_start3A_388, %dma_start3A_389] : memref<3328x128xf32, #tpu.memory_space<vmem_shared>> -> memref<3328x128xf32, #tpu.memory_space<vmem_shared>>
            tpu.enqueue_indirect_dma source(%arg10 : memref<128x128xf32, #tpu.memory_space<vmem>>) target(%dma_start3A_390 : memref<3328x128xf32, #tpu.memory_space<vmem_shared>>) offsets(%arg11 : memref<128xi32, #tpu.memory_space<vmem>>) semaphore(%run_scoped3A_387 : memref<!tpu.dma_semaphore, #tpu.memory_space<semaphore_mem>>) {add = true}
            %dma_wait3A_391 = arith.constant 0 : i32
            %dma_wait3A_392 = arith.constant 0 : i32
            %dma_wait3A_393 = tpu.memref_slice %arg14[%dma_wait3A_391, %dma_wait3A_392] : memref<3328x128xf32, #tpu.memory_space<vmem_shared>> -> memref<3328x128xf32, #tpu.memory_space<vmem_shared>>
            tpu.wait_indirect_dma semaphore(%run_scoped3A_387 : memref<!tpu.dma_semaphore, #tpu.memory_space<semaphore_mem>>) src(%arg10 : memref<128x128xf32, #tpu.memory_space<vmem>>) dst(%dma_wait3A_393 : memref<3328x128xf32, #tpu.memory_space<vmem_shared>>)
            tpu.yield
          }) : () -> ()
          %swap3A_355 = arith.constant 0 : index
          %swap3A_356 = tpu.vector_load %arg11[%swap3A_355] {strides = array<i32>} : memref<128xi32, #tpu.memory_space<vmem>>, vector<16xi32>,
          %swap3A_357 = vector.shape_cast %swap3A_356 : vector<16xi32> to vector<16xi32>
          %swap3A_358 = vector.shape_cast %broadcast_in_dim3A_3 : vector<16xi32> to vector<16xi32>
          tpu.vector_store %arg11[%swap3A_355], %swap3A_358 {strides = array<i32>} : memref<128xi32, #tpu.memory_space<vmem>>, vector<16xi32>,
          %swap3A_359 = arith.constant 16 : index
          %swap3A_360 = tpu.vector_load %arg11[%swap3A_359] {strides = array<i32>} : memref<128xi32, #tpu.memory_space<vmem>>, vector<16xi32>,
          %swap3A_361 = vector.shape_cast %swap3A_360 : vector<16xi32> to vector<16xi32>
          %swap3A_362 = vector.shape_cast %broadcast_in_dim3A_3 : vector<16xi32> to vector<16xi32>
          tpu.vector_store %arg11[%swap3A_359], %swap3A_362 {strides = array<i32>} : memref<128xi32, #tpu.memory_space<vmem>>, vector<16xi32>,
          %swap3A_363 = arith.constant 32 : index
          %swap3A_364 = tpu.vector_load %arg11[%swap3A_363] {strides = array<i32>} : memref<128xi32, #tpu.memory_space<vmem>>, vector<16xi32>,
          %swap3A_365 = vector.shape_cast %swap3A_364 : vector<16xi32> to vector<16xi32>
          %swap3A_366 = vector.shape_cast %broadcast_in_dim3A_3 : vector<16xi32> to vector<16xi32>
          tpu.vector_store %arg11[%swap3A_363], %swap3A_366 {strides = array<i32>} : memref<128xi32, #tpu.memory_space<vmem>>, vector<16xi32>,
          %swap3A_367 = arith.constant 48 : index
          %swap3A_368 = tpu.vector_load %arg11[%swap3A_367] {strides = array<i32>} : memref<128xi32, #tpu.memory_space<vmem>>, vector<16xi32>,
          %swap3A_369 = vector.shape_cast %swap3A_368 : vector<16xi32> to vector<16xi32>
          %swap3A_370 = vector.shape_cast %broadcast_in_dim3A_3 : vector<16xi32> to vector<16xi32>
          tpu.vector_store %arg11[%swap3A_367], %swap3A_370 {strides = array<i32>} : memref<128xi32, #tpu.memory_space<vmem>>, vector<16xi32>,
          %swap3A_371 = arith.constant 64 : index
          %swap3A_372 = tpu.vector_load %arg11[%swap3A_371] {strides = array<i32>} : memref<128xi32, #tpu.memory_space<vmem>>, vector<16xi32>,
          %swap3A_373 = vector.shape_cast %swap3A_372 : vector<16xi32> to vector<16xi32>
          %swap3A_374 = vector.shape_cast %broadcast_in_dim3A_3 : vector<16xi32> to vector<16xi32>
          tpu.vector_store %arg11[%swap3A_371], %swap3A_374 {strides = array<i32>} : memref<128xi32, #tpu.memory_space<vmem>>, vector<16xi32>,
          %swap3A_375 = arith.constant 80 : index
          %swap3A_376 = tpu.vector_load %arg11[%swap3A_375] {strides = array<i32>} : memref<128xi32, #tpu.memory_space<vmem>>, vector<16xi32>,
          %swap3A_377 = vector.shape_cast %swap3A_376 : vector<16xi32> to vector<16xi32>
          %swap3A_378 = vector.shape_cast %broadcast_in_dim3A_3 : vector<16xi32> to vector<16xi32>
          tpu.vector_store %arg11[%swap3A_375], %swap3A_378 {strides = array<i32>} : memref<128xi32, #tpu.memory_space<vmem>>, vector<16xi32>,
          %swap3A_379 = arith.constant 96 : index
          %swap3A_380 = tpu.vector_load %arg11[%swap3A_379] {strides = array<i32>} : memref<128xi32, #tpu.memory_space<vmem>>, vector<16xi32>,
          %swap3A_381 = vector.shape_cast %swap3A_380 : vector<16xi32> to vector<16xi32>
          %swap3A_382 = vector.shape_cast %broadcast_in_dim3A_3 : vector<16xi32> to vector<16xi32>
          tpu.vector_store %arg11[%swap3A_379], %swap3A_382 {strides = array<i32>} : memref<128xi32, #tpu.memory_space<vmem>>, vector<16xi32>,
          %swap3A_383 = arith.constant 112 : index
          %swap3A_384 = tpu.vector_load %arg11[%swap3A_383] {strides = array<i32>} : memref<128xi32, #tpu.memory_space<vmem>>, vector<16xi32>,
          %swap3A_385 = vector.shape_cast %swap3A_384 : vector<16xi32> to vector<16xi32>
          %swap3A_386 = vector.shape_cast %broadcast_in_dim3A_3 : vector<16xi32> to vector<16xi32>
          tpu.vector_store %arg11[%swap3A_383], %swap3A_386 {strides = array<i32>} : memref<128xi32, #tpu.memory_space<vmem>>, vector<16xi32>,
        } else {
        }
        %jit3A_337 = arith.constant 0 : i32
        %select_n3A_338 = arith.select %gt3A_333, %jit3A_337, %scan3A_317 : i32
        %ne3A_339 = arith.cmpi ne, %squeeze3A, %scan3A_316 : i32
        %eq3A_340 = arith.constant 1 : i32
        %eq3A_341 = arith.cmpi eq, %scan3A_318, %eq3A_340 : i32
        %and3A_342 = arith.andi %ne3A_339, %eq3A_341 : i1
        %convert_element_type3A_343 = arith.extui %and3A_342 : i1 to i32
        %cond3A_344 = arith.constant 0 : i32
        %cond3A_345 = arith.cmpi ne, %convert_element_type3A_343, %cond3A_344 : i32
        scf.if %cond3A_345 {
          %get3A_355 = arith.constant 0 : index
          %get3A_356 = tpu.vector_load %arg12[%get3A_355] {strides = array<i32>} : memref<16xf32, #tpu.memory_space<vmem>>, vector<16xf32>,
          %get3A_357 = vector.shape_cast %get3A_356 : vector<16xf32> to vector<16xf32>
          %swap3A_358 = arith.index_cast %select_n3A_338 : i32 to index
          %swap3A_359 = arith.constant 0 : index
          %swap3A_360 = tpu.vector_load %arg10[%swap3A_358, %swap3A_359] {strides = array<i32>} : memref<128x128xf32, #tpu.memory_space<vmem>>, vector<1x16xf32>,
          %swap3A_361 = vector.shape_cast %swap3A_360 : vector<1x16xf32> to vector<16xf32>
          %swap3A_362 = vector.shape_cast %get3A_357 : vector<16xf32> to vector<1x16xf32>
          tpu.vector_store %arg10[%swap3A_358, %swap3A_359], %swap3A_362 {strides = array<i32>} : memref<128x128xf32, #tpu.memory_space<vmem>>, vector<1x16xf32>,
          %jit3A_363 = arith.constant 16 : i32
          %div3A_364 = arith.divsi %select_n3A_338, %jit3A_363 : i32
          %sign3A_365 = arith.constant 0 : i32
          %sign3A_366 = arith.cmpi sgt, %select_n3A_338, %sign3A_365 : i32
          %sign3A_367 = arith.extui %sign3A_366 : i1 to i32
          %sign3A_368 = arith.constant 0 : i32
          %sign3A_369 = arith.cmpi slt, %select_n3A_338, %sign3A_368 : i32
          %sign3A_370 = arith.extui %sign3A_369 : i1 to i32
          %sign3A_371 = arith.subi %sign3A_367, %sign3A_370 : i32
          %sign3A_372 = arith.constant 0 : i32
          %sign3A_373 = arith.cmpi sgt, %jit3A_363, %sign3A_372 : i32
          %sign3A_374 = arith.extui %sign3A_373 : i1 to i32
          %sign3A_375 = arith.constant 0 : i32
          %sign3A_376 = arith.cmpi slt, %jit3A_363, %sign3A_375 : i32
          %sign3A_377 = arith.extui %sign3A_376 : i1 to i32
          %sign3A_378 = arith.subi %sign3A_374, %sign3A_377 : i32
          %ne3A_379 = arith.cmpi ne, %sign3A_371, %sign3A_378 : i32
          %rem3A_380 = arith.remsi %select_n3A_338, %jit3A_363 : i32
          %ne3A_381 = arith.constant 0 : i32
          %ne3A_382 = arith.cmpi ne, %rem3A_380, %ne3A_381 : i32
          %and3A_383 = arith.andi %ne3A_379, %ne3A_382 : i1
          %sub3A_384 = arith.constant 1 : i32
          %sub3A_385 = arith.subi %div3A_364, %sub3A_384 : i32
          %select_n3A_386 = arith.select %and3A_383, %sub3A_385, %div3A_364 : i32
          %mul3A_387 = arith.constant 16 : i32
          %mul3A_388 = arith.muli %select_n3A_386, %mul3A_387 : i32
          %jit3A_389 = arith.constant 16 : i32
          %eq3A_390 = arith.constant 0 : i32
          %eq3A_391 = arith.cmpi eq, %jit3A_389, %eq3A_390 : i32
          %jit3A_392 = arith.constant 1 : i32
          %select_n3A_393 = arith.select %eq3A_391, %jit3A_392, %jit3A_389 : i32
          %rem3A_394 = arith.remsi %select_n3A_338, %select_n3A_393 : i32
          %ne3A_395 = arith.constant 0 : i32
          %ne3A_396 = arith.cmpi ne, %rem3A_394, %ne3A_395 : i32
          %lt3A_397 = arith.constant 0 : i32
          %lt3A_398 = arith.cmpi slt, %rem3A_394, %lt3A_397 : i32
          %lt3A_399 = arith.constant 0 : i32
          %lt3A_400 = arith.cmpi slt, %select_n3A_393, %lt3A_399 : i32
          %ne3A_401 = arith.xori %lt3A_398, %lt3A_400 : i1
          %and3A_402 = arith.andi %ne3A_401, %ne3A_396 : i1
          %add3A_403 = arith.addi %rem3A_394, %select_n3A_393 : i32
          %select_n3A_404 = arith.select %and3A_402, %add3A_403, %rem3A_394 : i32
          %get3A_405 = arith.index_cast %mul3A_388 : i32 to index
          %get3A_406 = tpu.vector_load %arg11[%get3A_405] {strides = array<i32>} : memref<128xi32, #tpu.memory_space<vmem>>, vector<16xi32>,
          %get3A_407 = vector.shape_cast %get3A_406 : vector<16xi32> to vector<16xi32>
          %eq3A_408 = vector.broadcast %select_n3A_404 : i32 to vector<16xi32>
          %eq3A_409 = arith.cmpi eq, %iota3A, %eq3A_408 : vector<16xi32>
          %broadcast_in_dim3A_410 = vector.broadcast %scan3A_316 : i32 to vector<16xi32>
          %select_n3A_411 = arith.select %eq3A_409, %broadcast_in_dim3A_410, %get3A_407 : vector<16xi1>, vector<16xi32>
          %swap3A_412 = arith.index_cast %mul3A_388 : i32 to index
          %swap3A_413 = tpu.vector_load %arg11[%swap3A_412] {strides = array<i32>} : memref<128xi32, #tpu.memory_space<vmem>>, vector<16xi32>,
          %swap3A_414 = vector.shape_cast %swap3A_413 : vector<16xi32> to vector<16xi32>
          %swap3A_415 = vector.shape_cast %select_n3A_411 : vector<16xi32> to vector<16xi32>
          tpu.vector_store %arg11[%swap3A_412], %swap3A_415 {strides = array<i32>} : memref<128xi32, #tpu.memory_space<vmem>>, vector<16xi32>,
        } else {
        }
        %add3A_346 = arith.constant 1 : i32
        %add3A_347 = arith.addi %select_n3A_338, %add3A_346 : i32
        %select_n3A_348 = arith.select %and3A_342, %add3A_347, %select_n3A_338 : i32
        %eq3A_349 = arith.cmpi eq, %squeeze3A, %squeeze3A_331 : i32
        %convert_element_type3A_350 = arith.extui %eq3A_349 : i1 to i32
        %cond3A_351 = arith.constant 0 : i32
        %cond3A_352 = arith.cmpi ne, %convert_element_type3A_350, %cond3A_351 : i32
        %cond3A_353 = scf.if %cond3A_352 -> (i32) {
          %get3A_355 = arith.constant 0 : index
          %get3A_356 = tpu.vector_load %arg12[%get3A_355] {strides = array<i32>} : memref<16xf32, #tpu.memory_space<vmem>>, vector<16xf32>,
          %get3A_357 = vector.shape_cast %get3A_356 : vector<16xf32> to vector<16xf32>
          %jit3A_358 = arith.constant 0.000000e+00 : f32
          %broadcast_in_dim3A_359 = vector.broadcast %jit3A_358 : f32 to vector<16xf32>
          %select_n3A_360 = arith.select %ne3A_339, %broadcast_in_dim3A_359, %get3A_357 : vector<16xf32>
          %slice3A_361 = vector.extract_strided_slice %get3A_329 {offsets = [0], sizes = [1], strides = [1]} : vector<16xi32> to vector<1xi32>
          %squeeze3A_362 = vector.extract %slice3A_361[0] : i32 from vector<1xi32>
          %eq3A_363 = vector.broadcast %squeeze3A_362 : i32 to vector<16xi32>
          %eq3A_364 = arith.cmpi eq, %iota3A, %eq3A_363 : vector<16xi32>
          %jit3A_365 = arith.constant 1.000000e+00 : f32
          %jit3A_366 = arith.constant 0.000000e+00 : f32
          %broadcast_in_dim3A_367 = vector.broadcast %jit3A_365 : f32 to vector<16xf32>
          %broadcast_in_dim3A_368 = vector.broadcast %jit3A_366 : f32 to vector<16xf32>
          %select_n3A_369 = arith.select %eq3A_364, %broadcast_in_dim3A_367, %broadcast_in_dim3A_368 : vector<16xi1>, vector<16xf32>
          %slice3A_370 = vector.extract_strided_slice %get3A_329 {offsets = [1], sizes = [1], strides = [1]} : vector<16xi32> to vector<1xi32>
          %squeeze3A_371 = vector.extract %slice3A_370[0] : i32 from vector<1xi32>
          %eq3A_372 = vector.broadcast %squeeze3A_371 : i32 to vector<16xi32>
          %eq3A_373 = arith.cmpi eq, %iota3A, %eq3A_372 : vector<16xi32>
          %jit3A_374 = arith.constant 1.000000e+00 : f32
          %jit3A_375 = arith.constant 0.000000e+00 : f32
          %broadcast_in_dim3A_376 = vector.broadcast %jit3A_374 : f32 to vector<16xf32>
          %broadcast_in_dim3A_377 = vector.broadcast %jit3A_375 : f32 to vector<16xf32>
          %select_n3A_378 = arith.select %eq3A_373, %broadcast_in_dim3A_376, %broadcast_in_dim3A_377 : vector<16xi1>, vector<16xf32>
          %add3A_379 = arith.addf %select_n3A_369, %select_n3A_378 : vector<16xf32>
          %slice3A_380 = vector.extract_strided_slice %get3A_329 {offsets = [2], sizes = [1], strides = [1]} : vector<16xi32> to vector<1xi32>
          %squeeze3A_381 = vector.extract %slice3A_380[0] : i32 from vector<1xi32>
          %eq3A_382 = vector.broadcast %squeeze3A_381 : i32 to vector<16xi32>
          %eq3A_383 = arith.cmpi eq, %iota3A, %eq3A_382 : vector<16xi32>
          %jit3A_384 = arith.constant 1.000000e+00 : f32
          %jit3A_385 = arith.constant 0.000000e+00 : f32
          %broadcast_in_dim3A_386 = vector.broadcast %jit3A_384 : f32 to vector<16xf32>
          %broadcast_in_dim3A_387 = vector.broadcast %jit3A_385 : f32 to vector<16xf32>
          %select_n3A_388 = arith.select %eq3A_383, %broadcast_in_dim3A_386, %broadcast_in_dim3A_387 : vector<16xi1>, vector<16xf32>
          %add3A_389 = arith.addf %add3A_379, %select_n3A_388 : vector<16xf32>
          %slice3A_390 = vector.extract_strided_slice %get3A_329 {offsets = [3], sizes = [1], strides = [1]} : vector<16xi32> to vector<1xi32>
          %squeeze3A_391 = vector.extract %slice3A_390[0] : i32 from vector<1xi32>
          %eq3A_392 = vector.broadcast %squeeze3A_391 : i32 to vector<16xi32>
          %eq3A_393 = arith.cmpi eq, %iota3A, %eq3A_392 : vector<16xi32>
          %jit3A_394 = arith.constant 1.000000e+00 : f32
          %jit3A_395 = arith.constant 0.000000e+00 : f32
          %broadcast_in_dim3A_396 = vector.broadcast %jit3A_394 : f32 to vector<16xf32>
          %broadcast_in_dim3A_397 = vector.broadcast %jit3A_395 : f32 to vector<16xf32>
          %select_n3A_398 = arith.select %eq3A_393, %broadcast_in_dim3A_396, %broadcast_in_dim3A_397 : vector<16xi1>, vector<16xf32>
          %add3A_399 = arith.addf %add3A_389, %select_n3A_398 : vector<16xf32>
          %slice3A_400 = vector.extract_strided_slice %get3A_329 {offsets = [4], sizes = [1], strides = [1]} : vector<16xi32> to vector<1xi32>
          %squeeze3A_401 = vector.extract %slice3A_400[0] : i32 from vector<1xi32>
          %eq3A_402 = vector.broadcast %squeeze3A_401 : i32 to vector<16xi32>
          %eq3A_403 = arith.cmpi eq, %iota3A, %eq3A_402 : vector<16xi32>
          %jit3A_404 = arith.constant 1.000000e+00 : f32
          %jit3A_405 = arith.constant 0.000000e+00 : f32
          %broadcast_in_dim3A_406 = vector.broadcast %jit3A_404 : f32 to vector<16xf32>
          %broadcast_in_dim3A_407 = vector.broadcast %jit3A_405 : f32 to vector<16xf32>
          %select_n3A_408 = arith.select %eq3A_403, %broadcast_in_dim3A_406, %broadcast_in_dim3A_407 : vector<16xi1>, vector<16xf32>
          %add3A_409 = arith.addf %add3A_399, %select_n3A_408 : vector<16xf32>
          %slice3A_410 = vector.extract_strided_slice %get3A_329 {offsets = [5], sizes = [1], strides = [1]} : vector<16xi32> to vector<1xi32>
          %squeeze3A_411 = vector.extract %slice3A_410[0] : i32 from vector<1xi32>
          %eq3A_412 = vector.broadcast %squeeze3A_411 : i32 to vector<16xi32>
          %eq3A_413 = arith.cmpi eq, %iota3A, %eq3A_412 : vector<16xi32>
          %jit3A_414 = arith.constant 1.000000e+00 : f32
          %jit3A_415 = arith.constant 0.000000e+00 : f32
          %broadcast_in_dim3A_416 = vector.broadcast %jit3A_414 : f32 to vector<16xf32>
          %broadcast_in_dim3A_417 = vector.broadcast %jit3A_415 : f32 to vector<16xf32>
          %select_n3A_418 = arith.select %eq3A_413, %broadcast_in_dim3A_416, %broadcast_in_dim3A_417 : vector<16xi1>, vector<16xf32>
          %add3A_419 = arith.addf %add3A_409, %select_n3A_418 : vector<16xf32>
          %slice3A_420 = vector.extract_strided_slice %get3A_329 {offsets = [6], sizes = [1], strides = [1]} : vector<16xi32> to vector<1xi32>
          %squeeze3A_421 = vector.extract %slice3A_420[0] : i32 from vector<1xi32>
          %eq3A_422 = vector.broadcast %squeeze3A_421 : i32 to vector<16xi32>
          %eq3A_423 = arith.cmpi eq, %iota3A, %eq3A_422 : vector<16xi32>
          %jit3A_424 = arith.constant 1.000000e+00 : f32
          %jit3A_425 = arith.constant 0.000000e+00 : f32
          %broadcast_in_dim3A_426 = vector.broadcast %jit3A_424 : f32 to vector<16xf32>
          %broadcast_in_dim3A_427 = vector.broadcast %jit3A_425 : f32 to vector<16xf32>
          %select_n3A_428 = arith.select %eq3A_423, %broadcast_in_dim3A_426, %broadcast_in_dim3A_427 : vector<16xi1>, vector<16xf32>
          %add3A_429 = arith.addf %add3A_419, %select_n3A_428 : vector<16xf32>
          %slice3A_430 = vector.extract_strided_slice %get3A_329 {offsets = [7], sizes = [1], strides = [1]} : vector<16xi32> to vector<1xi32>
          %squeeze3A_431 = vector.extract %slice3A_430[0] : i32 from vector<1xi32>
          %eq3A_432 = vector.broadcast %squeeze3A_431 : i32 to vector<16xi32>
          %eq3A_433 = arith.cmpi eq, %iota3A, %eq3A_432 : vector<16xi32>
          %jit3A_434 = arith.constant 1.000000e+00 : f32
          %jit3A_435 = arith.constant 0.000000e+00 : f32
          %broadcast_in_dim3A_436 = vector.broadcast %jit3A_434 : f32 to vector<16xf32>
          %broadcast_in_dim3A_437 = vector.broadcast %jit3A_435 : f32 to vector<16xf32>
          %select_n3A_438 = arith.select %eq3A_433, %broadcast_in_dim3A_436, %broadcast_in_dim3A_437 : vector<16xi1>, vector<16xf32>
          %add3A_439 = arith.addf %add3A_429, %select_n3A_438 : vector<16xf32>
          %slice3A_440 = vector.extract_strided_slice %get3A_329 {offsets = [8], sizes = [1], strides = [1]} : vector<16xi32> to vector<1xi32>
          %squeeze3A_441 = vector.extract %slice3A_440[0] : i32 from vector<1xi32>
          %eq3A_442 = vector.broadcast %squeeze3A_441 : i32 to vector<16xi32>
          %eq3A_443 = arith.cmpi eq, %iota3A, %eq3A_442 : vector<16xi32>
          %jit3A_444 = arith.constant 1.000000e+00 : f32
          %jit3A_445 = arith.constant 0.000000e+00 : f32
          %broadcast_in_dim3A_446 = vector.broadcast %jit3A_444 : f32 to vector<16xf32>
          %broadcast_in_dim3A_447 = vector.broadcast %jit3A_445 : f32 to vector<16xf32>
          %select_n3A_448 = arith.select %eq3A_443, %broadcast_in_dim3A_446, %broadcast_in_dim3A_447 : vector<16xi1>, vector<16xf32>
          %add3A_449 = arith.addf %add3A_439, %select_n3A_448 : vector<16xf32>
          %slice3A_450 = vector.extract_strided_slice %get3A_329 {offsets = [9], sizes = [1], strides = [1]} : vector<16xi32> to vector<1xi32>
          %squeeze3A_451 = vector.extract %slice3A_450[0] : i32 from vector<1xi32>
          %eq3A_452 = vector.broadcast %squeeze3A_451 : i32 to vector<16xi32>
          %eq3A_453 = arith.cmpi eq, %iota3A, %eq3A_452 : vector<16xi32>
          %jit3A_454 = arith.constant 1.000000e+00 : f32
          %jit3A_455 = arith.constant 0.000000e+00 : f32
          %broadcast_in_dim3A_456 = vector.broadcast %jit3A_454 : f32 to vector<16xf32>
          %broadcast_in_dim3A_457 = vector.broadcast %jit3A_455 : f32 to vector<16xf32>
          %select_n3A_458 = arith.select %eq3A_453, %broadcast_in_dim3A_456, %broadcast_in_dim3A_457 : vector<16xi1>, vector<16xf32>
          %add3A_459 = arith.addf %add3A_449, %select_n3A_458 : vector<16xf32>
          %slice3A_460 = vector.extract_strided_slice %get3A_329 {offsets = [10], sizes = [1], strides = [1]} : vector<16xi32> to vector<1xi32>
          %squeeze3A_461 = vector.extract %slice3A_460[0] : i32 from vector<1xi32>
          %eq3A_462 = vector.broadcast %squeeze3A_461 : i32 to vector<16xi32>
          %eq3A_463 = arith.cmpi eq, %iota3A, %eq3A_462 : vector<16xi32>
          %jit3A_464 = arith.constant 1.000000e+00 : f32
          %jit3A_465 = arith.constant 0.000000e+00 : f32
          %broadcast_in_dim3A_466 = vector.broadcast %jit3A_464 : f32 to vector<16xf32>
          %broadcast_in_dim3A_467 = vector.broadcast %jit3A_465 : f32 to vector<16xf32>
          %select_n3A_468 = arith.select %eq3A_463, %broadcast_in_dim3A_466, %broadcast_in_dim3A_467 : vector<16xi1>, vector<16xf32>
          %add3A_469 = arith.addf %add3A_459, %select_n3A_468 : vector<16xf32>
          %slice3A_470 = vector.extract_strided_slice %get3A_329 {offsets = [11], sizes = [1], strides = [1]} : vector<16xi32> to vector<1xi32>
          %squeeze3A_471 = vector.extract %slice3A_470[0] : i32 from vector<1xi32>
          %eq3A_472 = vector.broadcast %squeeze3A_471 : i32 to vector<16xi32>
          %eq3A_473 = arith.cmpi eq, %iota3A, %eq3A_472 : vector<16xi32>
          %jit3A_474 = arith.constant 1.000000e+00 : f32
          %jit3A_475 = arith.constant 0.000000e+00 : f32
          %broadcast_in_dim3A_476 = vector.broadcast %jit3A_474 : f32 to vector<16xf32>
          %broadcast_in_dim3A_477 = vector.broadcast %jit3A_475 : f32 to vector<16xf32>
          %select_n3A_478 = arith.select %eq3A_473, %broadcast_in_dim3A_476, %broadcast_in_dim3A_477 : vector<16xi1>, vector<16xf32>
          %add3A_479 = arith.addf %add3A_469, %select_n3A_478 : vector<16xf32>
          %slice3A_480 = vector.extract_strided_slice %get3A_329 {offsets = [12], sizes = [1], strides = [1]} : vector<16xi32> to vector<1xi32>
          %squeeze3A_481 = vector.extract %slice3A_480[0] : i32 from vector<1xi32>
          %eq3A_482 = vector.broadcast %squeeze3A_481 : i32 to vector<16xi32>
          %eq3A_483 = arith.cmpi eq, %iota3A, %eq3A_482 : vector<16xi32>
          %jit3A_484 = arith.constant 1.000000e+00 : f32
          %jit3A_485 = arith.constant 0.000000e+00 : f32
          %broadcast_in_dim3A_486 = vector.broadcast %jit3A_484 : f32 to vector<16xf32>
          %broadcast_in_dim3A_487 = vector.broadcast %jit3A_485 : f32 to vector<16xf32>
          %select_n3A_488 = arith.select %eq3A_483, %broadcast_in_dim3A_486, %broadcast_in_dim3A_487 : vector<16xi1>, vector<16xf32>
          %add3A_489 = arith.addf %add3A_479, %select_n3A_488 : vector<16xf32>
          %slice3A_490 = vector.extract_strided_slice %get3A_329 {offsets = [13], sizes = [1], strides = [1]} : vector<16xi32> to vector<1xi32>
          %squeeze3A_491 = vector.extract %slice3A_490[0] : i32 from vector<1xi32>
          %eq3A_492 = vector.broadcast %squeeze3A_491 : i32 to vector<16xi32>
          %eq3A_493 = arith.cmpi eq, %iota3A, %eq3A_492 : vector<16xi32>
          %jit3A_494 = arith.constant 1.000000e+00 : f32
          %jit3A_495 = arith.constant 0.000000e+00 : f32
          %broadcast_in_dim3A_496 = vector.broadcast %jit3A_494 : f32 to vector<16xf32>
          %broadcast_in_dim3A_497 = vector.broadcast %jit3A_495 : f32 to vector<16xf32>
          %select_n3A_498 = arith.select %eq3A_493, %broadcast_in_dim3A_496, %broadcast_in_dim3A_497 : vector<16xi1>, vector<16xf32>
          %add3A_499 = arith.addf %add3A_489, %select_n3A_498 : vector<16xf32>
          %slice3A_500 = vector.extract_strided_slice %get3A_329 {offsets = [14], sizes = [1], strides = [1]} : vector<16xi32> to vector<1xi32>
          %squeeze3A_501 = vector.extract %slice3A_500[0] : i32 from vector<1xi32>
          %eq3A_502 = vector.broadcast %squeeze3A_501 : i32 to vector<16xi32>
          %eq3A_503 = arith.cmpi eq, %iota3A, %eq3A_502 : vector<16xi32>
          %jit3A_504 = arith.constant 1.000000e+00 : f32
          %jit3A_505 = arith.constant 0.000000e+00 : f32
          %broadcast_in_dim3A_506 = vector.broadcast %jit3A_504 : f32 to vector<16xf32>
          %broadcast_in_dim3A_507 = vector.broadcast %jit3A_505 : f32 to vector<16xf32>
          %select_n3A_508 = arith.select %eq3A_503, %broadcast_in_dim3A_506, %broadcast_in_dim3A_507 : vector<16xi1>, vector<16xf32>
          %add3A_509 = arith.addf %add3A_499, %select_n3A_508 : vector<16xf32>
          %slice3A_510 = vector.extract_strided_slice %get3A_329 {offsets = [15], sizes = [1], strides = [1]} : vector<16xi32> to vector<1xi32>
          %squeeze3A_511 = vector.extract %slice3A_510[0] : i32 from vector<1xi32>
          %eq3A_512 = vector.broadcast %squeeze3A_511 : i32 to vector<16xi32>
          %eq3A_513 = arith.cmpi eq, %iota3A, %eq3A_512 : vector<16xi32>
          %jit3A_514 = arith.constant 1.000000e+00 : f32
          %jit3A_515 = arith.constant 0.000000e+00 : f32
          %broadcast_in_dim3A_516 = vector.broadcast %jit3A_514 : f32 to vector<16xf32>
          %broadcast_in_dim3A_517 = vector.broadcast %jit3A_515 : f32 to vector<16xf32>
          %select_n3A_518 = arith.select %eq3A_513, %broadcast_in_dim3A_516, %broadcast_in_dim3A_517 : vector<16xi1>, vector<16xf32>
          %add3A_519 = arith.addf %add3A_509, %select_n3A_518 : vector<16xf32>
          %add3A_520 = arith.addf %select_n3A_360, %add3A_519 : vector<16xf32>
          %swap3A_521 = arith.constant 0 : index
          %swap3A_522 = tpu.vector_load %arg12[%swap3A_521] {strides = array<i32>} : memref<16xf32, #tpu.memory_space<vmem>>, vector<16xf32>,
          %swap3A_523 = vector.shape_cast %swap3A_522 : vector<16xf32> to vector<16xf32>
          %swap3A_524 = vector.shape_cast %add3A_520 : vector<16xf32> to vector<16xf32>
          tpu.vector_store %arg12[%swap3A_521], %swap3A_524 {strides = array<i32>} : memref<16xf32, #tpu.memory_space<vmem>>, vector<16xf32>,
          scf.yield %select_n3A_348 : i32
        } else {
          %slice3A_355 = vector.extract_strided_slice %get3A_323 {offsets = [0], sizes = [1], strides = [1]} : vector<16xi32> to vector<1xi32>
          %squeeze3A_356 = vector.extract %slice3A_355[0] : i32 from vector<1xi32>
          %slice3A_357 = vector.extract_strided_slice %get3A_329 {offsets = [0], sizes = [1], strides = [1]} : vector<16xi32> to vector<1xi32>
          %squeeze3A_358 = vector.extract %slice3A_357[0] : i32 from vector<1xi32>
          %ne3A_359 = arith.cmpi ne, %squeeze3A_356, %squeeze3A : i32
          %convert_element_type3A_360 = arith.extui %ne3A_359 : i1 to i32
          %cond3A_361 = arith.constant 0 : i32
          %cond3A_362 = arith.cmpi ne, %convert_element_type3A_360, %cond3A_361 : i32
          scf.if %cond3A_362 {
            %get3A_787 = arith.constant 0 : index
            %get3A_788 = tpu.vector_load %arg12[%get3A_787] {strides = array<i32>} : memref<16xf32, #tpu.memory_space<vmem>>, vector<16xf32>,
            %get3A_789 = vector.shape_cast %get3A_788 : vector<16xf32> to vector<16xf32>
            %swap3A_790 = arith.index_cast %select_n3A_348 : i32 to index
            %swap3A_791 = arith.constant 0 : index
            %swap3A_792 = tpu.vector_load %arg10[%swap3A_790, %swap3A_791] {strides = array<i32>} : memref<128x128xf32, #tpu.memory_space<vmem>>, vector<1x16xf32>,
            %swap3A_793 = vector.shape_cast %swap3A_792 : vector<1x16xf32> to vector<16xf32>
            %swap3A_794 = vector.shape_cast %get3A_789 : vector<16xf32> to vector<1x16xf32>
            tpu.vector_store %arg10[%swap3A_790, %swap3A_791], %swap3A_794 {strides = array<i32>} : memref<128x128xf32, #tpu.memory_space<vmem>>, vector<1x16xf32>,
            %jit3A_795 = arith.constant 16 : i32
            %div3A_796 = arith.divsi %select_n3A_348, %jit3A_795 : i32
            %sign3A_797 = arith.constant 0 : i32
            %sign3A_798 = arith.cmpi sgt, %select_n3A_348, %sign3A_797 : i32
            %sign3A_799 = arith.extui %sign3A_798 : i1 to i32
            %sign3A_800 = arith.constant 0 : i32
            %sign3A_801 = arith.cmpi slt, %select_n3A_348, %sign3A_800 : i32
            %sign3A_802 = arith.extui %sign3A_801 : i1 to i32
            %sign3A_803 = arith.subi %sign3A_799, %sign3A_802 : i32
            %sign3A_804 = arith.constant 0 : i32
            %sign3A_805 = arith.cmpi sgt, %jit3A_795, %sign3A_804 : i32
            %sign3A_806 = arith.extui %sign3A_805 : i1 to i32
            %sign3A_807 = arith.constant 0 : i32
            %sign3A_808 = arith.cmpi slt, %jit3A_795, %sign3A_807 : i32
            %sign3A_809 = arith.extui %sign3A_808 : i1 to i32
            %sign3A_810 = arith.subi %sign3A_806, %sign3A_809 : i32
            %ne3A_811 = arith.cmpi ne, %sign3A_803, %sign3A_810 : i32
            %rem3A_812 = arith.remsi %select_n3A_348, %jit3A_795 : i32
            %ne3A_813 = arith.constant 0 : i32
            %ne3A_814 = arith.cmpi ne, %rem3A_812, %ne3A_813 : i32
            %and3A_815 = arith.andi %ne3A_811, %ne3A_814 : i1
            %sub3A_816 = arith.constant 1 : i32
            %sub3A_817 = arith.subi %div3A_796, %sub3A_816 : i32
            %select_n3A_818 = arith.select %and3A_815, %sub3A_817, %div3A_796 : i32
            %mul3A_819 = arith.constant 16 : i32
            %mul3A_820 = arith.muli %select_n3A_818, %mul3A_819 : i32
            %jit3A_821 = arith.constant 16 : i32
            %eq3A_822 = arith.constant 0 : i32
            %eq3A_823 = arith.cmpi eq, %jit3A_821, %eq3A_822 : i32
            %jit3A_824 = arith.constant 1 : i32
            %select_n3A_825 = arith.select %eq3A_823, %jit3A_824, %jit3A_821 : i32
            %rem3A_826 = arith.remsi %select_n3A_348, %select_n3A_825 : i32
            %ne3A_827 = arith.constant 0 : i32
            %ne3A_828 = arith.cmpi ne, %rem3A_826, %ne3A_827 : i32
            %lt3A_829 = arith.constant 0 : i32
            %lt3A_830 = arith.cmpi slt, %rem3A_826, %lt3A_829 : i32
            %lt3A_831 = arith.constant 0 : i32
            %lt3A_832 = arith.cmpi slt, %select_n3A_825, %lt3A_831 : i32
            %ne3A_833 = arith.xori %lt3A_830, %lt3A_832 : i1
            %and3A_834 = arith.andi %ne3A_833, %ne3A_828 : i1
            %add3A_835 = arith.addi %rem3A_826, %select_n3A_825 : i32
            %select_n3A_836 = arith.select %and3A_834, %add3A_835, %rem3A_826 : i32
            %get3A_837 = arith.index_cast %mul3A_820 : i32 to index
            %get3A_838 = tpu.vector_load %arg11[%get3A_837] {strides = array<i32>} : memref<128xi32, #tpu.memory_space<vmem>>, vector<16xi32>,
            %get3A_839 = vector.shape_cast %get3A_838 : vector<16xi32> to vector<16xi32>
            %eq3A_840 = vector.broadcast %select_n3A_836 : i32 to vector<16xi32>
            %eq3A_841 = arith.cmpi eq, %iota3A, %eq3A_840 : vector<16xi32>
            %broadcast_in_dim3A_842 = vector.broadcast %squeeze3A : i32 to vector<16xi32>
            %select_n3A_843 = arith.select %eq3A_841, %broadcast_in_dim3A_842, %get3A_839 : vector<16xi1>, vector<16xi32>
            %swap3A_844 = arith.index_cast %mul3A_820 : i32 to index
            %swap3A_845 = tpu.vector_load %arg11[%swap3A_844] {strides = array<i32>} : memref<128xi32, #tpu.memory_space<vmem>>, vector<16xi32>,
            %swap3A_846 = vector.shape_cast %swap3A_845 : vector<16xi32> to vector<16xi32>
            %swap3A_847 = vector.shape_cast %select_n3A_843 : vector<16xi32> to vector<16xi32>
            tpu.vector_store %arg11[%swap3A_844], %swap3A_847 {strides = array<i32>} : memref<128xi32, #tpu.memory_space<vmem>>, vector<16xi32>,
          } else {
          }
          %add3A_363 = arith.constant 1 : i32
          %add3A_364 = arith.addi %select_n3A_348, %add3A_363 : i32
          %select_n3A_365 = arith.select %ne3A_359, %add3A_364, %select_n3A_348 : i32
          %or3A = arith.ori %ne3A_359, %ne3A_339 : i1
          %eq3A_366 = vector.broadcast %squeeze3A_358 : i32 to vector<16xi32>
          %eq3A_367 = arith.cmpi eq, %iota3A, %eq3A_366 : vector<16xi32>
          %jit3A_368 = arith.constant 1.000000e+00 : f32
          %jit3A_369 = arith.constant 0.000000e+00 : f32
          %broadcast_in_dim3A_370 = vector.broadcast %jit3A_368 : f32 to vector<16xf32>
          %broadcast_in_dim3A_371 = vector.broadcast %jit3A_369 : f32 to vector<16xf32>
          %select_n3A_372 = arith.select %eq3A_367, %broadcast_in_dim3A_370, %broadcast_in_dim3A_371 : vector<16xi1>, vector<16xf32>
          %get3A_373 = arith.constant 0 : index
          %get3A_374 = tpu.vector_load %arg12[%get3A_373] {strides = array<i32>} : memref<16xf32, #tpu.memory_space<vmem>>, vector<16xf32>,
          %get3A_375 = vector.shape_cast %get3A_374 : vector<16xf32> to vector<16xf32>
          %add3A_376 = arith.addf %get3A_375, %select_n3A_372 : vector<16xf32>
          %select_n3A_377 = arith.select %or3A, %select_n3A_372, %add3A_376 : vector<16xf32>
          %swap3A_378 = arith.constant 0 : index
          %swap3A_379 = tpu.vector_load %arg12[%swap3A_378] {strides = array<i32>} : memref<16xf32, #tpu.memory_space<vmem>>, vector<16xf32>,
          %swap3A_380 = vector.shape_cast %swap3A_379 : vector<16xf32> to vector<16xf32>
          %swap3A_381 = vector.shape_cast %select_n3A_377 : vector<16xf32> to vector<16xf32>
          tpu.vector_store %arg12[%swap3A_378], %swap3A_381 {strides = array<i32>} : memref<16xf32, #tpu.memory_space<vmem>>, vector<16xf32>,
          %slice3A_382 = vector.extract_strided_slice %get3A_323 {offsets = [1], sizes = [1], strides = [1]} : vector<16xi32> to vector<1xi32>
          %squeeze3A_383 = vector.extract %slice3A_382[0] : i32 from vector<1xi32>
          %slice3A_384 = vector.extract_strided_slice %get3A_329 {offsets = [1], sizes = [1], strides = [1]} : vector<16xi32> to vector<1xi32>
          %squeeze3A_385 = vector.extract %slice3A_384[0] : i32 from vector<1xi32>
          %ne3A_386 = arith.cmpi ne, %squeeze3A_383, %squeeze3A_356 : i32
          %convert_element_type3A_387 = arith.extui %ne3A_386 : i1 to i32
          %cond3A_388 = arith.constant 0 : i32
          %cond3A_389 = arith.cmpi ne, %convert_element_type3A_387, %cond3A_388 : i32
          scf.if %cond3A_389 {
            %get3A_787 = arith.constant 0 : index
            %get3A_788 = tpu.vector_load %arg12[%get3A_787] {strides = array<i32>} : memref<16xf32, #tpu.memory_space<vmem>>, vector<16xf32>,
            %get3A_789 = vector.shape_cast %get3A_788 : vector<16xf32> to vector<16xf32>
            %swap3A_790 = arith.index_cast %select_n3A_365 : i32 to index
            %swap3A_791 = arith.constant 0 : index
            %swap3A_792 = tpu.vector_load %arg10[%swap3A_790, %swap3A_791] {strides = array<i32>} : memref<128x128xf32, #tpu.memory_space<vmem>>, vector<1x16xf32>,
            %swap3A_793 = vector.shape_cast %swap3A_792 : vector<1x16xf32> to vector<16xf32>
            %swap3A_794 = vector.shape_cast %get3A_789 : vector<16xf32> to vector<1x16xf32>
            tpu.vector_store %arg10[%swap3A_790, %swap3A_791], %swap3A_794 {strides = array<i32>} : memref<128x128xf32, #tpu.memory_space<vmem>>, vector<1x16xf32>,
            %jit3A_795 = arith.constant 16 : i32
            %div3A_796 = arith.divsi %select_n3A_365, %jit3A_795 : i32
            %sign3A_797 = arith.constant 0 : i32
            %sign3A_798 = arith.cmpi sgt, %select_n3A_365, %sign3A_797 : i32
            %sign3A_799 = arith.extui %sign3A_798 : i1 to i32
            %sign3A_800 = arith.constant 0 : i32
            %sign3A_801 = arith.cmpi slt, %select_n3A_365, %sign3A_800 : i32
            %sign3A_802 = arith.extui %sign3A_801 : i1 to i32
            %sign3A_803 = arith.subi %sign3A_799, %sign3A_802 : i32
            %sign3A_804 = arith.constant 0 : i32
            %sign3A_805 = arith.cmpi sgt, %jit3A_795, %sign3A_804 : i32
            %sign3A_806 = arith.extui %sign3A_805 : i1 to i32
            %sign3A_807 = arith.constant 0 : i32
            %sign3A_808 = arith.cmpi slt, %jit3A_795, %sign3A_807 : i32
            %sign3A_809 = arith.extui %sign3A_808 : i1 to i32
            %sign3A_810 = arith.subi %sign3A_806, %sign3A_809 : i32
            %ne3A_811 = arith.cmpi ne, %sign3A_803, %sign3A_810 : i32
            %rem3A_812 = arith.remsi %select_n3A_365, %jit3A_795 : i32
            %ne3A_813 = arith.constant 0 : i32
            %ne3A_814 = arith.cmpi ne, %rem3A_812, %ne3A_813 : i32
            %and3A_815 = arith.andi %ne3A_811, %ne3A_814 : i1
            %sub3A_816 = arith.constant 1 : i32
            %sub3A_817 = arith.subi %div3A_796, %sub3A_816 : i32
            %select_n3A_818 = arith.select %and3A_815, %sub3A_817, %div3A_796 : i32
            %mul3A_819 = arith.constant 16 : i32
            %mul3A_820 = arith.muli %select_n3A_818, %mul3A_819 : i32
            %jit3A_821 = arith.constant 16 : i32
            %eq3A_822 = arith.constant 0 : i32
            %eq3A_823 = arith.cmpi eq, %jit3A_821, %eq3A_822 : i32
            %jit3A_824 = arith.constant 1 : i32
            %select_n3A_825 = arith.select %eq3A_823, %jit3A_824, %jit3A_821 : i32
            %rem3A_826 = arith.remsi %select_n3A_365, %select_n3A_825 : i32
            %ne3A_827 = arith.constant 0 : i32
            %ne3A_828 = arith.cmpi ne, %rem3A_826, %ne3A_827 : i32
            %lt3A_829 = arith.constant 0 : i32
            %lt3A_830 = arith.cmpi slt, %rem3A_826, %lt3A_829 : i32
            %lt3A_831 = arith.constant 0 : i32
            %lt3A_832 = arith.cmpi slt, %select_n3A_825, %lt3A_831 : i32
            %ne3A_833 = arith.xori %lt3A_830, %lt3A_832 : i1
            %and3A_834 = arith.andi %ne3A_833, %ne3A_828 : i1
            %add3A_835 = arith.addi %rem3A_826, %select_n3A_825 : i32
            %select_n3A_836 = arith.select %and3A_834, %add3A_835, %rem3A_826 : i32
            %get3A_837 = arith.index_cast %mul3A_820 : i32 to index
            %get3A_838 = tpu.vector_load %arg11[%get3A_837] {strides = array<i32>} : memref<128xi32, #tpu.memory_space<vmem>>, vector<16xi32>,
            %get3A_839 = vector.shape_cast %get3A_838 : vector<16xi32> to vector<16xi32>
            %eq3A_840 = vector.broadcast %select_n3A_836 : i32 to vector<16xi32>
            %eq3A_841 = arith.cmpi eq, %iota3A, %eq3A_840 : vector<16xi32>
            %broadcast_in_dim3A_842 = vector.broadcast %squeeze3A_356 : i32 to vector<16xi32>
            %select_n3A_843 = arith.select %eq3A_841, %broadcast_in_dim3A_842, %get3A_839 : vector<16xi1>, vector<16xi32>
            %swap3A_844 = arith.index_cast %mul3A_820 : i32 to index
            %swap3A_845 = tpu.vector_load %arg11[%swap3A_844] {strides = array<i32>} : memref<128xi32, #tpu.memory_space<vmem>>, vector<16xi32>,
            %swap3A_846 = vector.shape_cast %swap3A_845 : vector<16xi32> to vector<16xi32>
            %swap3A_847 = vector.shape_cast %select_n3A_843 : vector<16xi32> to vector<16xi32>
            tpu.vector_store %arg11[%swap3A_844], %swap3A_847 {strides = array<i32>} : memref<128xi32, #tpu.memory_space<vmem>>, vector<16xi32>,
          } else {
          }
          %add3A_390 = arith.constant 1 : i32
          %add3A_391 = arith.addi %select_n3A_365, %add3A_390 : i32
          %select_n3A_392 = arith.select %ne3A_386, %add3A_391, %select_n3A_365 : i32
          %eq3A_393 = vector.broadcast %squeeze3A_385 : i32 to vector<16xi32>
          %eq3A_394 = arith.cmpi eq, %iota3A, %eq3A_393 : vector<16xi32>
          %jit3A_395 = arith.constant 1.000000e+00 : f32
          %jit3A_396 = arith.constant 0.000000e+00 : f32
          %broadcast_in_dim3A_397 = vector.broadcast %jit3A_395 : f32 to vector<16xf32>
          %broadcast_in_dim3A_398 = vector.broadcast %jit3A_396 : f32 to vector<16xf32>
          %select_n3A_399 = arith.select %eq3A_394, %broadcast_in_dim3A_397, %broadcast_in_dim3A_398 : vector<16xi1>, vector<16xf32>
          %get3A_400 = arith.constant 0 : index
          %get3A_401 = tpu.vector_load %arg12[%get3A_400] {strides = array<i32>} : memref<16xf32, #tpu.memory_space<vmem>>, vector<16xf32>,
          %get3A_402 = vector.shape_cast %get3A_401 : vector<16xf32> to vector<16xf32>
          %add3A_403 = arith.addf %get3A_402, %select_n3A_399 : vector<16xf32>
          %select_n3A_404 = arith.select %ne3A_386, %select_n3A_399, %add3A_403 : vector<16xf32>
          %swap3A_405 = arith.constant 0 : index
          %swap3A_406 = tpu.vector_load %arg12[%swap3A_405] {strides = array<i32>} : memref<16xf32, #tpu.memory_space<vmem>>, vector<16xf32>,
          %swap3A_407 = vector.shape_cast %swap3A_406 : vector<16xf32> to vector<16xf32>
          %swap3A_408 = vector.shape_cast %select_n3A_404 : vector<16xf32> to vector<16xf32>
          tpu.vector_store %arg12[%swap3A_405], %swap3A_408 {strides = array<i32>} : memref<16xf32, #tpu.memory_space<vmem>>, vector<16xf32>,
          %slice3A_409 = vector.extract_strided_slice %get3A_323 {offsets = [2], sizes = [1], strides = [1]} : vector<16xi32> to vector<1xi32>
          %squeeze3A_410 = vector.extract %slice3A_409[0] : i32 from vector<1xi32>
          %slice3A_411 = vector.extract_strided_slice %get3A_329 {offsets = [2], sizes = [1], strides = [1]} : vector<16xi32> to vector<1xi32>
          %squeeze3A_412 = vector.extract %slice3A_411[0] : i32 from vector<1xi32>
          %ne3A_413 = arith.cmpi ne, %squeeze3A_410, %squeeze3A_383 : i32
          %convert_element_type3A_414 = arith.extui %ne3A_413 : i1 to i32
          %cond3A_415 = arith.constant 0 : i32
          %cond3A_416 = arith.cmpi ne, %convert_element_type3A_414, %cond3A_415 : i32
          scf.if %cond3A_416 {
            %get3A_787 = arith.constant 0 : index
            %get3A_788 = tpu.vector_load %arg12[%get3A_787] {strides = array<i32>} : memref<16xf32, #tpu.memory_space<vmem>>, vector<16xf32>,
            %get3A_789 = vector.shape_cast %get3A_788 : vector<16xf32> to vector<16xf32>
            %swap3A_790 = arith.index_cast %select_n3A_392 : i32 to index
            %swap3A_791 = arith.constant 0 : index
            %swap3A_792 = tpu.vector_load %arg10[%swap3A_790, %swap3A_791] {strides = array<i32>} : memref<128x128xf32, #tpu.memory_space<vmem>>, vector<1x16xf32>,
            %swap3A_793 = vector.shape_cast %swap3A_792 : vector<1x16xf32> to vector<16xf32>
            %swap3A_794 = vector.shape_cast %get3A_789 : vector<16xf32> to vector<1x16xf32>
            tpu.vector_store %arg10[%swap3A_790, %swap3A_791], %swap3A_794 {strides = array<i32>} : memref<128x128xf32, #tpu.memory_space<vmem>>, vector<1x16xf32>,
            %jit3A_795 = arith.constant 16 : i32
            %div3A_796 = arith.divsi %select_n3A_392, %jit3A_795 : i32
            %sign3A_797 = arith.constant 0 : i32
            %sign3A_798 = arith.cmpi sgt, %select_n3A_392, %sign3A_797 : i32
            %sign3A_799 = arith.extui %sign3A_798 : i1 to i32
            %sign3A_800 = arith.constant 0 : i32
            %sign3A_801 = arith.cmpi slt, %select_n3A_392, %sign3A_800 : i32
            %sign3A_802 = arith.extui %sign3A_801 : i1 to i32
            %sign3A_803 = arith.subi %sign3A_799, %sign3A_802 : i32
            %sign3A_804 = arith.constant 0 : i32
            %sign3A_805 = arith.cmpi sgt, %jit3A_795, %sign3A_804 : i32
            %sign3A_806 = arith.extui %sign3A_805 : i1 to i32
            %sign3A_807 = arith.constant 0 : i32
            %sign3A_808 = arith.cmpi slt, %jit3A_795, %sign3A_807 : i32
            %sign3A_809 = arith.extui %sign3A_808 : i1 to i32
            %sign3A_810 = arith.subi %sign3A_806, %sign3A_809 : i32
            %ne3A_811 = arith.cmpi ne, %sign3A_803, %sign3A_810 : i32
            %rem3A_812 = arith.remsi %select_n3A_392, %jit3A_795 : i32
            %ne3A_813 = arith.constant 0 : i32
            %ne3A_814 = arith.cmpi ne, %rem3A_812, %ne3A_813 : i32
            %and3A_815 = arith.andi %ne3A_811, %ne3A_814 : i1
            %sub3A_816 = arith.constant 1 : i32
            %sub3A_817 = arith.subi %div3A_796, %sub3A_816 : i32
            %select_n3A_818 = arith.select %and3A_815, %sub3A_817, %div3A_796 : i32
            %mul3A_819 = arith.constant 16 : i32
            %mul3A_820 = arith.muli %select_n3A_818, %mul3A_819 : i32
            %jit3A_821 = arith.constant 16 : i32
            %eq3A_822 = arith.constant 0 : i32
            %eq3A_823 = arith.cmpi eq, %jit3A_821, %eq3A_822 : i32
            %jit3A_824 = arith.constant 1 : i32
            %select_n3A_825 = arith.select %eq3A_823, %jit3A_824, %jit3A_821 : i32
            %rem3A_826 = arith.remsi %select_n3A_392, %select_n3A_825 : i32
            %ne3A_827 = arith.constant 0 : i32
            %ne3A_828 = arith.cmpi ne, %rem3A_826, %ne3A_827 : i32
            %lt3A_829 = arith.constant 0 : i32
            %lt3A_830 = arith.cmpi slt, %rem3A_826, %lt3A_829 : i32
            %lt3A_831 = arith.constant 0 : i32
            %lt3A_832 = arith.cmpi slt, %select_n3A_825, %lt3A_831 : i32
            %ne3A_833 = arith.xori %lt3A_830, %lt3A_832 : i1
            %and3A_834 = arith.andi %ne3A_833, %ne3A_828 : i1
            %add3A_835 = arith.addi %rem3A_826, %select_n3A_825 : i32
            %select_n3A_836 = arith.select %and3A_834, %add3A_835, %rem3A_826 : i32
            %get3A_837 = arith.index_cast %mul3A_820 : i32 to index
            %get3A_838 = tpu.vector_load %arg11[%get3A_837] {strides = array<i32>} : memref<128xi32, #tpu.memory_space<vmem>>, vector<16xi32>,
            %get3A_839 = vector.shape_cast %get3A_838 : vector<16xi32> to vector<16xi32>
            %eq3A_840 = vector.broadcast %select_n3A_836 : i32 to vector<16xi32>
            %eq3A_841 = arith.cmpi eq, %iota3A, %eq3A_840 : vector<16xi32>
            %broadcast_in_dim3A_842 = vector.broadcast %squeeze3A_383 : i32 to vector<16xi32>
            %select_n3A_843 = arith.select %eq3A_841, %broadcast_in_dim3A_842, %get3A_839 : vector<16xi1>, vector<16xi32>
            %swap3A_844 = arith.index_cast %mul3A_820 : i32 to index
            %swap3A_845 = tpu.vector_load %arg11[%swap3A_844] {strides = array<i32>} : memref<128xi32, #tpu.memory_space<vmem>>, vector<16xi32>,
            %swap3A_846 = vector.shape_cast %swap3A_845 : vector<16xi32> to vector<16xi32>
            %swap3A_847 = vector.shape_cast %select_n3A_843 : vector<16xi32> to vector<16xi32>
            tpu.vector_store %arg11[%swap3A_844], %swap3A_847 {strides = array<i32>} : memref<128xi32, #tpu.memory_space<vmem>>, vector<16xi32>,
          } else {
          }
          %add3A_417 = arith.constant 1 : i32
          %add3A_418 = arith.addi %select_n3A_392, %add3A_417 : i32
          %select_n3A_419 = arith.select %ne3A_413, %add3A_418, %select_n3A_392 : i32
          %eq3A_420 = vector.broadcast %squeeze3A_412 : i32 to vector<16xi32>
          %eq3A_421 = arith.cmpi eq, %iota3A, %eq3A_420 : vector<16xi32>
          %jit3A_422 = arith.constant 1.000000e+00 : f32
          %jit3A_423 = arith.constant 0.000000e+00 : f32
          %broadcast_in_dim3A_424 = vector.broadcast %jit3A_422 : f32 to vector<16xf32>
          %broadcast_in_dim3A_425 = vector.broadcast %jit3A_423 : f32 to vector<16xf32>
          %select_n3A_426 = arith.select %eq3A_421, %broadcast_in_dim3A_424, %broadcast_in_dim3A_425 : vector<16xi1>, vector<16xf32>
          %get3A_427 = arith.constant 0 : index
          %get3A_428 = tpu.vector_load %arg12[%get3A_427] {strides = array<i32>} : memref<16xf32, #tpu.memory_space<vmem>>, vector<16xf32>,
          %get3A_429 = vector.shape_cast %get3A_428 : vector<16xf32> to vector<16xf32>
          %add3A_430 = arith.addf %get3A_429, %select_n3A_426 : vector<16xf32>
          %select_n3A_431 = arith.select %ne3A_413, %select_n3A_426, %add3A_430 : vector<16xf32>
          %swap3A_432 = arith.constant 0 : index
          %swap3A_433 = tpu.vector_load %arg12[%swap3A_432] {strides = array<i32>} : memref<16xf32, #tpu.memory_space<vmem>>, vector<16xf32>,
          %swap3A_434 = vector.shape_cast %swap3A_433 : vector<16xf32> to vector<16xf32>
          %swap3A_435 = vector.shape_cast %select_n3A_431 : vector<16xf32> to vector<16xf32>
          tpu.vector_store %arg12[%swap3A_432], %swap3A_435 {strides = array<i32>} : memref<16xf32, #tpu.memory_space<vmem>>, vector<16xf32>,
          %slice3A_436 = vector.extract_strided_slice %get3A_323 {offsets = [3], sizes = [1], strides = [1]} : vector<16xi32> to vector<1xi32>
          %squeeze3A_437 = vector.extract %slice3A_436[0] : i32 from vector<1xi32>
          %slice3A_438 = vector.extract_strided_slice %get3A_329 {offsets = [3], sizes = [1], strides = [1]} : vector<16xi32> to vector<1xi32>
          %squeeze3A_439 = vector.extract %slice3A_438[0] : i32 from vector<1xi32>
          %ne3A_440 = arith.cmpi ne, %squeeze3A_437, %squeeze3A_410 : i32
          %convert_element_type3A_441 = arith.extui %ne3A_440 : i1 to i32
          %cond3A_442 = arith.constant 0 : i32
          %cond3A_443 = arith.cmpi ne, %convert_element_type3A_441, %cond3A_442 : i32
          scf.if %cond3A_443 {
            %get3A_787 = arith.constant 0 : index
            %get3A_788 = tpu.vector_load %arg12[%get3A_787] {strides = array<i32>} : memref<16xf32, #tpu.memory_space<vmem>>, vector<16xf32>,
            %get3A_789 = vector.shape_cast %get3A_788 : vector<16xf32> to vector<16xf32>
            %swap3A_790 = arith.index_cast %select_n3A_419 : i32 to index
            %swap3A_791 = arith.constant 0 : index
            %swap3A_792 = tpu.vector_load %arg10[%swap3A_790, %swap3A_791] {strides = array<i32>} : memref<128x128xf32, #tpu.memory_space<vmem>>, vector<1x16xf32>,
            %swap3A_793 = vector.shape_cast %swap3A_792 : vector<1x16xf32> to vector<16xf32>
            %swap3A_794 = vector.shape_cast %get3A_789 : vector<16xf32> to vector<1x16xf32>
            tpu.vector_store %arg10[%swap3A_790, %swap3A_791], %swap3A_794 {strides = array<i32>} : memref<128x128xf32, #tpu.memory_space<vmem>>, vector<1x16xf32>,
            %jit3A_795 = arith.constant 16 : i32
            %div3A_796 = arith.divsi %select_n3A_419, %jit3A_795 : i32
            %sign3A_797 = arith.constant 0 : i32
            %sign3A_798 = arith.cmpi sgt, %select_n3A_419, %sign3A_797 : i32
            %sign3A_799 = arith.extui %sign3A_798 : i1 to i32
            %sign3A_800 = arith.constant 0 : i32
            %sign3A_801 = arith.cmpi slt, %select_n3A_419, %sign3A_800 : i32
            %sign3A_802 = arith.extui %sign3A_801 : i1 to i32
            %sign3A_803 = arith.subi %sign3A_799, %sign3A_802 : i32
            %sign3A_804 = arith.constant 0 : i32
            %sign3A_805 = arith.cmpi sgt, %jit3A_795, %sign3A_804 : i32
            %sign3A_806 = arith.extui %sign3A_805 : i1 to i32
            %sign3A_807 = arith.constant 0 : i32
            %sign3A_808 = arith.cmpi slt, %jit3A_795, %sign3A_807 : i32
            %sign3A_809 = arith.extui %sign3A_808 : i1 to i32
            %sign3A_810 = arith.subi %sign3A_806, %sign3A_809 : i32
            %ne3A_811 = arith.cmpi ne, %sign3A_803, %sign3A_810 : i32
            %rem3A_812 = arith.remsi %select_n3A_419, %jit3A_795 : i32
            %ne3A_813 = arith.constant 0 : i32
            %ne3A_814 = arith.cmpi ne, %rem3A_812, %ne3A_813 : i32
            %and3A_815 = arith.andi %ne3A_811, %ne3A_814 : i1
            %sub3A_816 = arith.constant 1 : i32
            %sub3A_817 = arith.subi %div3A_796, %sub3A_816 : i32
            %select_n3A_818 = arith.select %and3A_815, %sub3A_817, %div3A_796 : i32
            %mul3A_819 = arith.constant 16 : i32
            %mul3A_820 = arith.muli %select_n3A_818, %mul3A_819 : i32
            %jit3A_821 = arith.constant 16 : i32
            %eq3A_822 = arith.constant 0 : i32
            %eq3A_823 = arith.cmpi eq, %jit3A_821, %eq3A_822 : i32
            %jit3A_824 = arith.constant 1 : i32
            %select_n3A_825 = arith.select %eq3A_823, %jit3A_824, %jit3A_821 : i32
            %rem3A_826 = arith.remsi %select_n3A_419, %select_n3A_825 : i32
            %ne3A_827 = arith.constant 0 : i32
            %ne3A_828 = arith.cmpi ne, %rem3A_826, %ne3A_827 : i32
            %lt3A_829 = arith.constant 0 : i32
            %lt3A_830 = arith.cmpi slt, %rem3A_826, %lt3A_829 : i32
            %lt3A_831 = arith.constant 0 : i32
            %lt3A_832 = arith.cmpi slt, %select_n3A_825, %lt3A_831 : i32
            %ne3A_833 = arith.xori %lt3A_830, %lt3A_832 : i1
            %and3A_834 = arith.andi %ne3A_833, %ne3A_828 : i1
            %add3A_835 = arith.addi %rem3A_826, %select_n3A_825 : i32
            %select_n3A_836 = arith.select %and3A_834, %add3A_835, %rem3A_826 : i32
            %get3A_837 = arith.index_cast %mul3A_820 : i32 to index
            %get3A_838 = tpu.vector_load %arg11[%get3A_837] {strides = array<i32>} : memref<128xi32, #tpu.memory_space<vmem>>, vector<16xi32>,
            %get3A_839 = vector.shape_cast %get3A_838 : vector<16xi32> to vector<16xi32>
            %eq3A_840 = vector.broadcast %select_n3A_836 : i32 to vector<16xi32>
            %eq3A_841 = arith.cmpi eq, %iota3A, %eq3A_840 : vector<16xi32>
            %broadcast_in_dim3A_842 = vector.broadcast %squeeze3A_410 : i32 to vector<16xi32>
            %select_n3A_843 = arith.select %eq3A_841, %broadcast_in_dim3A_842, %get3A_839 : vector<16xi1>, vector<16xi32>
            %swap3A_844 = arith.index_cast %mul3A_820 : i32 to index
            %swap3A_845 = tpu.vector_load %arg11[%swap3A_844] {strides = array<i32>} : memref<128xi32, #tpu.memory_space<vmem>>, vector<16xi32>,
            %swap3A_846 = vector.shape_cast %swap3A_845 : vector<16xi32> to vector<16xi32>
            %swap3A_847 = vector.shape_cast %select_n3A_843 : vector<16xi32> to vector<16xi32>
            tpu.vector_store %arg11[%swap3A_844], %swap3A_847 {strides = array<i32>} : memref<128xi32, #tpu.memory_space<vmem>>, vector<16xi32>,
          } else {
          }
          %add3A_444 = arith.constant 1 : i32
          %add3A_445 = arith.addi %select_n3A_419, %add3A_444 : i32
          %select_n3A_446 = arith.select %ne3A_440, %add3A_445, %select_n3A_419 : i32
          %eq3A_447 = vector.broadcast %squeeze3A_439 : i32 to vector<16xi32>
          %eq3A_448 = arith.cmpi eq, %iota3A, %eq3A_447 : vector<16xi32>
          %jit3A_449 = arith.constant 1.000000e+00 : f32
          %jit3A_450 = arith.constant 0.000000e+00 : f32
          %broadcast_in_dim3A_451 = vector.broadcast %jit3A_449 : f32 to vector<16xf32>
          %broadcast_in_dim3A_452 = vector.broadcast %jit3A_450 : f32 to vector<16xf32>
          %select_n3A_453 = arith.select %eq3A_448, %broadcast_in_dim3A_451, %broadcast_in_dim3A_452 : vector<16xi1>, vector<16xf32>
          %get3A_454 = arith.constant 0 : index
          %get3A_455 = tpu.vector_load %arg12[%get3A_454] {strides = array<i32>} : memref<16xf32, #tpu.memory_space<vmem>>, vector<16xf32>,
          %get3A_456 = vector.shape_cast %get3A_455 : vector<16xf32> to vector<16xf32>
          %add3A_457 = arith.addf %get3A_456, %select_n3A_453 : vector<16xf32>
          %select_n3A_458 = arith.select %ne3A_440, %select_n3A_453, %add3A_457 : vector<16xf32>
          %swap3A_459 = arith.constant 0 : index
          %swap3A_460 = tpu.vector_load %arg12[%swap3A_459] {strides = array<i32>} : memref<16xf32, #tpu.memory_space<vmem>>, vector<16xf32>,
          %swap3A_461 = vector.shape_cast %swap3A_460 : vector<16xf32> to vector<16xf32>
          %swap3A_462 = vector.shape_cast %select_n3A_458 : vector<16xf32> to vector<16xf32>
          tpu.vector_store %arg12[%swap3A_459], %swap3A_462 {strides = array<i32>} : memref<16xf32, #tpu.memory_space<vmem>>, vector<16xf32>,
          %slice3A_463 = vector.extract_strided_slice %get3A_323 {offsets = [4], sizes = [1], strides = [1]} : vector<16xi32> to vector<1xi32>
          %squeeze3A_464 = vector.extract %slice3A_463[0] : i32 from vector<1xi32>
          %slice3A_465 = vector.extract_strided_slice %get3A_329 {offsets = [4], sizes = [1], strides = [1]} : vector<16xi32> to vector<1xi32>
          %squeeze3A_466 = vector.extract %slice3A_465[0] : i32 from vector<1xi32>
          %ne3A_467 = arith.cmpi ne, %squeeze3A_464, %squeeze3A_437 : i32
          %convert_element_type3A_468 = arith.extui %ne3A_467 : i1 to i32
          %cond3A_469 = arith.constant 0 : i32
          %cond3A_470 = arith.cmpi ne, %convert_element_type3A_468, %cond3A_469 : i32
          scf.if %cond3A_470 {
            %get3A_787 = arith.constant 0 : index
            %get3A_788 = tpu.vector_load %arg12[%get3A_787] {strides = array<i32>} : memref<16xf32, #tpu.memory_space<vmem>>, vector<16xf32>,
            %get3A_789 = vector.shape_cast %get3A_788 : vector<16xf32> to vector<16xf32>
            %swap3A_790 = arith.index_cast %select_n3A_446 : i32 to index
            %swap3A_791 = arith.constant 0 : index
            %swap3A_792 = tpu.vector_load %arg10[%swap3A_790, %swap3A_791] {strides = array<i32>} : memref<128x128xf32, #tpu.memory_space<vmem>>, vector<1x16xf32>,
            %swap3A_793 = vector.shape_cast %swap3A_792 : vector<1x16xf32> to vector<16xf32>
            %swap3A_794 = vector.shape_cast %get3A_789 : vector<16xf32> to vector<1x16xf32>
            tpu.vector_store %arg10[%swap3A_790, %swap3A_791], %swap3A_794 {strides = array<i32>} : memref<128x128xf32, #tpu.memory_space<vmem>>, vector<1x16xf32>,
            %jit3A_795 = arith.constant 16 : i32
            %div3A_796 = arith.divsi %select_n3A_446, %jit3A_795 : i32
            %sign3A_797 = arith.constant 0 : i32
            %sign3A_798 = arith.cmpi sgt, %select_n3A_446, %sign3A_797 : i32
            %sign3A_799 = arith.extui %sign3A_798 : i1 to i32
            %sign3A_800 = arith.constant 0 : i32
            %sign3A_801 = arith.cmpi slt, %select_n3A_446, %sign3A_800 : i32
            %sign3A_802 = arith.extui %sign3A_801 : i1 to i32
            %sign3A_803 = arith.subi %sign3A_799, %sign3A_802 : i32
            %sign3A_804 = arith.constant 0 : i32
            %sign3A_805 = arith.cmpi sgt, %jit3A_795, %sign3A_804 : i32
            %sign3A_806 = arith.extui %sign3A_805 : i1 to i32
            %sign3A_807 = arith.constant 0 : i32
            %sign3A_808 = arith.cmpi slt, %jit3A_795, %sign3A_807 : i32
            %sign3A_809 = arith.extui %sign3A_808 : i1 to i32
            %sign3A_810 = arith.subi %sign3A_806, %sign3A_809 : i32
            %ne3A_811 = arith.cmpi ne, %sign3A_803, %sign3A_810 : i32
            %rem3A_812 = arith.remsi %select_n3A_446, %jit3A_795 : i32
            %ne3A_813 = arith.constant 0 : i32
            %ne3A_814 = arith.cmpi ne, %rem3A_812, %ne3A_813 : i32
            %and3A_815 = arith.andi %ne3A_811, %ne3A_814 : i1
            %sub3A_816 = arith.constant 1 : i32
            %sub3A_817 = arith.subi %div3A_796, %sub3A_816 : i32
            %select_n3A_818 = arith.select %and3A_815, %sub3A_817, %div3A_796 : i32
            %mul3A_819 = arith.constant 16 : i32
            %mul3A_820 = arith.muli %select_n3A_818, %mul3A_819 : i32
            %jit3A_821 = arith.constant 16 : i32
            %eq3A_822 = arith.constant 0 : i32
            %eq3A_823 = arith.cmpi eq, %jit3A_821, %eq3A_822 : i32
            %jit3A_824 = arith.constant 1 : i32
            %select_n3A_825 = arith.select %eq3A_823, %jit3A_824, %jit3A_821 : i32
            %rem3A_826 = arith.remsi %select_n3A_446, %select_n3A_825 : i32
            %ne3A_827 = arith.constant 0 : i32
            %ne3A_828 = arith.cmpi ne, %rem3A_826, %ne3A_827 : i32
            %lt3A_829 = arith.constant 0 : i32
            %lt3A_830 = arith.cmpi slt, %rem3A_826, %lt3A_829 : i32
            %lt3A_831 = arith.constant 0 : i32
            %lt3A_832 = arith.cmpi slt, %select_n3A_825, %lt3A_831 : i32
            %ne3A_833 = arith.xori %lt3A_830, %lt3A_832 : i1
            %and3A_834 = arith.andi %ne3A_833, %ne3A_828 : i1
            %add3A_835 = arith.addi %rem3A_826, %select_n3A_825 : i32
            %select_n3A_836 = arith.select %and3A_834, %add3A_835, %rem3A_826 : i32
            %get3A_837 = arith.index_cast %mul3A_820 : i32 to index
            %get3A_838 = tpu.vector_load %arg11[%get3A_837] {strides = array<i32>} : memref<128xi32, #tpu.memory_space<vmem>>, vector<16xi32>,
            %get3A_839 = vector.shape_cast %get3A_838 : vector<16xi32> to vector<16xi32>
            %eq3A_840 = vector.broadcast %select_n3A_836 : i32 to vector<16xi32>
            %eq3A_841 = arith.cmpi eq, %iota3A, %eq3A_840 : vector<16xi32>
            %broadcast_in_dim3A_842 = vector.broadcast %squeeze3A_437 : i32 to vector<16xi32>
            %select_n3A_843 = arith.select %eq3A_841, %broadcast_in_dim3A_842, %get3A_839 : vector<16xi1>, vector<16xi32>
            %swap3A_844 = arith.index_cast %mul3A_820 : i32 to index
            %swap3A_845 = tpu.vector_load %arg11[%swap3A_844] {strides = array<i32>} : memref<128xi32, #tpu.memory_space<vmem>>, vector<16xi32>,
            %swap3A_846 = vector.shape_cast %swap3A_845 : vector<16xi32> to vector<16xi32>
            %swap3A_847 = vector.shape_cast %select_n3A_843 : vector<16xi32> to vector<16xi32>
            tpu.vector_store %arg11[%swap3A_844], %swap3A_847 {strides = array<i32>} : memref<128xi32, #tpu.memory_space<vmem>>, vector<16xi32>,
          } else {
          }
          %add3A_471 = arith.constant 1 : i32
          %add3A_472 = arith.addi %select_n3A_446, %add3A_471 : i32
          %select_n3A_473 = arith.select %ne3A_467, %add3A_472, %select_n3A_446 : i32
          %eq3A_474 = vector.broadcast %squeeze3A_466 : i32 to vector<16xi32>
          %eq3A_475 = arith.cmpi eq, %iota3A, %eq3A_474 : vector<16xi32>
          %jit3A_476 = arith.constant 1.000000e+00 : f32
          %jit3A_477 = arith.constant 0.000000e+00 : f32
          %broadcast_in_dim3A_478 = vector.broadcast %jit3A_476 : f32 to vector<16xf32>
          %broadcast_in_dim3A_479 = vector.broadcast %jit3A_477 : f32 to vector<16xf32>
          %select_n3A_480 = arith.select %eq3A_475, %broadcast_in_dim3A_478, %broadcast_in_dim3A_479 : vector<16xi1>, vector<16xf32>
          %get3A_481 = arith.constant 0 : index
          %get3A_482 = tpu.vector_load %arg12[%get3A_481] {strides = array<i32>} : memref<16xf32, #tpu.memory_space<vmem>>, vector<16xf32>,
          %get3A_483 = vector.shape_cast %get3A_482 : vector<16xf32> to vector<16xf32>
          %add3A_484 = arith.addf %get3A_483, %select_n3A_480 : vector<16xf32>
          %select_n3A_485 = arith.select %ne3A_467, %select_n3A_480, %add3A_484 : vector<16xf32>
          %swap3A_486 = arith.constant 0 : index
          %swap3A_487 = tpu.vector_load %arg12[%swap3A_486] {strides = array<i32>} : memref<16xf32, #tpu.memory_space<vmem>>, vector<16xf32>,
          %swap3A_488 = vector.shape_cast %swap3A_487 : vector<16xf32> to vector<16xf32>
          %swap3A_489 = vector.shape_cast %select_n3A_485 : vector<16xf32> to vector<16xf32>
          tpu.vector_store %arg12[%swap3A_486], %swap3A_489 {strides = array<i32>} : memref<16xf32, #tpu.memory_space<vmem>>, vector<16xf32>,
          %slice3A_490 = vector.extract_strided_slice %get3A_323 {offsets = [5], sizes = [1], strides = [1]} : vector<16xi32> to vector<1xi32>
          %squeeze3A_491 = vector.extract %slice3A_490[0] : i32 from vector<1xi32>
          %slice3A_492 = vector.extract_strided_slice %get3A_329 {offsets = [5], sizes = [1], strides = [1]} : vector<16xi32> to vector<1xi32>
          %squeeze3A_493 = vector.extract %slice3A_492[0] : i32 from vector<1xi32>
          %ne3A_494 = arith.cmpi ne, %squeeze3A_491, %squeeze3A_464 : i32
          %convert_element_type3A_495 = arith.extui %ne3A_494 : i1 to i32
          %cond3A_496 = arith.constant 0 : i32
          %cond3A_497 = arith.cmpi ne, %convert_element_type3A_495, %cond3A_496 : i32
          scf.if %cond3A_497 {
            %get3A_787 = arith.constant 0 : index
            %get3A_788 = tpu.vector_load %arg12[%get3A_787] {strides = array<i32>} : memref<16xf32, #tpu.memory_space<vmem>>, vector<16xf32>,
            %get3A_789 = vector.shape_cast %get3A_788 : vector<16xf32> to vector<16xf32>
            %swap3A_790 = arith.index_cast %select_n3A_473 : i32 to index
            %swap3A_791 = arith.constant 0 : index
            %swap3A_792 = tpu.vector_load %arg10[%swap3A_790, %swap3A_791] {strides = array<i32>} : memref<128x128xf32, #tpu.memory_space<vmem>>, vector<1x16xf32>,
            %swap3A_793 = vector.shape_cast %swap3A_792 : vector<1x16xf32> to vector<16xf32>
            %swap3A_794 = vector.shape_cast %get3A_789 : vector<16xf32> to vector<1x16xf32>
            tpu.vector_store %arg10[%swap3A_790, %swap3A_791], %swap3A_794 {strides = array<i32>} : memref<128x128xf32, #tpu.memory_space<vmem>>, vector<1x16xf32>,
            %jit3A_795 = arith.constant 16 : i32
            %div3A_796 = arith.divsi %select_n3A_473, %jit3A_795 : i32
            %sign3A_797 = arith.constant 0 : i32
            %sign3A_798 = arith.cmpi sgt, %select_n3A_473, %sign3A_797 : i32
            %sign3A_799 = arith.extui %sign3A_798 : i1 to i32
            %sign3A_800 = arith.constant 0 : i32
            %sign3A_801 = arith.cmpi slt, %select_n3A_473, %sign3A_800 : i32
            %sign3A_802 = arith.extui %sign3A_801 : i1 to i32
            %sign3A_803 = arith.subi %sign3A_799, %sign3A_802 : i32
            %sign3A_804 = arith.constant 0 : i32
            %sign3A_805 = arith.cmpi sgt, %jit3A_795, %sign3A_804 : i32
            %sign3A_806 = arith.extui %sign3A_805 : i1 to i32
            %sign3A_807 = arith.constant 0 : i32
            %sign3A_808 = arith.cmpi slt, %jit3A_795, %sign3A_807 : i32
            %sign3A_809 = arith.extui %sign3A_808 : i1 to i32
            %sign3A_810 = arith.subi %sign3A_806, %sign3A_809 : i32
            %ne3A_811 = arith.cmpi ne, %sign3A_803, %sign3A_810 : i32
            %rem3A_812 = arith.remsi %select_n3A_473, %jit3A_795 : i32
            %ne3A_813 = arith.constant 0 : i32
            %ne3A_814 = arith.cmpi ne, %rem3A_812, %ne3A_813 : i32
            %and3A_815 = arith.andi %ne3A_811, %ne3A_814 : i1
            %sub3A_816 = arith.constant 1 : i32
            %sub3A_817 = arith.subi %div3A_796, %sub3A_816 : i32
            %select_n3A_818 = arith.select %and3A_815, %sub3A_817, %div3A_796 : i32
            %mul3A_819 = arith.constant 16 : i32
            %mul3A_820 = arith.muli %select_n3A_818, %mul3A_819 : i32
            %jit3A_821 = arith.constant 16 : i32
            %eq3A_822 = arith.constant 0 : i32
            %eq3A_823 = arith.cmpi eq, %jit3A_821, %eq3A_822 : i32
            %jit3A_824 = arith.constant 1 : i32
            %select_n3A_825 = arith.select %eq3A_823, %jit3A_824, %jit3A_821 : i32
            %rem3A_826 = arith.remsi %select_n3A_473, %select_n3A_825 : i32
            %ne3A_827 = arith.constant 0 : i32
            %ne3A_828 = arith.cmpi ne, %rem3A_826, %ne3A_827 : i32
            %lt3A_829 = arith.constant 0 : i32
            %lt3A_830 = arith.cmpi slt, %rem3A_826, %lt3A_829 : i32
            %lt3A_831 = arith.constant 0 : i32
            %lt3A_832 = arith.cmpi slt, %select_n3A_825, %lt3A_831 : i32
            %ne3A_833 = arith.xori %lt3A_830, %lt3A_832 : i1
            %and3A_834 = arith.andi %ne3A_833, %ne3A_828 : i1
            %add3A_835 = arith.addi %rem3A_826, %select_n3A_825 : i32
            %select_n3A_836 = arith.select %and3A_834, %add3A_835, %rem3A_826 : i32
            %get3A_837 = arith.index_cast %mul3A_820 : i32 to index
            %get3A_838 = tpu.vector_load %arg11[%get3A_837] {strides = array<i32>} : memref<128xi32, #tpu.memory_space<vmem>>, vector<16xi32>,
            %get3A_839 = vector.shape_cast %get3A_838 : vector<16xi32> to vector<16xi32>
            %eq3A_840 = vector.broadcast %select_n3A_836 : i32 to vector<16xi32>
            %eq3A_841 = arith.cmpi eq, %iota3A, %eq3A_840 : vector<16xi32>
            %broadcast_in_dim3A_842 = vector.broadcast %squeeze3A_464 : i32 to vector<16xi32>
            %select_n3A_843 = arith.select %eq3A_841, %broadcast_in_dim3A_842, %get3A_839 : vector<16xi1>, vector<16xi32>
            %swap3A_844 = arith.index_cast %mul3A_820 : i32 to index
            %swap3A_845 = tpu.vector_load %arg11[%swap3A_844] {strides = array<i32>} : memref<128xi32, #tpu.memory_space<vmem>>, vector<16xi32>,
            %swap3A_846 = vector.shape_cast %swap3A_845 : vector<16xi32> to vector<16xi32>
            %swap3A_847 = vector.shape_cast %select_n3A_843 : vector<16xi32> to vector<16xi32>
            tpu.vector_store %arg11[%swap3A_844], %swap3A_847 {strides = array<i32>} : memref<128xi32, #tpu.memory_space<vmem>>, vector<16xi32>,
          } else {
          }
          %add3A_498 = arith.constant 1 : i32
          %add3A_499 = arith.addi %select_n3A_473, %add3A_498 : i32
          %select_n3A_500 = arith.select %ne3A_494, %add3A_499, %select_n3A_473 : i32
          %eq3A_501 = vector.broadcast %squeeze3A_493 : i32 to vector<16xi32>
          %eq3A_502 = arith.cmpi eq, %iota3A, %eq3A_501 : vector<16xi32>
          %jit3A_503 = arith.constant 1.000000e+00 : f32
          %jit3A_504 = arith.constant 0.000000e+00 : f32
          %broadcast_in_dim3A_505 = vector.broadcast %jit3A_503 : f32 to vector<16xf32>
          %broadcast_in_dim3A_506 = vector.broadcast %jit3A_504 : f32 to vector<16xf32>
          %select_n3A_507 = arith.select %eq3A_502, %broadcast_in_dim3A_505, %broadcast_in_dim3A_506 : vector<16xi1>, vector<16xf32>
          %get3A_508 = arith.constant 0 : index
          %get3A_509 = tpu.vector_load %arg12[%get3A_508] {strides = array<i32>} : memref<16xf32, #tpu.memory_space<vmem>>, vector<16xf32>,
          %get3A_510 = vector.shape_cast %get3A_509 : vector<16xf32> to vector<16xf32>
          %add3A_511 = arith.addf %get3A_510, %select_n3A_507 : vector<16xf32>
          %select_n3A_512 = arith.select %ne3A_494, %select_n3A_507, %add3A_511 : vector<16xf32>
          %swap3A_513 = arith.constant 0 : index
          %swap3A_514 = tpu.vector_load %arg12[%swap3A_513] {strides = array<i32>} : memref<16xf32, #tpu.memory_space<vmem>>, vector<16xf32>,
          %swap3A_515 = vector.shape_cast %swap3A_514 : vector<16xf32> to vector<16xf32>
          %swap3A_516 = vector.shape_cast %select_n3A_512 : vector<16xf32> to vector<16xf32>
          tpu.vector_store %arg12[%swap3A_513], %swap3A_516 {strides = array<i32>} : memref<16xf32, #tpu.memory_space<vmem>>, vector<16xf32>,
          %slice3A_517 = vector.extract_strided_slice %get3A_323 {offsets = [6], sizes = [1], strides = [1]} : vector<16xi32> to vector<1xi32>
          %squeeze3A_518 = vector.extract %slice3A_517[0] : i32 from vector<1xi32>
          %slice3A_519 = vector.extract_strided_slice %get3A_329 {offsets = [6], sizes = [1], strides = [1]} : vector<16xi32> to vector<1xi32>
          %squeeze3A_520 = vector.extract %slice3A_519[0] : i32 from vector<1xi32>
          %ne3A_521 = arith.cmpi ne, %squeeze3A_518, %squeeze3A_491 : i32
          %convert_element_type3A_522 = arith.extui %ne3A_521 : i1 to i32
          %cond3A_523 = arith.constant 0 : i32
          %cond3A_524 = arith.cmpi ne, %convert_element_type3A_522, %cond3A_523 : i32
          scf.if %cond3A_524 {
            %get3A_787 = arith.constant 0 : index
            %get3A_788 = tpu.vector_load %arg12[%get3A_787] {strides = array<i32>} : memref<16xf32, #tpu.memory_space<vmem>>, vector<16xf32>,
            %get3A_789 = vector.shape_cast %get3A_788 : vector<16xf32> to vector<16xf32>
            %swap3A_790 = arith.index_cast %select_n3A_500 : i32 to index
            %swap3A_791 = arith.constant 0 : index
            %swap3A_792 = tpu.vector_load %arg10[%swap3A_790, %swap3A_791] {strides = array<i32>} : memref<128x128xf32, #tpu.memory_space<vmem>>, vector<1x16xf32>,
            %swap3A_793 = vector.shape_cast %swap3A_792 : vector<1x16xf32> to vector<16xf32>
            %swap3A_794 = vector.shape_cast %get3A_789 : vector<16xf32> to vector<1x16xf32>
            tpu.vector_store %arg10[%swap3A_790, %swap3A_791], %swap3A_794 {strides = array<i32>} : memref<128x128xf32, #tpu.memory_space<vmem>>, vector<1x16xf32>,
            %jit3A_795 = arith.constant 16 : i32
            %div3A_796 = arith.divsi %select_n3A_500, %jit3A_795 : i32
            %sign3A_797 = arith.constant 0 : i32
            %sign3A_798 = arith.cmpi sgt, %select_n3A_500, %sign3A_797 : i32
            %sign3A_799 = arith.extui %sign3A_798 : i1 to i32
            %sign3A_800 = arith.constant 0 : i32
            %sign3A_801 = arith.cmpi slt, %select_n3A_500, %sign3A_800 : i32
            %sign3A_802 = arith.extui %sign3A_801 : i1 to i32
            %sign3A_803 = arith.subi %sign3A_799, %sign3A_802 : i32
            %sign3A_804 = arith.constant 0 : i32
            %sign3A_805 = arith.cmpi sgt, %jit3A_795, %sign3A_804 : i32
            %sign3A_806 = arith.extui %sign3A_805 : i1 to i32
            %sign3A_807 = arith.constant 0 : i32
            %sign3A_808 = arith.cmpi slt, %jit3A_795, %sign3A_807 : i32
            %sign3A_809 = arith.extui %sign3A_808 : i1 to i32
            %sign3A_810 = arith.subi %sign3A_806, %sign3A_809 : i32
            %ne3A_811 = arith.cmpi ne, %sign3A_803, %sign3A_810 : i32
            %rem3A_812 = arith.remsi %select_n3A_500, %jit3A_795 : i32
            %ne3A_813 = arith.constant 0 : i32
            %ne3A_814 = arith.cmpi ne, %rem3A_812, %ne3A_813 : i32
            %and3A_815 = arith.andi %ne3A_811, %ne3A_814 : i1
            %sub3A_816 = arith.constant 1 : i32
            %sub3A_817 = arith.subi %div3A_796, %sub3A_816 : i32
            %select_n3A_818 = arith.select %and3A_815, %sub3A_817, %div3A_796 : i32
            %mul3A_819 = arith.constant 16 : i32
            %mul3A_820 = arith.muli %select_n3A_818, %mul3A_819 : i32
            %jit3A_821 = arith.constant 16 : i32
            %eq3A_822 = arith.constant 0 : i32
            %eq3A_823 = arith.cmpi eq, %jit3A_821, %eq3A_822 : i32
            %jit3A_824 = arith.constant 1 : i32
            %select_n3A_825 = arith.select %eq3A_823, %jit3A_824, %jit3A_821 : i32
            %rem3A_826 = arith.remsi %select_n3A_500, %select_n3A_825 : i32
            %ne3A_827 = arith.constant 0 : i32
            %ne3A_828 = arith.cmpi ne, %rem3A_826, %ne3A_827 : i32
            %lt3A_829 = arith.constant 0 : i32
            %lt3A_830 = arith.cmpi slt, %rem3A_826, %lt3A_829 : i32
            %lt3A_831 = arith.constant 0 : i32
            %lt3A_832 = arith.cmpi slt, %select_n3A_825, %lt3A_831 : i32
            %ne3A_833 = arith.xori %lt3A_830, %lt3A_832 : i1
            %and3A_834 = arith.andi %ne3A_833, %ne3A_828 : i1
            %add3A_835 = arith.addi %rem3A_826, %select_n3A_825 : i32
            %select_n3A_836 = arith.select %and3A_834, %add3A_835, %rem3A_826 : i32
            %get3A_837 = arith.index_cast %mul3A_820 : i32 to index
            %get3A_838 = tpu.vector_load %arg11[%get3A_837] {strides = array<i32>} : memref<128xi32, #tpu.memory_space<vmem>>, vector<16xi32>,
            %get3A_839 = vector.shape_cast %get3A_838 : vector<16xi32> to vector<16xi32>
            %eq3A_840 = vector.broadcast %select_n3A_836 : i32 to vector<16xi32>
            %eq3A_841 = arith.cmpi eq, %iota3A, %eq3A_840 : vector<16xi32>
            %broadcast_in_dim3A_842 = vector.broadcast %squeeze3A_491 : i32 to vector<16xi32>
            %select_n3A_843 = arith.select %eq3A_841, %broadcast_in_dim3A_842, %get3A_839 : vector<16xi1>, vector<16xi32>
            %swap3A_844 = arith.index_cast %mul3A_820 : i32 to index
            %swap3A_845 = tpu.vector_load %arg11[%swap3A_844] {strides = array<i32>} : memref<128xi32, #tpu.memory_space<vmem>>, vector<16xi32>,
            %swap3A_846 = vector.shape_cast %swap3A_845 : vector<16xi32> to vector<16xi32>
            %swap3A_847 = vector.shape_cast %select_n3A_843 : vector<16xi32> to vector<16xi32>
            tpu.vector_store %arg11[%swap3A_844], %swap3A_847 {strides = array<i32>} : memref<128xi32, #tpu.memory_space<vmem>>, vector<16xi32>,
          } else {
          }
          %add3A_525 = arith.constant 1 : i32
          %add3A_526 = arith.addi %select_n3A_500, %add3A_525 : i32
          %select_n3A_527 = arith.select %ne3A_521, %add3A_526, %select_n3A_500 : i32
          %eq3A_528 = vector.broadcast %squeeze3A_520 : i32 to vector<16xi32>
          %eq3A_529 = arith.cmpi eq, %iota3A, %eq3A_528 : vector<16xi32>
          %jit3A_530 = arith.constant 1.000000e+00 : f32
          %jit3A_531 = arith.constant 0.000000e+00 : f32
          %broadcast_in_dim3A_532 = vector.broadcast %jit3A_530 : f32 to vector<16xf32>
          %broadcast_in_dim3A_533 = vector.broadcast %jit3A_531 : f32 to vector<16xf32>
          %select_n3A_534 = arith.select %eq3A_529, %broadcast_in_dim3A_532, %broadcast_in_dim3A_533 : vector<16xi1>, vector<16xf32>
          %get3A_535 = arith.constant 0 : index
          %get3A_536 = tpu.vector_load %arg12[%get3A_535] {strides = array<i32>} : memref<16xf32, #tpu.memory_space<vmem>>, vector<16xf32>,
          %get3A_537 = vector.shape_cast %get3A_536 : vector<16xf32> to vector<16xf32>
          %add3A_538 = arith.addf %get3A_537, %select_n3A_534 : vector<16xf32>
          %select_n3A_539 = arith.select %ne3A_521, %select_n3A_534, %add3A_538 : vector<16xf32>
          %swap3A_540 = arith.constant 0 : index
          %swap3A_541 = tpu.vector_load %arg12[%swap3A_540] {strides = array<i32>} : memref<16xf32, #tpu.memory_space<vmem>>, vector<16xf32>,
          %swap3A_542 = vector.shape_cast %swap3A_541 : vector<16xf32> to vector<16xf32>
          %swap3A_543 = vector.shape_cast %select_n3A_539 : vector<16xf32> to vector<16xf32>
          tpu.vector_store %arg12[%swap3A_540], %swap3A_543 {strides = array<i32>} : memref<16xf32, #tpu.memory_space<vmem>>, vector<16xf32>,
          %slice3A_544 = vector.extract_strided_slice %get3A_323 {offsets = [7], sizes = [1], strides = [1]} : vector<16xi32> to vector<1xi32>
          %squeeze3A_545 = vector.extract %slice3A_544[0] : i32 from vector<1xi32>
          %slice3A_546 = vector.extract_strided_slice %get3A_329 {offsets = [7], sizes = [1], strides = [1]} : vector<16xi32> to vector<1xi32>
          %squeeze3A_547 = vector.extract %slice3A_546[0] : i32 from vector<1xi32>
          %ne3A_548 = arith.cmpi ne, %squeeze3A_545, %squeeze3A_518 : i32
          %convert_element_type3A_549 = arith.extui %ne3A_548 : i1 to i32
          %cond3A_550 = arith.constant 0 : i32
          %cond3A_551 = arith.cmpi ne, %convert_element_type3A_549, %cond3A_550 : i32
          scf.if %cond3A_551 {
            %get3A_787 = arith.constant 0 : index
            %get3A_788 = tpu.vector_load %arg12[%get3A_787] {strides = array<i32>} : memref<16xf32, #tpu.memory_space<vmem>>, vector<16xf32>,
            %get3A_789 = vector.shape_cast %get3A_788 : vector<16xf32> to vector<16xf32>
            %swap3A_790 = arith.index_cast %select_n3A_527 : i32 to index
            %swap3A_791 = arith.constant 0 : index
            %swap3A_792 = tpu.vector_load %arg10[%swap3A_790, %swap3A_791] {strides = array<i32>} : memref<128x128xf32, #tpu.memory_space<vmem>>, vector<1x16xf32>,
            %swap3A_793 = vector.shape_cast %swap3A_792 : vector<1x16xf32> to vector<16xf32>
            %swap3A_794 = vector.shape_cast %get3A_789 : vector<16xf32> to vector<1x16xf32>
            tpu.vector_store %arg10[%swap3A_790, %swap3A_791], %swap3A_794 {strides = array<i32>} : memref<128x128xf32, #tpu.memory_space<vmem>>, vector<1x16xf32>,
            %jit3A_795 = arith.constant 16 : i32
            %div3A_796 = arith.divsi %select_n3A_527, %jit3A_795 : i32
            %sign3A_797 = arith.constant 0 : i32
            %sign3A_798 = arith.cmpi sgt, %select_n3A_527, %sign3A_797 : i32
            %sign3A_799 = arith.extui %sign3A_798 : i1 to i32
            %sign3A_800 = arith.constant 0 : i32
            %sign3A_801 = arith.cmpi slt, %select_n3A_527, %sign3A_800 : i32
            %sign3A_802 = arith.extui %sign3A_801 : i1 to i32
            %sign3A_803 = arith.subi %sign3A_799, %sign3A_802 : i32
            %sign3A_804 = arith.constant 0 : i32
            %sign3A_805 = arith.cmpi sgt, %jit3A_795, %sign3A_804 : i32
            %sign3A_806 = arith.extui %sign3A_805 : i1 to i32
            %sign3A_807 = arith.constant 0 : i32
            %sign3A_808 = arith.cmpi slt, %jit3A_795, %sign3A_807 : i32
            %sign3A_809 = arith.extui %sign3A_808 : i1 to i32
            %sign3A_810 = arith.subi %sign3A_806, %sign3A_809 : i32
            %ne3A_811 = arith.cmpi ne, %sign3A_803, %sign3A_810 : i32
            %rem3A_812 = arith.remsi %select_n3A_527, %jit3A_795 : i32
            %ne3A_813 = arith.constant 0 : i32
            %ne3A_814 = arith.cmpi ne, %rem3A_812, %ne3A_813 : i32
            %and3A_815 = arith.andi %ne3A_811, %ne3A_814 : i1
            %sub3A_816 = arith.constant 1 : i32
            %sub3A_817 = arith.subi %div3A_796, %sub3A_816 : i32
            %select_n3A_818 = arith.select %and3A_815, %sub3A_817, %div3A_796 : i32
            %mul3A_819 = arith.constant 16 : i32
            %mul3A_820 = arith.muli %select_n3A_818, %mul3A_819 : i32
            %jit3A_821 = arith.constant 16 : i32
            %eq3A_822 = arith.constant 0 : i32
            %eq3A_823 = arith.cmpi eq, %jit3A_821, %eq3A_822 : i32
            %jit3A_824 = arith.constant 1 : i32
            %select_n3A_825 = arith.select %eq3A_823, %jit3A_824, %jit3A_821 : i32
            %rem3A_826 = arith.remsi %select_n3A_527, %select_n3A_825 : i32
            %ne3A_827 = arith.constant 0 : i32
            %ne3A_828 = arith.cmpi ne, %rem3A_826, %ne3A_827 : i32
            %lt3A_829 = arith.constant 0 : i32
            %lt3A_830 = arith.cmpi slt, %rem3A_826, %lt3A_829 : i32
            %lt3A_831 = arith.constant 0 : i32
            %lt3A_832 = arith.cmpi slt, %select_n3A_825, %lt3A_831 : i32
            %ne3A_833 = arith.xori %lt3A_830, %lt3A_832 : i1
            %and3A_834 = arith.andi %ne3A_833, %ne3A_828 : i1
            %add3A_835 = arith.addi %rem3A_826, %select_n3A_825 : i32
            %select_n3A_836 = arith.select %and3A_834, %add3A_835, %rem3A_826 : i32
            %get3A_837 = arith.index_cast %mul3A_820 : i32 to index
            %get3A_838 = tpu.vector_load %arg11[%get3A_837] {strides = array<i32>} : memref<128xi32, #tpu.memory_space<vmem>>, vector<16xi32>,
            %get3A_839 = vector.shape_cast %get3A_838 : vector<16xi32> to vector<16xi32>
            %eq3A_840 = vector.broadcast %select_n3A_836 : i32 to vector<16xi32>
            %eq3A_841 = arith.cmpi eq, %iota3A, %eq3A_840 : vector<16xi32>
            %broadcast_in_dim3A_842 = vector.broadcast %squeeze3A_518 : i32 to vector<16xi32>
            %select_n3A_843 = arith.select %eq3A_841, %broadcast_in_dim3A_842, %get3A_839 : vector<16xi1>, vector<16xi32>
            %swap3A_844 = arith.index_cast %mul3A_820 : i32 to index
            %swap3A_845 = tpu.vector_load %arg11[%swap3A_844] {strides = array<i32>} : memref<128xi32, #tpu.memory_space<vmem>>, vector<16xi32>,
            %swap3A_846 = vector.shape_cast %swap3A_845 : vector<16xi32> to vector<16xi32>
            %swap3A_847 = vector.shape_cast %select_n3A_843 : vector<16xi32> to vector<16xi32>
            tpu.vector_store %arg11[%swap3A_844], %swap3A_847 {strides = array<i32>} : memref<128xi32, #tpu.memory_space<vmem>>, vector<16xi32>,
          } else {
          }
          %add3A_552 = arith.constant 1 : i32
          %add3A_553 = arith.addi %select_n3A_527, %add3A_552 : i32
          %select_n3A_554 = arith.select %ne3A_548, %add3A_553, %select_n3A_527 : i32
          %eq3A_555 = vector.broadcast %squeeze3A_547 : i32 to vector<16xi32>
          %eq3A_556 = arith.cmpi eq, %iota3A, %eq3A_555 : vector<16xi32>
          %jit3A_557 = arith.constant 1.000000e+00 : f32
          %jit3A_558 = arith.constant 0.000000e+00 : f32
          %broadcast_in_dim3A_559 = vector.broadcast %jit3A_557 : f32 to vector<16xf32>
          %broadcast_in_dim3A_560 = vector.broadcast %jit3A_558 : f32 to vector<16xf32>
          %select_n3A_561 = arith.select %eq3A_556, %broadcast_in_dim3A_559, %broadcast_in_dim3A_560 : vector<16xi1>, vector<16xf32>
          %get3A_562 = arith.constant 0 : index
          %get3A_563 = tpu.vector_load %arg12[%get3A_562] {strides = array<i32>} : memref<16xf32, #tpu.memory_space<vmem>>, vector<16xf32>,
          %get3A_564 = vector.shape_cast %get3A_563 : vector<16xf32> to vector<16xf32>
          %add3A_565 = arith.addf %get3A_564, %select_n3A_561 : vector<16xf32>
          %select_n3A_566 = arith.select %ne3A_548, %select_n3A_561, %add3A_565 : vector<16xf32>
          %swap3A_567 = arith.constant 0 : index
          %swap3A_568 = tpu.vector_load %arg12[%swap3A_567] {strides = array<i32>} : memref<16xf32, #tpu.memory_space<vmem>>, vector<16xf32>,
          %swap3A_569 = vector.shape_cast %swap3A_568 : vector<16xf32> to vector<16xf32>
          %swap3A_570 = vector.shape_cast %select_n3A_566 : vector<16xf32> to vector<16xf32>
          tpu.vector_store %arg12[%swap3A_567], %swap3A_570 {strides = array<i32>} : memref<16xf32, #tpu.memory_space<vmem>>, vector<16xf32>,
          %slice3A_571 = vector.extract_strided_slice %get3A_323 {offsets = [8], sizes = [1], strides = [1]} : vector<16xi32> to vector<1xi32>
          %squeeze3A_572 = vector.extract %slice3A_571[0] : i32 from vector<1xi32>
          %slice3A_573 = vector.extract_strided_slice %get3A_329 {offsets = [8], sizes = [1], strides = [1]} : vector<16xi32> to vector<1xi32>
          %squeeze3A_574 = vector.extract %slice3A_573[0] : i32 from vector<1xi32>
          %ne3A_575 = arith.cmpi ne, %squeeze3A_572, %squeeze3A_545 : i32
          %convert_element_type3A_576 = arith.extui %ne3A_575 : i1 to i32
          %cond3A_577 = arith.constant 0 : i32
          %cond3A_578 = arith.cmpi ne, %convert_element_type3A_576, %cond3A_577 : i32
          scf.if %cond3A_578 {
            %get3A_787 = arith.constant 0 : index
            %get3A_788 = tpu.vector_load %arg12[%get3A_787] {strides = array<i32>} : memref<16xf32, #tpu.memory_space<vmem>>, vector<16xf32>,
            %get3A_789 = vector.shape_cast %get3A_788 : vector<16xf32> to vector<16xf32>
            %swap3A_790 = arith.index_cast %select_n3A_554 : i32 to index
            %swap3A_791 = arith.constant 0 : index
            %swap3A_792 = tpu.vector_load %arg10[%swap3A_790, %swap3A_791] {strides = array<i32>} : memref<128x128xf32, #tpu.memory_space<vmem>>, vector<1x16xf32>,
            %swap3A_793 = vector.shape_cast %swap3A_792 : vector<1x16xf32> to vector<16xf32>
            %swap3A_794 = vector.shape_cast %get3A_789 : vector<16xf32> to vector<1x16xf32>
            tpu.vector_store %arg10[%swap3A_790, %swap3A_791], %swap3A_794 {strides = array<i32>} : memref<128x128xf32, #tpu.memory_space<vmem>>, vector<1x16xf32>,
            %jit3A_795 = arith.constant 16 : i32
            %div3A_796 = arith.divsi %select_n3A_554, %jit3A_795 : i32
            %sign3A_797 = arith.constant 0 : i32
            %sign3A_798 = arith.cmpi sgt, %select_n3A_554, %sign3A_797 : i32
            %sign3A_799 = arith.extui %sign3A_798 : i1 to i32
            %sign3A_800 = arith.constant 0 : i32
            %sign3A_801 = arith.cmpi slt, %select_n3A_554, %sign3A_800 : i32
            %sign3A_802 = arith.extui %sign3A_801 : i1 to i32
            %sign3A_803 = arith.subi %sign3A_799, %sign3A_802 : i32
            %sign3A_804 = arith.constant 0 : i32
            %sign3A_805 = arith.cmpi sgt, %jit3A_795, %sign3A_804 : i32
            %sign3A_806 = arith.extui %sign3A_805 : i1 to i32
            %sign3A_807 = arith.constant 0 : i32
            %sign3A_808 = arith.cmpi slt, %jit3A_795, %sign3A_807 : i32
            %sign3A_809 = arith.extui %sign3A_808 : i1 to i32
            %sign3A_810 = arith.subi %sign3A_806, %sign3A_809 : i32
            %ne3A_811 = arith.cmpi ne, %sign3A_803, %sign3A_810 : i32
            %rem3A_812 = arith.remsi %select_n3A_554, %jit3A_795 : i32
            %ne3A_813 = arith.constant 0 : i32
            %ne3A_814 = arith.cmpi ne, %rem3A_812, %ne3A_813 : i32
            %and3A_815 = arith.andi %ne3A_811, %ne3A_814 : i1
            %sub3A_816 = arith.constant 1 : i32
            %sub3A_817 = arith.subi %div3A_796, %sub3A_816 : i32
            %select_n3A_818 = arith.select %and3A_815, %sub3A_817, %div3A_796 : i32
            %mul3A_819 = arith.constant 16 : i32
            %mul3A_820 = arith.muli %select_n3A_818, %mul3A_819 : i32
            %jit3A_821 = arith.constant 16 : i32
            %eq3A_822 = arith.constant 0 : i32
            %eq3A_823 = arith.cmpi eq, %jit3A_821, %eq3A_822 : i32
            %jit3A_824 = arith.constant 1 : i32
            %select_n3A_825 = arith.select %eq3A_823, %jit3A_824, %jit3A_821 : i32
            %rem3A_826 = arith.remsi %select_n3A_554, %select_n3A_825 : i32
            %ne3A_827 = arith.constant 0 : i32
            %ne3A_828 = arith.cmpi ne, %rem3A_826, %ne3A_827 : i32
            %lt3A_829 = arith.constant 0 : i32
            %lt3A_830 = arith.cmpi slt, %rem3A_826, %lt3A_829 : i32
            %lt3A_831 = arith.constant 0 : i32
            %lt3A_832 = arith.cmpi slt, %select_n3A_825, %lt3A_831 : i32
            %ne3A_833 = arith.xori %lt3A_830, %lt3A_832 : i1
            %and3A_834 = arith.andi %ne3A_833, %ne3A_828 : i1
            %add3A_835 = arith.addi %rem3A_826, %select_n3A_825 : i32
            %select_n3A_836 = arith.select %and3A_834, %add3A_835, %rem3A_826 : i32
            %get3A_837 = arith.index_cast %mul3A_820 : i32 to index
            %get3A_838 = tpu.vector_load %arg11[%get3A_837] {strides = array<i32>} : memref<128xi32, #tpu.memory_space<vmem>>, vector<16xi32>,
            %get3A_839 = vector.shape_cast %get3A_838 : vector<16xi32> to vector<16xi32>
            %eq3A_840 = vector.broadcast %select_n3A_836 : i32 to vector<16xi32>
            %eq3A_841 = arith.cmpi eq, %iota3A, %eq3A_840 : vector<16xi32>
            %broadcast_in_dim3A_842 = vector.broadcast %squeeze3A_545 : i32 to vector<16xi32>
            %select_n3A_843 = arith.select %eq3A_841, %broadcast_in_dim3A_842, %get3A_839 : vector<16xi1>, vector<16xi32>
            %swap3A_844 = arith.index_cast %mul3A_820 : i32 to index
            %swap3A_845 = tpu.vector_load %arg11[%swap3A_844] {strides = array<i32>} : memref<128xi32, #tpu.memory_space<vmem>>, vector<16xi32>,
            %swap3A_846 = vector.shape_cast %swap3A_845 : vector<16xi32> to vector<16xi32>
            %swap3A_847 = vector.shape_cast %select_n3A_843 : vector<16xi32> to vector<16xi32>
            tpu.vector_store %arg11[%swap3A_844], %swap3A_847 {strides = array<i32>} : memref<128xi32, #tpu.memory_space<vmem>>, vector<16xi32>,
          } else {
          }
          %add3A_579 = arith.constant 1 : i32
          %add3A_580 = arith.addi %select_n3A_554, %add3A_579 : i32
          %select_n3A_581 = arith.select %ne3A_575, %add3A_580, %select_n3A_554 : i32
          %eq3A_582 = vector.broadcast %squeeze3A_574 : i32 to vector<16xi32>
          %eq3A_583 = arith.cmpi eq, %iota3A, %eq3A_582 : vector<16xi32>
          %jit3A_584 = arith.constant 1.000000e+00 : f32
          %jit3A_585 = arith.constant 0.000000e+00 : f32
          %broadcast_in_dim3A_586 = vector.broadcast %jit3A_584 : f32 to vector<16xf32>
          %broadcast_in_dim3A_587 = vector.broadcast %jit3A_585 : f32 to vector<16xf32>
          %select_n3A_588 = arith.select %eq3A_583, %broadcast_in_dim3A_586, %broadcast_in_dim3A_587 : vector<16xi1>, vector<16xf32>
          %get3A_589 = arith.constant 0 : index
          %get3A_590 = tpu.vector_load %arg12[%get3A_589] {strides = array<i32>} : memref<16xf32, #tpu.memory_space<vmem>>, vector<16xf32>,
          %get3A_591 = vector.shape_cast %get3A_590 : vector<16xf32> to vector<16xf32>
          %add3A_592 = arith.addf %get3A_591, %select_n3A_588 : vector<16xf32>
          %select_n3A_593 = arith.select %ne3A_575, %select_n3A_588, %add3A_592 : vector<16xf32>
          %swap3A_594 = arith.constant 0 : index
          %swap3A_595 = tpu.vector_load %arg12[%swap3A_594] {strides = array<i32>} : memref<16xf32, #tpu.memory_space<vmem>>, vector<16xf32>,
          %swap3A_596 = vector.shape_cast %swap3A_595 : vector<16xf32> to vector<16xf32>
          %swap3A_597 = vector.shape_cast %select_n3A_593 : vector<16xf32> to vector<16xf32>
          tpu.vector_store %arg12[%swap3A_594], %swap3A_597 {strides = array<i32>} : memref<16xf32, #tpu.memory_space<vmem>>, vector<16xf32>,
          %slice3A_598 = vector.extract_strided_slice %get3A_323 {offsets = [9], sizes = [1], strides = [1]} : vector<16xi32> to vector<1xi32>
          %squeeze3A_599 = vector.extract %slice3A_598[0] : i32 from vector<1xi32>
          %slice3A_600 = vector.extract_strided_slice %get3A_329 {offsets = [9], sizes = [1], strides = [1]} : vector<16xi32> to vector<1xi32>
          %squeeze3A_601 = vector.extract %slice3A_600[0] : i32 from vector<1xi32>
          %ne3A_602 = arith.cmpi ne, %squeeze3A_599, %squeeze3A_572 : i32
          %convert_element_type3A_603 = arith.extui %ne3A_602 : i1 to i32
          %cond3A_604 = arith.constant 0 : i32
          %cond3A_605 = arith.cmpi ne, %convert_element_type3A_603, %cond3A_604 : i32
          scf.if %cond3A_605 {
            %get3A_787 = arith.constant 0 : index
            %get3A_788 = tpu.vector_load %arg12[%get3A_787] {strides = array<i32>} : memref<16xf32, #tpu.memory_space<vmem>>, vector<16xf32>,
            %get3A_789 = vector.shape_cast %get3A_788 : vector<16xf32> to vector<16xf32>
            %swap3A_790 = arith.index_cast %select_n3A_581 : i32 to index
            %swap3A_791 = arith.constant 0 : index
            %swap3A_792 = tpu.vector_load %arg10[%swap3A_790, %swap3A_791] {strides = array<i32>} : memref<128x128xf32, #tpu.memory_space<vmem>>, vector<1x16xf32>,
            %swap3A_793 = vector.shape_cast %swap3A_792 : vector<1x16xf32> to vector<16xf32>
            %swap3A_794 = vector.shape_cast %get3A_789 : vector<16xf32> to vector<1x16xf32>
            tpu.vector_store %arg10[%swap3A_790, %swap3A_791], %swap3A_794 {strides = array<i32>} : memref<128x128xf32, #tpu.memory_space<vmem>>, vector<1x16xf32>,
            %jit3A_795 = arith.constant 16 : i32
            %div3A_796 = arith.divsi %select_n3A_581, %jit3A_795 : i32
            %sign3A_797 = arith.constant 0 : i32
            %sign3A_798 = arith.cmpi sgt, %select_n3A_581, %sign3A_797 : i32
            %sign3A_799 = arith.extui %sign3A_798 : i1 to i32
            %sign3A_800 = arith.constant 0 : i32
            %sign3A_801 = arith.cmpi slt, %select_n3A_581, %sign3A_800 : i32
            %sign3A_802 = arith.extui %sign3A_801 : i1 to i32
            %sign3A_803 = arith.subi %sign3A_799, %sign3A_802 : i32
            %sign3A_804 = arith.constant 0 : i32
            %sign3A_805 = arith.cmpi sgt, %jit3A_795, %sign3A_804 : i32
            %sign3A_806 = arith.extui %sign3A_805 : i1 to i32
            %sign3A_807 = arith.constant 0 : i32
            %sign3A_808 = arith.cmpi slt, %jit3A_795, %sign3A_807 : i32
            %sign3A_809 = arith.extui %sign3A_808 : i1 to i32
            %sign3A_810 = arith.subi %sign3A_806, %sign3A_809 : i32
            %ne3A_811 = arith.cmpi ne, %sign3A_803, %sign3A_810 : i32
            %rem3A_812 = arith.remsi %select_n3A_581, %jit3A_795 : i32
            %ne3A_813 = arith.constant 0 : i32
            %ne3A_814 = arith.cmpi ne, %rem3A_812, %ne3A_813 : i32
            %and3A_815 = arith.andi %ne3A_811, %ne3A_814 : i1
            %sub3A_816 = arith.constant 1 : i32
            %sub3A_817 = arith.subi %div3A_796, %sub3A_816 : i32
            %select_n3A_818 = arith.select %and3A_815, %sub3A_817, %div3A_796 : i32
            %mul3A_819 = arith.constant 16 : i32
            %mul3A_820 = arith.muli %select_n3A_818, %mul3A_819 : i32
            %jit3A_821 = arith.constant 16 : i32
            %eq3A_822 = arith.constant 0 : i32
            %eq3A_823 = arith.cmpi eq, %jit3A_821, %eq3A_822 : i32
            %jit3A_824 = arith.constant 1 : i32
            %select_n3A_825 = arith.select %eq3A_823, %jit3A_824, %jit3A_821 : i32
            %rem3A_826 = arith.remsi %select_n3A_581, %select_n3A_825 : i32
            %ne3A_827 = arith.constant 0 : i32
            %ne3A_828 = arith.cmpi ne, %rem3A_826, %ne3A_827 : i32
            %lt3A_829 = arith.constant 0 : i32
            %lt3A_830 = arith.cmpi slt, %rem3A_826, %lt3A_829 : i32
            %lt3A_831 = arith.constant 0 : i32
            %lt3A_832 = arith.cmpi slt, %select_n3A_825, %lt3A_831 : i32
            %ne3A_833 = arith.xori %lt3A_830, %lt3A_832 : i1
            %and3A_834 = arith.andi %ne3A_833, %ne3A_828 : i1
            %add3A_835 = arith.addi %rem3A_826, %select_n3A_825 : i32
            %select_n3A_836 = arith.select %and3A_834, %add3A_835, %rem3A_826 : i32
            %get3A_837 = arith.index_cast %mul3A_820 : i32 to index
            %get3A_838 = tpu.vector_load %arg11[%get3A_837] {strides = array<i32>} : memref<128xi32, #tpu.memory_space<vmem>>, vector<16xi32>,
            %get3A_839 = vector.shape_cast %get3A_838 : vector<16xi32> to vector<16xi32>
            %eq3A_840 = vector.broadcast %select_n3A_836 : i32 to vector<16xi32>
            %eq3A_841 = arith.cmpi eq, %iota3A, %eq3A_840 : vector<16xi32>
            %broadcast_in_dim3A_842 = vector.broadcast %squeeze3A_572 : i32 to vector<16xi32>
            %select_n3A_843 = arith.select %eq3A_841, %broadcast_in_dim3A_842, %get3A_839 : vector<16xi1>, vector<16xi32>
            %swap3A_844 = arith.index_cast %mul3A_820 : i32 to index
            %swap3A_845 = tpu.vector_load %arg11[%swap3A_844] {strides = array<i32>} : memref<128xi32, #tpu.memory_space<vmem>>, vector<16xi32>,
            %swap3A_846 = vector.shape_cast %swap3A_845 : vector<16xi32> to vector<16xi32>
            %swap3A_847 = vector.shape_cast %select_n3A_843 : vector<16xi32> to vector<16xi32>
            tpu.vector_store %arg11[%swap3A_844], %swap3A_847 {strides = array<i32>} : memref<128xi32, #tpu.memory_space<vmem>>, vector<16xi32>,
          } else {
          }
          %add3A_606 = arith.constant 1 : i32
          %add3A_607 = arith.addi %select_n3A_581, %add3A_606 : i32
          %select_n3A_608 = arith.select %ne3A_602, %add3A_607, %select_n3A_581 : i32
          %eq3A_609 = vector.broadcast %squeeze3A_601 : i32 to vector<16xi32>
          %eq3A_610 = arith.cmpi eq, %iota3A, %eq3A_609 : vector<16xi32>
          %jit3A_611 = arith.constant 1.000000e+00 : f32
          %jit3A_612 = arith.constant 0.000000e+00 : f32
          %broadcast_in_dim3A_613 = vector.broadcast %jit3A_611 : f32 to vector<16xf32>
          %broadcast_in_dim3A_614 = vector.broadcast %jit3A_612 : f32 to vector<16xf32>
          %select_n3A_615 = arith.select %eq3A_610, %broadcast_in_dim3A_613, %broadcast_in_dim3A_614 : vector<16xi1>, vector<16xf32>
          %get3A_616 = arith.constant 0 : index
          %get3A_617 = tpu.vector_load %arg12[%get3A_616] {strides = array<i32>} : memref<16xf32, #tpu.memory_space<vmem>>, vector<16xf32>,
          %get3A_618 = vector.shape_cast %get3A_617 : vector<16xf32> to vector<16xf32>
          %add3A_619 = arith.addf %get3A_618, %select_n3A_615 : vector<16xf32>
          %select_n3A_620 = arith.select %ne3A_602, %select_n3A_615, %add3A_619 : vector<16xf32>
          %swap3A_621 = arith.constant 0 : index
          %swap3A_622 = tpu.vector_load %arg12[%swap3A_621] {strides = array<i32>} : memref<16xf32, #tpu.memory_space<vmem>>, vector<16xf32>,
          %swap3A_623 = vector.shape_cast %swap3A_622 : vector<16xf32> to vector<16xf32>
          %swap3A_624 = vector.shape_cast %select_n3A_620 : vector<16xf32> to vector<16xf32>
          tpu.vector_store %arg12[%swap3A_621], %swap3A_624 {strides = array<i32>} : memref<16xf32, #tpu.memory_space<vmem>>, vector<16xf32>,
          %slice3A_625 = vector.extract_strided_slice %get3A_323 {offsets = [10], sizes = [1], strides = [1]} : vector<16xi32> to vector<1xi32>
          %squeeze3A_626 = vector.extract %slice3A_625[0] : i32 from vector<1xi32>
          %slice3A_627 = vector.extract_strided_slice %get3A_329 {offsets = [10], sizes = [1], strides = [1]} : vector<16xi32> to vector<1xi32>
          %squeeze3A_628 = vector.extract %slice3A_627[0] : i32 from vector<1xi32>
          %ne3A_629 = arith.cmpi ne, %squeeze3A_626, %squeeze3A_599 : i32
          %convert_element_type3A_630 = arith.extui %ne3A_629 : i1 to i32
          %cond3A_631 = arith.constant 0 : i32
          %cond3A_632 = arith.cmpi ne, %convert_element_type3A_630, %cond3A_631 : i32
          scf.if %cond3A_632 {
            %get3A_787 = arith.constant 0 : index
            %get3A_788 = tpu.vector_load %arg12[%get3A_787] {strides = array<i32>} : memref<16xf32, #tpu.memory_space<vmem>>, vector<16xf32>,
            %get3A_789 = vector.shape_cast %get3A_788 : vector<16xf32> to vector<16xf32>
            %swap3A_790 = arith.index_cast %select_n3A_608 : i32 to index
            %swap3A_791 = arith.constant 0 : index
            %swap3A_792 = tpu.vector_load %arg10[%swap3A_790, %swap3A_791] {strides = array<i32>} : memref<128x128xf32, #tpu.memory_space<vmem>>, vector<1x16xf32>,
            %swap3A_793 = vector.shape_cast %swap3A_792 : vector<1x16xf32> to vector<16xf32>
            %swap3A_794 = vector.shape_cast %get3A_789 : vector<16xf32> to vector<1x16xf32>
            tpu.vector_store %arg10[%swap3A_790, %swap3A_791], %swap3A_794 {strides = array<i32>} : memref<128x128xf32, #tpu.memory_space<vmem>>, vector<1x16xf32>,
            %jit3A_795 = arith.constant 16 : i32
            %div3A_796 = arith.divsi %select_n3A_608, %jit3A_795 : i32
            %sign3A_797 = arith.constant 0 : i32
            %sign3A_798 = arith.cmpi sgt, %select_n3A_608, %sign3A_797 : i32
            %sign3A_799 = arith.extui %sign3A_798 : i1 to i32
            %sign3A_800 = arith.constant 0 : i32
            %sign3A_801 = arith.cmpi slt, %select_n3A_608, %sign3A_800 : i32
            %sign3A_802 = arith.extui %sign3A_801 : i1 to i32
            %sign3A_803 = arith.subi %sign3A_799, %sign3A_802 : i32
            %sign3A_804 = arith.constant 0 : i32
            %sign3A_805 = arith.cmpi sgt, %jit3A_795, %sign3A_804 : i32
            %sign3A_806 = arith.extui %sign3A_805 : i1 to i32
            %sign3A_807 = arith.constant 0 : i32
            %sign3A_808 = arith.cmpi slt, %jit3A_795, %sign3A_807 : i32
            %sign3A_809 = arith.extui %sign3A_808 : i1 to i32
            %sign3A_810 = arith.subi %sign3A_806, %sign3A_809 : i32
            %ne3A_811 = arith.cmpi ne, %sign3A_803, %sign3A_810 : i32
            %rem3A_812 = arith.remsi %select_n3A_608, %jit3A_795 : i32
            %ne3A_813 = arith.constant 0 : i32
            %ne3A_814 = arith.cmpi ne, %rem3A_812, %ne3A_813 : i32
            %and3A_815 = arith.andi %ne3A_811, %ne3A_814 : i1
            %sub3A_816 = arith.constant 1 : i32
            %sub3A_817 = arith.subi %div3A_796, %sub3A_816 : i32
            %select_n3A_818 = arith.select %and3A_815, %sub3A_817, %div3A_796 : i32
            %mul3A_819 = arith.constant 16 : i32
            %mul3A_820 = arith.muli %select_n3A_818, %mul3A_819 : i32
            %jit3A_821 = arith.constant 16 : i32
            %eq3A_822 = arith.constant 0 : i32
            %eq3A_823 = arith.cmpi eq, %jit3A_821, %eq3A_822 : i32
            %jit3A_824 = arith.constant 1 : i32
            %select_n3A_825 = arith.select %eq3A_823, %jit3A_824, %jit3A_821 : i32
            %rem3A_826 = arith.remsi %select_n3A_608, %select_n3A_825 : i32
            %ne3A_827 = arith.constant 0 : i32
            %ne3A_828 = arith.cmpi ne, %rem3A_826, %ne3A_827 : i32
            %lt3A_829 = arith.constant 0 : i32
            %lt3A_830 = arith.cmpi slt, %rem3A_826, %lt3A_829 : i32
            %lt3A_831 = arith.constant 0 : i32
            %lt3A_832 = arith.cmpi slt, %select_n3A_825, %lt3A_831 : i32
            %ne3A_833 = arith.xori %lt3A_830, %lt3A_832 : i1
            %and3A_834 = arith.andi %ne3A_833, %ne3A_828 : i1
            %add3A_835 = arith.addi %rem3A_826, %select_n3A_825 : i32
            %select_n3A_836 = arith.select %and3A_834, %add3A_835, %rem3A_826 : i32
            %get3A_837 = arith.index_cast %mul3A_820 : i32 to index
            %get3A_838 = tpu.vector_load %arg11[%get3A_837] {strides = array<i32>} : memref<128xi32, #tpu.memory_space<vmem>>, vector<16xi32>,
            %get3A_839 = vector.shape_cast %get3A_838 : vector<16xi32> to vector<16xi32>
            %eq3A_840 = vector.broadcast %select_n3A_836 : i32 to vector<16xi32>
            %eq3A_841 = arith.cmpi eq, %iota3A, %eq3A_840 : vector<16xi32>
            %broadcast_in_dim3A_842 = vector.broadcast %squeeze3A_599 : i32 to vector<16xi32>
            %select_n3A_843 = arith.select %eq3A_841, %broadcast_in_dim3A_842, %get3A_839 : vector<16xi1>, vector<16xi32>
            %swap3A_844 = arith.index_cast %mul3A_820 : i32 to index
            %swap3A_845 = tpu.vector_load %arg11[%swap3A_844] {strides = array<i32>} : memref<128xi32, #tpu.memory_space<vmem>>, vector<16xi32>,
            %swap3A_846 = vector.shape_cast %swap3A_845 : vector<16xi32> to vector<16xi32>
            %swap3A_847 = vector.shape_cast %select_n3A_843 : vector<16xi32> to vector<16xi32>
            tpu.vector_store %arg11[%swap3A_844], %swap3A_847 {strides = array<i32>} : memref<128xi32, #tpu.memory_space<vmem>>, vector<16xi32>,
          } else {
          }
          %add3A_633 = arith.constant 1 : i32
          %add3A_634 = arith.addi %select_n3A_608, %add3A_633 : i32
          %select_n3A_635 = arith.select %ne3A_629, %add3A_634, %select_n3A_608 : i32
          %eq3A_636 = vector.broadcast %squeeze3A_628 : i32 to vector<16xi32>
          %eq3A_637 = arith.cmpi eq, %iota3A, %eq3A_636 : vector<16xi32>
          %jit3A_638 = arith.constant 1.000000e+00 : f32
          %jit3A_639 = arith.constant 0.000000e+00 : f32
          %broadcast_in_dim3A_640 = vector.broadcast %jit3A_638 : f32 to vector<16xf32>
          %broadcast_in_dim3A_641 = vector.broadcast %jit3A_639 : f32 to vector<16xf32>
          %select_n3A_642 = arith.select %eq3A_637, %broadcast_in_dim3A_640, %broadcast_in_dim3A_641 : vector<16xi1>, vector<16xf32>
          %get3A_643 = arith.constant 0 : index
          %get3A_644 = tpu.vector_load %arg12[%get3A_643] {strides = array<i32>} : memref<16xf32, #tpu.memory_space<vmem>>, vector<16xf32>,
          %get3A_645 = vector.shape_cast %get3A_644 : vector<16xf32> to vector<16xf32>
          %add3A_646 = arith.addf %get3A_645, %select_n3A_642 : vector<16xf32>
          %select_n3A_647 = arith.select %ne3A_629, %select_n3A_642, %add3A_646 : vector<16xf32>
          %swap3A_648 = arith.constant 0 : index
          %swap3A_649 = tpu.vector_load %arg12[%swap3A_648] {strides = array<i32>} : memref<16xf32, #tpu.memory_space<vmem>>, vector<16xf32>,
          %swap3A_650 = vector.shape_cast %swap3A_649 : vector<16xf32> to vector<16xf32>
          %swap3A_651 = vector.shape_cast %select_n3A_647 : vector<16xf32> to vector<16xf32>
          tpu.vector_store %arg12[%swap3A_648], %swap3A_651 {strides = array<i32>} : memref<16xf32, #tpu.memory_space<vmem>>, vector<16xf32>,
          %slice3A_652 = vector.extract_strided_slice %get3A_323 {offsets = [11], sizes = [1], strides = [1]} : vector<16xi32> to vector<1xi32>
          %squeeze3A_653 = vector.extract %slice3A_652[0] : i32 from vector<1xi32>
          %slice3A_654 = vector.extract_strided_slice %get3A_329 {offsets = [11], sizes = [1], strides = [1]} : vector<16xi32> to vector<1xi32>
          %squeeze3A_655 = vector.extract %slice3A_654[0] : i32 from vector<1xi32>
          %ne3A_656 = arith.cmpi ne, %squeeze3A_653, %squeeze3A_626 : i32
          %convert_element_type3A_657 = arith.extui %ne3A_656 : i1 to i32
          %cond3A_658 = arith.constant 0 : i32
          %cond3A_659 = arith.cmpi ne, %convert_element_type3A_657, %cond3A_658 : i32
          scf.if %cond3A_659 {
            %get3A_787 = arith.constant 0 : index
            %get3A_788 = tpu.vector_load %arg12[%get3A_787] {strides = array<i32>} : memref<16xf32, #tpu.memory_space<vmem>>, vector<16xf32>,
            %get3A_789 = vector.shape_cast %get3A_788 : vector<16xf32> to vector<16xf32>
            %swap3A_790 = arith.index_cast %select_n3A_635 : i32 to index
            %swap3A_791 = arith.constant 0 : index
            %swap3A_792 = tpu.vector_load %arg10[%swap3A_790, %swap3A_791] {strides = array<i32>} : memref<128x128xf32, #tpu.memory_space<vmem>>, vector<1x16xf32>,
            %swap3A_793 = vector.shape_cast %swap3A_792 : vector<1x16xf32> to vector<16xf32>
            %swap3A_794 = vector.shape_cast %get3A_789 : vector<16xf32> to vector<1x16xf32>
            tpu.vector_store %arg10[%swap3A_790, %swap3A_791], %swap3A_794 {strides = array<i32>} : memref<128x128xf32, #tpu.memory_space<vmem>>, vector<1x16xf32>,
            %jit3A_795 = arith.constant 16 : i32
            %div3A_796 = arith.divsi %select_n3A_635, %jit3A_795 : i32
            %sign3A_797 = arith.constant 0 : i32
            %sign3A_798 = arith.cmpi sgt, %select_n3A_635, %sign3A_797 : i32
            %sign3A_799 = arith.extui %sign3A_798 : i1 to i32
            %sign3A_800 = arith.constant 0 : i32
            %sign3A_801 = arith.cmpi slt, %select_n3A_635, %sign3A_800 : i32
            %sign3A_802 = arith.extui %sign3A_801 : i1 to i32
            %sign3A_803 = arith.subi %sign3A_799, %sign3A_802 : i32
            %sign3A_804 = arith.constant 0 : i32
            %sign3A_805 = arith.cmpi sgt, %jit3A_795, %sign3A_804 : i32
            %sign3A_806 = arith.extui %sign3A_805 : i1 to i32
            %sign3A_807 = arith.constant 0 : i32
            %sign3A_808 = arith.cmpi slt, %jit3A_795, %sign3A_807 : i32
            %sign3A_809 = arith.extui %sign3A_808 : i1 to i32
            %sign3A_810 = arith.subi %sign3A_806, %sign3A_809 : i32
            %ne3A_811 = arith.cmpi ne, %sign3A_803, %sign3A_810 : i32
            %rem3A_812 = arith.remsi %select_n3A_635, %jit3A_795 : i32
            %ne3A_813 = arith.constant 0 : i32
            %ne3A_814 = arith.cmpi ne, %rem3A_812, %ne3A_813 : i32
            %and3A_815 = arith.andi %ne3A_811, %ne3A_814 : i1
            %sub3A_816 = arith.constant 1 : i32
            %sub3A_817 = arith.subi %div3A_796, %sub3A_816 : i32
            %select_n3A_818 = arith.select %and3A_815, %sub3A_817, %div3A_796 : i32
            %mul3A_819 = arith.constant 16 : i32
            %mul3A_820 = arith.muli %select_n3A_818, %mul3A_819 : i32
            %jit3A_821 = arith.constant 16 : i32
            %eq3A_822 = arith.constant 0 : i32
            %eq3A_823 = arith.cmpi eq, %jit3A_821, %eq3A_822 : i32
            %jit3A_824 = arith.constant 1 : i32
            %select_n3A_825 = arith.select %eq3A_823, %jit3A_824, %jit3A_821 : i32
            %rem3A_826 = arith.remsi %select_n3A_635, %select_n3A_825 : i32
            %ne3A_827 = arith.constant 0 : i32
            %ne3A_828 = arith.cmpi ne, %rem3A_826, %ne3A_827 : i32
            %lt3A_829 = arith.constant 0 : i32
            %lt3A_830 = arith.cmpi slt, %rem3A_826, %lt3A_829 : i32
            %lt3A_831 = arith.constant 0 : i32
            %lt3A_832 = arith.cmpi slt, %select_n3A_825, %lt3A_831 : i32
            %ne3A_833 = arith.xori %lt3A_830, %lt3A_832 : i1
            %and3A_834 = arith.andi %ne3A_833, %ne3A_828 : i1
            %add3A_835 = arith.addi %rem3A_826, %select_n3A_825 : i32
            %select_n3A_836 = arith.select %and3A_834, %add3A_835, %rem3A_826 : i32
            %get3A_837 = arith.index_cast %mul3A_820 : i32 to index
            %get3A_838 = tpu.vector_load %arg11[%get3A_837] {strides = array<i32>} : memref<128xi32, #tpu.memory_space<vmem>>, vector<16xi32>,
            %get3A_839 = vector.shape_cast %get3A_838 : vector<16xi32> to vector<16xi32>
            %eq3A_840 = vector.broadcast %select_n3A_836 : i32 to vector<16xi32>
            %eq3A_841 = arith.cmpi eq, %iota3A, %eq3A_840 : vector<16xi32>
            %broadcast_in_dim3A_842 = vector.broadcast %squeeze3A_626 : i32 to vector<16xi32>
            %select_n3A_843 = arith.select %eq3A_841, %broadcast_in_dim3A_842, %get3A_839 : vector<16xi1>, vector<16xi32>
            %swap3A_844 = arith.index_cast %mul3A_820 : i32 to index
            %swap3A_845 = tpu.vector_load %arg11[%swap3A_844] {strides = array<i32>} : memref<128xi32, #tpu.memory_space<vmem>>, vector<16xi32>,
            %swap3A_846 = vector.shape_cast %swap3A_845 : vector<16xi32> to vector<16xi32>
            %swap3A_847 = vector.shape_cast %select_n3A_843 : vector<16xi32> to vector<16xi32>
            tpu.vector_store %arg11[%swap3A_844], %swap3A_847 {strides = array<i32>} : memref<128xi32, #tpu.memory_space<vmem>>, vector<16xi32>,
          } else {
          }
          %add3A_660 = arith.constant 1 : i32
          %add3A_661 = arith.addi %select_n3A_635, %add3A_660 : i32
          %select_n3A_662 = arith.select %ne3A_656, %add3A_661, %select_n3A_635 : i32
          %eq3A_663 = vector.broadcast %squeeze3A_655 : i32 to vector<16xi32>
          %eq3A_664 = arith.cmpi eq, %iota3A, %eq3A_663 : vector<16xi32>
          %jit3A_665 = arith.constant 1.000000e+00 : f32
          %jit3A_666 = arith.constant 0.000000e+00 : f32
          %broadcast_in_dim3A_667 = vector.broadcast %jit3A_665 : f32 to vector<16xf32>
          %broadcast_in_dim3A_668 = vector.broadcast %jit3A_666 : f32 to vector<16xf32>
          %select_n3A_669 = arith.select %eq3A_664, %broadcast_in_dim3A_667, %broadcast_in_dim3A_668 : vector<16xi1>, vector<16xf32>
          %get3A_670 = arith.constant 0 : index
          %get3A_671 = tpu.vector_load %arg12[%get3A_670] {strides = array<i32>} : memref<16xf32, #tpu.memory_space<vmem>>, vector<16xf32>,
          %get3A_672 = vector.shape_cast %get3A_671 : vector<16xf32> to vector<16xf32>
          %add3A_673 = arith.addf %get3A_672, %select_n3A_669 : vector<16xf32>
          %select_n3A_674 = arith.select %ne3A_656, %select_n3A_669, %add3A_673 : vector<16xf32>
          %swap3A_675 = arith.constant 0 : index
          %swap3A_676 = tpu.vector_load %arg12[%swap3A_675] {strides = array<i32>} : memref<16xf32, #tpu.memory_space<vmem>>, vector<16xf32>,
          %swap3A_677 = vector.shape_cast %swap3A_676 : vector<16xf32> to vector<16xf32>
          %swap3A_678 = vector.shape_cast %select_n3A_674 : vector<16xf32> to vector<16xf32>
          tpu.vector_store %arg12[%swap3A_675], %swap3A_678 {strides = array<i32>} : memref<16xf32, #tpu.memory_space<vmem>>, vector<16xf32>,
          %slice3A_679 = vector.extract_strided_slice %get3A_323 {offsets = [12], sizes = [1], strides = [1]} : vector<16xi32> to vector<1xi32>
          %squeeze3A_680 = vector.extract %slice3A_679[0] : i32 from vector<1xi32>
          %slice3A_681 = vector.extract_strided_slice %get3A_329 {offsets = [12], sizes = [1], strides = [1]} : vector<16xi32> to vector<1xi32>
          %squeeze3A_682 = vector.extract %slice3A_681[0] : i32 from vector<1xi32>
          %ne3A_683 = arith.cmpi ne, %squeeze3A_680, %squeeze3A_653 : i32
          %convert_element_type3A_684 = arith.extui %ne3A_683 : i1 to i32
          %cond3A_685 = arith.constant 0 : i32
          %cond3A_686 = arith.cmpi ne, %convert_element_type3A_684, %cond3A_685 : i32
          scf.if %cond3A_686 {
            %get3A_787 = arith.constant 0 : index
            %get3A_788 = tpu.vector_load %arg12[%get3A_787] {strides = array<i32>} : memref<16xf32, #tpu.memory_space<vmem>>, vector<16xf32>,
            %get3A_789 = vector.shape_cast %get3A_788 : vector<16xf32> to vector<16xf32>
            %swap3A_790 = arith.index_cast %select_n3A_662 : i32 to index
            %swap3A_791 = arith.constant 0 : index
            %swap3A_792 = tpu.vector_load %arg10[%swap3A_790, %swap3A_791] {strides = array<i32>} : memref<128x128xf32, #tpu.memory_space<vmem>>, vector<1x16xf32>,
            %swap3A_793 = vector.shape_cast %swap3A_792 : vector<1x16xf32> to vector<16xf32>
            %swap3A_794 = vector.shape_cast %get3A_789 : vector<16xf32> to vector<1x16xf32>
            tpu.vector_store %arg10[%swap3A_790, %swap3A_791], %swap3A_794 {strides = array<i32>} : memref<128x128xf32, #tpu.memory_space<vmem>>, vector<1x16xf32>,
            %jit3A_795 = arith.constant 16 : i32
            %div3A_796 = arith.divsi %select_n3A_662, %jit3A_795 : i32
            %sign3A_797 = arith.constant 0 : i32
            %sign3A_798 = arith.cmpi sgt, %select_n3A_662, %sign3A_797 : i32
            %sign3A_799 = arith.extui %sign3A_798 : i1 to i32
            %sign3A_800 = arith.constant 0 : i32
            %sign3A_801 = arith.cmpi slt, %select_n3A_662, %sign3A_800 : i32
            %sign3A_802 = arith.extui %sign3A_801 : i1 to i32
            %sign3A_803 = arith.subi %sign3A_799, %sign3A_802 : i32
            %sign3A_804 = arith.constant 0 : i32
            %sign3A_805 = arith.cmpi sgt, %jit3A_795, %sign3A_804 : i32
            %sign3A_806 = arith.extui %sign3A_805 : i1 to i32
            %sign3A_807 = arith.constant 0 : i32
            %sign3A_808 = arith.cmpi slt, %jit3A_795, %sign3A_807 : i32
            %sign3A_809 = arith.extui %sign3A_808 : i1 to i32
            %sign3A_810 = arith.subi %sign3A_806, %sign3A_809 : i32
            %ne3A_811 = arith.cmpi ne, %sign3A_803, %sign3A_810 : i32
            %rem3A_812 = arith.remsi %select_n3A_662, %jit3A_795 : i32
            %ne3A_813 = arith.constant 0 : i32
            %ne3A_814 = arith.cmpi ne, %rem3A_812, %ne3A_813 : i32
            %and3A_815 = arith.andi %ne3A_811, %ne3A_814 : i1
            %sub3A_816 = arith.constant 1 : i32
            %sub3A_817 = arith.subi %div3A_796, %sub3A_816 : i32
            %select_n3A_818 = arith.select %and3A_815, %sub3A_817, %div3A_796 : i32
            %mul3A_819 = arith.constant 16 : i32
            %mul3A_820 = arith.muli %select_n3A_818, %mul3A_819 : i32
            %jit3A_821 = arith.constant 16 : i32
            %eq3A_822 = arith.constant 0 : i32
            %eq3A_823 = arith.cmpi eq, %jit3A_821, %eq3A_822 : i32
            %jit3A_824 = arith.constant 1 : i32
            %select_n3A_825 = arith.select %eq3A_823, %jit3A_824, %jit3A_821 : i32
            %rem3A_826 = arith.remsi %select_n3A_662, %select_n3A_825 : i32
            %ne3A_827 = arith.constant 0 : i32
            %ne3A_828 = arith.cmpi ne, %rem3A_826, %ne3A_827 : i32
            %lt3A_829 = arith.constant 0 : i32
            %lt3A_830 = arith.cmpi slt, %rem3A_826, %lt3A_829 : i32
            %lt3A_831 = arith.constant 0 : i32
            %lt3A_832 = arith.cmpi slt, %select_n3A_825, %lt3A_831 : i32
            %ne3A_833 = arith.xori %lt3A_830, %lt3A_832 : i1
            %and3A_834 = arith.andi %ne3A_833, %ne3A_828 : i1
            %add3A_835 = arith.addi %rem3A_826, %select_n3A_825 : i32
            %select_n3A_836 = arith.select %and3A_834, %add3A_835, %rem3A_826 : i32
            %get3A_837 = arith.index_cast %mul3A_820 : i32 to index
            %get3A_838 = tpu.vector_load %arg11[%get3A_837] {strides = array<i32>} : memref<128xi32, #tpu.memory_space<vmem>>, vector<16xi32>,
            %get3A_839 = vector.shape_cast %get3A_838 : vector<16xi32> to vector<16xi32>
            %eq3A_840 = vector.broadcast %select_n3A_836 : i32 to vector<16xi32>
            %eq3A_841 = arith.cmpi eq, %iota3A, %eq3A_840 : vector<16xi32>
            %broadcast_in_dim3A_842 = vector.broadcast %squeeze3A_653 : i32 to vector<16xi32>
            %select_n3A_843 = arith.select %eq3A_841, %broadcast_in_dim3A_842, %get3A_839 : vector<16xi1>, vector<16xi32>
            %swap3A_844 = arith.index_cast %mul3A_820 : i32 to index
            %swap3A_845 = tpu.vector_load %arg11[%swap3A_844] {strides = array<i32>} : memref<128xi32, #tpu.memory_space<vmem>>, vector<16xi32>,
            %swap3A_846 = vector.shape_cast %swap3A_845 : vector<16xi32> to vector<16xi32>
            %swap3A_847 = vector.shape_cast %select_n3A_843 : vector<16xi32> to vector<16xi32>
            tpu.vector_store %arg11[%swap3A_844], %swap3A_847 {strides = array<i32>} : memref<128xi32, #tpu.memory_space<vmem>>, vector<16xi32>,
          } else {
          }
          %add3A_687 = arith.constant 1 : i32
          %add3A_688 = arith.addi %select_n3A_662, %add3A_687 : i32
          %select_n3A_689 = arith.select %ne3A_683, %add3A_688, %select_n3A_662 : i32
          %eq3A_690 = vector.broadcast %squeeze3A_682 : i32 to vector<16xi32>
          %eq3A_691 = arith.cmpi eq, %iota3A, %eq3A_690 : vector<16xi32>
          %jit3A_692 = arith.constant 1.000000e+00 : f32
          %jit3A_693 = arith.constant 0.000000e+00 : f32
          %broadcast_in_dim3A_694 = vector.broadcast %jit3A_692 : f32 to vector<16xf32>
          %broadcast_in_dim3A_695 = vector.broadcast %jit3A_693 : f32 to vector<16xf32>
          %select_n3A_696 = arith.select %eq3A_691, %broadcast_in_dim3A_694, %broadcast_in_dim3A_695 : vector<16xi1>, vector<16xf32>
          %get3A_697 = arith.constant 0 : index
          %get3A_698 = tpu.vector_load %arg12[%get3A_697] {strides = array<i32>} : memref<16xf32, #tpu.memory_space<vmem>>, vector<16xf32>,
          %get3A_699 = vector.shape_cast %get3A_698 : vector<16xf32> to vector<16xf32>
          %add3A_700 = arith.addf %get3A_699, %select_n3A_696 : vector<16xf32>
          %select_n3A_701 = arith.select %ne3A_683, %select_n3A_696, %add3A_700 : vector<16xf32>
          %swap3A_702 = arith.constant 0 : index
          %swap3A_703 = tpu.vector_load %arg12[%swap3A_702] {strides = array<i32>} : memref<16xf32, #tpu.memory_space<vmem>>, vector<16xf32>,
          %swap3A_704 = vector.shape_cast %swap3A_703 : vector<16xf32> to vector<16xf32>
          %swap3A_705 = vector.shape_cast %select_n3A_701 : vector<16xf32> to vector<16xf32>
          tpu.vector_store %arg12[%swap3A_702], %swap3A_705 {strides = array<i32>} : memref<16xf32, #tpu.memory_space<vmem>>, vector<16xf32>,
          %slice3A_706 = vector.extract_strided_slice %get3A_323 {offsets = [13], sizes = [1], strides = [1]} : vector<16xi32> to vector<1xi32>
          %squeeze3A_707 = vector.extract %slice3A_706[0] : i32 from vector<1xi32>
          %slice3A_708 = vector.extract_strided_slice %get3A_329 {offsets = [13], sizes = [1], strides = [1]} : vector<16xi32> to vector<1xi32>
          %squeeze3A_709 = vector.extract %slice3A_708[0] : i32 from vector<1xi32>
          %ne3A_710 = arith.cmpi ne, %squeeze3A_707, %squeeze3A_680 : i32
          %convert_element_type3A_711 = arith.extui %ne3A_710 : i1 to i32
          %cond3A_712 = arith.constant 0 : i32
          %cond3A_713 = arith.cmpi ne, %convert_element_type3A_711, %cond3A_712 : i32
          scf.if %cond3A_713 {
            %get3A_787 = arith.constant 0 : index
            %get3A_788 = tpu.vector_load %arg12[%get3A_787] {strides = array<i32>} : memref<16xf32, #tpu.memory_space<vmem>>, vector<16xf32>,
            %get3A_789 = vector.shape_cast %get3A_788 : vector<16xf32> to vector<16xf32>
            %swap3A_790 = arith.index_cast %select_n3A_689 : i32 to index
            %swap3A_791 = arith.constant 0 : index
            %swap3A_792 = tpu.vector_load %arg10[%swap3A_790, %swap3A_791] {strides = array<i32>} : memref<128x128xf32, #tpu.memory_space<vmem>>, vector<1x16xf32>,
            %swap3A_793 = vector.shape_cast %swap3A_792 : vector<1x16xf32> to vector<16xf32>
            %swap3A_794 = vector.shape_cast %get3A_789 : vector<16xf32> to vector<1x16xf32>
            tpu.vector_store %arg10[%swap3A_790, %swap3A_791], %swap3A_794 {strides = array<i32>} : memref<128x128xf32, #tpu.memory_space<vmem>>, vector<1x16xf32>,
            %jit3A_795 = arith.constant 16 : i32
            %div3A_796 = arith.divsi %select_n3A_689, %jit3A_795 : i32
            %sign3A_797 = arith.constant 0 : i32
            %sign3A_798 = arith.cmpi sgt, %select_n3A_689, %sign3A_797 : i32
            %sign3A_799 = arith.extui %sign3A_798 : i1 to i32
            %sign3A_800 = arith.constant 0 : i32
            %sign3A_801 = arith.cmpi slt, %select_n3A_689, %sign3A_800 : i32
            %sign3A_802 = arith.extui %sign3A_801 : i1 to i32
            %sign3A_803 = arith.subi %sign3A_799, %sign3A_802 : i32
            %sign3A_804 = arith.constant 0 : i32
            %sign3A_805 = arith.cmpi sgt, %jit3A_795, %sign3A_804 : i32
            %sign3A_806 = arith.extui %sign3A_805 : i1 to i32
            %sign3A_807 = arith.constant 0 : i32
            %sign3A_808 = arith.cmpi slt, %jit3A_795, %sign3A_807 : i32
            %sign3A_809 = arith.extui %sign3A_808 : i1 to i32
            %sign3A_810 = arith.subi %sign3A_806, %sign3A_809 : i32
            %ne3A_811 = arith.cmpi ne, %sign3A_803, %sign3A_810 : i32
            %rem3A_812 = arith.remsi %select_n3A_689, %jit3A_795 : i32
            %ne3A_813 = arith.constant 0 : i32
            %ne3A_814 = arith.cmpi ne, %rem3A_812, %ne3A_813 : i32
            %and3A_815 = arith.andi %ne3A_811, %ne3A_814 : i1
            %sub3A_816 = arith.constant 1 : i32
            %sub3A_817 = arith.subi %div3A_796, %sub3A_816 : i32
            %select_n3A_818 = arith.select %and3A_815, %sub3A_817, %div3A_796 : i32
            %mul3A_819 = arith.constant 16 : i32
            %mul3A_820 = arith.muli %select_n3A_818, %mul3A_819 : i32
            %jit3A_821 = arith.constant 16 : i32
            %eq3A_822 = arith.constant 0 : i32
            %eq3A_823 = arith.cmpi eq, %jit3A_821, %eq3A_822 : i32
            %jit3A_824 = arith.constant 1 : i32
            %select_n3A_825 = arith.select %eq3A_823, %jit3A_824, %jit3A_821 : i32
            %rem3A_826 = arith.remsi %select_n3A_689, %select_n3A_825 : i32
            %ne3A_827 = arith.constant 0 : i32
            %ne3A_828 = arith.cmpi ne, %rem3A_826, %ne3A_827 : i32
            %lt3A_829 = arith.constant 0 : i32
            %lt3A_830 = arith.cmpi slt, %rem3A_826, %lt3A_829 : i32
            %lt3A_831 = arith.constant 0 : i32
            %lt3A_832 = arith.cmpi slt, %select_n3A_825, %lt3A_831 : i32
            %ne3A_833 = arith.xori %lt3A_830, %lt3A_832 : i1
            %and3A_834 = arith.andi %ne3A_833, %ne3A_828 : i1
            %add3A_835 = arith.addi %rem3A_826, %select_n3A_825 : i32
            %select_n3A_836 = arith.select %and3A_834, %add3A_835, %rem3A_826 : i32
            %get3A_837 = arith.index_cast %mul3A_820 : i32 to index
            %get3A_838 = tpu.vector_load %arg11[%get3A_837] {strides = array<i32>} : memref<128xi32, #tpu.memory_space<vmem>>, vector<16xi32>,
            %get3A_839 = vector.shape_cast %get3A_838 : vector<16xi32> to vector<16xi32>
            %eq3A_840 = vector.broadcast %select_n3A_836 : i32 to vector<16xi32>
            %eq3A_841 = arith.cmpi eq, %iota3A, %eq3A_840 : vector<16xi32>
            %broadcast_in_dim3A_842 = vector.broadcast %squeeze3A_680 : i32 to vector<16xi32>
            %select_n3A_843 = arith.select %eq3A_841, %broadcast_in_dim3A_842, %get3A_839 : vector<16xi1>, vector<16xi32>
            %swap3A_844 = arith.index_cast %mul3A_820 : i32 to index
            %swap3A_845 = tpu.vector_load %arg11[%swap3A_844] {strides = array<i32>} : memref<128xi32, #tpu.memory_space<vmem>>, vector<16xi32>,
            %swap3A_846 = vector.shape_cast %swap3A_845 : vector<16xi32> to vector<16xi32>
            %swap3A_847 = vector.shape_cast %select_n3A_843 : vector<16xi32> to vector<16xi32>
            tpu.vector_store %arg11[%swap3A_844], %swap3A_847 {strides = array<i32>} : memref<128xi32, #tpu.memory_space<vmem>>, vector<16xi32>,
          } else {
          }
          %add3A_714 = arith.constant 1 : i32
          %add3A_715 = arith.addi %select_n3A_689, %add3A_714 : i32
          %select_n3A_716 = arith.select %ne3A_710, %add3A_715, %select_n3A_689 : i32
          %eq3A_717 = vector.broadcast %squeeze3A_709 : i32 to vector<16xi32>
          %eq3A_718 = arith.cmpi eq, %iota3A, %eq3A_717 : vector<16xi32>
          %jit3A_719 = arith.constant 1.000000e+00 : f32
          %jit3A_720 = arith.constant 0.000000e+00 : f32
          %broadcast_in_dim3A_721 = vector.broadcast %jit3A_719 : f32 to vector<16xf32>
          %broadcast_in_dim3A_722 = vector.broadcast %jit3A_720 : f32 to vector<16xf32>
          %select_n3A_723 = arith.select %eq3A_718, %broadcast_in_dim3A_721, %broadcast_in_dim3A_722 : vector<16xi1>, vector<16xf32>
          %get3A_724 = arith.constant 0 : index
          %get3A_725 = tpu.vector_load %arg12[%get3A_724] {strides = array<i32>} : memref<16xf32, #tpu.memory_space<vmem>>, vector<16xf32>,
          %get3A_726 = vector.shape_cast %get3A_725 : vector<16xf32> to vector<16xf32>
          %add3A_727 = arith.addf %get3A_726, %select_n3A_723 : vector<16xf32>
          %select_n3A_728 = arith.select %ne3A_710, %select_n3A_723, %add3A_727 : vector<16xf32>
          %swap3A_729 = arith.constant 0 : index
          %swap3A_730 = tpu.vector_load %arg12[%swap3A_729] {strides = array<i32>} : memref<16xf32, #tpu.memory_space<vmem>>, vector<16xf32>,
          %swap3A_731 = vector.shape_cast %swap3A_730 : vector<16xf32> to vector<16xf32>
          %swap3A_732 = vector.shape_cast %select_n3A_728 : vector<16xf32> to vector<16xf32>
          tpu.vector_store %arg12[%swap3A_729], %swap3A_732 {strides = array<i32>} : memref<16xf32, #tpu.memory_space<vmem>>, vector<16xf32>,
          %slice3A_733 = vector.extract_strided_slice %get3A_323 {offsets = [14], sizes = [1], strides = [1]} : vector<16xi32> to vector<1xi32>
          %squeeze3A_734 = vector.extract %slice3A_733[0] : i32 from vector<1xi32>
          %slice3A_735 = vector.extract_strided_slice %get3A_329 {offsets = [14], sizes = [1], strides = [1]} : vector<16xi32> to vector<1xi32>
          %squeeze3A_736 = vector.extract %slice3A_735[0] : i32 from vector<1xi32>
          %ne3A_737 = arith.cmpi ne, %squeeze3A_734, %squeeze3A_707 : i32
          %convert_element_type3A_738 = arith.extui %ne3A_737 : i1 to i32
          %cond3A_739 = arith.constant 0 : i32
          %cond3A_740 = arith.cmpi ne, %convert_element_type3A_738, %cond3A_739 : i32
          scf.if %cond3A_740 {
            %get3A_787 = arith.constant 0 : index
            %get3A_788 = tpu.vector_load %arg12[%get3A_787] {strides = array<i32>} : memref<16xf32, #tpu.memory_space<vmem>>, vector<16xf32>,
            %get3A_789 = vector.shape_cast %get3A_788 : vector<16xf32> to vector<16xf32>
            %swap3A_790 = arith.index_cast %select_n3A_716 : i32 to index
            %swap3A_791 = arith.constant 0 : index
            %swap3A_792 = tpu.vector_load %arg10[%swap3A_790, %swap3A_791] {strides = array<i32>} : memref<128x128xf32, #tpu.memory_space<vmem>>, vector<1x16xf32>,
            %swap3A_793 = vector.shape_cast %swap3A_792 : vector<1x16xf32> to vector<16xf32>
            %swap3A_794 = vector.shape_cast %get3A_789 : vector<16xf32> to vector<1x16xf32>
            tpu.vector_store %arg10[%swap3A_790, %swap3A_791], %swap3A_794 {strides = array<i32>} : memref<128x128xf32, #tpu.memory_space<vmem>>, vector<1x16xf32>,
            %jit3A_795 = arith.constant 16 : i32
            %div3A_796 = arith.divsi %select_n3A_716, %jit3A_795 : i32
            %sign3A_797 = arith.constant 0 : i32
            %sign3A_798 = arith.cmpi sgt, %select_n3A_716, %sign3A_797 : i32
            %sign3A_799 = arith.extui %sign3A_798 : i1 to i32
            %sign3A_800 = arith.constant 0 : i32
            %sign3A_801 = arith.cmpi slt, %select_n3A_716, %sign3A_800 : i32
            %sign3A_802 = arith.extui %sign3A_801 : i1 to i32
            %sign3A_803 = arith.subi %sign3A_799, %sign3A_802 : i32
            %sign3A_804 = arith.constant 0 : i32
            %sign3A_805 = arith.cmpi sgt, %jit3A_795, %sign3A_804 : i32
            %sign3A_806 = arith.extui %sign3A_805 : i1 to i32
            %sign3A_807 = arith.constant 0 : i32
            %sign3A_808 = arith.cmpi slt, %jit3A_795, %sign3A_807 : i32
            %sign3A_809 = arith.extui %sign3A_808 : i1 to i32
            %sign3A_810 = arith.subi %sign3A_806, %sign3A_809 : i32
            %ne3A_811 = arith.cmpi ne, %sign3A_803, %sign3A_810 : i32
            %rem3A_812 = arith.remsi %select_n3A_716, %jit3A_795 : i32
            %ne3A_813 = arith.constant 0 : i32
            %ne3A_814 = arith.cmpi ne, %rem3A_812, %ne3A_813 : i32
            %and3A_815 = arith.andi %ne3A_811, %ne3A_814 : i1
            %sub3A_816 = arith.constant 1 : i32
            %sub3A_817 = arith.subi %div3A_796, %sub3A_816 : i32
            %select_n3A_818 = arith.select %and3A_815, %sub3A_817, %div3A_796 : i32
            %mul3A_819 = arith.constant 16 : i32
            %mul3A_820 = arith.muli %select_n3A_818, %mul3A_819 : i32
            %jit3A_821 = arith.constant 16 : i32
            %eq3A_822 = arith.constant 0 : i32
            %eq3A_823 = arith.cmpi eq, %jit3A_821, %eq3A_822 : i32
            %jit3A_824 = arith.constant 1 : i32
            %select_n3A_825 = arith.select %eq3A_823, %jit3A_824, %jit3A_821 : i32
            %rem3A_826 = arith.remsi %select_n3A_716, %select_n3A_825 : i32
            %ne3A_827 = arith.constant 0 : i32
            %ne3A_828 = arith.cmpi ne, %rem3A_826, %ne3A_827 : i32
            %lt3A_829 = arith.constant 0 : i32
            %lt3A_830 = arith.cmpi slt, %rem3A_826, %lt3A_829 : i32
            %lt3A_831 = arith.constant 0 : i32
            %lt3A_832 = arith.cmpi slt, %select_n3A_825, %lt3A_831 : i32
            %ne3A_833 = arith.xori %lt3A_830, %lt3A_832 : i1
            %and3A_834 = arith.andi %ne3A_833, %ne3A_828 : i1
            %add3A_835 = arith.addi %rem3A_826, %select_n3A_825 : i32
            %select_n3A_836 = arith.select %and3A_834, %add3A_835, %rem3A_826 : i32
            %get3A_837 = arith.index_cast %mul3A_820 : i32 to index
            %get3A_838 = tpu.vector_load %arg11[%get3A_837] {strides = array<i32>} : memref<128xi32, #tpu.memory_space<vmem>>, vector<16xi32>,
            %get3A_839 = vector.shape_cast %get3A_838 : vector<16xi32> to vector<16xi32>
            %eq3A_840 = vector.broadcast %select_n3A_836 : i32 to vector<16xi32>
            %eq3A_841 = arith.cmpi eq, %iota3A, %eq3A_840 : vector<16xi32>
            %broadcast_in_dim3A_842 = vector.broadcast %squeeze3A_707 : i32 to vector<16xi32>
            %select_n3A_843 = arith.select %eq3A_841, %broadcast_in_dim3A_842, %get3A_839 : vector<16xi1>, vector<16xi32>
            %swap3A_844 = arith.index_cast %mul3A_820 : i32 to index
            %swap3A_845 = tpu.vector_load %arg11[%swap3A_844] {strides = array<i32>} : memref<128xi32, #tpu.memory_space<vmem>>, vector<16xi32>,
            %swap3A_846 = vector.shape_cast %swap3A_845 : vector<16xi32> to vector<16xi32>
            %swap3A_847 = vector.shape_cast %select_n3A_843 : vector<16xi32> to vector<16xi32>
            tpu.vector_store %arg11[%swap3A_844], %swap3A_847 {strides = array<i32>} : memref<128xi32, #tpu.memory_space<vmem>>, vector<16xi32>,
          } else {
          }
          %add3A_741 = arith.constant 1 : i32
          %add3A_742 = arith.addi %select_n3A_716, %add3A_741 : i32
          %select_n3A_743 = arith.select %ne3A_737, %add3A_742, %select_n3A_716 : i32
          %eq3A_744 = vector.broadcast %squeeze3A_736 : i32 to vector<16xi32>
          %eq3A_745 = arith.cmpi eq, %iota3A, %eq3A_744 : vector<16xi32>
          %jit3A_746 = arith.constant 1.000000e+00 : f32
          %jit3A_747 = arith.constant 0.000000e+00 : f32
          %broadcast_in_dim3A_748 = vector.broadcast %jit3A_746 : f32 to vector<16xf32>
          %broadcast_in_dim3A_749 = vector.broadcast %jit3A_747 : f32 to vector<16xf32>
          %select_n3A_750 = arith.select %eq3A_745, %broadcast_in_dim3A_748, %broadcast_in_dim3A_749 : vector<16xi1>, vector<16xf32>
          %get3A_751 = arith.constant 0 : index
          %get3A_752 = tpu.vector_load %arg12[%get3A_751] {strides = array<i32>} : memref<16xf32, #tpu.memory_space<vmem>>, vector<16xf32>,
          %get3A_753 = vector.shape_cast %get3A_752 : vector<16xf32> to vector<16xf32>
          %add3A_754 = arith.addf %get3A_753, %select_n3A_750 : vector<16xf32>
          %select_n3A_755 = arith.select %ne3A_737, %select_n3A_750, %add3A_754 : vector<16xf32>
          %swap3A_756 = arith.constant 0 : index
          %swap3A_757 = tpu.vector_load %arg12[%swap3A_756] {strides = array<i32>} : memref<16xf32, #tpu.memory_space<vmem>>, vector<16xf32>,
          %swap3A_758 = vector.shape_cast %swap3A_757 : vector<16xf32> to vector<16xf32>
          %swap3A_759 = vector.shape_cast %select_n3A_755 : vector<16xf32> to vector<16xf32>
          tpu.vector_store %arg12[%swap3A_756], %swap3A_759 {strides = array<i32>} : memref<16xf32, #tpu.memory_space<vmem>>, vector<16xf32>,
          %slice3A_760 = vector.extract_strided_slice %get3A_323 {offsets = [15], sizes = [1], strides = [1]} : vector<16xi32> to vector<1xi32>
          %squeeze3A_761 = vector.extract %slice3A_760[0] : i32 from vector<1xi32>
          %slice3A_762 = vector.extract_strided_slice %get3A_329 {offsets = [15], sizes = [1], strides = [1]} : vector<16xi32> to vector<1xi32>
          %squeeze3A_763 = vector.extract %slice3A_762[0] : i32 from vector<1xi32>
          %ne3A_764 = arith.cmpi ne, %squeeze3A_761, %squeeze3A_734 : i32
          %convert_element_type3A_765 = arith.extui %ne3A_764 : i1 to i32
          %cond3A_766 = arith.constant 0 : i32
          %cond3A_767 = arith.cmpi ne, %convert_element_type3A_765, %cond3A_766 : i32
          scf.if %cond3A_767 {
            %get3A_787 = arith.constant 0 : index
            %get3A_788 = tpu.vector_load %arg12[%get3A_787] {strides = array<i32>} : memref<16xf32, #tpu.memory_space<vmem>>, vector<16xf32>,
            %get3A_789 = vector.shape_cast %get3A_788 : vector<16xf32> to vector<16xf32>
            %swap3A_790 = arith.index_cast %select_n3A_743 : i32 to index
            %swap3A_791 = arith.constant 0 : index
            %swap3A_792 = tpu.vector_load %arg10[%swap3A_790, %swap3A_791] {strides = array<i32>} : memref<128x128xf32, #tpu.memory_space<vmem>>, vector<1x16xf32>,
            %swap3A_793 = vector.shape_cast %swap3A_792 : vector<1x16xf32> to vector<16xf32>
            %swap3A_794 = vector.shape_cast %get3A_789 : vector<16xf32> to vector<1x16xf32>
            tpu.vector_store %arg10[%swap3A_790, %swap3A_791], %swap3A_794 {strides = array<i32>} : memref<128x128xf32, #tpu.memory_space<vmem>>, vector<1x16xf32>,
            %jit3A_795 = arith.constant 16 : i32
            %div3A_796 = arith.divsi %select_n3A_743, %jit3A_795 : i32
            %sign3A_797 = arith.constant 0 : i32
            %sign3A_798 = arith.cmpi sgt, %select_n3A_743, %sign3A_797 : i32
            %sign3A_799 = arith.extui %sign3A_798 : i1 to i32
            %sign3A_800 = arith.constant 0 : i32
            %sign3A_801 = arith.cmpi slt, %select_n3A_743, %sign3A_800 : i32
            %sign3A_802 = arith.extui %sign3A_801 : i1 to i32
            %sign3A_803 = arith.subi %sign3A_799, %sign3A_802 : i32
            %sign3A_804 = arith.constant 0 : i32
            %sign3A_805 = arith.cmpi sgt, %jit3A_795, %sign3A_804 : i32
            %sign3A_806 = arith.extui %sign3A_805 : i1 to i32
            %sign3A_807 = arith.constant 0 : i32
            %sign3A_808 = arith.cmpi slt, %jit3A_795, %sign3A_807 : i32
            %sign3A_809 = arith.extui %sign3A_808 : i1 to i32
            %sign3A_810 = arith.subi %sign3A_806, %sign3A_809 : i32
            %ne3A_811 = arith.cmpi ne, %sign3A_803, %sign3A_810 : i32
            %rem3A_812 = arith.remsi %select_n3A_743, %jit3A_795 : i32
            %ne3A_813 = arith.constant 0 : i32
            %ne3A_814 = arith.cmpi ne, %rem3A_812, %ne3A_813 : i32
            %and3A_815 = arith.andi %ne3A_811, %ne3A_814 : i1
            %sub3A_816 = arith.constant 1 : i32
            %sub3A_817 = arith.subi %div3A_796, %sub3A_816 : i32
            %select_n3A_818 = arith.select %and3A_815, %sub3A_817, %div3A_796 : i32
            %mul3A_819 = arith.constant 16 : i32
            %mul3A_820 = arith.muli %select_n3A_818, %mul3A_819 : i32
            %jit3A_821 = arith.constant 16 : i32
            %eq3A_822 = arith.constant 0 : i32
            %eq3A_823 = arith.cmpi eq, %jit3A_821, %eq3A_822 : i32
            %jit3A_824 = arith.constant 1 : i32
            %select_n3A_825 = arith.select %eq3A_823, %jit3A_824, %jit3A_821 : i32
            %rem3A_826 = arith.remsi %select_n3A_743, %select_n3A_825 : i32
            %ne3A_827 = arith.constant 0 : i32
            %ne3A_828 = arith.cmpi ne, %rem3A_826, %ne3A_827 : i32
            %lt3A_829 = arith.constant 0 : i32
            %lt3A_830 = arith.cmpi slt, %rem3A_826, %lt3A_829 : i32
            %lt3A_831 = arith.constant 0 : i32
            %lt3A_832 = arith.cmpi slt, %select_n3A_825, %lt3A_831 : i32
            %ne3A_833 = arith.xori %lt3A_830, %lt3A_832 : i1
            %and3A_834 = arith.andi %ne3A_833, %ne3A_828 : i1
            %add3A_835 = arith.addi %rem3A_826, %select_n3A_825 : i32
            %select_n3A_836 = arith.select %and3A_834, %add3A_835, %rem3A_826 : i32
            %get3A_837 = arith.index_cast %mul3A_820 : i32 to index
            %get3A_838 = tpu.vector_load %arg11[%get3A_837] {strides = array<i32>} : memref<128xi32, #tpu.memory_space<vmem>>, vector<16xi32>,
            %get3A_839 = vector.shape_cast %get3A_838 : vector<16xi32> to vector<16xi32>
            %eq3A_840 = vector.broadcast %select_n3A_836 : i32 to vector<16xi32>
            %eq3A_841 = arith.cmpi eq, %iota3A, %eq3A_840 : vector<16xi32>
            %broadcast_in_dim3A_842 = vector.broadcast %squeeze3A_734 : i32 to vector<16xi32>
            %select_n3A_843 = arith.select %eq3A_841, %broadcast_in_dim3A_842, %get3A_839 : vector<16xi1>, vector<16xi32>
            %swap3A_844 = arith.index_cast %mul3A_820 : i32 to index
            %swap3A_845 = tpu.vector_load %arg11[%swap3A_844] {strides = array<i32>} : memref<128xi32, #tpu.memory_space<vmem>>, vector<16xi32>,
            %swap3A_846 = vector.shape_cast %swap3A_845 : vector<16xi32> to vector<16xi32>
            %swap3A_847 = vector.shape_cast %select_n3A_843 : vector<16xi32> to vector<16xi32>
            tpu.vector_store %arg11[%swap3A_844], %swap3A_847 {strides = array<i32>} : memref<128xi32, #tpu.memory_space<vmem>>, vector<16xi32>,
          } else {
          }
          %add3A_768 = arith.constant 1 : i32
          %add3A_769 = arith.addi %select_n3A_743, %add3A_768 : i32
          %select_n3A_770 = arith.select %ne3A_764, %add3A_769, %select_n3A_743 : i32
          %eq3A_771 = vector.broadcast %squeeze3A_763 : i32 to vector<16xi32>
          %eq3A_772 = arith.cmpi eq, %iota3A, %eq3A_771 : vector<16xi32>
          %jit3A_773 = arith.constant 1.000000e+00 : f32
          %jit3A_774 = arith.constant 0.000000e+00 : f32
          %broadcast_in_dim3A_775 = vector.broadcast %jit3A_773 : f32 to vector<16xf32>
          %broadcast_in_dim3A_776 = vector.broadcast %jit3A_774 : f32 to vector<16xf32>
          %select_n3A_777 = arith.select %eq3A_772, %broadcast_in_dim3A_775, %broadcast_in_dim3A_776 : vector<16xi1>, vector<16xf32>
          %get3A_778 = arith.constant 0 : index
          %get3A_779 = tpu.vector_load %arg12[%get3A_778] {strides = array<i32>} : memref<16xf32, #tpu.memory_space<vmem>>, vector<16xf32>,
          %get3A_780 = vector.shape_cast %get3A_779 : vector<16xf32> to vector<16xf32>
          %add3A_781 = arith.addf %get3A_780, %select_n3A_777 : vector<16xf32>
          %select_n3A_782 = arith.select %ne3A_764, %select_n3A_777, %add3A_781 : vector<16xf32>
          %swap3A_783 = arith.constant 0 : index
          %swap3A_784 = tpu.vector_load %arg12[%swap3A_783] {strides = array<i32>} : memref<16xf32, #tpu.memory_space<vmem>>, vector<16xf32>,
          %swap3A_785 = vector.shape_cast %swap3A_784 : vector<16xf32> to vector<16xf32>
          %swap3A_786 = vector.shape_cast %select_n3A_782 : vector<16xf32> to vector<16xf32>
          tpu.vector_store %arg12[%swap3A_783], %swap3A_786 {strides = array<i32>} : memref<16xf32, #tpu.memory_space<vmem>>, vector<16xf32>,
          scf.yield %select_n3A_770 : i32
        }
        %scan3A_354 = arith.constant 1 : i32
        scf.yield %squeeze3A_331, %cond3A_353, %scan3A_354 : i32, i32, i32
      }
      %scan3A_314 = arith.constant 8 : i32
      scf.yield %scan3A_313#0, %scan3A_313#1, %scan3A_313#2 : i32, i32, i32
    }
    %sub3A_157 = arith.constant 1 : i32
    %sub3A_158 = arith.subi %select_n3A_95, %sub3A_157 : i32
    %sub3A_159 = arith.subi %sub3A_158, %select_n3A : i32
    %jit3A_160 = arith.constant 2 : i32
    %eq3A = arith.constant 0 : i32
    %eq3A_161 = arith.cmpi eq, %jit3A_160, %eq3A : i32
    %jit3A_162 = arith.constant 1 : i32
    %select_n3A_163 = arith.select %eq3A_161, %jit3A_162, %jit3A_160 : i32
    %rem3A_164 = arith.remsi %sub3A_159, %select_n3A_163 : i32
    %ne3A_165 = arith.constant 0 : i32
    %ne3A_166 = arith.cmpi ne, %rem3A_164, %ne3A_165 : i32
    %lt3A = arith.constant 0 : i32
    %lt3A_167 = arith.cmpi slt, %rem3A_164, %lt3A : i32
    %lt3A_168 = arith.constant 0 : i32
    %lt3A_169 = arith.cmpi slt, %select_n3A_163, %lt3A_168 : i32
    %ne3A_170 = arith.xori %lt3A_167, %lt3A_169 : i1
    %and3A_171 = arith.andi %ne3A_170, %ne3A_166 : i1
    %add3A_172 = arith.addi %rem3A_164, %select_n3A_163 : i32
    %select_n3A_173 = arith.select %and3A_171, %add3A_172, %rem3A_164 : i32
    %dma_wait3A = arith.constant 0 : i32
    %dma_wait3A_174 = arith.constant 0 : i32
    %dma_wait3A_175 = tpu.memref_slice %arg7[%select_n3A_173, %dma_wait3A, %dma_wait3A_174] : memref<2x128x128xf32, #tpu.memory_space<vmem>> -> memref<1x128x128xf32, #tpu.memory_space<vmem>>
    %dma_wait3A_176 = tpu.memref_squeeze %dma_wait3A_175 : memref<1x128x128xf32, #tpu.memory_space<vmem>> -> memref<128x128xf32, #tpu.memory_space<vmem>>
    %dma_wait3A_177 = arith.constant 0 : i32
    %dma_wait3A_178 = tpu.memref_slice %arg8[%select_n3A_173, %dma_wait3A_177] : memref<2x128xi32, #tpu.memory_space<vmem>> -> memref<1x128xi32, #tpu.memory_space<vmem>>
    %dma_wait3A_179 = tpu.memref_squeeze %dma_wait3A_178 : memref<1x128xi32, #tpu.memory_space<vmem>> -> memref<128xi32, #tpu.memory_space<vmem>>
    %dma_wait3A_180 = arith.constant 0 : i32
    %dma_wait3A_181 = arith.constant 0 : i32
    %dma_wait3A_182 = tpu.memref_slice %arg13[%dma_wait3A_180, %dma_wait3A_181] : memref<3328x128xf32, #tpu.memory_space<vmem_shared>> -> memref<3328x128xf32, #tpu.memory_space<vmem_shared>>
    %dma_wait3A_183 = tpu.memref_slice %arg16[%select_n3A_173] : memref<2x!tpu.dma_semaphore, #tpu.memory_space<semaphore_mem>> -> memref<1x!tpu.dma_semaphore, #tpu.memory_space<semaphore_mem>>
    %dma_wait3A_184 = tpu.memref_squeeze %dma_wait3A_183 : memref<1x!tpu.dma_semaphore, #tpu.memory_space<semaphore_mem>> -> memref<!tpu.dma_semaphore, #tpu.memory_space<semaphore_mem>>
    tpu.wait_indirect_dma semaphore(%dma_wait3A_184 : memref<!tpu.dma_semaphore, #tpu.memory_space<semaphore_mem>>) src(%dma_wait3A_176 : memref<128x128xf32, #tpu.memory_space<vmem>>) dst(%dma_wait3A_182 : memref<3328x128xf32, #tpu.memory_space<vmem_shared>>)
    %eq3A_185 = arith.constant 1 : i32
    %eq3A_186 = arith.cmpi eq, %while3A_156#2, %eq3A_185 : i32
    %convert_element_type3A = arith.extui %eq3A_186 : i1 to i32
    %cond3A = arith.constant 0 : i32
    %cond3A_187 = arith.cmpi ne, %convert_element_type3A, %cond3A : i32
    scf.if %cond3A_187 {
      %get3A = arith.constant 0 : index
      %get3A_223 = tpu.vector_load %arg12[%get3A] {strides = array<i32>} : memref<16xf32, #tpu.memory_space<vmem>>, vector<16xf32>,
      %get3A_224 = vector.shape_cast %get3A_223 : vector<16xf32> to vector<16xf32>
      %swap3A_225 = arith.index_cast %while3A_156#1 : i32 to index
      %swap3A_226 = arith.constant 0 : index
      %swap3A_227 = tpu.vector_load %arg10[%swap3A_225, %swap3A_226] {strides = array<i32>} : memref<128x128xf32, #tpu.memory_space<vmem>>, vector<1x16xf32>,
      %swap3A_228 = vector.shape_cast %swap3A_227 : vector<1x16xf32> to vector<16xf32>
      %swap3A_229 = vector.shape_cast %get3A_224 : vector<16xf32> to vector<1x16xf32>
      tpu.vector_store %arg10[%swap3A_225, %swap3A_226], %swap3A_229 {strides = array<i32>} : memref<128x128xf32, #tpu.memory_space<vmem>>, vector<1x16xf32>,
      %jit3A_230 = arith.constant 16 : i32
      %div3A_231 = arith.divsi %while3A_156#1, %jit3A_230 : i32
      %sign3A_232 = arith.constant 0 : i32
      %sign3A_233 = arith.cmpi sgt, %while3A_156#1, %sign3A_232 : i32
      %sign3A_234 = arith.extui %sign3A_233 : i1 to i32
      %sign3A_235 = arith.constant 0 : i32
      %sign3A_236 = arith.cmpi slt, %while3A_156#1, %sign3A_235 : i32
      %sign3A_237 = arith.extui %sign3A_236 : i1 to i32
      %sign3A_238 = arith.subi %sign3A_234, %sign3A_237 : i32
      %sign3A_239 = arith.constant 0 : i32
      %sign3A_240 = arith.cmpi sgt, %jit3A_230, %sign3A_239 : i32
      %sign3A_241 = arith.extui %sign3A_240 : i1 to i32
      %sign3A_242 = arith.constant 0 : i32
      %sign3A_243 = arith.cmpi slt, %jit3A_230, %sign3A_242 : i32
      %sign3A_244 = arith.extui %sign3A_243 : i1 to i32
      %sign3A_245 = arith.subi %sign3A_241, %sign3A_244 : i32
      %ne3A_246 = arith.cmpi ne, %sign3A_238, %sign3A_245 : i32
      %rem3A_247 = arith.remsi %while3A_156#1, %jit3A_230 : i32
      %ne3A_248 = arith.constant 0 : i32
      %ne3A_249 = arith.cmpi ne, %rem3A_247, %ne3A_248 : i32
      %and3A_250 = arith.andi %ne3A_246, %ne3A_249 : i1
      %sub3A_251 = arith.constant 1 : i32
      %sub3A_252 = arith.subi %div3A_231, %sub3A_251 : i32
      %select_n3A_253 = arith.select %and3A_250, %sub3A_252, %div3A_231 : i32
      %mul3A_254 = arith.constant 16 : i32
      %mul3A_255 = arith.muli %select_n3A_253, %mul3A_254 : i32
      %jit3A_256 = arith.constant 16 : i32
      %eq3A_257 = arith.constant 0 : i32
      %eq3A_258 = arith.cmpi eq, %jit3A_256, %eq3A_257 : i32
      %jit3A_259 = arith.constant 1 : i32
      %select_n3A_260 = arith.select %eq3A_258, %jit3A_259, %jit3A_256 : i32
      %rem3A_261 = arith.remsi %while3A_156#1, %select_n3A_260 : i32
      %ne3A_262 = arith.constant 0 : i32
      %ne3A_263 = arith.cmpi ne, %rem3A_261, %ne3A_262 : i32
      %lt3A_264 = arith.constant 0 : i32
      %lt3A_265 = arith.cmpi slt, %rem3A_261, %lt3A_264 : i32
      %lt3A_266 = arith.constant 0 : i32
      %lt3A_267 = arith.cmpi slt, %select_n3A_260, %lt3A_266 : i32
      %ne3A_268 = arith.xori %lt3A_265, %lt3A_267 : i1
      %and3A_269 = arith.andi %ne3A_268, %ne3A_263 : i1
      %add3A_270 = arith.addi %rem3A_261, %select_n3A_260 : i32
      %select_n3A_271 = arith.select %and3A_269, %add3A_270, %rem3A_261 : i32
      %get3A_272 = arith.index_cast %mul3A_255 : i32 to index
      %get3A_273 = tpu.vector_load %arg11[%get3A_272] {strides = array<i32>} : memref<128xi32, #tpu.memory_space<vmem>>, vector<16xi32>,
      %get3A_274 = vector.shape_cast %get3A_273 : vector<16xi32> to vector<16xi32>
      %eq3A_275 = vector.broadcast %select_n3A_271 : i32 to vector<16xi32>
      %eq3A_276 = arith.cmpi eq, %iota3A, %eq3A_275 : vector<16xi32>
      %broadcast_in_dim3A_277 = vector.broadcast %while3A_156#0 : i32 to vector<16xi32>
      %select_n3A_278 = arith.select %eq3A_276, %broadcast_in_dim3A_277, %get3A_274 : vector<16xi1>, vector<16xi32>
      %swap3A_279 = arith.index_cast %mul3A_255 : i32 to index
      %swap3A_280 = tpu.vector_load %arg11[%swap3A_279] {strides = array<i32>} : memref<128xi32, #tpu.memory_space<vmem>>, vector<16xi32>,
      %swap3A_281 = vector.shape_cast %swap3A_280 : vector<16xi32> to vector<16xi32>
      %swap3A_282 = vector.shape_cast %select_n3A_278 : vector<16xi32> to vector<16xi32>
      tpu.vector_store %arg11[%swap3A_279], %swap3A_282 {strides = array<i32>} : memref<128xi32, #tpu.memory_space<vmem>>, vector<16xi32>,
    } else {
    }
    "tpu.region"() ({
      %run_scoped3A_223 = tpu.sem_alloc : memref<!tpu.dma_semaphore, #tpu.memory_space<semaphore_mem>>
      %dma_start3A_224 = arith.constant 0 : i32
      %dma_start3A_225 = arith.constant 0 : i32
      %dma_start3A_226 = tpu.memref_slice %arg14[%dma_start3A_224, %dma_start3A_225] : memref<3328x128xf32, #tpu.memory_space<vmem_shared>> -> memref<3328x128xf32, #tpu.memory_space<vmem_shared>>
      tpu.enqueue_indirect_dma source(%arg10 : memref<128x128xf32, #tpu.memory_space<vmem>>) target(%dma_start3A_226 : memref<3328x128xf32, #tpu.memory_space<vmem_shared>>) offsets(%arg11 : memref<128xi32, #tpu.memory_space<vmem>>) semaphore(%run_scoped3A_223 : memref<!tpu.dma_semaphore, #tpu.memory_space<semaphore_mem>>) {add = true}
      %dma_wait3A_227 = arith.constant 0 : i32
      %dma_wait3A_228 = arith.constant 0 : i32
      %dma_wait3A_229 = tpu.memref_slice %arg14[%dma_wait3A_227, %dma_wait3A_228] : memref<3328x128xf32, #tpu.memory_space<vmem_shared>> -> memref<3328x128xf32, #tpu.memory_space<vmem_shared>>
      tpu.wait_indirect_dma semaphore(%run_scoped3A_223 : memref<!tpu.dma_semaphore, #tpu.memory_space<semaphore_mem>>) src(%arg10 : memref<128x128xf32, #tpu.memory_space<vmem>>) dst(%dma_wait3A_229 : memref<3328x128xf32, #tpu.memory_space<vmem_shared>>)
      tpu.yield
    }) : () -> ()
    %swap3A_188 = arith.constant 0 : index
    %swap3A_189 = tpu.vector_load %arg11[%swap3A_188] {strides = array<i32>} : memref<128xi32, #tpu.memory_space<vmem>>, vector<16xi32>,
    %swap3A_190 = vector.shape_cast %swap3A_189 : vector<16xi32> to vector<16xi32>
    %swap3A_191 = vector.shape_cast %broadcast_in_dim3A_3 : vector<16xi32> to vector<16xi32>
    tpu.vector_store %arg11[%swap3A_188], %swap3A_191 {strides = array<i32>} : memref<128xi32, #tpu.memory_space<vmem>>, vector<16xi32>,
    %swap3A_192 = arith.constant 16 : index
    %swap3A_193 = tpu.vector_load %arg11[%swap3A_192] {strides = array<i32>} : memref<128xi32, #tpu.memory_space<vmem>>, vector<16xi32>,
    %swap3A_194 = vector.shape_cast %swap3A_193 : vector<16xi32> to vector<16xi32>
    %swap3A_195 = vector.shape_cast %broadcast_in_dim3A_3 : vector<16xi32> to vector<16xi32>
    tpu.vector_store %arg11[%swap3A_192], %swap3A_195 {strides = array<i32>} : memref<128xi32, #tpu.memory_space<vmem>>, vector<16xi32>,
    %swap3A_196 = arith.constant 32 : index
    %swap3A_197 = tpu.vector_load %arg11[%swap3A_196] {strides = array<i32>} : memref<128xi32, #tpu.memory_space<vmem>>, vector<16xi32>,
    %swap3A_198 = vector.shape_cast %swap3A_197 : vector<16xi32> to vector<16xi32>
    %swap3A_199 = vector.shape_cast %broadcast_in_dim3A_3 : vector<16xi32> to vector<16xi32>
    tpu.vector_store %arg11[%swap3A_196], %swap3A_199 {strides = array<i32>} : memref<128xi32, #tpu.memory_space<vmem>>, vector<16xi32>,
    %swap3A_200 = arith.constant 48 : index
    %swap3A_201 = tpu.vector_load %arg11[%swap3A_200] {strides = array<i32>} : memref<128xi32, #tpu.memory_space<vmem>>, vector<16xi32>,
    %swap3A_202 = vector.shape_cast %swap3A_201 : vector<16xi32> to vector<16xi32>
    %swap3A_203 = vector.shape_cast %broadcast_in_dim3A_3 : vector<16xi32> to vector<16xi32>
    tpu.vector_store %arg11[%swap3A_200], %swap3A_203 {strides = array<i32>} : memref<128xi32, #tpu.memory_space<vmem>>, vector<16xi32>,
    %swap3A_204 = arith.constant 64 : index
    %swap3A_205 = tpu.vector_load %arg11[%swap3A_204] {strides = array<i32>} : memref<128xi32, #tpu.memory_space<vmem>>, vector<16xi32>,
    %swap3A_206 = vector.shape_cast %swap3A_205 : vector<16xi32> to vector<16xi32>
    %swap3A_207 = vector.shape_cast %broadcast_in_dim3A_3 : vector<16xi32> to vector<16xi32>
    tpu.vector_store %arg11[%swap3A_204], %swap3A_207 {strides = array<i32>} : memref<128xi32, #tpu.memory_space<vmem>>, vector<16xi32>,
    %swap3A_208 = arith.constant 80 : index
    %swap3A_209 = tpu.vector_load %arg11[%swap3A_208] {strides = array<i32>} : memref<128xi32, #tpu.memory_space<vmem>>, vector<16xi32>,
    %swap3A_210 = vector.shape_cast %swap3A_209 : vector<16xi32> to vector<16xi32>
    %swap3A_211 = vector.shape_cast %broadcast_in_dim3A_3 : vector<16xi32> to vector<16xi32>
    tpu.vector_store %arg11[%swap3A_208], %swap3A_211 {strides = array<i32>} : memref<128xi32, #tpu.memory_space<vmem>>, vector<16xi32>,
    %swap3A_212 = arith.constant 96 : index
    %swap3A_213 = tpu.vector_load %arg11[%swap3A_212] {strides = array<i32>} : memref<128xi32, #tpu.memory_space<vmem>>, vector<16xi32>,
    %swap3A_214 = vector.shape_cast %swap3A_213 : vector<16xi32> to vector<16xi32>
    %swap3A_215 = vector.shape_cast %broadcast_in_dim3A_3 : vector<16xi32> to vector<16xi32>
    tpu.vector_store %arg11[%swap3A_212], %swap3A_215 {strides = array<i32>} : memref<128xi32, #tpu.memory_space<vmem>>, vector<16xi32>,
    %swap3A_216 = arith.constant 112 : index
    %swap3A_217 = tpu.vector_load %arg11[%swap3A_216] {strides = array<i32>} : memref<128xi32, #tpu.memory_space<vmem>>, vector<16xi32>,
    %swap3A_218 = vector.shape_cast %swap3A_217 : vector<16xi32> to vector<16xi32>
    %swap3A_219 = vector.shape_cast %broadcast_in_dim3A_3 : vector<16xi32> to vector<16xi32>
    tpu.vector_store %arg11[%swap3A_216], %swap3A_219 {strides = array<i32>} : memref<128xi32, #tpu.memory_space<vmem>>, vector<16xi32>,
    %barrier3A_220 = arith.constant 0 : index
    tpu.barrier barrier_id(%barrier3A_220)
    %mul3A_221 = arith.constant 200 : i32
    %mul3A_222 = arith.muli %arg1, %mul3A_221 : i32
    "tpu.region"() ({
      %run_scoped3A_223 = tpu.sem_alloc : memref<!tpu.dma_semaphore, #tpu.memory_space<semaphore_mem>>
      %dma_start3A_224 = arith.constant 0 : i32
      %dma_start3A_225 = tpu.memref_slice %arg5[%arg0, %mul3A_222, %dma_start3A_224] : memref<2x3200x128xf32, #tpu.memory_space<hbm>> -> memref<1x200x128xf32, #tpu.memory_space<hbm>>
      %dma_start3A_226 = tpu.memref_squeeze %dma_start3A_225 : memref<1x200x128xf32, #tpu.memory_space<hbm>> -> memref<200x128xf32, #tpu.memory_space<hbm>>
      %dma_start3A_227 = arith.constant 0 : i32
      %dma_start3A_228 = tpu.memref_slice %arg13[%mul3A_222, %dma_start3A_227] : memref<3328x128xf32, #tpu.memory_space<vmem_shared>> -> memref<200x128xf32, #tpu.memory_space<vmem_shared>>
      tpu.enqueue_dma source(%dma_start3A_228 : memref<200x128xf32, #tpu.memory_space<vmem_shared>>) target(%dma_start3A_226 : memref<200x128xf32, #tpu.memory_space<hbm>>) target_semaphore(%run_scoped3A_223 : memref<!tpu.dma_semaphore, #tpu.memory_space<semaphore_mem>>)
      %dma_wait3A_229 = arith.constant 0 : i32
      %dma_wait3A_230 = tpu.memref_slice %arg5[%arg0, %mul3A_222, %dma_wait3A_229] : memref<2x3200x128xf32, #tpu.memory_space<hbm>> -> memref<1x200x128xf32, #tpu.memory_space<hbm>>
      %dma_wait3A_231 = tpu.memref_squeeze %dma_wait3A_230 : memref<1x200x128xf32, #tpu.memory_space<hbm>> -> memref<200x128xf32, #tpu.memory_space<hbm>>
      %dma_wait3A_232 = arith.constant 0 : i32
      %dma_wait3A_233 = tpu.memref_slice %arg13[%mul3A_222, %dma_wait3A_232] : memref<3328x128xf32, #tpu.memory_space<vmem_shared>> -> memref<200x128xf32, #tpu.memory_space<vmem_shared>>
      tpu.wait_dma2 semaphore(%run_scoped3A_223 : memref<!tpu.dma_semaphore, #tpu.memory_space<semaphore_mem>>) src(%dma_wait3A_233 : memref<200x128xf32, #tpu.memory_space<vmem_shared>>) dst(%dma_wait3A_231 : memref<200x128xf32, #tpu.memory_space<hbm>>)
      tpu.yield
    }) : () -> ()
    "tpu.region"() ({
      %run_scoped3A_223 = tpu.sem_alloc : memref<!tpu.dma_semaphore, #tpu.memory_space<semaphore_mem>>
      %dma_start3A_224 = arith.constant 0 : i32
      %dma_start3A_225 = tpu.memref_slice %arg6[%arg0, %mul3A_222, %dma_start3A_224] : memref<2x3200x128xf32, #tpu.memory_space<hbm>> -> memref<1x200x128xf32, #tpu.memory_space<hbm>>
      %dma_start3A_226 = tpu.memref_squeeze %dma_start3A_225 : memref<1x200x128xf32, #tpu.memory_space<hbm>> -> memref<200x128xf32, #tpu.memory_space<hbm>>
      %dma_start3A_227 = arith.constant 0 : i32
      %dma_start3A_228 = tpu.memref_slice %arg14[%mul3A_222, %dma_start3A_227] : memref<3328x128xf32, #tpu.memory_space<vmem_shared>> -> memref<200x128xf32, #tpu.memory_space<vmem_shared>>
      tpu.enqueue_dma source(%dma_start3A_228 : memref<200x128xf32, #tpu.memory_space<vmem_shared>>) target(%dma_start3A_226 : memref<200x128xf32, #tpu.memory_space<hbm>>) target_semaphore(%run_scoped3A_223 : memref<!tpu.dma_semaphore, #tpu.memory_space<semaphore_mem>>)
      %dma_wait3A_229 = arith.constant 0 : i32
      %dma_wait3A_230 = tpu.memref_slice %arg6[%arg0, %mul3A_222, %dma_wait3A_229] : memref<2x3200x128xf32, #tpu.memory_space<hbm>> -> memref<1x200x128xf32, #tpu.memory_space<hbm>>
      %dma_wait3A_231 = tpu.memref_squeeze %dma_wait3A_230 : memref<1x200x128xf32, #tpu.memory_space<hbm>> -> memref<200x128xf32, #tpu.memory_space<hbm>>
      %dma_wait3A_232 = arith.constant 0 : i32
      %dma_wait3A_233 = tpu.memref_slice %arg14[%mul3A_222, %dma_wait3A_232] : memref<3328x128xf32, #tpu.memory_space<vmem_shared>> -> memref<200x128xf32, #tpu.memory_space<vmem_shared>>
      tpu.wait_dma2 semaphore(%run_scoped3A_223 : memref<!tpu.dma_semaphore, #tpu.memory_space<semaphore_mem>>) src(%dma_wait3A_233 : memref<200x128xf32, #tpu.memory_space<vmem_shared>>) dst(%dma_wait3A_231 : memref<200x128xf32, #tpu.memory_space<hbm>>)
      tpu.yield
    }) : () -> ()
    return
  }
}

module attributes {stable_mosaic.version = 14 : i64} {
  func.func @_fin_body(%arg0: memref<2x3200x128xf32, #tpu.memory_space<vmem>>, %arg1: memref<2x3200x128xf32, #tpu.memory_space<vmem>>, %arg2: memref<3200x128xf32, #tpu.memory_space<vmem>>, %arg3: memref<3200xi32, #tpu.memory_space<vmem>>, %arg4: memref<3200xi32, #tpu.memory_space<vmem>>) attributes {dimension_semantics = [], scalar_prefetch = 0 : i64, scratch_operands = 0 : i64, tpu.core_type = #tpu.core_type<tc>} {
    %get3A = arith.constant 0 : index
    %get3A_0 = arith.constant 0 : index
    %get3A_1 = arith.constant 0 : index
    %get3A_2 = vector.load %arg0[%get3A, %get3A_0, %get3A_1] : memref<2x3200x128xf32, #tpu.memory_space<vmem>>, vector<1x3200x128xf32>
    %get3A_3 = vector.shape_cast %get3A_2 : vector<1x3200x128xf32> to vector<3200x128xf32>
    %get3A_4 = arith.constant 1 : index
    %get3A_5 = arith.constant 0 : index
    %get3A_6 = arith.constant 0 : index
    %get3A_7 = vector.load %arg0[%get3A_4, %get3A_5, %get3A_6] : memref<2x3200x128xf32, #tpu.memory_space<vmem>>, vector<1x3200x128xf32>
    %get3A_8 = vector.shape_cast %get3A_7 : vector<1x3200x128xf32> to vector<3200x128xf32>
    %add3A = arith.addf %get3A_3, %get3A_8 : vector<3200x128xf32>
    %get3A_9 = arith.constant 0 : index
    %get3A_10 = arith.constant 0 : index
    %get3A_11 = arith.constant 0 : index
    %get3A_12 = vector.load %arg1[%get3A_9, %get3A_10, %get3A_11] : memref<2x3200x128xf32, #tpu.memory_space<vmem>>, vector<1x3200x128xf32>
    %get3A_13 = vector.shape_cast %get3A_12 : vector<1x3200x128xf32> to vector<3200x128xf32>
    %get3A_14 = arith.constant 1 : index
    %get3A_15 = arith.constant 0 : index
    %get3A_16 = arith.constant 0 : index
    %get3A_17 = vector.load %arg1[%get3A_14, %get3A_15, %get3A_16] : memref<2x3200x128xf32, #tpu.memory_space<vmem>>, vector<1x3200x128xf32>
    %get3A_18 = vector.shape_cast %get3A_17 : vector<1x3200x128xf32> to vector<3200x128xf32>
    %add3A_19 = arith.addf %get3A_13, %get3A_18 : vector<3200x128xf32>
    %reduce_sum3A = arith.constant dense<0.000000e+00> : vector<3200xf32>
    %reduce_sum3A_20 = vector.multi_reduction <add>, %add3A_19, %reduce_sum3A [1] : vector<3200x128xf32> to vector<3200xf32>
    %max3A = arith.constant 1.000000e+00 : f32
    %max3A_21 = vector.broadcast %max3A : f32 to vector<3200xf32>
    %max3A_22 = arith.maximumf %reduce_sum3A_20, %max3A_21 : vector<3200xf32>
    %broadcast_in_dim3A = vector.shape_cast %max3A_22 : vector<3200xf32> to vector<3200x1xf32>
    %div3A = vector.broadcast %broadcast_in_dim3A : vector<3200x1xf32> to vector<3200x128xf32>
    %div3A_23 = arith.divf %add3A, %div3A : vector<3200x128xf32>
    %swap3A = arith.constant 0 : index
    %swap3A_24 = arith.constant 0 : index
    %swap3A_25 = vector.load %arg2[%swap3A, %swap3A_24] : memref<3200x128xf32, #tpu.memory_space<vmem>>, vector<3200x128xf32>
    tpu.vector_store %arg2[%swap3A, %swap3A_24], %div3A_23 {strides = array<i32>} : memref<3200x128xf32, #tpu.memory_space<vmem>>, vector<3200x128xf32>,
    %reduce_max3A = arith.constant dense<0xFF800000> : vector<3200xf32>
    %reduce_max3A_26 = vector.multi_reduction <maximumf>, %add3A_19, %reduce_max3A [1] : vector<3200x128xf32> to vector<3200xf32>
    %broadcast_in_dim3A_27 = vector.shape_cast %reduce_max3A_26 : vector<3200xf32> to vector<3200x1xf32>
    %iota3A = tpu.iota {dimensions = array<i32: 1>} : vector<3200x128xi32>
    %ge3A = vector.broadcast %broadcast_in_dim3A_27 : vector<3200x1xf32> to vector<3200x128xf32>
    %ge3A_28 = arith.cmpf oge, %add3A_19, %ge3A : vector<3200x128xf32>
    %jit3A = arith.constant 128 : i32
    %broadcast_in_dim3A_29 = vector.broadcast %jit3A : i32 to vector<3200x128xi32>
    %select_n3A = arith.select %ge3A_28, %iota3A, %broadcast_in_dim3A_29 : vector<3200x128xi1>, vector<3200x128xi32>
    %reduce_min3A = arith.constant dense<2147483647> : vector<3200xi32>
    %reduce_min3A_30 = vector.multi_reduction <minsi>, %select_n3A, %reduce_min3A [1] : vector<3200x128xi32> to vector<3200xi32>
    %gt3A = arith.constant 0.000000e+00 : f32
    %gt3A_31 = vector.broadcast %gt3A : f32 to vector<3200xf32>
    %gt3A_32 = arith.cmpf ogt, %reduce_sum3A_20, %gt3A_31 : vector<3200xf32>
    %jit3A_33 = arith.constant -1 : i32
    %broadcast_in_dim3A_34 = vector.broadcast %jit3A_33 : i32 to vector<3200xi32>
    %select_n3A_35 = arith.select %gt3A_32, %reduce_min3A_30, %broadcast_in_dim3A_34 : vector<3200xi1>, vector<3200xi32>
    %swap3A_36 = arith.constant 0 : index
    %swap3A_37 = vector.load %arg3[%swap3A_36] : memref<3200xi32, #tpu.memory_space<vmem>>, vector<3200xi32>
    tpu.vector_store %arg3[%swap3A_36], %select_n3A_35 {strides = array<i32>} : memref<3200xi32, #tpu.memory_space<vmem>>, vector<3200xi32>,
    %gt3A_38 = arith.constant 0.000000e+00 : f32
    %gt3A_39 = vector.broadcast %gt3A_38 : f32 to vector<3200xf32>
    %gt3A_40 = arith.cmpf ogt, %reduce_sum3A_20, %gt3A_39 : vector<3200xf32>
    %convert_element_type3A = arith.extui %gt3A_40 : vector<3200xi1> to vector<3200xi32>
    %swap3A_41 = arith.constant 0 : index
    %swap3A_42 = vector.load %arg4[%swap3A_41] : memref<3200xi32, #tpu.memory_space<vmem>>, vector<3200xi32>
    tpu.vector_store %arg4[%swap3A_41], %convert_element_type3A {strides = array<i32>} : memref<3200xi32, #tpu.memory_space<vmem>>, vector<3200xi32>,
    return
  }
}

</mosaic_0001>

<sc_bundles>
// kernel: kernel.4.cloned.1.call-start
scs
__scs_entry_jumppad:
0x0: {  	(pc) =	sbr.rel $0x88, $3  }
0x1: {  	(tag) =	ssettag $0x0;
	lr =	simm.s32 $0x1  }
0x2: {  	[smem:$0x3F9E] =	sst lr;
	_ =	strace $0xD0000000  }
0x3: {  	_ = 	snop  }
0x4: {  	_ = 	snop  }
0x5: {  	_ = 	snop  }
0x6: {  	_ = 	snop  }
0x7: {  	_ = 	snop  }
__scs_overlays_trampoline_lowered:
0x8: {  	[smem:$0x3FAD] =	sst s0  }
0x9: {  	[smem:$0x3FAE] =	sst s1  }
0xa: {  	[smem:$0x3FAF] =	sst s2  }
0xb: {  	[smem:$0x3FB0] =	sst s3  }
0xc: {  	[smem:$0x3FB1] =	sst s4  }
0xd: {  	[smem:$0x3FB2] =	sst s5  }
0xe: {  	[smem:$0x3FB3] =	sst s6  }
0xf: {  	[smem:$0x3FB4] =	sst s7  }
0x10: {  	[smem:$0x3FB5] =	sst s8  }
0x11: {  	[smem:$0x3FB6] =	sst s9;
	s0 =	simm.s32 @!p0 $0x0  }
0x12: {  	s1 =	sld [smem:$0x3F9C];
	s0 =	simm.s32 @p0 $0x1  }
0x13: {  	[smem:$0x3FB7] =	sst s0;
	s0 =	simm.s32 @!p1 $0x0  }
0x14: {  	s2 =	sld [smem:$0x3F9B];
	s0 =	simm.s32 @p1 $0x1  }
0x15: {  	[smem:$0x3FB8] =	sst s0;
	s0 =	simm.s32 @!p2 $0x0  }
0x16: {  	s3 =	sld [smem:$0x3FDB];
	s0 =	simm.s32 @p2 $0x1  }
0x17: {  	s4 =	simm.s32 $0x1BF5;
	[smem:$0x3FBA] =	sst s0  }
0x18: {  	s0 =	sld [smem:$0x3F9D];
	_ =	swait.ge [sflag:s4], $0x0  }
0x19: {  	s7 =	sld [smem:$0x3F9E]  }
0x1a: {  	s8 =	sadd.s32 $0xFFFFE003, lr  }
0x1b: {  	s9 =	sadd.s32 $0xFFFFFEF7, lr;
	s5 =	simm.s32 $0xFFFFFFFF;
	p2 =	slt.u32 s8, $0xFFFFF086  }
0x1c: {  	p1 =	slt.u32 s9, $0xF7A;
	s5 =	simm.s32 @!p2 $0x0  }
0x1d: {  	s5 =	simm.s32 @p1 $0x1;
	p0 =	seq.s32 s7, s2  }
0x1e: {  	s7 =	smul.u32 @!p0 $0xF7A, s2;
	p2 =	seq.s32 @!p0 s5, $0x0  }
0x1f: {  	s9 =	smul.u32 $0xF7A, s1;
	s8 =	simm.s32 @!p0 $0x1BF5;
	p2 =	por !p2, p0  }
0x20: {  	[sflag:s8] =	ssyncset.s32 @!p0 $0xFFFFF086;
	s6 =	sadd.s32 @!p0 s3, s7;
	s7 =	simm.s32 @!p0 $0x108  }
0x21: {  	s3 =	sadd.s32 s3, s9;
	s6 =	sadd.s32 @!p0 $0x88, s6;
	s7 =	simm.s32 @p2 $0x1082  }
0x22: {  	[simem:s7], [sflag:s8] =	dma.local @!p0 [hbm:s6], $0xF7A  }
0x23: {  	s9 =	sor.u32 $0xD0000000, s2;
	s6 =	simm.s32 $0x108;
	_ =	swait.ge @!p0 [sflag:s8], $0x0  }
0x24: {  	s3 =	sadd.s32 $0x88, s3;
	s6 =	simm.s32 @!p1 $0x1082;
	[sflag:s4] =	ssyncset.s32 $0xFFFFF086  }
0x25: {  	[simem:s6], [sflag:s4] =	dma.local [hbm:s3], $0xF7A  }
0x26: {  	[smem:$0x3F9E] =	sst s1;
	(tag) =	ssettag s2;
	_ =	strace s9  }
0x27: {  	s1 =	sld [smem:$0x3FAE]  }
0x28: {  	s2 =	sld [smem:$0x3FAF]  }
0x29: {  	s4 =	sld [smem:$0x3FB1]  }
0x2a: {  	p0 =	seq.s32 s5, $0x0;
	s5 =	sld [smem:$0x3FB2]  }
0x2b: {  	s6 =	sld [smem:$0x3FB3]  }
0x2c: {  	s7 =	sld [smem:$0x3FB4]  }
0x2d: {  	s3 =	simm.s32 $0x108;
	s8 =	sld [smem:$0x3FB5]  }
0x2e: {  	s3 =	simm.s32 @!p0 $0x1082;
	s9 =	sld [smem:$0x3FB6]  }
0x2f: {  	lr =	sadd.s32 s0, s3;
	s0 =	sld [smem:$0x3FAD]  }
0x30: {  	s3 =	sld [smem:$0x3FB0]  }
0x31: {  	[smem:$0x3FB9] =	sst s10  }
0x32: {  	s10 =	sld [smem:$0x3FB7];
	_ =	sdelay $0x3  }
0x33: {  	p0 =	seq.s32 s10, $0x1;
	s10 =	sld [smem:$0x3FB9];
	_ =	sdelay $0x3  }
0x34: {  	[smem:$0x3FB9] =	sst s10  }
0x35: {  	s10 =	sld [smem:$0x3FB8];
	_ =	sdelay $0x3  }
0x36: {  	p1 =	seq.s32 s10, $0x1;
	s10 =	sld [smem:$0x3FB9];
	_ =	sdelay $0x3  }
0x37: {  	[smem:$0x3FB9] =	sst s10  }
0x38: {  	s10 =	sld [smem:$0x3FBA]  }
0x39: {  	_ = 	snop;
	(pc) =	sbr.ind lr, $3  }
0x3a: {  	_ = 	snop  }
0x3b: {  	_ = 	snop  }
0x3c: {  	p2 =	seq.s32 s10, $0x1;
	s10 =	sld [smem:$0x3FB9]  }
0x3d: {  	_ =	shalt  }
0x3e: {  	_ =	shalt  }
0x3f: {  	_ =	shalt  }
0x40: {  	_ =	shalt  }
0x41: {  	_ =	shalt  }
0x42: {  	_ =	shalt  }
0x43: {  	_ =	shalt  }
0x44: {  	_ =	shalt  }
0x45: {  	_ =	shalt  }
0x46: {  	_ =	shalt  }
0x47: {  	_ =	shalt  }
0x48: {  	_ =	shalt  }
0x49: {  	_ =	shalt  }
0x4a: {  	_ =	shalt  }
0x4b: {  	_ =	shalt  }
0x4c: {  	_ =	shalt  }
0x4d: {  	_ =	shalt  }
0x4e: {  	_ =	shalt  }
0x4f: {  	_ =	shalt  }
0x50: {  	_ =	shalt  }
0x51: {  	_ =	shalt  }
0x52: {  	_ =	shalt  }
0x53: {  	_ =	shalt  }
0x54: {  	_ =	shalt  }
0x55: {  	_ =	shalt  }
0x56: {  	_ =	shalt  }
0x57: {  	_ =	shalt  }
0x58: {  	_ =	shalt  }
0x59: {  	_ =	shalt  }
0x5a: {  	_ =	shalt  }
0x5b: {  	_ =	shalt  }
0x5c: {  	_ =	shalt  }
0x5d: {  	_ =	shalt  }
0x5e: {  	_ =	shalt  }
0x5f: {  	_ =	shalt  }
0x60: {  	_ =	shalt  }
0x61: {  	_ =	shalt  }
0x62: {  	_ =	shalt  }
0x63: {  	_ =	shalt  }
0x64: {  	_ =	shalt  }
0x65: {  	_ =	shalt  }
0x66: {  	_ =	shalt  }
0x67: {  	_ =	shalt  }
0x68: {  	_ =	shalt  }
0x69: {  	_ =	shalt  }
0x6a: {  	_ =	shalt  }
0x6b: {  	_ =	shalt  }
0x6c: {  	_ =	shalt  }
0x6d: {  	_ =	shalt  }
0x6e: {  	_ =	shalt  }
0x6f: {  	_ =	shalt  }
0x70: {  	_ =	shalt  }
0x71: {  	_ =	shalt  }
0x72: {  	_ =	shalt  }
0x73: {  	_ =	shalt  }
0x74: {  	_ =	shalt  }
0x75: {  	_ =	shalt  }
0x76: {  	_ =	shalt  }
0x77: {  	_ =	shalt  }
0x78: {  	_ =	shalt  }
0x79: {  	_ =	shalt  }
0x7a: {  	_ =	shalt  }
0x7b: {  	_ =	shalt  }
0x7c: {  	_ =	shalt  }
0x7d: {  	_ =	shalt  }
0x7e: {  	_ =	shalt  }
0x7f: {  	_ =	shalt  }
0x80: {  	_ =	shalt  }
0x81: {  	_ =	shalt  }
0x82: {  	_ =	shalt  }
0x83: {  	_ =	shalt  }
0x84: {  	_ =	shalt  }
0x85: {  	_ =	shalt  }
0x86: {  	_ =	shalt  }
0x87: {  	_ =	shalt  }
.Lfunc_end0:
.L_simem_size_0:
called_computation_lowered:
.L_overlay_start_0:
0x88: {  	s2 =	sld [smem:$0x3FD9]  }
0x89: {  	s3 =	sld [smem:$0x3FFE];
	_ =	sdelay $0x1  }
0x8a: {  	s1 =	srdreg.scid  }
0x8b: {  	s0 =	sand.u32 $0x1, s1  }
0x8c: {  	s17 =	sshll.u32 s0, $0xA;
	s2 =	sadd.s32 s3, s2  }
0x8d: {  	s2 =	sadd.s32 s2, s17  }
0x8e: {  	[smem:$0x3FC5] =	sst s2  }
0x8f: {  	_ = 	snop  }
0x90: {  	s2 =	sld [smem:$0x3FC9]  }
0x91: {  	s18 =	sld [smem:$0x3FC8]  }
0x92: {  	s4 =	sld [smem:$0x3FC7];
	(tm) =	ssettm $0x1  }
0x93: {  	s5 =	sld [smem:$0x3FFB];
	_ =	sdelay $0x3  }
0x94: {  	_ =	strace s5  }
0x95: {  	s5 =	sld [smem:$0x3FFC];
	_ =	sdelay $0x3  }
0x96: {  	_ =	strace s5  }
0x97: {  	s5 =	sld [smem:$0x3FFD];
	_ =	sdelay $0x3  }
0x98: {  	_ =	strace s5  }
0x99: {  	_ =	strace $0x8FFFFFFF  }
0x9a: {  	s19 =	sld [smem:$0x3FDB];
	_ =	sdelay $0x1  }
0x9b: {  	s6 =	simm.s32 $_scs_section_size  }
0x9c: {  	s7 =	simm.s32 $_size__tile_overlayer_lowered;
	s8 =	simm.s32 $_tile_overlayer_lowered  }
0x9d: {  	s22 =	simm.s32 $0x1BFF;
	s21 =	sshll.u32 s8, $0x1;
	s5 =	sadd.s32 s6, s19  }
0x9e: {  	s9 =	simm.s32 $0x0;
	s20 =	sshll.u32 s7, $0x1;
	s7 =	sadd.s32 s21, s5  }
0x9f: {  	[timem:s9], [sflag:s22] =	dma.local [hbm:s7], s20  }
0xa0: {  	_ =	swait.ge [sflag:s22], s20  }
0xa1: {  	s6 =	ssub.s32 $0x0, s20;
	[sflag:s22] =	ssyncset.done $0x0  }
0xa2: {  	[sflag:s22] =	ssyncadd.s32 s6;
	_ =	sdelay $0x1  }
0xa3: {  	s23 =	simm.s32 $0x1B8B  }
0xa4: {  	_ =	swait.ge [sflag:s23], $0x1  }
0xa5: {  	[sflag:s23] =	ssyncset.done $0x0  }
0xa6: {  	s25 =	simm.s32 $0x1B8E;
	s24 =	sld [smem:$0x3FFE];
	[sflag:s23] =	ssyncadd.s32 $0xFFFFFFFF  }
0xa7: {  	s26 =	simm.s32 $execute0_lowered;
	[smem:$0x3FD2] =	sst s25  }
0xa8: {  	s7 =	sshll.u32 s26, $0x1;
	_ =	strace $0x80000046;
	[dreg:$0x1] =	wrdreg $0xFFFFFFFF  }
0xa9: {  	s28 =	simm.s32 $_size_execute0_lowered;
	s5 =	sadd.s32 s5, s7;
	[dreg:$0x0] =	wrdreg $0x0  }
0xaa: {  	s7 =	sshll.u32 s28, $0x1;
	[dreg:$0x2] =	wrdreg s5  }
0xab: {  	[dreg:$0x3] =	wrdreg s7  }
0xac: {  	[dreg:$0x4] =	wrdreg $0xC0  }
0xad: {  	_ =	task [dreg:s9], $0x5FFFF  }
0xae: {  	[dreg:$0x1] =	wrdreg $0xFFFFFFFF  }
0xaf: {  	[dreg:$0x0] =	wrdreg $0x60  }
0xb0: {  	[dreg:$0x2] =	wrdreg s2  }
0xb1: {  	[dreg:$0x3] =	wrdreg s18  }
0xb2: {  	[dreg:$0x4] =	wrdreg s4  }
0xb3: {  	[dreg:$0x5] =	wrdreg s24  }
0xb4: {  	[dreg:$0x6] =	wrdreg $0xC3000  }
0xb5: {  	[dreg:$0x7] =	wrdreg $0x12B000  }
0xb6: {  	[dreg:$0x8] =	wrdreg $0x9  }
0xb7: {  	_ =	task.clear_ibuf [dreg:s9], $0x9FFFF;
	_ =	strace $0x90000046  }
0xb8: {  	s29 =	simm.s32 $0x9;
	_ =	strace $0x80000048  }
0xb9: {  	_ =	swait.ge [sflag:s29], $0x1  }
0xba: {  	[sflag:s29] =	ssyncadd.s32 $0xFFFFFFFF  }
0xbb: {  	_ =	strace $0x90000048  }
0xbc: {  	_ =	sfence  }
0xbd: {  	s30 =	sld [smem:$0x0];
	_ =	sdelay $0x2  }
0xbe: {  	s31 =	sshll.u32 s1, $0xD;
	s1 =	sshrl.u32 s1, $0x2  }
0xbf: {  	s3 =	sand.u32 $0x4000, s31;
	s1 =	sadd.s32 s1, s30  }
0xc0: {  	s0 =	sor.u32 s3, s0;
	s1 =	sshll.u32 s1, $0x11  }
0xc1: {  	s0 =	sor.u32 s1, s0  }
0xc2: {  	s0 =	sadd.s32 $0x8F2B, s0  }
0xc3: {  	[sflag:s0] =	ssyncadd.remote.s32 $0x1  }
0xc4: {  	_ =	sfence.sel $0xFFFF  }
0xc5: {  	[dreg:$0x0] =	wrdreg $0xFFFFFFFF;
	(pc) =	sbr.abs _section_cstart, $3  }
0xc6: {  	[dreg:$0x1] =	wrdreg $0xFFFFFFFF  }
0xc7: {  	_ =	task.clear_ibuf [dreg:s9], $0x2FFFF;
	_ =	strace $0x9FFFFFFF  }
0xc8: {  	(tm) =	ssettm $0x7FFFFFFF  }
0xc9: {  	_ =	shalt  }
tec
execute0_lowered:
.L_overlay_start_1:
0x0: {  	(tag) =	ssettag $0x1  }
0x1: {  	s0 =	rddreg [dreg:$0x0]  }
0x2: {  	s1 =	rddreg [dreg:$0x1]  }
0x3: {  	s2 =	rddreg [dreg:$0x2]  }
0x4: {  	s4 =	rddreg [dreg:$0x3]  }
0x5: {  	s3 =	srdreg.scid;
	s5 =	rddreg [dreg:$0x4]  }
0x6: {  	s23 =	stileid.u32;
	s6 =	rddreg [dreg:$0x5]  }
0x7: {  	s7 =	simm.s32 $0x0;
	s30 =	simm.s32 $0xC200;
	s20 =	smul.u32 $0x6400, s23  }
0x8: {  	s31 =	simm.s32 $0x8200;
	s8 =	sand.u32 $0x1, s3;
	s12 =	smul.u32 $0x6800, s23  }
0x9: {  	[smem:$0x7FF] =	sst s7;
	s9 =	smul.u32 $0x64000, s8;
	s10 =	ssub.s32 $0x2, s8  }
0xa: {  	_ =	strace $0x80000047;
	s8 =	sshll.u32 s8, $0x4;
	s11 =	sshrl.u32 s10, $0x1  }
0xb: {  	s19 =	sor.u32 s23, s8;
	s22 =	sadd.s32 $0x4000, s12;
	s26 =	sadd.s32 s20, s6  }
0xc: {  	s9 =	sadd.s32 s20, s9;
	s21 =	ssub.s32 s10, s11;
	s10 =	sadd.s32 s12, s5  }
0xd: {  	s13 =	smul.u32 $0x9C4, s19;
	s8 =	sadd.s32 s22, s5;
	s11 =	sadd.s32 s22, s6  }
0xe: {  	s22 =	sadd.s32 s20, s5;
	s20 =	simm.s32 $0x8100;
	s29 =	sshrl.u32 s26, $0x3  }
0xf: {  	s26 =	simm.s32 $0x80;
	s9 =	sshrl.u32 s9, $0x3;
	s28 =	sshrl.u32 s22, $0x3  }
0x10: {  	[dreg:$0x8] =	wrdreg s29;
	s4 =	sadd.s32 s9, s4;
	s9 =	sadd.s32 s12, s6  }
0x11: {  	s12 =	sshrl.u32 s13, $0x5;
	s14 =	sadd.s32 $0x9C4, s13;
	s15 =	sshll.u32 s13, $0x6  }
0x12: {  	[dreg:$0x7] =	wrdreg s28;
	s13 =	sshrl.u32 s14, $0x5;
	s24 =	sand.u32 $0x7FF800, s15  }
0x13: {  	s25 =	sxor.u32 $0xFFFFFFFF, s12;
	s16 =	sshll.u32 s12, $0x4;
	s15 =	sadd.s32 $0xE00, s4  }
.Ltmp0:
0x14: {  	s14 =	sadd.s32 s0, s24;
	s17 =	sadd.s32 s25, s13;
	(pc) =	sbr.rel .LBB2_1-.Ltmp0, $4  }
0x15: {  	s18 =	sadd.s32 s1, s16;
	s19 =	sadd.s32 s2, s16;
	p2 =	slt.u32 s12, s13  }
0x16: {  	s24 =	sadd.s32 $0x19E00, s4;
	s25 =	smax.u32 s21, $0x1;
	s3 =	simm.s32 @!p2 $0x0  }
0x17: {  	s21 =	simm.s32 $0x5;
	s17 =	sand.u32 $0x1, s17;
	s3 =	simm.s32 @p2 $0x1  }
0x18: {  	v0 =	vimm.f32 $0.0e+00;
	v1 =	vimm.s32 $0xC80;
	v2 =	vlaneseq.u32;
	s16 =	simm.s32 $0x8000;
	s17 =	sadd.s32 $0x3, s17;
	[smem:$0x7FD] =	sst s3  }
.LBB2_12:
0x19: {  	_ =	swait.ge [sflag:s17], $0x4000  }
0x1a: {  	[sflag:s17] =	ssyncset.done $0x0  }
0x1b: {  	[sflag:s17] =	ssyncadd.s32 $0xFFFFC000  }
.LBB2_13:
0x1c: {  	[spmem:s6] =	stream.indirect.scatter.add.f32 [tilespmem:s31], [sflag:$0x5], $0x80, s30, s26, $0xb8;
	[tilespmem:$0x19300] =	vst v63  }
0x1d: {  	_ =	swait.ge [sflag:s21], $0x4000  }
0x1e: {  	[sflag:s21] =	ssyncset.done $0x0  }
0x1f: {  	[sflag:s21] =	ssyncadd.s32 $0xFFFFC000  }
0x20: {  	[tilespmem:$0xC200] =	vst v1  }
0x21: {  	[tilespmem:$0xC210] =	vst v1  }
0x22: {  	[tilespmem:$0xC220] =	vst v1  }
0x23: {  	[tilespmem:$0xC230] =	vst v1  }
0x24: {  	[tilespmem:$0xC240] =	vst v1  }
0x25: {  	[tilespmem:$0xC250] =	vst v1  }
0x26: {  	[tilespmem:$0xC260] =	vst v1  }
0x27: {  	s3 =	sshll.u32 s23, $0x6;
	[tilespmem:$0xC270] =	vst v1  }
0x28: {  	s3 =	sor.u32 $0x1C05, s3;
	[bflag:$0x0] =	sbarrier.arrive $0xFFFF  }
0x29: {  	[hbm:s15], [sflag:s3] =	dma.local [spmem:s28], $0xC80  }
0x2a: {  	s7 =	sadd.s32 $0x1, s7;
	_ =	swait.ge [sflag:s21], $0xC80  }
0x2b: {  	p0 =	sne.s32 s7, s25;
	[sflag:s21] =	ssyncset.done $0x0  }
.Ltmp1:
0x2c: {  	[sflag:s21] =	ssyncadd.s32 $0xFFFFF380;
	(pc) =	sbr.rel @!p0 .LBB2_14-.Ltmp1, $4  }
0x2d: {  	[hbm:s24], [sflag:s3] =	dma.local [spmem:s29], $0xC80  }
0x2e: {  	_ =	swait.ge [sflag:s21], $0xC80  }
0x2f: {  	[sflag:s21] =	ssyncset.done $0x0  }
0x30: {  	[sflag:s21] =	ssyncadd.s32 $0xFFFFF380  }
.LBB2_1:
0x31: {  	s4 =	simm.s32 $0x0;
	s22 =	simm.s32 $0x200  }
.LBB2_2:
0x32: {  	p1 =	sne.s32 s22, $0xFE00;
	[tilespmem:s4+$0x8270] =	vst v0  }
0x33: {  	[tilespmem:s4+$0x0] =	vst v0  }
0x34: {  	[tilespmem:s4+$0x8200] =	vst v0  }
0x35: {  	[tilespmem:s4+$0x10] =	vst v0  }
0x36: {  	[tilespmem:s4+$0x8210] =	vst v0  }
0x37: {  	[tilespmem:s4+$0x20] =	vst v0  }
0x38: {  	[tilespmem:s4+$0x8220] =	vst v0  }
0x39: {  	[tilespmem:s4+$0x30] =	vst v0  }
0x3a: {  	[tilespmem:s4+$0x8230] =	vst v0  }
0x3b: {  	[tilespmem:s4+$0x40] =	vst v0  }
0x3c: {  	[tilespmem:s4+$0x8240] =	vst v0  }
.Ltmp2:
0x3d: {  	[tilespmem:s4+$0x50] =	vst v0;
	(pc) =	sbr.rel @p1 .LBB2_2-.Ltmp2, $4  }
0x3e: {  	[tilespmem:s4+$0x8250] =	vst v0  }
0x3f: {  	[tilespmem:s4+$0x60] =	vst v0  }
0x40: {  	[tilespmem:s4+$0x8260] =	vst v0  }
0x41: {  	[tilespmem:s4+$0x70] =	vst v0;
	s4 =	sshra.s32 s22, $0x2;
	s22 =	sadd.s32 $0x200, s22  }
0x42: {  	[tilespmem:s4+$0x8270] =	vst v0  }
0x43: {  	[tilespmem:s4+$0x0] =	vst v0  }
0x44: {  	[tilespmem:s4+$0x8200] =	vst v0  }
0x45: {  	[tilespmem:s4+$0x10] =	vst v0  }
0x46: {  	[tilespmem:s4+$0x8210] =	vst v0  }
0x47: {  	[tilespmem:s4+$0x20] =	vst v0  }
0x48: {  	[tilespmem:s4+$0x8220] =	vst v0  }
0x49: {  	[tilespmem:s4+$0x30] =	vst v0  }
0x4a: {  	[tilespmem:s4+$0x8230] =	vst v0  }
0x4b: {  	[tilespmem:s4+$0x40] =	vst v0  }
0x4c: {  	[tilespmem:s4+$0x8240] =	vst v0  }
0x4d: {  	[tilespmem:s4+$0x50] =	vst v0  }
0x4e: {  	[tilespmem:s4+$0x8250] =	vst v0  }
0x4f: {  	[tilespmem:s4+$0x60] =	vst v0  }
0x50: {  	[tilespmem:s4+$0x8260] =	vst v0  }
0x51: {  	[tilespmem:s4+$0x70] =	vst v0  }
0x52: {  	[tilespmem:$0xC200] =	vst v1  }
0x53: {  	[tilespmem:$0xC210] =	vst v1  }
0x54: {  	[tilespmem:$0xC220] =	vst v1  }
0x55: {  	[tilespmem:$0xC230] =	vst v1  }
0x56: {  	[tilespmem:$0xC240] =	vst v1  }
0x57: {  	[tilespmem:$0xC250] =	vst v1  }
0x58: {  	[tilespmem:$0xC260] =	vst v1  }
0x59: {  	s22 =	simm.s32 $0x0;
	[tilespmem:$0xC270] =	vst v1  }
0x5a: {  	[spmem:s10] =	stream.linear.scatter [tilespmem:s22], [sflag:$0x5], $0x4000, $0x38;
	[tilespmem:$0x19300] =	vst v63  }
0x5b: {  	_ =	swait.ge [sflag:s21], $0x4000  }
0x5c: {  	[sflag:s21] =	ssyncset.done $0x0  }
0x5d: {  	[sflag:s21] =	ssyncadd.s32 $0xFFFFC000  }
0x5e: {  	[spmem:s8] =	stream.linear.scatter [tilespmem:s22], [sflag:$0x5], $0x2800, $0x38;
	[tilespmem:$0x19300] =	vst v63  }
0x5f: {  	_ =	swait.ge [sflag:s21], $0x2800  }
0x60: {  	[sflag:s21] =	ssyncset.done $0x0  }
0x61: {  	[sflag:s21] =	ssyncadd.s32 $0xFFFFD800  }
0x62: {  	[spmem:s9] =	stream.linear.scatter [tilespmem:s22], [sflag:$0x5], $0x4000, $0x38;
	[tilespmem:$0x19300] =	vst v63  }
0x63: {  	_ =	swait.ge [sflag:s21], $0x4000  }
0x64: {  	[sflag:s21] =	ssyncset.done $0x0  }
0x65: {  	[sflag:s21] =	ssyncadd.s32 $0xFFFFC000  }
0x66: {  	[spmem:s11] =	stream.linear.scatter [tilespmem:s22], [sflag:$0x5], $0x2800, $0x38;
	[tilespmem:$0x19300] =	vst v63  }
0x67: {  	_ =	swait.ge [sflag:s21], $0x2800  }
0x68: {  	[sflag:s21] =	ssyncset.done $0x0  }
0x69: {  	[sflag:s21] =	ssyncadd.s32 $0xFFFFD800  }
0x6a: {  	[bflag:$0x0] =	sbarrier.arrive $0xFFFF  }
0x6b: {  	[tilespmem:s22], [sflag:$0x1] =	stream.linear.gather [hbm4b:s14+s22], $0x4000, $0x38;
	[tilespmem:$0x19300] =	vst v63  }
.Ltmp3:
0x6c: {  	_ = 	snop;
	(pc) =	sbr.rel @!p2 .LBB2_12-.Ltmp3, $4  }
0x6d: {  	_ = 	snop  }
0x6e: {  	[tilespmem:s16], [sflag:$0x1] =	stream.linear.gather [hbm4b:s18+s22], $0x80, $0x38;
	[tilespmem:$0x19300] =	vst v63  }
0x6f: {  	_ = 	snop  }
0x70: {  	[tilespmem:s20], [sflag:$0x1] =	stream.linear.gather [hbm4b:s19+s22], $0x80, $0x38;
	[tilespmem:$0x19300] =	vst v63  }
.Ltmp4:
0x71: {  	(pc) =	sbr.rel .LBB2_6-.Ltmp4, $4  }
0x72: {  	_ = 	snop  }
0x73: {  	s20 =	smov.u32 s15;
	s16 =	smov.u32 s14;
	s15 =	smov.u32 s11  }
0x74: {  	s14 =	smov.u32 s9;
	s11 =	smov.u32 s8;
	s31 =	simm.s32 $0xFFFFFFFF  }
0x75: {  	p1 =	por $0x0, $0x0;
	p4 =	por $0x0, $0x0;
	s30 =	smov.u32 s12  }
.LBB2_5:
.Ltmp5:
0x76: {  	(pc) =	sbr.rel @p2 .LBB2_11-.Ltmp5, $2  }
0x77: {  	_ =	sdelay $0x2  }
0x78: {  	p1 =	por !p1, !p1;
	p4 =	por $0x1, $0x1  }
.LBB2_6:
0x79: {  	s4 =	ssub.s32 s30, s12  }
0x7a: {  	p3 =	sle.u32 s30, s12;
	s4 =	sand.u32 $0x1, s4  }
0x7b: {  	s30 =	sadd.s32 $0x1, s30;
	s23 =	sxor.u32 @!p3 $0x1, s4  }
0x7c: {  	p2 =	sge.u32 s30, s13;
	s23 =	sadd.s32 @!p3 $0x3, s23  }
0x7d: {  	s28 =	sxor.u32 @!p2 $0x1, s4;
	s29 =	sshll.u32 @!p2 s30, $0xB;
	_ =	swait.ge @!p3 [sflag:s23], $0x4000  }
0x7e: {  	s8 =	simm.s32 @!p2 $0x0;
	s3 =	sshll.u32 @!p2 s28, $0xE;
	[sflag:s23] =	ssyncset.done @!p3 $0x0  }
0x7f: {  	s29 =	sadd.s32 @!p2 s0, s29;
	[sflag:s23] =	ssyncadd.s32 @!p3 $0xFFFFC000;
	s23 =	sadd.s32 @!p2 $0x1, s28  }
0x80: {  	[tilespmem:s3], [sflag:s23] =	stream.linear.gather @!p2 [hbm4b:s29+s8], $0x4000, $0x38;
	[tilespmem:$0x19300] =	vst v63  }
0x81: {  	s3 =	sshll.u32 @!p2 s28, $0x7;
	s28 =	sshll.u32 @!p2 s30, $0x4  }
0x82: {  	s29 =	sor.u32 @!p2 $0x8000, s3;
	s9 =	sadd.s32 @!p2 s1, s28  }
0x83: {  	[tilespmem:s29], [sflag:s23] =	stream.linear.gather @!p2 [hbm4b:s9+s8], $0x80, $0x38;
	[tilespmem:$0x19300] =	vst v63  }
0x84: {  	s3 =	sor.u32 @!p2 $0x8100, s3;
	s9 =	sadd.s32 @!p2 s2, s28  }
0x85: {  	[tilespmem:s3], [sflag:s23] =	stream.linear.gather @!p2 [hbm4b:s9+s8], $0x80, $0x38;
	[tilespmem:$0x19300] =	vst v63  }
0x86: {  	s9 =	sadd.s32 $0x1, s4  }
0x87: {  	_ =	swait.ge [sflag:s9], $0x4000  }
0x88: {  	[sflag:s9] =	ssyncset.done $0x0  }
0x89: {  	[sflag:s9] =	ssyncadd.s32 $0xFFFFC000  }
0x8a: {  	_ =	swait.ge [sflag:s9], $0x80  }
0x8b: {  	[sflag:s9] =	ssyncset.done $0x0  }
0x8c: {  	s28 =	sshll.u32 s4, $0xE;
	s29 =	sshll.u32 s4, $0x7;
	[sflag:s9] =	ssyncadd.s32 $0xFFFFFF80  }
0x8d: {  	s8 =	simm.s32 $0x1;
	s23 =	sor.u32 $0x8000, s29;
	_ =	swait.ge [sflag:s9], $0x80  }
.Ltmp6:
0x8e: {  	s8 =	simm.s32 @!p1 $0x0;
	[sflag:s9] =	ssyncset.done $0x0;
	(pc) =	sbr.rel .LBB2_7-.Ltmp6, $4  }
0x8f: {  	s4 =	sadd.s32 $0x3, s4;
	s8 =	sshll.u32 s8, $0x7;
	[sflag:s9] =	ssyncadd.s32 $0xFFFFFF80  }
0x90: {  	[spmem:s5] =	stream.indirect.scatter.add.f32 [tilespmem:s28], [sflag:s4], $0x80, s23, s26, $0xb8;
	[tilespmem:$0x19300] =	vst v63  }
0x91: {  	s29 =	sor.u32 $0x8000, s8;
	s28 =	sor.u32 $0x8100, s8  }
0x92: {  	v4 =	vmov s29;
	s4 =	simm.s32 $0x0;
	v5 =	vmov s28  }
.LBB2_9:
0x93: {  	(v2sf) =	vpush v3, $0x1;
	_ =	sdelay $0xe  }
0x94: {  	s28 =	spop (v2sf)  }
0x95: {  	p4 =	seq.s32 s28, s23  }
0x96: {  	(v2sf) =	vpush v3, $0x2;
	s3 =	sshra.s32 @!p4 s22, $0x1F  }
0x97: {  	s3 =	sshrl.u32 @!p4 s3, $0x1C  }
0x98: {  	v7 =	vld [tilespmem:$0xC280];
	s3 =	sadd.s32 @!p4 s3, s22  }
0x99: {  	s8 =	sand.u32 @!p4 $0xFFFFFFF0, s3  }
0x9a: {  	p0 =	slt.s32 @!p4 s22, $0x1;
	p5 =	sne.s32 @!p4 s22, s8  }
0x9b: {  	p0 =	por @!p4 !p0, !p5  }
0x9c: {  	p0 =	por @!p4 !p0, !p0  }
0x9d: {  	v8 =	vsel vm0, $0x3F800000, v0;
	v7 =	vpsel p3, $0x80000000, v7;
	s8 =	simm.s32 @!p4 $0x1;
	p0 =	por !p0, p4  }
0x9e: {  	v7 =	vadd.f32 v7, v8;
	s3 =	sshrl.u32 @!p4 s3, $0x4;
	s8 =	simm.s32 @p0 $0x0  }
0x9f: {  	s3 =	ssub.s32 @!p4 s3, s8;
	s8 =	sshll.u32 @!p4 s22, $0x9  }
0xa0: {  	[tilespmem:$0xC280] =	vst v7;
	s8 =	sshra.s32 @!p4 s8, $0x2;
	s3 =	sshll.u32 @!p4 s3, $0x6  }
0xa1: {  	[tilespmem:s8+$0x8200] =	vst @!p4 v7;
	s3 =	sshra.s32 @!p4 s3, $0x2  }
0xa2: {  	v7 =	vld @!p4 [tilespmem:s3+$0xC200];
	_ =	sdelay $0x1  }
0xa3: {  	s9 =	simm.s32 $0x1;
	p5 =	sne.s32 s28, s23;
	s8 =	sand.u32 @!p4 $0xF, s22  }
0xa4: {  	v9 =	vlaneseq.u32 @!p4;
	v10 =	vbroadcast @!p4 v3, $0x0;
	s9 =	simm.s32 @!p5 $0x0;
	v8 =	vmov @!p4 s8;
	s29 =	spop (v2sf)  }
0xa5: {  	s8 =	sadd.s32 s9, s22;
	vm0 =	veq.s32 @!p4 v8, v9;
	p3 =	seq.s32 s29, s28  }
0xa6: {  	(v2sf) =	vpush v3, $0x3;
	s9 =	sshra.s32 @!p3 s8, $0x1F;
	v7 =	vsel @!p4 vm0, v10, v7  }
0xa7: {  	[tilespmem:s3+$0xC200] =	vst @!p4 v7;
	s3 =	sshrl.u32 @!p3 s9, $0x1C  }
0xa8: {  	v7 =	vld [tilespmem:$0xC280];
	s3 =	sadd.s32 @!p3 s3, s8  }
0xa9: {  	s9 =	sand.u32 @!p3 $0xFFFFFFF0, s3  }
0xaa: {  	v8 =	vbroadcast v6, $0x1;
	p0 =	slt.s32 @!p3 s8, $0x1;
	p4 =	sne.s32 @!p3 s8, s9  }
0xab: {  	p0 =	por @!p3 !p0, !p4  }
0xac: {  	vm13 =	veq.s32 v8, v2;
	p0 =	por @!p3 !p0, !p0  }
0xad: {  	v8 =	vsel vm13, $0x3F800000, v0;
	s9 =	simm.s32 @!p3 $0x1;
	v7 =	vpsel p5, $0x80000000, v7;
	p0 =	por !p0, p3  }
0xae: {  	s3 =	sshrl.u32 @!p3 s3, $0x4;
	v7 =	vadd.f32 v7, v8;
	s9 =	simm.s32 @p0 $0x0  }
0xaf: {  	s3 =	ssub.s32 @!p3 s3, s9;
	s9 =	sshll.u32 @!p3 s8, $0x9  }
0xb0: {  	[tilespmem:$0xC280] =	vst v7;
	s9 =	sshra.s32 @!p3 s9, $0x2;
	s3 =	sshll.u32 @!p3 s3, $0x6  }
0xb1: {  	[tilespmem:s9+$0x8200] =	vst @!p3 v7;
	s3 =	sshra.s32 @!p3 s3, $0x2  }
0xb2: {  	v7 =	vld @!p3 [tilespmem:s3+$0xC200];
	_ =	sdelay $0x1  }
0xb3: {  	p5 =	sne.s32 s29, s28;
	s28 =	simm.s32 $0x1;
	s9 =	sand.u32 @!p3 $0xF, s8  }
0xb4: {  	v9 =	vlaneseq.u32 @!p3;
	v10 =	vbroadcast @!p3 v3, $0x1;
	s28 =	simm.s32 @!p5 $0x0;
	s22 =	spop (v2sf);
	v8 =	vmov @!p3 s9  }
0xb5: {  	s8 =	sadd.s32 s28, s8;
	p4 =	seq.s32 s22, s29;
	vm0 =	veq.s32 @!p3 v8, v9  }
0xb6: {  	(v2sf) =	vpush v3, $0x4;
	s9 =	sshra.s32 @!p4 s8, $0x1F;
	v7 =	vsel @!p3 vm0, v10, v7  }
0xb7: {  	[tilespmem:s3+$0xC200] =	vst @!p3 v7;
	s3 =	sshrl.u32 @!p4 s9, $0x1C  }
0xb8: {  	v7 =	vld [tilespmem:$0xC280];
	s3 =	sadd.s32 @!p4 s3, s8  }
0xb9: {  	s9 =	sand.u32 @!p4 $0xFFFFFFF0, s3  }
0xba: {  	v8 =	vbroadcast v6, $0x2;
	p0 =	slt.s32 @!p4 s8, $0x1;
	p3 =	sne.s32 @!p4 s8, s9  }
0xbb: {  	p0 =	por @!p4 !p0, !p3  }
0xbc: {  	vm14 =	veq.s32 v8, v2;
	p0 =	por @!p4 !p0, !p0  }
0xbd: {  	v8 =	vsel vm14, $0x3F800000, v0;
	s9 =	simm.s32 @!p4 $0x1;
	v7 =	vpsel p5, $0x80000000, v7;
	p0 =	por !p0, p4  }
0xbe: {  	s3 =	sshrl.u32 @!p4 s3, $0x4;
	v7 =	vadd.f32 v7, v8;
	s9 =	simm.s32 @p0 $0x0  }
0xbf: {  	s3 =	ssub.s32 @!p4 s3, s9;
	s9 =	sshll.u32 @!p4 s8, $0x9  }
0xc0: {  	[tilespmem:$0xC280] =	vst v7;
	s9 =	sshra.s32 @!p4 s9, $0x2;
	s3 =	sshll.u32 @!p4 s3, $0x6  }
0xc1: {  	[tilespmem:s9+$0x8200] =	vst @!p4 v7;
	s3 =	sshra.s32 @!p4 s3, $0x2  }
0xc2: {  	v7 =	vld @!p4 [tilespmem:s3+$0xC200];
	_ =	sdelay $0x1  }
0xc3: {  	s28 =	simm.s32 $0x1;
	p5 =	sne.s32 s22, s29;
	s9 =	sand.u32 @!p4 $0xF, s8  }
0xc4: {  	v9 =	vlaneseq.u32 @!p4;
	v10 =	vbroadcast @!p4 v3, $0x2;
	s28 =	simm.s32 @!p5 $0x0;
	s29 =	spop (v2sf);
	v8 =	vmov @!p4 s9  }
0xc5: {  	p3 =	seq.s32 s29, s22;
	s8 =	sadd.s32 s28, s8;
	vm0 =	veq.s32 @!p4 v8, v9  }
0xc6: {  	(v2sf) =	vpush v3, $0x5;
	s9 =	sshra.s32 @!p3 s8, $0x1F;
	v7 =	vsel @!p4 vm0, v10, v7  }
0xc7: {  	[tilespmem:s3+$0xC200] =	vst @!p4 v7;
	s3 =	sshrl.u32 @!p3 s9, $0x1C  }
0xc8: {  	v7 =	vld [tilespmem:$0xC280];
	s3 =	sadd.s32 @!p3 s3, s8  }
0xc9: {  	s9 =	sand.u32 @!p3 $0xFFFFFFF0, s3  }
0xca: {  	p0 =	slt.s32 @!p3 s8, $0x1;
	v8 =	vbroadcast v6, $0x3;
	p4 =	sne.s32 @!p3 s8, s9  }
0xcb: {  	p0 =	por @!p3 !p0, !p4  }
0xcc: {  	vm15 =	veq.s32 v8, v2;
	p0 =	por @!p3 !p0, !p0  }
0xcd: {  	v8 =	vsel vm15, $0x3F800000, v0;
	s9 =	simm.s32 @!p3 $0x1;
	v7 =	vpsel p5, $0x80000000, v7;
	p0 =	por !p0, p3  }
0xce: {  	s3 =	sshrl.u32 @!p3 s3, $0x4;
	v7 =	vadd.f32 v7, v8;
	s9 =	simm.s32 @p0 $0x0  }
0xcf: {  	s3 =	ssub.s32 @!p3 s3, s9;
	s9 =	sshll.u32 @!p3 s8, $0x9  }
0xd0: {  	[tilespmem:$0xC280] =	vst v7;
	s9 =	sshra.s32 @!p3 s9, $0x2;
	s3 =	sshll.u32 @!p3 s3, $0x6  }
0xd1: {  	[tilespmem:s9+$0x8200] =	vst @!p3 v7;
	s3 =	sshra.s32 @!p3 s3, $0x2  }
0xd2: {  	v7 =	vld @!p3 [tilespmem:s3+$0xC200];
	_ =	sdelay $0x1  }
0xd3: {  	s28 =	simm.s32 $0x1;
	p5 =	sne.s32 s29, s22;
	s9 =	sand.u32 @!p3 $0xF, s8  }
0xd4: {  	v9 =	vlaneseq.u32 @!p3;
	v10 =	vbroadcast @!p3 v3, $0x3;
	s22 =	spop (v2sf);
	s28 =	simm.s32 @!p5 $0x0;
	v8 =	vmov @!p3 s9  }
0xd5: {  	p4 =	seq.s32 s22, s29;
	s8 =	sadd.s32 s28, s8;
	vm0 =	veq.s32 @!p3 v8, v9  }
0xd6: {  	(v2sf) =	vpush v3, $0x6;
	s9 =	sshra.s32 @!p4 s8, $0x1F;
	v7 =	vsel @!p3 vm0, v10, v7  }
0xd7: {  	[tilespmem:s3+$0xC200] =	vst @!p3 v7;
	s3 =	sshrl.u32 @!p4 s9, $0x1C  }
0xd8: {  	v7 =	vld [tilespmem:$0xC280];
	s3 =	sadd.s32 @!p4 s3, s8  }
0xd9: {  	s9 =	sand.u32 @!p4 $0xFFFFFFF0, s3  }
0xda: {  	p0 =	slt.s32 @!p4 s8, $0x1;
	v8 =	vbroadcast v6, $0x4;
	p3 =	sne.s32 @!p4 s8, s9  }
0xdb: {  	p0 =	por @!p4 !p0, !p3  }
0xdc: {  	vm4 =	veq.s32 v8, v2;
	p0 =	por @!p4 !p0, !p0  }
0xdd: {  	v8 =	vsel vm4, $0x3F800000, v0;
	s9 =	simm.s32 @!p4 $0x1;
	v7 =	vpsel p5, $0x80000000, v7;
	p0 =	por !p0, p4  }
0xde: {  	s3 =	sshrl.u32 @!p4 s3, $0x4;
	v7 =	vadd.f32 v7, v8;
	s9 =	simm.s32 @p0 $0x0  }
0xdf: {  	s3 =	ssub.s32 @!p4 s3, s9;
	s9 =	sshll.u32 @!p4 s8, $0x9  }
0xe0: {  	[tilespmem:$0xC280] =	vst v7;
	s9 =	sshra.s32 @!p4 s9, $0x2;
	s3 =	sshll.u32 @!p4 s3, $0x6  }
0xe1: {  	[tilespmem:s9+$0x8200] =	vst @!p4 v7;
	s3 =	sshra.s32 @!p4 s3, $0x2  }
0xe2: {  	v7 =	vld @!p4 [tilespmem:s3+$0xC200];
	_ =	sdelay $0x1  }
0xe3: {  	s28 =	simm.s32 $0x1;
	p5 =	sne.s32 s22, s29;
	s9 =	sand.u32 @!p4 $0xF, s8  }
0xe4: {  	v9 =	vlaneseq.u32 @!p4;
	v10 =	vbroadcast @!p4 v3, $0x4;
	s29 =	spop (v2sf);
	s28 =	simm.s32 @!p5 $0x0;
	v8 =	vmov @!p4 s9  }
0xe5: {  	p3 =	seq.s32 s29, s22;
	s8 =	sadd.s32 s28, s8;
	vm0 =	veq.s32 @!p4 v8, v9  }
0xe6: {  	(v2sf) =	vpush v3, $0x7;
	s9 =	sshra.s32 @!p3 s8, $0x1F;
	v7 =	vsel @!p4 vm0, v10, v7  }
0xe7: {  	[tilespmem:s3+$0xC200] =	vst @!p4 v7;
	s3 =	sshrl.u32 @!p3 s9, $0x1C  }
0xe8: {  	v7 =	vld [tilespmem:$0xC280];
	s3 =	sadd.s32 @!p3 s3, s8  }
0xe9: {  	s9 =	sand.u32 @!p3 $0xFFFFFFF0, s3  }
0xea: {  	p0 =	slt.s32 @!p3 s8, $0x1;
	v8 =	vbroadcast v6, $0x5;
	p4 =	sne.s32 @!p3 s8, s9  }
0xeb: {  	p0 =	por @!p3 !p0, !p4  }
0xec: {  	vm5 =	veq.s32 v8, v2;
	p0 =	por @!p3 !p0, !p0  }
0xed: {  	v8 =	vsel vm5, $0x3F800000, v0;
	s9 =	simm.s32 @!p3 $0x1;
	v7 =	vpsel p5, $0x80000000, v7;
	p0 =	por !p0, p3  }
0xee: {  	s3 =	sshrl.u32 @!p3 s3, $0x4;
	v7 =	vadd.f32 v7, v8;
	s9 =	simm.s32 @p0 $0x0  }
0xef: {  	s3 =	ssub.s32 @!p3 s3, s9;
	s9 =	sshll.u32 @!p3 s8, $0x9  }
0xf0: {  	[tilespmem:$0xC280] =	vst v7;
	s9 =	sshra.s32 @!p3 s9, $0x2;
	s3 =	sshll.u32 @!p3 s3, $0x6  }
0xf1: {  	[tilespmem:s9+$0x8200] =	vst @!p3 v7;
	s3 =	sshra.s32 @!p3 s3, $0x2  }
0xf2: {  	v7 =	vld @!p3 [tilespmem:s3+$0xC200];
	_ =	sdelay $0x1  }
0xf3: {  	s28 =	simm.s32 $0x1;
	p5 =	sne.s32 s29, s22;
	s9 =	sand.u32 @!p3 $0xF, s8  }
0xf4: {  	v9 =	vlaneseq.u32 @!p3;
	v10 =	vbroadcast @!p3 v3, $0x5;
	s22 =	spop (v2sf);
	s28 =	simm.s32 @!p5 $0x0;
	v8 =	vmov @!p3 s9  }
0xf5: {  	p4 =	seq.s32 s22, s29;
	s8 =	sadd.s32 s28, s8;
	vm0 =	veq.s32 @!p3 v8, v9  }
0xf6: {  	(v2sf) =	vpush v3, $0x8;
	s9 =	sshra.s32 @!p4 s8, $0x1F;
	v7 =	vsel @!p3 vm0, v10, v7  }
0xf7: {  	[tilespmem:s3+$0xC200] =	vst @!p3 v7;
	s3 =	sshrl.u32 @!p4 s9, $0x1C  }
0xf8: {  	v7 =	vld [tilespmem:$0xC280];
	s3 =	sadd.s32 @!p4 s3, s8  }
0xf9: {  	s9 =	sand.u32 @!p4 $0xFFFFFFF0, s3  }
0xfa: {  	p0 =	slt.s32 @!p4 s8, $0x1;
	v8 =	vbroadcast v6, $0x6;
	p3 =	sne.s32 @!p4 s8, s9  }
0xfb: {  	p0 =	por @!p4 !p0, !p3  }
0xfc: {  	vm6 =	veq.s32 v8, v2;
	p0 =	por @!p4 !p0, !p0  }
0xfd: {  	v8 =	vsel vm6, $0x3F800000, v0;
	s9 =	simm.s32 @!p4 $0x1;
	v7 =	vpsel p5, $0x80000000, v7;
	p0 =	por !p0, p4  }
0xfe: {  	s3 =	sshrl.u32 @!p4 s3, $0x4;
	v7 =	vadd.f32 v7, v8;
	s9 =	simm.s32 @p0 $0x0  }
0xff: {  	s3 =	ssub.s32 @!p4 s3, s9;
	s9 =	sshll.u32 @!p4 s8, $0x9  }
0x100: {  	[tilespmem:$0xC280] =	vst v7;
	s9 =	sshra.s32 @!p4 s9, $0x2;
	s3 =	sshll.u32 @!p4 s3, $0x6  }
0x101: {  	[tilespmem:s9+$0x8200] =	vst @!p4 v7;
	s3 =	sshra.s32 @!p4 s3, $0x2  }
0x102: {  	v7 =	vld @!p4 [tilespmem:s3+$0xC200];
	_ =	sdelay $0x1  }
0x103: {  	s28 =	simm.s32 $0x1;
	p5 =	sne.s32 s22, s29;
	s9 =	sand.u32 @!p4 $0xF, s8  }
0x104: {  	v9 =	vlaneseq.u32 @!p4;
	v10 =	vbroadcast @!p4 v3, $0x6;
	s29 =	spop (v2sf);
	s28 =	simm.s32 @!p5 $0x0;
	v8 =	vmov @!p4 s9  }
0x105: {  	p3 =	seq.s32 s29, s22;
	s8 =	sadd.s32 s28, s8;
	vm0 =	veq.s32 @!p4 v8, v9  }
0x106: {  	(v2sf) =	vpush v3, $0x9;
	s9 =	sshra.s32 @!p3 s8, $0x1F;
	v7 =	vsel @!p4 vm0, v10, v7  }
0x107: {  	[tilespmem:s3+$0xC200] =	vst @!p4 v7;
	s3 =	sshrl.u32 @!p3 s9, $0x1C  }
0x108: {  	v7 =	vld [tilespmem:$0xC280];
	s3 =	sadd.s32 @!p3 s3, s8  }
0x109: {  	s9 =	sand.u32 @!p3 $0xFFFFFFF0, s3  }
0x10a: {  	p0 =	slt.s32 @!p3 s8, $0x1;
	v8 =	vbroadcast v6, $0x7;
	p4 =	sne.s32 @!p3 s8, s9  }
0x10b: {  	p0 =	por @!p3 !p0, !p4  }
0x10c: {  	vm7 =	veq.s32 v8, v2;
	p0 =	por @!p3 !p0, !p0  }
0x10d: {  	v8 =	vsel vm7, $0x3F800000, v0;
	s9 =	simm.s32 @!p3 $0x1;
	v7 =	vpsel p5, $0x80000000, v7;
	p0 =	por !p0, p3  }
0x10e: {  	s3 =	sshrl.u32 @!p3 s3, $0x4;
	v7 =	vadd.f32 v7, v8;
	s9 =	simm.s32 @p0 $0x0  }
0x10f: {  	s3 =	ssub.s32 @!p3 s3, s9;
	s9 =	sshll.u32 @!p3 s8, $0x9  }
0x110: {  	[tilespmem:$0xC280] =	vst v7;
	s9 =	sshra.s32 @!p3 s9, $0x2;
	s3 =	sshll.u32 @!p3 s3, $0x6  }
0x111: {  	[tilespmem:s9+$0x8200] =	vst @!p3 v7;
	s3 =	sshra.s32 @!p3 s3, $0x2  }
0x112: {  	v7 =	vld @!p3 [tilespmem:s3+$0xC200];
	_ =	sdelay $0x1  }
0x113: {  	s28 =	simm.s32 $0x1;
	p5 =	sne.s32 s29, s22;
	s9 =	sand.u32 @!p3 $0xF, s8  }
0x114: {  	v9 =	vlaneseq.u32 @!p3;
	v10 =	vbroadcast @!p3 v3, $0x7;
	s22 =	spop (v2sf);
	s28 =	simm.s32 @!p5 $0x0;
	v8 =	vmov @!p3 s9  }
0x115: {  	p4 =	seq.s32 s22, s29;
	s8 =	sadd.s32 s28, s8;
	vm0 =	veq.s32 @!p3 v8, v9  }
0x116: {  	(v2sf) =	vpush v3, $0xA;
	s9 =	sshra.s32 @!p4 s8, $0x1F;
	v7 =	vsel @!p3 vm0, v10, v7  }
0x117: {  	[tilespmem:s3+$0xC200] =	vst @!p3 v7;
	s3 =	sshrl.u32 @!p4 s9, $0x1C  }
0x118: {  	v7 =	vld [tilespmem:$0xC280];
	s3 =	sadd.s32 @!p4 s3, s8  }
0x119: {  	s9 =	sand.u32 @!p4 $0xFFFFFFF0, s3  }
0x11a: {  	p0 =	slt.s32 @!p4 s8, $0x1;
	v8 =	vbroadcast v6, $0x8;
	p3 =	sne.s32 @!p4 s8, s9  }
0x11b: {  	p0 =	por @!p4 !p0, !p3  }
0x11c: {  	vm8 =	veq.s32 v8, v2;
	p0 =	por @!p4 !p0, !p0  }
0x11d: {  	v8 =	vsel vm8, $0x3F800000, v0;
	s9 =	simm.s32 @!p4 $0x1;
	v7 =	vpsel p5, $0x80000000, v7;
	p0 =	por !p0, p4  }
0x11e: {  	s3 =	sshrl.u32 @!p4 s3, $0x4;
	v7 =	vadd.f32 v7, v8;
	s9 =	simm.s32 @p0 $0x0  }
0x11f: {  	s3 =	ssub.s32 @!p4 s3, s9;
	s9 =	sshll.u32 @!p4 s8, $0x9  }
0x120: {  	[tilespmem:$0xC280] =	vst v7;
	s9 =	sshra.s32 @!p4 s9, $0x2;
	s3 =	sshll.u32 @!p4 s3, $0x6  }
0x121: {  	[tilespmem:s9+$0x8200] =	vst @!p4 v7;
	s3 =	sshra.s32 @!p4 s3, $0x2  }
0x122: {  	v7 =	vld @!p4 [tilespmem:s3+$0xC200];
	_ =	sdelay $0x1  }
0x123: {  	s28 =	simm.s32 $0x1;
	p5 =	sne.s32 s22, s29;
	s9 =	sand.u32 @!p4 $0xF, s8  }
0x124: {  	v9 =	vlaneseq.u32 @!p4;
	v10 =	vbroadcast @!p4 v3, $0x8;
	s29 =	spop (v2sf);
	s28 =	simm.s32 @!p5 $0x0;
	v8 =	vmov @!p4 s9  }
0x125: {  	p3 =	seq.s32 s29, s22;
	s8 =	sadd.s32 s28, s8;
	vm0 =	veq.s32 @!p4 v8, v9  }
0x126: {  	(v2sf) =	vpush v3, $0xB;
	s9 =	sshra.s32 @!p3 s8, $0x1F;
	v7 =	vsel @!p4 vm0, v10, v7  }
0x127: {  	[tilespmem:s3+$0xC200] =	vst @!p4 v7;
	s3 =	sshrl.u32 @!p3 s9, $0x1C  }
0x128: {  	v7 =	vld [tilespmem:$0xC280];
	s3 =	sadd.s32 @!p3 s3, s8  }
0x129: {  	s9 =	sand.u32 @!p3 $0xFFFFFFF0, s3  }
0x12a: {  	p0 =	slt.s32 @!p3 s8, $0x1;
	v8 =	vbroadcast v6, $0x9;
	p4 =	sne.s32 @!p3 s8, s9  }
0x12b: {  	p0 =	por @!p3 !p0, !p4  }
0x12c: {  	vm9 =	veq.s32 v8, v2;
	p0 =	por @!p3 !p0, !p0  }
0x12d: {  	v8 =	vsel vm9, $0x3F800000, v0;
	s9 =	simm.s32 @!p3 $0x1;
	v7 =	vpsel p5, $0x80000000, v7;
	p0 =	por !p0, p3  }
0x12e: {  	s3 =	sshrl.u32 @!p3 s3, $0x4;
	v7 =	vadd.f32 v7, v8;
	s9 =	simm.s32 @p0 $0x0  }
0x12f: {  	s3 =	ssub.s32 @!p3 s3, s9;
	s9 =	sshll.u32 @!p3 s8, $0x9  }
0x130: {  	[tilespmem:$0xC280] =	vst v7;
	s9 =	sshra.s32 @!p3 s9, $0x2;
	s3 =	sshll.u32 @!p3 s3, $0x6  }
0x131: {  	[tilespmem:s9+$0x8200] =	vst @!p3 v7;
	s3 =	sshra.s32 @!p3 s3, $0x2  }
0x132: {  	v7 =	vld @!p3 [tilespmem:s3+$0xC200];
	_ =	sdelay $0x1  }
0x133: {  	s28 =	simm.s32 $0x1;
	p5 =	sne.s32 s29, s22;
	s9 =	sand.u32 @!p3 $0xF, s8  }
0x134: {  	v9 =	vlaneseq.u32 @!p3;
	v10 =	vbroadcast @!p3 v3, $0x9;
	s22 =	spop (v2sf);
	s28 =	simm.s32 @!p5 $0x0;
	v8 =	vmov @!p3 s9  }
0x135: {  	p4 =	seq.s32 s22, s29;
	s8 =	sadd.s32 s28, s8;
	vm0 =	veq.s32 @!p3 v8, v9  }
0x136: {  	(v2sf) =	vpush v3, $0xC;
	s9 =	sshra.s32 @!p4 s8, $0x1F;
	v7 =	vsel @!p3 vm0, v10, v7  }
0x137: {  	[tilespmem:s3+$0xC200] =	vst @!p3 v7;
	s3 =	sshrl.u32 @!p4 s9, $0x1C  }
0x138: {  	v7 =	vld [tilespmem:$0xC280];
	s3 =	sadd.s32 @!p4 s3, s8  }
0x139: {  	s9 =	sand.u32 @!p4 $0xFFFFFFF0, s3  }
0x13a: {  	p0 =	slt.s32 @!p4 s8, $0x1;
	v8 =	vbroadcast v6, $0xA;
	p3 =	sne.s32 @!p4 s8, s9  }
0x13b: {  	p0 =	por @!p4 !p0, !p3  }
0x13c: {  	vm10 =	veq.s32 v8, v2;
	p0 =	por @!p4 !p0, !p0  }
0x13d: {  	v8 =	vsel vm10, $0x3F800000, v0;
	s9 =	simm.s32 @!p4 $0x1;
	v7 =	vpsel p5, $0x80000000, v7;
	p0 =	por !p0, p4  }
0x13e: {  	s3 =	sshrl.u32 @!p4 s3, $0x4;
	v7 =	vadd.f32 v7, v8;
	s9 =	simm.s32 @p0 $0x0  }
0x13f: {  	s3 =	ssub.s32 @!p4 s3, s9;
	s9 =	sshll.u32 @!p4 s8, $0x9  }
0x140: {  	[tilespmem:$0xC280] =	vst v7;
	s9 =	sshra.s32 @!p4 s9, $0x2;
	s3 =	sshll.u32 @!p4 s3, $0x6  }
0x141: {  	[tilespmem:s9+$0x8200] =	vst @!p4 v7;
	s3 =	sshra.s32 @!p4 s3, $0x2  }
0x142: {  	v7 =	vld @!p4 [tilespmem:s3+$0xC200];
	_ =	sdelay $0x1  }
0x143: {  	s28 =	simm.s32 $0x1;
	p5 =	sne.s32 s22, s29;
	s9 =	sand.u32 @!p4 $0xF, s8  }
0x144: {  	v9 =	vlaneseq.u32 @!p4;
	v10 =	vbroadcast @!p4 v3, $0xA;
	s29 =	spop (v2sf);
	s28 =	simm.s32 @!p5 $0x0;
	v8 =	vmov @!p4 s9  }
0x145: {  	p3 =	seq.s32 s29, s22;
	s8 =	sadd.s32 s28, s8;
	vm0 =	veq.s32 @!p4 v8, v9  }
0x146: {  	(v2sf) =	vpush v3, $0xD;
	s9 =	sshra.s32 @!p3 s8, $0x1F;
	v7 =	vsel @!p4 vm0, v10, v7  }
0x147: {  	[tilespmem:s3+$0xC200] =	vst @!p4 v7;
	s3 =	sshrl.u32 @!p3 s9, $0x1C  }
0x148: {  	v7 =	vld [tilespmem:$0xC280];
	s3 =	sadd.s32 @!p3 s3, s8  }
0x149: {  	s9 =	sand.u32 @!p3 $0xFFFFFFF0, s3  }
0x14a: {  	p0 =	slt.s32 @!p3 s8, $0x1;
	v8 =	vbroadcast v6, $0xB;
	p4 =	sne.s32 @!p3 s8, s9  }
0x14b: {  	p0 =	por @!p3 !p0, !p4  }
0x14c: {  	vm11 =	veq.s32 v8, v2;
	p0 =	por @!p3 !p0, !p0  }
0x14d: {  	v8 =	vsel vm11, $0x3F800000, v0;
	s9 =	simm.s32 @!p3 $0x1;
	v7 =	vpsel p5, $0x80000000, v7;
	p0 =	por !p0, p3  }
0x14e: {  	s3 =	sshrl.u32 @!p3 s3, $0x4;
	v7 =	vadd.f32 v7, v8;
	s9 =	simm.s32 @p0 $0x0  }
0x14f: {  	s3 =	ssub.s32 @!p3 s3, s9;
	s9 =	sshll.u32 @!p3 s8, $0x9  }
0x150: {  	[tilespmem:$0xC280] =	vst v7;
	s9 =	sshra.s32 @!p3 s9, $0x2;
	s3 =	sshll.u32 @!p3 s3, $0x6  }
0x151: {  	[tilespmem:s9+$0x8200] =	vst @!p3 v7;
	s3 =	sshra.s32 @!p3 s3, $0x2  }
0x152: {  	v7 =	vld @!p3 [tilespmem:s3+$0xC200];
	_ =	sdelay $0x1  }
0x153: {  	p5 =	sne.s32 s29, s22;
	s22 =	simm.s32 $0x1;
	s9 =	sand.u32 @!p3 $0xF, s8  }
0x154: {  	v9 =	vlaneseq.u32 @!p3;
	v10 =	vbroadcast @!p3 v3, $0xB;
	s28 =	spop (v2sf);
	s22 =	simm.s32 @!p5 $0x0;
	v8 =	vmov @!p3 s9  }
0x155: {  	p4 =	seq.s32 s28, s29;
	s8 =	sadd.s32 s22, s8;
	vm0 =	veq.s32 @!p3 v8, v9  }
0x156: {  	(v2sf) =	vpush v3, $0xE;
	s9 =	sshra.s32 @!p4 s8, $0x1F;
	v7 =	vsel @!p3 vm0, v10, v7  }
0x157: {  	[tilespmem:s3+$0xC200] =	vst @!p3 v7;
	s3 =	sshrl.u32 @!p4 s9, $0x1C  }
0x158: {  	v7 =	vld [tilespmem:$0xC280];
	s3 =	sadd.s32 @!p4 s3, s8  }
0x159: {  	s9 =	sand.u32 @!p4 $0xFFFFFFF0, s3  }
0x15a: {  	p0 =	slt.s32 @!p4 s8, $0x1;
	v8 =	vbroadcast v6, $0xC;
	p3 =	sne.s32 @!p4 s8, s9  }
0x15b: {  	p0 =	por @!p4 !p0, !p3  }
0x15c: {  	vm12 =	veq.s32 v8, v2;
	p0 =	por @!p4 !p0, !p0  }
0x15d: {  	v8 =	vsel vm12, $0x3F800000, v0;
	s9 =	simm.s32 @!p4 $0x1;
	v7 =	vpsel p5, $0x80000000, v7;
	p0 =	por !p0, p4  }
0x15e: {  	s3 =	sshrl.u32 @!p4 s3, $0x4;
	v7 =	vadd.f32 v7, v8;
	s9 =	simm.s32 @p0 $0x0  }
0x15f: {  	s3 =	ssub.s32 @!p4 s3, s9;
	s9 =	sshll.u32 @!p4 s8, $0x9  }
0x160: {  	[tilespmem:$0xC280] =	vst v7;
	s9 =	sshra.s32 @!p4 s9, $0x2;
	s3 =	sshll.u32 @!p4 s3, $0x6  }
0x161: {  	[tilespmem:s9+$0x8200] =	vst @!p4 v7;
	s3 =	sshra.s32 @!p4 s3, $0x2  }
0x162: {  	v7 =	vld @!p4 [tilespmem:s3+$0xC200];
	_ =	sdelay $0x1  }
0x163: {  	s23 =	simm.s32 $0x1;
	p5 =	sne.s32 s28, s29;
	s9 =	sand.u32 @!p4 $0xF, s8  }
0x164: {  	v9 =	vlaneseq.u32 @!p4;
	v10 =	vbroadcast @!p4 v3, $0xC;
	s29 =	spop (v2sf);
	s23 =	simm.s32 @!p5 $0x0;
	v8 =	vmov @!p4 s9  }
0x165: {  	p3 =	seq.s32 s29, s28;
	s8 =	sadd.s32 s23, s8;
	vm0 =	veq.s32 @!p4 v8, v9  }
0x166: {  	s9 =	sshra.s32 @!p3 s8, $0x1F;
	v7 =	vsel @!p4 vm0, v10, v7  }
0x167: {  	[tilespmem:s3+$0xC200] =	vst @!p4 v7;
	s3 =	sshrl.u32 @!p3 s9, $0x1C  }
0x168: {  	v7 =	vld [tilespmem:$0xC280];
	s3 =	sadd.s32 @!p3 s3, s8  }
0x169: {  	s9 =	sand.u32 @!p3 $0xFFFFFFF0, s3  }
0x16a: {  	p0 =	slt.s32 @!p3 s8, $0x1;
	v8 =	vbroadcast v6, $0xD;
	p4 =	sne.s32 @!p3 s8, s9  }
0x16b: {  	p0 =	por @!p3 !p0, !p4  }
0x16c: {  	vm13 =	veq.s32 v8, v2;
	p0 =	por @!p3 !p0, !p0  }
0x16d: {  	v8 =	vsel vm13, $0x3F800000, v0;
	s9 =	simm.s32 @!p3 $0x1;
	v7 =	vpsel p5, $0x80000000, v7;
	p0 =	por !p0, p3  }
0x16e: {  	s3 =	sshrl.u32 @!p3 s3, $0x4;
	v7 =	vadd.f32 v7, v8;
	s9 =	simm.s32 @p0 $0x0  }
0x16f: {  	s3 =	ssub.s32 @!p3 s3, s9;
	s9 =	sshll.u32 @!p3 s8, $0x9  }
0x170: {  	[tilespmem:$0xC280] =	vst v7;
	s9 =	sshra.s32 @!p3 s9, $0x2;
	s3 =	sshll.u32 @!p3 s3, $0x6  }
0x171: {  	[tilespmem:s9+$0x8200] =	vst @!p3 v7;
	s3 =	sshra.s32 @!p3 s3, $0x2  }
0x172: {  	v7 =	vld @!p3 [tilespmem:s3+$0xC200];
	_ =	sdelay $0x1  }
0x173: {  	s23 =	simm.s32 $0x1;
	p5 =	sne.s32 s29, s28;
	s9 =	sand.u32 @!p3 $0xF, s8  }
0x174: {  	v9 =	vlaneseq.u32 @!p3;
	v10 =	vbroadcast @!p3 v3, $0xD;
	s23 =	simm.s32 @!p5 $0x0;
	v8 =	vmov @!p3 s9  }
0x175: {  	p4 =	seq.s32 s31, s29;
	s8 =	sadd.s32 s23, s8;
	vm0 =	veq.s32 @!p3 v8, v9  }
0x176: {  	s9 =	sshra.s32 @!p4 s8, $0x1F;
	v7 =	vsel @!p3 vm0, v10, v7  }
0x177: {  	[tilespmem:s3+$0xC200] =	vst @!p3 v7;
	s3 =	sshrl.u32 @!p4 s9, $0x1C  }
0x178: {  	v7 =	vld [tilespmem:$0xC280];
	s3 =	sadd.s32 @!p4 s3, s8  }
0x179: {  	s9 =	sand.u32 @!p4 $0xFFFFFFF0, s3  }
0x17a: {  	p0 =	slt.s32 @!p4 s8, $0x1;
	v8 =	vbroadcast v6, $0xE;
	p3 =	sne.s32 @!p4 s8, s9  }
0x17b: {  	p0 =	por @!p4 !p0, !p3  }
0x17c: {  	vm14 =	veq.s32 v8, v2;
	p0 =	por @!p4 !p0, !p0  }
0x17d: {  	v8 =	vsel vm14, $0x3F800000, v0;
	s9 =	simm.s32 @!p4 $0x1;
	v7 =	vpsel p5, $0x80000000, v7;
	p0 =	por !p0, p4  }
0x17e: {  	s3 =	sshrl.u32 @!p4 s3, $0x4;
	v7 =	vadd.f32 v7, v8;
	s9 =	simm.s32 @p0 $0x0  }
0x17f: {  	s23 =	sshll.u32 @!p4 s8, $0x9;
	s3 =	ssub.s32 @!p4 s3, s9  }
0x180: {  	s9 =	sshra.s32 @!p4 s23, $0x2;
	[tilespmem:$0xC280] =	vst v7;
	s3 =	sshll.u32 @!p4 s3, $0x6  }
0x181: {  	[tilespmem:s9+$0x8200] =	vst @!p4 v7;
	s3 =	sshra.s32 @!p4 s3, $0x2  }
0x182: {  	v7 =	vld @!p4 [tilespmem:s3+$0xC200];
	_ =	sdelay $0x1  }
0x183: {  	s9 =	sand.u32 @!p4 $0xF, s8  }
0x184: {  	v9 =	vlaneseq.u32 @!p4;
	v10 =	vbroadcast @!p4 v3, $0xE;
	v8 =	vmov @!p4 s9  }
0x185: {  	vm0 =	veq.s32 @!p4 v8, v9  }
0x186: {  	v7 =	vsel @!p4 vm0, v10, v7  }
0x187: {  	[tilespmem:s3+$0xC200] =	vst @!p4 v7  }
0x188: {  	v7 =	vld [tilespmem:$0xC280];
	_ =	sdelay $0x1  }
0x189: {  	v6 =	vbroadcast v6, $0xF;
	_ =	sdelay $0x1  }
0x18a: {  	vm15 =	veq.s32 v6, v2;
	p0 =	sne.s32 s31, s29;
	s3 =	simm.s32 $0x1  }
0x18b: {  	v6 =	vsel vm15, $0x3F800000, v0;
	s3 =	simm.s32 @!p0 $0x0;
	v7 =	vpsel p0, $0x80000000, v7  }
0x18c: {  	s22 =	sadd.s32 s3, s8;
	v6 =	vadd.f32 v7, v6  }
.LBB2_10:
0x18d: {  	s4 =	sadd.s32 $0x40, s4  }
0x18e: {  	p0 =	seq.s32 s4, $0x200  }
.Ltmp7:
0x18f: {  	_ = 	snop;
	(pc) =	sbr.rel @p0 .LBB2_5-.Ltmp7, $2  }
0x190: {  	_ =	sdelay $0x2  }
0x191: {  	p4 =	por $0x1, $0x1;
	[tilespmem:$0xC280] =	vst v6  }
.LBB2_7:
0x192: {  	_ =	sdelay $0x2  }
0x193: {  	s3 =	sshra.s32 s4, $0x2  }
0x194: {  	v3 =	vld.idx.msk [tilespmem:v4+s3+$0x0 ss:$0x1], $0xffff;
	_ =	sdelay $0x4  }
0x195: {  	(v2sf) =	vpush v3, $0x0;
	_ =	sdelay $0x2  }
0x196: {  	(v2sf) =	vpush v3, $0xF;
	_ =	sdelay $0x8  }
0x197: {  	p5 =	slt.s32 s22, $0x70  }
0x198: {  	v6 =	vld.idx.msk [tilespmem:v5+s3+$0x0 ss:$0x1], $0xffff;
	s3 =	simm.s32 @!p5 $0x80;
	s8 =	simm.s32 @!p5 $0xC200;
	s9 =	simm.s32 @!p5 $0x8200  }
0x199: {  	[spmem:s6] =	stream.indirect.scatter.add.f32 @!p5 [tilespmem:s9], [sflag:$0x5], $0x80, s8, s3, $0xb8;
	[tilespmem:$0x19300] =	vst v63  }
0x19a: {  	s23 =	spop (v2sf)  }
0x19b: {  	p3 =	sne.s32 s23, s31  }
0x19c: {  	s28 =	smov.u32 s31;
	s22 =	simm.s32 @!p5 $0x0;
	p4 =	por !p4, !p3  }
0x19d: {  	s3 =	simm.s32 @!p5 $0x5;
	s31 =	spop (v2sf);
	p4 =	por !p4, !p4  }
0x19e: {  	_ =	swait.ge @!p5 [sflag:s3], $0x4000;
	s8 =	sshra.s32 @p4 s22, $0x1F  }
0x19f: {  	[sflag:s3] =	ssyncset.done @!p5 $0x0;
	s8 =	sshrl.u32 @p4 s8, $0x1C  }
0x1a0: {  	v7 =	vimm.s32 @!p5 $0xC80;
	[sflag:s3] =	ssyncadd.s32 @!p5 $0xFFFFC000;
	s3 =	sadd.s32 @p4 s8, s22  }
0x1a1: {  	[tilespmem:$0xC200] =	vst @!p5 v7;
	s8 =	sand.u32 @p4 $0xFFFFFFF0, s3  }
0x1a2: {  	p6 =	slt.s32 @p4 s22, $0x1;
	[tilespmem:$0xC210] =	vst @!p5 v7;
	p0 =	sne.s32 @p4 s22, s8  }
0x1a3: {  	[tilespmem:$0xC220] =	vst @!p5 v7;
	p0 =	por @p4 !p6, !p0  }
0x1a4: {  	[tilespmem:$0xC230] =	vst @!p5 v7;
	v8 =	vld @p4 [tilespmem:$0xC280];
	p0 =	por @p4 !p0, !p0  }
0x1a5: {  	[tilespmem:$0xC240] =	vst @!p5 v7;
	s8 =	simm.s32 @p4 $0x1;
	p0 =	por !p0, !p4  }
0x1a6: {  	[tilespmem:$0xC250] =	vst @!p5 v7;
	s3 =	sshrl.u32 @p4 s3, $0x4;
	s8 =	simm.s32 @p0 $0x0  }
0x1a7: {  	s9 =	sshll.u32 @p4 s22, $0x9;
	[tilespmem:$0xC260] =	vst @!p5 v7;
	s3 =	ssub.s32 @p4 s3, s8  }
0x1a8: {  	[tilespmem:$0xC270] =	vst @!p5 v7;
	s8 =	sshra.s32 @p4 s9, $0x2;
	s3 =	sshll.u32 @p4 s3, $0x6  }
0x1a9: {  	[tilespmem:s8+$0x8200] =	vst @p4 v8;
	s3 =	sshra.s32 @p4 s3, $0x2  }
0x1aa: {  	v7 =	vld @p4 [tilespmem:s3+$0xC200]  }
0x1ab: {  	p0 =	sne.s32 s23, s31  }
.Ltmp8:
0x1ac: {  	s8 =	sand.u32 @p4 $0xF, s22;
	(pc) =	sbr.rel @p0 .LBB2_9-.Ltmp8, $4  }
0x1ad: {  	v9 =	vlaneseq.u32 @p4;
	v8 =	vmov @p4 s8  }
0x1ae: {  	s8 =	simm.s32 $0x1;
	vm0 =	veq.s32 @p4 v8, v9;
	v8 =	vbroadcast v6, $0x0  }
0x1af: {  	s8 =	simm.s32 @!p4 $0x0;
	v7 =	vsel @p4 vm0, s28, v7  }
0x1b0: {  	s22 =	sadd.s32 s8, s22;
	vm0 =	veq.s32 v8, v2;
	[tilespmem:s3+$0xC200] =	vst @p4 v7  }
0x1b1: {  	v7 =	vbroadcast v6, $0x1;
	_ =	sdelay $0x1  }
0x1b2: {  	vm1 =	veq.s32 v7, v2;
	v7 =	vbroadcast v6, $0x2  }
0x1b3: {  	v8 =	vsel vm0, $0x3F800000, v0;
	v9 =	vsel vm1, $0x3F800000, v0  }
0x1b4: {  	v8 =	vadd.f32 v9, v8;
	vm14 =	veq.s32 v7, v2;
	v7 =	vbroadcast v6, $0x3  }
0x1b5: {  	v51 =	vsel vm14, $0x3F800000, v0  }
0x1b6: {  	v8 =	vadd.f32 v8, v51;
	vm15 =	veq.s32 v7, v2;
	v7 =	vbroadcast v6, $0x4  }
0x1b7: {  	v52 =	vsel vm15, $0x3F800000, v0  }
0x1b8: {  	v8 =	vadd.f32 v8, v52;
	vm4 =	veq.s32 v7, v2;
	v7 =	vbroadcast v6, $0x5  }
0x1b9: {  	v53 =	vsel vm4, $0x3F800000, v0  }
0x1ba: {  	v8 =	vadd.f32 v8, v53;
	vm5 =	veq.s32 v7, v2;
	v7 =	vbroadcast v6, $0x6  }
0x1bb: {  	v54 =	vsel vm5, $0x3F800000, v0  }
0x1bc: {  	v8 =	vadd.f32 v8, v54;
	vm6 =	veq.s32 v7, v2;
	v7 =	vbroadcast v6, $0x7  }
0x1bd: {  	v55 =	vsel vm6, $0x3F800000, v0  }
0x1be: {  	v8 =	vadd.f32 v8, v55;
	vm7 =	veq.s32 v7, v2;
	v7 =	vbroadcast v6, $0x8  }
0x1bf: {  	v56 =	vsel vm7, $0x3F800000, v0  }
0x1c0: {  	v8 =	vadd.f32 v8, v56;
	vm8 =	veq.s32 v7, v2;
	v7 =	vbroadcast v6, $0x9  }
0x1c1: {  	v57 =	vsel vm8, $0x3F800000, v0  }
0x1c2: {  	v8 =	vadd.f32 v8, v57;
	vm9 =	veq.s32 v7, v2;
	v7 =	vbroadcast v6, $0xA  }
0x1c3: {  	v58 =	vsel vm9, $0x3F800000, v0  }
0x1c4: {  	v8 =	vadd.f32 v8, v58;
	vm10 =	veq.s32 v7, v2;
	v7 =	vbroadcast v6, $0xB  }
0x1c5: {  	v59 =	vsel vm10, $0x3F800000, v0  }
0x1c6: {  	v8 =	vadd.f32 v8, v59;
	vm11 =	veq.s32 v7, v2;
	v7 =	vbroadcast v6, $0xC  }
0x1c7: {  	v60 =	vsel vm11, $0x3F800000, v0  }
0x1c8: {  	v8 =	vadd.f32 v8, v60;
	vm12 =	veq.s32 v7, v2;
	v7 =	vbroadcast v6, $0xD  }
0x1c9: {  	v61 =	vsel vm12, $0x3F800000, v0  }
0x1ca: {  	v8 =	vadd.f32 v8, v61;
	vm13 =	veq.s32 v7, v2;
	v7 =	vbroadcast v6, $0xE  }
0x1cb: {  	v62 =	vsel vm13, $0x3F800000, v0  }
0x1cc: {  	v63 =	vld [tilespmem:$0xC280];
	v6 =	vbroadcast v6, $0xF;
	v8 =	vadd.f32 v8, v62;
	vm14 =	veq.s32 v7, v2  }
0x1cd: {  	v7 =	vsel vm14, $0x3F800000, v0  }
.Ltmp9:
0x1ce: {  	vm15 =	veq.s32 v6, v2;
	v7 =	vadd.f32 v8, v7;
	(pc) =	sbr.rel .LBB2_10-.Ltmp9, $4  }
0x1cf: {  	v6 =	vsel vm15, $0x3F800000, v0  }
0x1d0: {  	v6 =	vadd.f32 v7, v6  }
0x1d1: {  	v7 =	vpsel p3, $0x0, v63  }
0x1d2: {  	v6 =	vadd.f32 v7, v6  }
.LBB2_11:
0x1d3: {  	s3 =	sshra.s32 s22, $0x1F  }
0x1d4: {  	s3 =	sshrl.u32 s3, $0x1C  }
0x1d5: {  	s3 =	sadd.s32 s3, s22  }
0x1d6: {  	s4 =	sand.u32 $0xFFFFFFF0, s3  }
0x1d7: {  	p0 =	slt.s32 s22, $0x1;
	p1 =	sne.s32 s22, s4  }
0x1d8: {  	p0 =	por !p0, !p1  }
0x1d9: {  	s4 =	simm.s32 $0x1;
	p0 =	por !p0, !p0  }
0x1da: {  	_ =	swait.ge [sflag:s17], $0x4000;
	s3 =	sshrl.u32 s3, $0x4;
	s4 =	simm.s32 @!p0 $0x0  }
0x1db: {  	s8 =	sshll.u32 s22, $0x9;
	[sflag:s17] =	ssyncset.done $0x0;
	s3 =	ssub.s32 s3, s4  }
0x1dc: {  	[sflag:s17] =	ssyncadd.s32 $0xFFFFC000;
	s4 =	sshra.s32 s8, $0x2;
	s3 =	sshll.u32 s3, $0x6  }
0x1dd: {  	[tilespmem:s4+$0x8200] =	vst v6;
	s3 =	sshra.s32 s3, $0x2  }
0x1de: {  	v4 =	vld [tilespmem:s3+$0xC200]  }
0x1df: {  	s23 =	stileid.u32  }
.Ltmp10:
0x1e0: {  	s9 =	sand.u32 $0xF, s22;
	s22 =	sld [smem:$0x7FD];
	(pc) =	sbr.rel .LBB2_13-.Ltmp10, $4  }
0x1e1: {  	v3 =	vbroadcast v3, $0xF;
	s30 =	simm.s32 $0xC200;
	s31 =	simm.s32 $0x8200;
	v5 =	vmov s9;
	s9 =	smov.u32 s14  }
0x1e2: {  	s14 =	smov.u32 s16;
	s16 =	simm.s32 $0x8000;
	s28 =	rddreg [dreg:$0x7];
	vm0 =	veq.s32 v5, v2  }
0x1e3: {  	s29 =	rddreg [dreg:$0x8];
	p2 =	seq.s32 s22, $0x1;
	s8 =	smov.u32 s11;
	v3 =	vsel vm0, v3, v4  }
0x1e4: {  	s11 =	smov.u32 s15;
	s15 =	smov.u32 s20;
	s20 =	simm.s32 $0x8100;
	[tilespmem:s3+$0xC200] =	vst v3  }
.LBB2_14:
0x1e5: {  	_ =	sfence.sel $0x180000  }
0x1e6: {  	[bflag:$0x0] =	sbarrier.arrive $0xFFFF  }
0x1e7: {  	_ =	strace $0x90000047  }
0x1e8: {  	[bflag:$0x2] =	sbarrier.arrive $0xFFFF  }
0x1e9: {  	p0 =	sne.s32 s23, $0x0;
	s0 =	rddreg [dreg:$0x6]  }
0x1ea: {  	s0 =	sadd.s32 @!p0 $0x100000, s0  }
0x1eb: {  	[sflag:s0] =	ssyncadd.tile.s32 @!p0 $0x1;
	_ =	shalt  }
.Lfunc_end2:
_tile_overlayer_lowered:
.L_overlay_start_2:
0x1ec: {  	(tag) =	ssettag $0x2  }
0x1ed: {  	s0 =	rddreg [dreg:$0x0];
	s2 =	stileid.u32  }
0x1ee: {  	s1 =	rddreg [dreg:$0x1];
	p0 =	sne.s32 s2, $0x0  }
0x1ef: {  	s3 =	rddreg [dreg:$0x2];
	[bflag:$0x3] =	sbarrier.arrive $0xFFFF;
	s2 =	simm.s32 @!p0 $0x1C05  }
0x1f0: {  	[timem:s3], [sflag:s2] =	dma.local @!p0 [hbm:s0], s1  }
0x1f1: {  	s0 =	simm.s32 @!p0 $0x5  }
0x1f2: {  	_ =	swait.ge @!p0 [sflag:s0], s1  }
0x1f3: {  	s1 =	ssub.s32 @!p0 $0x0, s1;
	[sflag:s0] =	ssyncset.done @!p0 $0x0  }
0x1f4: {  	[sflag:s0] =	ssyncadd.s32 @!p0 s1  }
0x1f5: {  	[bflag:$0x3] =	sbarrier.arrive $0xFFFF  }
0x1f6: {  	_ =	shalt  }

</sc_bundles>
